<compile_context>
chip_gen: v7x
topology: tpu7x:2x2x1
jax: 0.10.2.dev20260603
libtpu: 0.0.44.dev20260713+nightly
codegen_flags: <defaults>
</compile_context>

<pallas_src>
import functools

import jax
import jax.numpy as jnp
from jax import lax
from jax.experimental import pallas as pl
from jax.experimental.pallas import tpu as pltpu
from jax.experimental.pallas import tpu_sc as plsc

_LANES = 16
_TILE = 128
_NSLOT = 8


def _make_kernel(batch, dim, num_cores, num_subcores):
    num_workers = num_cores * num_subcores
    rows_per_worker = batch // num_workers
    n_groups = rows_per_worker // _LANES
    assert batch % (num_workers * _LANES) == 0
    assert dim == 2 * _LANES

    mesh = plsc.VectorSubcoreMesh(
        core_axis_name="c", subcore_axis_name="s",
        num_cores=num_cores, num_subcores=num_subcores,
    )

    @functools.partial(
        pl.kernel,
        out_type=jax.ShapeDtypeStruct((batch,), jnp.float32),
        mesh=mesh,
        compiler_params=pltpu.CompilerParams(needs_layout_passes=False),
        scratch_types=[
            pltpu.VMEM((rows_per_worker,), jnp.int32),
            pltpu.VMEM((rows_per_worker,), jnp.int32),
            pltpu.VMEM((_NSLOT, dim, _TILE), jnp.float32),
            pltpu.VMEM((_NSLOT, dim, _TILE), jnp.float32),
            pltpu.VMEM((_LANES, _LANES), jnp.float32),
            pltpu.VMEM((40, _LANES), jnp.float32),
            pltpu.VMEM((rows_per_worker,), jnp.float32),
        ] + [pltpu.SemaphoreType.DMA] * _NSLOT,
    )
    def net_kernel(users_hbm, items_hbm, utabt_hbm, itabt_hbm, wb_hbm, out_hbm,
                   uidx, iidx, utiles, itiles, stage, wbv, outv, *sems):
        wid = lax.axis_index("s") * num_cores + lax.axis_index("c")
        base = pl.multiple_of(wid * rows_per_worker, rows_per_worker)

        pltpu.sync_copy(users_hbm.at[pl.ds(base, rows_per_worker)], uidx)
        pltpu.sync_copy(items_hbm.at[pl.ds(base, rows_per_worker)], iidx)
        pltpu.sync_copy(wb_hbm, wbv)

        iota16 = lax.iota(jnp.int32, _LANES)
        zeros16 = jnp.zeros((_LANES,), jnp.int32)

        def lane_scalar(vec, k):
            return jnp.sum(jnp.where(iota16 == k, vec, 0))

        w_lo = plsc.load_gather(wbv, [iota16, zeros16])
        w_hi = plsc.load_gather(wbv, [iota16 + _LANES, zeros16])

        def fire(slot, bu, bi):
            offu = pl.multiple_of(bu * _TILE, _TILE)
            offi = pl.multiple_of(bi * _TILE, _TILE)
            pltpu.async_copy(
                utabt_hbm.at[:, pl.ds(offu, _TILE)], utiles.at[slot], sems[slot])
            pltpu.async_copy(
                itabt_hbm.at[:, pl.ds(offi, _TILE)], itiles.at[slot], sems[slot])

        def wait_slot(slot):
            dummy = utabt_hbm.at[:, pl.ds(0, _TILE)]
            pltpu.make_async_copy(dummy, utiles.at[slot], sems[slot]).wait()
            pltpu.make_async_copy(dummy, itiles.at[slot], sems[slot]).wait()

        rvu0 = uidx[pl.ds(0, _LANES)]
        rvi0 = iidx[pl.ds(0, _LANES)]
        for s in range(_NSLOT):
            fire(s,
                 lane_scalar(lax.shift_right_logical(rvu0, 7), s),
                 lane_scalar(lax.shift_right_logical(rvi0, 7), s))

        def group_body(g, carry):
            goff = pl.multiple_of(g * _LANES, _LANES)
            rvu = uidx[pl.ds(goff, _LANES)]
            rvi = iidx[pl.ds(goff, _LANES)]
            col_u = lax.bitwise_and(rvu, 127)
            col_i = lax.bitwise_and(rvi, 127)
            blk_u = lax.shift_right_logical(rvu, 7)
            blk_i = lax.shift_right_logical(rvi, 7)
            gnoff = pl.multiple_of(
                lax.rem(g + 1, n_groups) * _LANES, _LANES)
            blk_un = lax.shift_right_logical(uidx[pl.ds(gnoff, _LANES)], 7)
            blk_in = lax.shift_right_logical(iidx[pl.ds(gnoff, _LANES)], 7)

            for k in range(_LANES):
                slot = k % _NSLOT
                cu_s = lane_scalar(col_u, k)
                ci_s = lane_scalar(col_i, k)
                if k < _NSLOT:
                    bu_s = lane_scalar(blk_u, k + _NSLOT)
                    bi_s = lane_scalar(blk_i, k + _NSLOT)
                else:
                    bu_s = lane_scalar(blk_un, k - _NSLOT)
                    bi_s = lane_scalar(blk_in, k - _NSLOT)
                wait_slot(slot)
                cu = zeros16 + cu_s
                ci = zeros16 + ci_s
                u1 = plsc.load_gather(utiles.at[slot], [iota16, cu])
                u2 = plsc.load_gather(utiles.at[slot], [iota16 + _LANES, cu])
                i1 = plsc.load_gather(itiles.at[slot], [iota16, ci])
                i2 = plsc.load_gather(itiles.at[slot], [iota16 + _LANES, ci])
                stage[k, :] = u1 * i1 * w_lo + u2 * i2 * w_hi
                fire(slot, bu_s, bi_s)

            acc = wbv[dim]
            for c in range(_LANES):
                diag = plsc.load_gather(
                    stage, [iota16, lax.bitwise_and(iota16 + c, _LANES - 1)])
                acc = acc + diag
            y = 1.0 / (1.0 + jnp.exp(-acc))
            outv[pl.ds(goff, _LANES)] = y
            return carry

        lax.fori_loop(0, n_groups, group_body, 0)

        for s in range(_NSLOT):
            wait_slot(s)

        pltpu.sync_copy(outv, out_hbm.at[pl.ds(base, rows_per_worker)])

    return net_kernel


def kernel(users_input, items_input, user_table, item_table, ll_weight, ll_bias):
    batch = users_input.shape[0]
    dim = user_table.shape[1]
    utabt = user_table.T
    itabt = item_table.T
    wb = jnp.concatenate([
        ll_weight.reshape(-1).astype(jnp.float32),
        ll_bias.astype(jnp.float32),
        jnp.zeros((7,), jnp.float32),
    ])
    wb = jnp.broadcast_to(wb[:, None], (40, _LANES))
    net = _make_kernel(batch, dim, num_cores=2, num_subcores=16)
    return net(users_input, items_input, utabt, itabt, wb)

# --- scband reference (transcript-rebuilt; emitter-appended) ---
"""Pipeline reference for scband-network-63866163691898 (READ-ONLY COPY).

The authoritative reference and input builder live on the scoring server;
editing this copy changes nothing except your own understanding.
"""

import jax, jax.numpy as jnp
import numpy as np

NUM_USERS = 1000000
NUM_ITEMS = 1000000
LATENT_DIM = 32
BATCH = 16384


def setup_inputs(seed: int = 0) -> dict:
    key = jax.random.key(seed)
    k1, k2, k3, k4, k5, k6 = jax.random.split(key, 6)
    users_input = jax.random.randint(k1, (BATCH,), 0, NUM_USERS, dtype=jnp.int64 if jax.config.jax_enable_x64 else jnp.int32).astype(jnp.int32)
    items_input = jax.random.randint(k2, (BATCH,), 0, NUM_ITEMS, dtype=jnp.int32)
    user_table = jax.random.normal(k3, (NUM_USERS, LATENT_DIM), dtype=jnp.float32)
    item_table = jax.random.normal(k4, (NUM_ITEMS, LATENT_DIM), dtype=jnp.float32)
    # nn.Linear(latent_dim, 1): weight [1, latent_dim], bias [1]
    bound = 1.0 / np.sqrt(LATENT_DIM)
    ll_weight = jax.random.uniform(k5, (1, LATENT_DIM), dtype=jnp.float32, minval=-bound, maxval=bound)
    ll_bias = jax.random.uniform(k6, (1,), dtype=jnp.float32, minval=-bound, maxval=bound)
    return {
        "users_input": users_input,
        "items_input": items_input,
        "user_table": user_table,
        "item_table": item_table,
        "ll_weight": ll_weight,
        "ll_bias": ll_bias,
    }


def reference(users_input, items_input, user_table, item_table, ll_weight, ll_bias):
    # embedding lookups (gather)
    user_embedding = jnp.take(user_table, users_input, axis=0)  # [B, D]
    item_embedding = jnp.take(item_table, items_input, axis=0)  # [B, D]
    user_embedding = user_embedding.reshape(user_embedding.shape[0], -1)
    item_embedding = item_embedding.reshape(item_embedding.shape[0], -1)
    element_wise_product = user_embedding * item_embedding  # [B, D]
    output = element_wise_product @ ll_weight.T + ll_bias  # [B, 1]
    output = jax.nn.sigmoid(output)
    return output.squeeze(1)  # [B]

if __name__ == "__main__":
    import jax
    _d = setup_inputs()
    print(jax.jit(kernel)(*tuple(_d.values())))

</pallas_src>

<mosaic_0001>
#map = affine_map<(d0, d1) -> (0)>
#map1 = affine_map<(d0, d1) -> (0, 0)>
module attributes {stable_mosaic.version = 14 : i64} {
  func.func @net_kernel(%arg0: i32, %arg1: i32, %arg2: memref<16384xi32, #tpu.memory_space<hbm>>, %arg3: memref<16384xi32, #tpu.memory_space<hbm>>, %arg4: memref<32x1000000xf32, #tpu.memory_space<hbm>>, %arg5: memref<32x1000000xf32, #tpu.memory_space<hbm>>, %arg6: memref<40x16xf32, #tpu.memory_space<hbm>>, %arg7: memref<16384xf32, #tpu.memory_space<hbm>>, %arg8: memref<512xi32, #tpu.memory_space<vmem>>, %arg9: memref<512xi32, #tpu.memory_space<vmem>>, %arg10: memref<8x32x128xf32, #tpu.memory_space<vmem>>, %arg11: memref<8x32x128xf32, #tpu.memory_space<vmem>>, %arg12: memref<16x16xf32, #tpu.memory_space<vmem>>, %arg13: memref<40x16xf32, #tpu.memory_space<vmem>>, %arg14: memref<512xf32, #tpu.memory_space<vmem>>, %arg15: memref<!tpu.dma_semaphore, #tpu.memory_space<semaphore_mem>>, %arg16: memref<!tpu.dma_semaphore, #tpu.memory_space<semaphore_mem>>, %arg17: memref<!tpu.dma_semaphore, #tpu.memory_space<semaphore_mem>>, %arg18: memref<!tpu.dma_semaphore, #tpu.memory_space<semaphore_mem>>, %arg19: memref<!tpu.dma_semaphore, #tpu.memory_space<semaphore_mem>>, %arg20: memref<!tpu.dma_semaphore, #tpu.memory_space<semaphore_mem>>, %arg21: memref<!tpu.dma_semaphore, #tpu.memory_space<semaphore_mem>>, %arg22: memref<!tpu.dma_semaphore, #tpu.memory_space<semaphore_mem>>) attributes {dimension_semantics = [#tpu.dimension_semantics<core_parallel>, #tpu.dimension_semantics<subcore_parallel>], iteration_bounds = array<i64: 2, 16>, scalar_prefetch = 0 : i64, scratch_operands = 15 : i64, tpu.core_type = #tpu.core_type<sc_vector_subcore>, window_params = [{transform_indices = #map}, {transform_indices = #map}, {transform_indices = #map1}, {transform_indices = #map1}, {transform_indices = #map1}, {transform_indices = #map}]} {
    %mul3A = arith.constant 2 : i32
    %mul3A_0 = arith.muli %arg1, %mul3A : i32
    %add3A = arith.addi %mul3A_0, %arg0 : i32
    %mul3A_1 = arith.constant 512 : i32
    %mul3A_2 = arith.muli %add3A, %mul3A_1 : i32
    %multiple_of3A = tpu.assume_multiple %mul3A_2, 512 : i32
    "tpu.region"() ({
      %run_scoped3A = tpu.sem_alloc : memref<!tpu.dma_semaphore, #tpu.memory_space<semaphore_mem>>
      %dma_start3A_713 = tpu.memref_slice %arg2[%multiple_of3A] : memref<16384xi32, #tpu.memory_space<hbm>> -> memref<512xi32, #tpu.memory_space<hbm>>
      %dma_start3A_714 = tpu.memref_slice %arg2[%multiple_of3A] : memref<16384xi32, #tpu.memory_space<hbm>> -> memref<512xi32, #tpu.memory_space<hbm>>
      tpu.enqueue_dma source(%dma_start3A_714 : memref<512xi32, #tpu.memory_space<hbm>>) target(%arg8 : memref<512xi32, #tpu.memory_space<vmem>>) target_semaphore(%run_scoped3A : memref<!tpu.dma_semaphore, #tpu.memory_space<semaphore_mem>>)
      %dma_wait3A_715 = tpu.memref_slice %arg2[%multiple_of3A] : memref<16384xi32, #tpu.memory_space<hbm>> -> memref<512xi32, #tpu.memory_space<hbm>>
      %dma_wait3A_716 = tpu.memref_slice %arg2[%multiple_of3A] : memref<16384xi32, #tpu.memory_space<hbm>> -> memref<512xi32, #tpu.memory_space<hbm>>
      tpu.wait_dma2 semaphore(%run_scoped3A : memref<!tpu.dma_semaphore, #tpu.memory_space<semaphore_mem>>) src(%dma_wait3A_716 : memref<512xi32, #tpu.memory_space<hbm>>) dst(%arg8 : memref<512xi32, #tpu.memory_space<vmem>>)
      tpu.yield
    }) : () -> ()
    "tpu.region"() ({
      %run_scoped3A = tpu.sem_alloc : memref<!tpu.dma_semaphore, #tpu.memory_space<semaphore_mem>>
      %dma_start3A_713 = tpu.memref_slice %arg3[%multiple_of3A] : memref<16384xi32, #tpu.memory_space<hbm>> -> memref<512xi32, #tpu.memory_space<hbm>>
      %dma_start3A_714 = tpu.memref_slice %arg3[%multiple_of3A] : memref<16384xi32, #tpu.memory_space<hbm>> -> memref<512xi32, #tpu.memory_space<hbm>>
      tpu.enqueue_dma source(%dma_start3A_714 : memref<512xi32, #tpu.memory_space<hbm>>) target(%arg9 : memref<512xi32, #tpu.memory_space<vmem>>) target_semaphore(%run_scoped3A : memref<!tpu.dma_semaphore, #tpu.memory_space<semaphore_mem>>)
      %dma_wait3A_715 = tpu.memref_slice %arg3[%multiple_of3A] : memref<16384xi32, #tpu.memory_space<hbm>> -> memref<512xi32, #tpu.memory_space<hbm>>
      %dma_wait3A_716 = tpu.memref_slice %arg3[%multiple_of3A] : memref<16384xi32, #tpu.memory_space<hbm>> -> memref<512xi32, #tpu.memory_space<hbm>>
      tpu.wait_dma2 semaphore(%run_scoped3A : memref<!tpu.dma_semaphore, #tpu.memory_space<semaphore_mem>>) src(%dma_wait3A_716 : memref<512xi32, #tpu.memory_space<hbm>>) dst(%arg9 : memref<512xi32, #tpu.memory_space<vmem>>)
      tpu.yield
    }) : () -> ()
    "tpu.region"() ({
      %run_scoped3A = tpu.sem_alloc : memref<!tpu.dma_semaphore, #tpu.memory_space<semaphore_mem>>
      tpu.enqueue_dma source(%arg6 : memref<40x16xf32, #tpu.memory_space<hbm>>) target(%arg13 : memref<40x16xf32, #tpu.memory_space<vmem>>) target_semaphore(%run_scoped3A : memref<!tpu.dma_semaphore, #tpu.memory_space<semaphore_mem>>)
      tpu.wait_dma2 semaphore(%run_scoped3A : memref<!tpu.dma_semaphore, #tpu.memory_space<semaphore_mem>>) src(%arg6 : memref<40x16xf32, #tpu.memory_space<hbm>>) dst(%arg13 : memref<40x16xf32, #tpu.memory_space<vmem>>)
      tpu.yield
    }) : () -> ()
    %iota3A = tpu.iota {dimensions = array<i32: 0>} : vector<16xi32>
    %broadcast_in_dim3A = arith.constant 0 : i32
    %broadcast_in_dim3A_3 = vector.broadcast %broadcast_in_dim3A : i32 to vector<16xi32>
    %gather3A = tpu.vector_load_idx %arg13[%iota3A, %broadcast_in_dim3A_3] : memref<40x16xf32, #tpu.memory_space<vmem>>[vector<16xi32>, vector<16xi32>], vector<16xf32>,
    %add3A_4 = arith.constant 16 : i32
    %add3A_5 = vector.broadcast %add3A_4 : i32 to vector<16xi32>
    %add3A_6 = arith.addi %iota3A, %add3A_5 : vector<16xi32>
    %gather3A_7 = tpu.vector_load_idx %arg13[%add3A_6, %broadcast_in_dim3A_3] : memref<40x16xf32, #tpu.memory_space<vmem>>[vector<16xi32>, vector<16xi32>], vector<16xf32>,
    %get3A = arith.constant 0 : index
    %get3A_8 = tpu.vector_load %arg8[%get3A] {strides = array<i32>} : memref<512xi32, #tpu.memory_space<vmem>>, vector<16xi32>,
    %get3A_9 = arith.constant 0 : index
    %get3A_10 = tpu.vector_load %arg9[%get3A_9] {strides = array<i32>} : memref<512xi32, #tpu.memory_space<vmem>>, vector<16xi32>,
    %shift_right_logical3A = arith.constant 7 : i32
    %shift_right_logical3A_11 = vector.broadcast %shift_right_logical3A : i32 to vector<16xi32>
    %shift_right_logical3A_12 = arith.shrui %get3A_8, %shift_right_logical3A_11 : vector<16xi32>
    %eq3A = arith.constant 0 : i32
    %eq3A_13 = vector.broadcast %eq3A : i32 to vector<16xi32>
    %eq3A_14 = arith.cmpi eq, %iota3A, %eq3A_13 : vector<16xi32>
    %jit3A = arith.constant 0 : i32
    %broadcast_in_dim3A_15 = vector.broadcast %jit3A : i32 to vector<16xi32>
    %select_n3A = arith.select %eq3A_14, %shift_right_logical3A_12, %broadcast_in_dim3A_15 : vector<16xi1>, vector<16xi32>
    %reduce_sum3A = arith.constant true
    %reduce_sum3A_16 = vector.broadcast %reduce_sum3A : i1 to vector<16xi1>
    %reduce_sum3A_17 = tpu.scan <sum>, %select_n3A masked %reduce_sum3A_16 : vector<16xi32>, vector<16xi1> -> vector<16xi32>
    %reduce_sum3A_18 = vector.extract %reduce_sum3A_17[15] : i32 from vector<16xi32>
    %shift_right_logical3A_19 = arith.constant 7 : i32
    %shift_right_logical3A_20 = vector.broadcast %shift_right_logical3A_19 : i32 to vector<16xi32>
    %shift_right_logical3A_21 = arith.shrui %get3A_10, %shift_right_logical3A_20 : vector<16xi32>
    %eq3A_22 = arith.constant 0 : i32
    %eq3A_23 = vector.broadcast %eq3A_22 : i32 to vector<16xi32>
    %eq3A_24 = arith.cmpi eq, %iota3A, %eq3A_23 : vector<16xi32>
    %jit3A_25 = arith.constant 0 : i32
    %broadcast_in_dim3A_26 = vector.broadcast %jit3A_25 : i32 to vector<16xi32>
    %select_n3A_27 = arith.select %eq3A_24, %shift_right_logical3A_21, %broadcast_in_dim3A_26 : vector<16xi1>, vector<16xi32>
    %reduce_sum3A_28 = arith.constant true
    %reduce_sum3A_29 = vector.broadcast %reduce_sum3A_28 : i1 to vector<16xi1>
    %reduce_sum3A_30 = tpu.scan <sum>, %select_n3A_27 masked %reduce_sum3A_29 : vector<16xi32>, vector<16xi1> -> vector<16xi32>
    %reduce_sum3A_31 = vector.extract %reduce_sum3A_30[15] : i32 from vector<16xi32>
    %mul3A_32 = arith.constant 128 : i32
    %mul3A_33 = arith.muli %reduce_sum3A_18, %mul3A_32 : i32
    %multiple_of3A_34 = tpu.assume_multiple %mul3A_33, 128 : i32
    %mul3A_35 = arith.constant 128 : i32
    %mul3A_36 = arith.muli %reduce_sum3A_31, %mul3A_35 : i32
    %multiple_of3A_37 = tpu.assume_multiple %mul3A_36, 128 : i32
    %dma_start3A = arith.constant 0 : i32
    %dma_start3A_38 = arith.constant 0 : i32
    %dma_start3A_39 = arith.constant 0 : i32
    %dma_start3A_40 = tpu.memref_slice %arg10[%dma_start3A, %dma_start3A_38, %dma_start3A_39] : memref<8x32x128xf32, #tpu.memory_space<vmem>> -> memref<1x32x128xf32, #tpu.memory_space<vmem>>
    %dma_start3A_41 = tpu.memref_squeeze %dma_start3A_40 : memref<1x32x128xf32, #tpu.memory_space<vmem>> -> memref<32x128xf32, #tpu.memory_space<vmem>>
    %dma_start3A_42 = arith.constant 0 : i32
    %dma_start3A_43 = tpu.memref_slice %arg4[%dma_start3A_42, %multiple_of3A_34] : memref<32x1000000xf32, #tpu.memory_space<hbm>> -> memref<32x128xf32, #tpu.memory_space<hbm>>
    %dma_start3A_44 = arith.constant 0 : i32
    %dma_start3A_45 = arith.constant 0 : i32
    %dma_start3A_46 = tpu.memref_slice %arg10[%dma_start3A, %dma_start3A_44, %dma_start3A_45] : memref<8x32x128xf32, #tpu.memory_space<vmem>> -> memref<1x32x128xf32, #tpu.memory_space<vmem>>
    %dma_start3A_47 = tpu.memref_squeeze %dma_start3A_46 : memref<1x32x128xf32, #tpu.memory_space<vmem>> -> memref<32x128xf32, #tpu.memory_space<vmem>>
    %dma_start3A_48 = arith.constant 0 : i32
    %dma_start3A_49 = tpu.memref_slice %arg4[%dma_start3A_48, %multiple_of3A_34] : memref<32x1000000xf32, #tpu.memory_space<hbm>> -> memref<32x128xf32, #tpu.memory_space<hbm>>
    tpu.enqueue_dma source(%dma_start3A_49 : memref<32x128xf32, #tpu.memory_space<hbm>>) target(%dma_start3A_47 : memref<32x128xf32, #tpu.memory_space<vmem>>) target_semaphore(%arg15 : memref<!tpu.dma_semaphore, #tpu.memory_space<semaphore_mem>>)
    %dma_start3A_50 = arith.constant 0 : i32
    %dma_start3A_51 = arith.constant 0 : i32
    %dma_start3A_52 = arith.constant 0 : i32
    %dma_start3A_53 = tpu.memref_slice %arg11[%dma_start3A_50, %dma_start3A_51, %dma_start3A_52] : memref<8x32x128xf32, #tpu.memory_space<vmem>> -> memref<1x32x128xf32, #tpu.memory_space<vmem>>
    %dma_start3A_54 = tpu.memref_squeeze %dma_start3A_53 : memref<1x32x128xf32, #tpu.memory_space<vmem>> -> memref<32x128xf32, #tpu.memory_space<vmem>>
    %dma_start3A_55 = arith.constant 0 : i32
    %dma_start3A_56 = tpu.memref_slice %arg5[%dma_start3A_55, %multiple_of3A_37] : memref<32x1000000xf32, #tpu.memory_space<hbm>> -> memref<32x128xf32, #tpu.memory_space<hbm>>
    %dma_start3A_57 = arith.constant 0 : i32
    %dma_start3A_58 = arith.constant 0 : i32
    %dma_start3A_59 = tpu.memref_slice %arg11[%dma_start3A_50, %dma_start3A_57, %dma_start3A_58] : memref<8x32x128xf32, #tpu.memory_space<vmem>> -> memref<1x32x128xf32, #tpu.memory_space<vmem>>
    %dma_start3A_60 = tpu.memref_squeeze %dma_start3A_59 : memref<1x32x128xf32, #tpu.memory_space<vmem>> -> memref<32x128xf32, #tpu.memory_space<vmem>>
    %dma_start3A_61 = arith.constant 0 : i32
    %dma_start3A_62 = tpu.memref_slice %arg5[%dma_start3A_61, %multiple_of3A_37] : memref<32x1000000xf32, #tpu.memory_space<hbm>> -> memref<32x128xf32, #tpu.memory_space<hbm>>
    tpu.enqueue_dma source(%dma_start3A_62 : memref<32x128xf32, #tpu.memory_space<hbm>>) target(%dma_start3A_60 : memref<32x128xf32, #tpu.memory_space<vmem>>) target_semaphore(%arg15 : memref<!tpu.dma_semaphore, #tpu.memory_space<semaphore_mem>>)
    %shift_right_logical3A_63 = arith.constant 7 : i32
    %shift_right_logical3A_64 = vector.broadcast %shift_right_logical3A_63 : i32 to vector<16xi32>
    %shift_right_logical3A_65 = arith.shrui %get3A_8, %shift_right_logical3A_64 : vector<16xi32>
    %eq3A_66 = arith.constant 1 : i32
    %eq3A_67 = vector.broadcast %eq3A_66 : i32 to vector<16xi32>
    %eq3A_68 = arith.cmpi eq, %iota3A, %eq3A_67 : vector<16xi32>
    %jit3A_69 = arith.constant 0 : i32
    %broadcast_in_dim3A_70 = vector.broadcast %jit3A_69 : i32 to vector<16xi32>
    %select_n3A_71 = arith.select %eq3A_68, %shift_right_logical3A_65, %broadcast_in_dim3A_70 : vector<16xi1>, vector<16xi32>
    %reduce_sum3A_72 = arith.constant true
    %reduce_sum3A_73 = vector.broadcast %reduce_sum3A_72 : i1 to vector<16xi1>
    %reduce_sum3A_74 = tpu.scan <sum>, %select_n3A_71 masked %reduce_sum3A_73 : vector<16xi32>, vector<16xi1> -> vector<16xi32>
    %reduce_sum3A_75 = vector.extract %reduce_sum3A_74[15] : i32 from vector<16xi32>
    %shift_right_logical3A_76 = arith.constant 7 : i32
    %shift_right_logical3A_77 = vector.broadcast %shift_right_logical3A_76 : i32 to vector<16xi32>
    %shift_right_logical3A_78 = arith.shrui %get3A_10, %shift_right_logical3A_77 : vector<16xi32>
    %eq3A_79 = arith.constant 1 : i32
    %eq3A_80 = vector.broadcast %eq3A_79 : i32 to vector<16xi32>
    %eq3A_81 = arith.cmpi eq, %iota3A, %eq3A_80 : vector<16xi32>
    %jit3A_82 = arith.constant 0 : i32
    %broadcast_in_dim3A_83 = vector.broadcast %jit3A_82 : i32 to vector<16xi32>
    %select_n3A_84 = arith.select %eq3A_81, %shift_right_logical3A_78, %broadcast_in_dim3A_83 : vector<16xi1>, vector<16xi32>
    %reduce_sum3A_85 = arith.constant true
    %reduce_sum3A_86 = vector.broadcast %reduce_sum3A_85 : i1 to vector<16xi1>
    %reduce_sum3A_87 = tpu.scan <sum>, %select_n3A_84 masked %reduce_sum3A_86 : vector<16xi32>, vector<16xi1> -> vector<16xi32>
    %reduce_sum3A_88 = vector.extract %reduce_sum3A_87[15] : i32 from vector<16xi32>
    %mul3A_89 = arith.constant 128 : i32
    %mul3A_90 = arith.muli %reduce_sum3A_75, %mul3A_89 : i32
    %multiple_of3A_91 = tpu.assume_multiple %mul3A_90, 128 : i32
    %mul3A_92 = arith.constant 128 : i32
    %mul3A_93 = arith.muli %reduce_sum3A_88, %mul3A_92 : i32
    %multiple_of3A_94 = tpu.assume_multiple %mul3A_93, 128 : i32
    %dma_start3A_95 = arith.constant 1 : i32
    %dma_start3A_96 = arith.constant 0 : i32
    %dma_start3A_97 = arith.constant 0 : i32
    %dma_start3A_98 = tpu.memref_slice %arg10[%dma_start3A_95, %dma_start3A_96, %dma_start3A_97] : memref<8x32x128xf32, #tpu.memory_space<vmem>> -> memref<1x32x128xf32, #tpu.memory_space<vmem>>
    %dma_start3A_99 = tpu.memref_squeeze %dma_start3A_98 : memref<1x32x128xf32, #tpu.memory_space<vmem>> -> memref<32x128xf32, #tpu.memory_space<vmem>>
    %dma_start3A_100 = arith.constant 0 : i32
    %dma_start3A_101 = tpu.memref_slice %arg4[%dma_start3A_100, %multiple_of3A_91] : memref<32x1000000xf32, #tpu.memory_space<hbm>> -> memref<32x128xf32, #tpu.memory_space<hbm>>
    %dma_start3A_102 = arith.constant 0 : i32
    %dma_start3A_103 = arith.constant 0 : i32
    %dma_start3A_104 = tpu.memref_slice %arg10[%dma_start3A_95, %dma_start3A_102, %dma_start3A_103] : memref<8x32x128xf32, #tpu.memory_space<vmem>> -> memref<1x32x128xf32, #tpu.memory_space<vmem>>
    %dma_start3A_105 = tpu.memref_squeeze %dma_start3A_104 : memref<1x32x128xf32, #tpu.memory_space<vmem>> -> memref<32x128xf32, #tpu.memory_space<vmem>>
    %dma_start3A_106 = arith.constant 0 : i32
    %dma_start3A_107 = tpu.memref_slice %arg4[%dma_start3A_106, %multiple_of3A_91] : memref<32x1000000xf32, #tpu.memory_space<hbm>> -> memref<32x128xf32, #tpu.memory_space<hbm>>
    tpu.enqueue_dma source(%dma_start3A_107 : memref<32x128xf32, #tpu.memory_space<hbm>>) target(%dma_start3A_105 : memref<32x128xf32, #tpu.memory_space<vmem>>) target_semaphore(%arg16 : memref<!tpu.dma_semaphore, #tpu.memory_space<semaphore_mem>>)
    %dma_start3A_108 = arith.constant 1 : i32
    %dma_start3A_109 = arith.constant 0 : i32
    %dma_start3A_110 = arith.constant 0 : i32
    %dma_start3A_111 = tpu.memref_slice %arg11[%dma_start3A_108, %dma_start3A_109, %dma_start3A_110] : memref<8x32x128xf32, #tpu.memory_space<vmem>> -> memref<1x32x128xf32, #tpu.memory_space<vmem>>
    %dma_start3A_112 = tpu.memref_squeeze %dma_start3A_111 : memref<1x32x128xf32, #tpu.memory_space<vmem>> -> memref<32x128xf32, #tpu.memory_space<vmem>>
    %dma_start3A_113 = arith.constant 0 : i32
    %dma_start3A_114 = tpu.memref_slice %arg5[%dma_start3A_113, %multiple_of3A_94] : memref<32x1000000xf32, #tpu.memory_space<hbm>> -> memref<32x128xf32, #tpu.memory_space<hbm>>
    %dma_start3A_115 = arith.constant 0 : i32
    %dma_start3A_116 = arith.constant 0 : i32
    %dma_start3A_117 = tpu.memref_slice %arg11[%dma_start3A_108, %dma_start3A_115, %dma_start3A_116] : memref<8x32x128xf32, #tpu.memory_space<vmem>> -> memref<1x32x128xf32, #tpu.memory_space<vmem>>
    %dma_start3A_118 = tpu.memref_squeeze %dma_start3A_117 : memref<1x32x128xf32, #tpu.memory_space<vmem>> -> memref<32x128xf32, #tpu.memory_space<vmem>>
    %dma_start3A_119 = arith.constant 0 : i32
    %dma_start3A_120 = tpu.memref_slice %arg5[%dma_start3A_119, %multiple_of3A_94] : memref<32x1000000xf32, #tpu.memory_space<hbm>> -> memref<32x128xf32, #tpu.memory_space<hbm>>
    tpu.enqueue_dma source(%dma_start3A_120 : memref<32x128xf32, #tpu.memory_space<hbm>>) target(%dma_start3A_118 : memref<32x128xf32, #tpu.memory_space<vmem>>) target_semaphore(%arg16 : memref<!tpu.dma_semaphore, #tpu.memory_space<semaphore_mem>>)
    %shift_right_logical3A_121 = arith.constant 7 : i32
    %shift_right_logical3A_122 = vector.broadcast %shift_right_logical3A_121 : i32 to vector<16xi32>
    %shift_right_logical3A_123 = arith.shrui %get3A_8, %shift_right_logical3A_122 : vector<16xi32>
    %eq3A_124 = arith.constant 2 : i32
    %eq3A_125 = vector.broadcast %eq3A_124 : i32 to vector<16xi32>
    %eq3A_126 = arith.cmpi eq, %iota3A, %eq3A_125 : vector<16xi32>
    %jit3A_127 = arith.constant 0 : i32
    %broadcast_in_dim3A_128 = vector.broadcast %jit3A_127 : i32 to vector<16xi32>
    %select_n3A_129 = arith.select %eq3A_126, %shift_right_logical3A_123, %broadcast_in_dim3A_128 : vector<16xi1>, vector<16xi32>
    %reduce_sum3A_130 = arith.constant true
    %reduce_sum3A_131 = vector.broadcast %reduce_sum3A_130 : i1 to vector<16xi1>
    %reduce_sum3A_132 = tpu.scan <sum>, %select_n3A_129 masked %reduce_sum3A_131 : vector<16xi32>, vector<16xi1> -> vector<16xi32>
    %reduce_sum3A_133 = vector.extract %reduce_sum3A_132[15] : i32 from vector<16xi32>
    %shift_right_logical3A_134 = arith.constant 7 : i32
    %shift_right_logical3A_135 = vector.broadcast %shift_right_logical3A_134 : i32 to vector<16xi32>
    %shift_right_logical3A_136 = arith.shrui %get3A_10, %shift_right_logical3A_135 : vector<16xi32>
    %eq3A_137 = arith.constant 2 : i32
    %eq3A_138 = vector.broadcast %eq3A_137 : i32 to vector<16xi32>
    %eq3A_139 = arith.cmpi eq, %iota3A, %eq3A_138 : vector<16xi32>
    %jit3A_140 = arith.constant 0 : i32
    %broadcast_in_dim3A_141 = vector.broadcast %jit3A_140 : i32 to vector<16xi32>
    %select_n3A_142 = arith.select %eq3A_139, %shift_right_logical3A_136, %broadcast_in_dim3A_141 : vector<16xi1>, vector<16xi32>
    %reduce_sum3A_143 = arith.constant true
    %reduce_sum3A_144 = vector.broadcast %reduce_sum3A_143 : i1 to vector<16xi1>
    %reduce_sum3A_145 = tpu.scan <sum>, %select_n3A_142 masked %reduce_sum3A_144 : vector<16xi32>, vector<16xi1> -> vector<16xi32>
    %reduce_sum3A_146 = vector.extract %reduce_sum3A_145[15] : i32 from vector<16xi32>
    %mul3A_147 = arith.constant 128 : i32
    %mul3A_148 = arith.muli %reduce_sum3A_133, %mul3A_147 : i32
    %multiple_of3A_149 = tpu.assume_multiple %mul3A_148, 128 : i32
    %mul3A_150 = arith.constant 128 : i32
    %mul3A_151 = arith.muli %reduce_sum3A_146, %mul3A_150 : i32
    %multiple_of3A_152 = tpu.assume_multiple %mul3A_151, 128 : i32
    %dma_start3A_153 = arith.constant 2 : i32
    %dma_start3A_154 = arith.constant 0 : i32
    %dma_start3A_155 = arith.constant 0 : i32
    %dma_start3A_156 = tpu.memref_slice %arg10[%dma_start3A_153, %dma_start3A_154, %dma_start3A_155] : memref<8x32x128xf32, #tpu.memory_space<vmem>> -> memref<1x32x128xf32, #tpu.memory_space<vmem>>
    %dma_start3A_157 = tpu.memref_squeeze %dma_start3A_156 : memref<1x32x128xf32, #tpu.memory_space<vmem>> -> memref<32x128xf32, #tpu.memory_space<vmem>>
    %dma_start3A_158 = arith.constant 0 : i32
    %dma_start3A_159 = tpu.memref_slice %arg4[%dma_start3A_158, %multiple_of3A_149] : memref<32x1000000xf32, #tpu.memory_space<hbm>> -> memref<32x128xf32, #tpu.memory_space<hbm>>
    %dma_start3A_160 = arith.constant 0 : i32
    %dma_start3A_161 = arith.constant 0 : i32
    %dma_start3A_162 = tpu.memref_slice %arg10[%dma_start3A_153, %dma_start3A_160, %dma_start3A_161] : memref<8x32x128xf32, #tpu.memory_space<vmem>> -> memref<1x32x128xf32, #tpu.memory_space<vmem>>
    %dma_start3A_163 = tpu.memref_squeeze %dma_start3A_162 : memref<1x32x128xf32, #tpu.memory_space<vmem>> -> memref<32x128xf32, #tpu.memory_space<vmem>>
    %dma_start3A_164 = arith.constant 0 : i32
    %dma_start3A_165 = tpu.memref_slice %arg4[%dma_start3A_164, %multiple_of3A_149] : memref<32x1000000xf32, #tpu.memory_space<hbm>> -> memref<32x128xf32, #tpu.memory_space<hbm>>
    tpu.enqueue_dma source(%dma_start3A_165 : memref<32x128xf32, #tpu.memory_space<hbm>>) target(%dma_start3A_163 : memref<32x128xf32, #tpu.memory_space<vmem>>) target_semaphore(%arg17 : memref<!tpu.dma_semaphore, #tpu.memory_space<semaphore_mem>>)
    %dma_start3A_166 = arith.constant 2 : i32
    %dma_start3A_167 = arith.constant 0 : i32
    %dma_start3A_168 = arith.constant 0 : i32
    %dma_start3A_169 = tpu.memref_slice %arg11[%dma_start3A_166, %dma_start3A_167, %dma_start3A_168] : memref<8x32x128xf32, #tpu.memory_space<vmem>> -> memref<1x32x128xf32, #tpu.memory_space<vmem>>
    %dma_start3A_170 = tpu.memref_squeeze %dma_start3A_169 : memref<1x32x128xf32, #tpu.memory_space<vmem>> -> memref<32x128xf32, #tpu.memory_space<vmem>>
    %dma_start3A_171 = arith.constant 0 : i32
    %dma_start3A_172 = tpu.memref_slice %arg5[%dma_start3A_171, %multiple_of3A_152] : memref<32x1000000xf32, #tpu.memory_space<hbm>> -> memref<32x128xf32, #tpu.memory_space<hbm>>
    %dma_start3A_173 = arith.constant 0 : i32
    %dma_start3A_174 = arith.constant 0 : i32
    %dma_start3A_175 = tpu.memref_slice %arg11[%dma_start3A_166, %dma_start3A_173, %dma_start3A_174] : memref<8x32x128xf32, #tpu.memory_space<vmem>> -> memref<1x32x128xf32, #tpu.memory_space<vmem>>
    %dma_start3A_176 = tpu.memref_squeeze %dma_start3A_175 : memref<1x32x128xf32, #tpu.memory_space<vmem>> -> memref<32x128xf32, #tpu.memory_space<vmem>>
    %dma_start3A_177 = arith.constant 0 : i32
    %dma_start3A_178 = tpu.memref_slice %arg5[%dma_start3A_177, %multiple_of3A_152] : memref<32x1000000xf32, #tpu.memory_space<hbm>> -> memref<32x128xf32, #tpu.memory_space<hbm>>
    tpu.enqueue_dma source(%dma_start3A_178 : memref<32x128xf32, #tpu.memory_space<hbm>>) target(%dma_start3A_176 : memref<32x128xf32, #tpu.memory_space<vmem>>) target_semaphore(%arg17 : memref<!tpu.dma_semaphore, #tpu.memory_space<semaphore_mem>>)
    %shift_right_logical3A_179 = arith.constant 7 : i32
    %shift_right_logical3A_180 = vector.broadcast %shift_right_logical3A_179 : i32 to vector<16xi32>
    %shift_right_logical3A_181 = arith.shrui %get3A_8, %shift_right_logical3A_180 : vector<16xi32>
    %eq3A_182 = arith.constant 3 : i32
    %eq3A_183 = vector.broadcast %eq3A_182 : i32 to vector<16xi32>
    %eq3A_184 = arith.cmpi eq, %iota3A, %eq3A_183 : vector<16xi32>
    %jit3A_185 = arith.constant 0 : i32
    %broadcast_in_dim3A_186 = vector.broadcast %jit3A_185 : i32 to vector<16xi32>
    %select_n3A_187 = arith.select %eq3A_184, %shift_right_logical3A_181, %broadcast_in_dim3A_186 : vector<16xi1>, vector<16xi32>
    %reduce_sum3A_188 = arith.constant true
    %reduce_sum3A_189 = vector.broadcast %reduce_sum3A_188 : i1 to vector<16xi1>
    %reduce_sum3A_190 = tpu.scan <sum>, %select_n3A_187 masked %reduce_sum3A_189 : vector<16xi32>, vector<16xi1> -> vector<16xi32>
    %reduce_sum3A_191 = vector.extract %reduce_sum3A_190[15] : i32 from vector<16xi32>
    %shift_right_logical3A_192 = arith.constant 7 : i32
    %shift_right_logical3A_193 = vector.broadcast %shift_right_logical3A_192 : i32 to vector<16xi32>
    %shift_right_logical3A_194 = arith.shrui %get3A_10, %shift_right_logical3A_193 : vector<16xi32>
    %eq3A_195 = arith.constant 3 : i32
    %eq3A_196 = vector.broadcast %eq3A_195 : i32 to vector<16xi32>
    %eq3A_197 = arith.cmpi eq, %iota3A, %eq3A_196 : vector<16xi32>
    %jit3A_198 = arith.constant 0 : i32
    %broadcast_in_dim3A_199 = vector.broadcast %jit3A_198 : i32 to vector<16xi32>
    %select_n3A_200 = arith.select %eq3A_197, %shift_right_logical3A_194, %broadcast_in_dim3A_199 : vector<16xi1>, vector<16xi32>
    %reduce_sum3A_201 = arith.constant true
    %reduce_sum3A_202 = vector.broadcast %reduce_sum3A_201 : i1 to vector<16xi1>
    %reduce_sum3A_203 = tpu.scan <sum>, %select_n3A_200 masked %reduce_sum3A_202 : vector<16xi32>, vector<16xi1> -> vector<16xi32>
    %reduce_sum3A_204 = vector.extract %reduce_sum3A_203[15] : i32 from vector<16xi32>
    %mul3A_205 = arith.constant 128 : i32
    %mul3A_206 = arith.muli %reduce_sum3A_191, %mul3A_205 : i32
    %multiple_of3A_207 = tpu.assume_multiple %mul3A_206, 128 : i32
    %mul3A_208 = arith.constant 128 : i32
    %mul3A_209 = arith.muli %reduce_sum3A_204, %mul3A_208 : i32
    %multiple_of3A_210 = tpu.assume_multiple %mul3A_209, 128 : i32
    %dma_start3A_211 = arith.constant 3 : i32
    %dma_start3A_212 = arith.constant 0 : i32
    %dma_start3A_213 = arith.constant 0 : i32
    %dma_start3A_214 = tpu.memref_slice %arg10[%dma_start3A_211, %dma_start3A_212, %dma_start3A_213] : memref<8x32x128xf32, #tpu.memory_space<vmem>> -> memref<1x32x128xf32, #tpu.memory_space<vmem>>
    %dma_start3A_215 = tpu.memref_squeeze %dma_start3A_214 : memref<1x32x128xf32, #tpu.memory_space<vmem>> -> memref<32x128xf32, #tpu.memory_space<vmem>>
    %dma_start3A_216 = arith.constant 0 : i32
    %dma_start3A_217 = tpu.memref_slice %arg4[%dma_start3A_216, %multiple_of3A_207] : memref<32x1000000xf32, #tpu.memory_space<hbm>> -> memref<32x128xf32, #tpu.memory_space<hbm>>
    %dma_start3A_218 = arith.constant 0 : i32
    %dma_start3A_219 = arith.constant 0 : i32
    %dma_start3A_220 = tpu.memref_slice %arg10[%dma_start3A_211, %dma_start3A_218, %dma_start3A_219] : memref<8x32x128xf32, #tpu.memory_space<vmem>> -> memref<1x32x128xf32, #tpu.memory_space<vmem>>
    %dma_start3A_221 = tpu.memref_squeeze %dma_start3A_220 : memref<1x32x128xf32, #tpu.memory_space<vmem>> -> memref<32x128xf32, #tpu.memory_space<vmem>>
    %dma_start3A_222 = arith.constant 0 : i32
    %dma_start3A_223 = tpu.memref_slice %arg4[%dma_start3A_222, %multiple_of3A_207] : memref<32x1000000xf32, #tpu.memory_space<hbm>> -> memref<32x128xf32, #tpu.memory_space<hbm>>
    tpu.enqueue_dma source(%dma_start3A_223 : memref<32x128xf32, #tpu.memory_space<hbm>>) target(%dma_start3A_221 : memref<32x128xf32, #tpu.memory_space<vmem>>) target_semaphore(%arg18 : memref<!tpu.dma_semaphore, #tpu.memory_space<semaphore_mem>>)
    %dma_start3A_224 = arith.constant 3 : i32
    %dma_start3A_225 = arith.constant 0 : i32
    %dma_start3A_226 = arith.constant 0 : i32
    %dma_start3A_227 = tpu.memref_slice %arg11[%dma_start3A_224, %dma_start3A_225, %dma_start3A_226] : memref<8x32x128xf32, #tpu.memory_space<vmem>> -> memref<1x32x128xf32, #tpu.memory_space<vmem>>
    %dma_start3A_228 = tpu.memref_squeeze %dma_start3A_227 : memref<1x32x128xf32, #tpu.memory_space<vmem>> -> memref<32x128xf32, #tpu.memory_space<vmem>>
    %dma_start3A_229 = arith.constant 0 : i32
    %dma_start3A_230 = tpu.memref_slice %arg5[%dma_start3A_229, %multiple_of3A_210] : memref<32x1000000xf32, #tpu.memory_space<hbm>> -> memref<32x128xf32, #tpu.memory_space<hbm>>
    %dma_start3A_231 = arith.constant 0 : i32
    %dma_start3A_232 = arith.constant 0 : i32
    %dma_start3A_233 = tpu.memref_slice %arg11[%dma_start3A_224, %dma_start3A_231, %dma_start3A_232] : memref<8x32x128xf32, #tpu.memory_space<vmem>> -> memref<1x32x128xf32, #tpu.memory_space<vmem>>
    %dma_start3A_234 = tpu.memref_squeeze %dma_start3A_233 : memref<1x32x128xf32, #tpu.memory_space<vmem>> -> memref<32x128xf32, #tpu.memory_space<vmem>>
    %dma_start3A_235 = arith.constant 0 : i32
    %dma_start3A_236 = tpu.memref_slice %arg5[%dma_start3A_235, %multiple_of3A_210] : memref<32x1000000xf32, #tpu.memory_space<hbm>> -> memref<32x128xf32, #tpu.memory_space<hbm>>
    tpu.enqueue_dma source(%dma_start3A_236 : memref<32x128xf32, #tpu.memory_space<hbm>>) target(%dma_start3A_234 : memref<32x128xf32, #tpu.memory_space<vmem>>) target_semaphore(%arg18 : memref<!tpu.dma_semaphore, #tpu.memory_space<semaphore_mem>>)
    %shift_right_logical3A_237 = arith.constant 7 : i32
    %shift_right_logical3A_238 = vector.broadcast %shift_right_logical3A_237 : i32 to vector<16xi32>
    %shift_right_logical3A_239 = arith.shrui %get3A_8, %shift_right_logical3A_238 : vector<16xi32>
    %eq3A_240 = arith.constant 4 : i32
    %eq3A_241 = vector.broadcast %eq3A_240 : i32 to vector<16xi32>
    %eq3A_242 = arith.cmpi eq, %iota3A, %eq3A_241 : vector<16xi32>
    %jit3A_243 = arith.constant 0 : i32
    %broadcast_in_dim3A_244 = vector.broadcast %jit3A_243 : i32 to vector<16xi32>
    %select_n3A_245 = arith.select %eq3A_242, %shift_right_logical3A_239, %broadcast_in_dim3A_244 : vector<16xi1>, vector<16xi32>
    %reduce_sum3A_246 = arith.constant true
    %reduce_sum3A_247 = vector.broadcast %reduce_sum3A_246 : i1 to vector<16xi1>
    %reduce_sum3A_248 = tpu.scan <sum>, %select_n3A_245 masked %reduce_sum3A_247 : vector<16xi32>, vector<16xi1> -> vector<16xi32>
    %reduce_sum3A_249 = vector.extract %reduce_sum3A_248[15] : i32 from vector<16xi32>
    %shift_right_logical3A_250 = arith.constant 7 : i32
    %shift_right_logical3A_251 = vector.broadcast %shift_right_logical3A_250 : i32 to vector<16xi32>
    %shift_right_logical3A_252 = arith.shrui %get3A_10, %shift_right_logical3A_251 : vector<16xi32>
    %eq3A_253 = arith.constant 4 : i32
    %eq3A_254 = vector.broadcast %eq3A_253 : i32 to vector<16xi32>
    %eq3A_255 = arith.cmpi eq, %iota3A, %eq3A_254 : vector<16xi32>
    %jit3A_256 = arith.constant 0 : i32
    %broadcast_in_dim3A_257 = vector.broadcast %jit3A_256 : i32 to vector<16xi32>
    %select_n3A_258 = arith.select %eq3A_255, %shift_right_logical3A_252, %broadcast_in_dim3A_257 : vector<16xi1>, vector<16xi32>
    %reduce_sum3A_259 = arith.constant true
    %reduce_sum3A_260 = vector.broadcast %reduce_sum3A_259 : i1 to vector<16xi1>
    %reduce_sum3A_261 = tpu.scan <sum>, %select_n3A_258 masked %reduce_sum3A_260 : vector<16xi32>, vector<16xi1> -> vector<16xi32>
    %reduce_sum3A_262 = vector.extract %reduce_sum3A_261[15] : i32 from vector<16xi32>
    %mul3A_263 = arith.constant 128 : i32
    %mul3A_264 = arith.muli %reduce_sum3A_249, %mul3A_263 : i32
    %multiple_of3A_265 = tpu.assume_multiple %mul3A_264, 128 : i32
    %mul3A_266 = arith.constant 128 : i32
    %mul3A_267 = arith.muli %reduce_sum3A_262, %mul3A_266 : i32
    %multiple_of3A_268 = tpu.assume_multiple %mul3A_267, 128 : i32
    %dma_start3A_269 = arith.constant 4 : i32
    %dma_start3A_270 = arith.constant 0 : i32
    %dma_start3A_271 = arith.constant 0 : i32
    %dma_start3A_272 = tpu.memref_slice %arg10[%dma_start3A_269, %dma_start3A_270, %dma_start3A_271] : memref<8x32x128xf32, #tpu.memory_space<vmem>> -> memref<1x32x128xf32, #tpu.memory_space<vmem>>
    %dma_start3A_273 = tpu.memref_squeeze %dma_start3A_272 : memref<1x32x128xf32, #tpu.memory_space<vmem>> -> memref<32x128xf32, #tpu.memory_space<vmem>>
    %dma_start3A_274 = arith.constant 0 : i32
    %dma_start3A_275 = tpu.memref_slice %arg4[%dma_start3A_274, %multiple_of3A_265] : memref<32x1000000xf32, #tpu.memory_space<hbm>> -> memref<32x128xf32, #tpu.memory_space<hbm>>
    %dma_start3A_276 = arith.constant 0 : i32
    %dma_start3A_277 = arith.constant 0 : i32
    %dma_start3A_278 = tpu.memref_slice %arg10[%dma_start3A_269, %dma_start3A_276, %dma_start3A_277] : memref<8x32x128xf32, #tpu.memory_space<vmem>> -> memref<1x32x128xf32, #tpu.memory_space<vmem>>
    %dma_start3A_279 = tpu.memref_squeeze %dma_start3A_278 : memref<1x32x128xf32, #tpu.memory_space<vmem>> -> memref<32x128xf32, #tpu.memory_space<vmem>>
    %dma_start3A_280 = arith.constant 0 : i32
    %dma_start3A_281 = tpu.memref_slice %arg4[%dma_start3A_280, %multiple_of3A_265] : memref<32x1000000xf32, #tpu.memory_space<hbm>> -> memref<32x128xf32, #tpu.memory_space<hbm>>
    tpu.enqueue_dma source(%dma_start3A_281 : memref<32x128xf32, #tpu.memory_space<hbm>>) target(%dma_start3A_279 : memref<32x128xf32, #tpu.memory_space<vmem>>) target_semaphore(%arg19 : memref<!tpu.dma_semaphore, #tpu.memory_space<semaphore_mem>>)
    %dma_start3A_282 = arith.constant 4 : i32
    %dma_start3A_283 = arith.constant 0 : i32
    %dma_start3A_284 = arith.constant 0 : i32
    %dma_start3A_285 = tpu.memref_slice %arg11[%dma_start3A_282, %dma_start3A_283, %dma_start3A_284] : memref<8x32x128xf32, #tpu.memory_space<vmem>> -> memref<1x32x128xf32, #tpu.memory_space<vmem>>
    %dma_start3A_286 = tpu.memref_squeeze %dma_start3A_285 : memref<1x32x128xf32, #tpu.memory_space<vmem>> -> memref<32x128xf32, #tpu.memory_space<vmem>>
    %dma_start3A_287 = arith.constant 0 : i32
    %dma_start3A_288 = tpu.memref_slice %arg5[%dma_start3A_287, %multiple_of3A_268] : memref<32x1000000xf32, #tpu.memory_space<hbm>> -> memref<32x128xf32, #tpu.memory_space<hbm>>
    %dma_start3A_289 = arith.constant 0 : i32
    %dma_start3A_290 = arith.constant 0 : i32
    %dma_start3A_291 = tpu.memref_slice %arg11[%dma_start3A_282, %dma_start3A_289, %dma_start3A_290] : memref<8x32x128xf32, #tpu.memory_space<vmem>> -> memref<1x32x128xf32, #tpu.memory_space<vmem>>
    %dma_start3A_292 = tpu.memref_squeeze %dma_start3A_291 : memref<1x32x128xf32, #tpu.memory_space<vmem>> -> memref<32x128xf32, #tpu.memory_space<vmem>>
    %dma_start3A_293 = arith.constant 0 : i32
    %dma_start3A_294 = tpu.memref_slice %arg5[%dma_start3A_293, %multiple_of3A_268] : memref<32x1000000xf32, #tpu.memory_space<hbm>> -> memref<32x128xf32, #tpu.memory_space<hbm>>
    tpu.enqueue_dma source(%dma_start3A_294 : memref<32x128xf32, #tpu.memory_space<hbm>>) target(%dma_start3A_292 : memref<32x128xf32, #tpu.memory_space<vmem>>) target_semaphore(%arg19 : memref<!tpu.dma_semaphore, #tpu.memory_space<semaphore_mem>>)
    %shift_right_logical3A_295 = arith.constant 7 : i32
    %shift_right_logical3A_296 = vector.broadcast %shift_right_logical3A_295 : i32 to vector<16xi32>
    %shift_right_logical3A_297 = arith.shrui %get3A_8, %shift_right_logical3A_296 : vector<16xi32>
    %eq3A_298 = arith.constant 5 : i32
    %eq3A_299 = vector.broadcast %eq3A_298 : i32 to vector<16xi32>
    %eq3A_300 = arith.cmpi eq, %iota3A, %eq3A_299 : vector<16xi32>
    %jit3A_301 = arith.constant 0 : i32
    %broadcast_in_dim3A_302 = vector.broadcast %jit3A_301 : i32 to vector<16xi32>
    %select_n3A_303 = arith.select %eq3A_300, %shift_right_logical3A_297, %broadcast_in_dim3A_302 : vector<16xi1>, vector<16xi32>
    %reduce_sum3A_304 = arith.constant true
    %reduce_sum3A_305 = vector.broadcast %reduce_sum3A_304 : i1 to vector<16xi1>
    %reduce_sum3A_306 = tpu.scan <sum>, %select_n3A_303 masked %reduce_sum3A_305 : vector<16xi32>, vector<16xi1> -> vector<16xi32>
    %reduce_sum3A_307 = vector.extract %reduce_sum3A_306[15] : i32 from vector<16xi32>
    %shift_right_logical3A_308 = arith.constant 7 : i32
    %shift_right_logical3A_309 = vector.broadcast %shift_right_logical3A_308 : i32 to vector<16xi32>
    %shift_right_logical3A_310 = arith.shrui %get3A_10, %shift_right_logical3A_309 : vector<16xi32>
    %eq3A_311 = arith.constant 5 : i32
    %eq3A_312 = vector.broadcast %eq3A_311 : i32 to vector<16xi32>
    %eq3A_313 = arith.cmpi eq, %iota3A, %eq3A_312 : vector<16xi32>
    %jit3A_314 = arith.constant 0 : i32
    %broadcast_in_dim3A_315 = vector.broadcast %jit3A_314 : i32 to vector<16xi32>
    %select_n3A_316 = arith.select %eq3A_313, %shift_right_logical3A_310, %broadcast_in_dim3A_315 : vector<16xi1>, vector<16xi32>
    %reduce_sum3A_317 = arith.constant true
    %reduce_sum3A_318 = vector.broadcast %reduce_sum3A_317 : i1 to vector<16xi1>
    %reduce_sum3A_319 = tpu.scan <sum>, %select_n3A_316 masked %reduce_sum3A_318 : vector<16xi32>, vector<16xi1> -> vector<16xi32>
    %reduce_sum3A_320 = vector.extract %reduce_sum3A_319[15] : i32 from vector<16xi32>
    %mul3A_321 = arith.constant 128 : i32
    %mul3A_322 = arith.muli %reduce_sum3A_307, %mul3A_321 : i32
    %multiple_of3A_323 = tpu.assume_multiple %mul3A_322, 128 : i32
    %mul3A_324 = arith.constant 128 : i32
    %mul3A_325 = arith.muli %reduce_sum3A_320, %mul3A_324 : i32
    %multiple_of3A_326 = tpu.assume_multiple %mul3A_325, 128 : i32
    %dma_start3A_327 = arith.constant 5 : i32
    %dma_start3A_328 = arith.constant 0 : i32
    %dma_start3A_329 = arith.constant 0 : i32
    %dma_start3A_330 = tpu.memref_slice %arg10[%dma_start3A_327, %dma_start3A_328, %dma_start3A_329] : memref<8x32x128xf32, #tpu.memory_space<vmem>> -> memref<1x32x128xf32, #tpu.memory_space<vmem>>
    %dma_start3A_331 = tpu.memref_squeeze %dma_start3A_330 : memref<1x32x128xf32, #tpu.memory_space<vmem>> -> memref<32x128xf32, #tpu.memory_space<vmem>>
    %dma_start3A_332 = arith.constant 0 : i32
    %dma_start3A_333 = tpu.memref_slice %arg4[%dma_start3A_332, %multiple_of3A_323] : memref<32x1000000xf32, #tpu.memory_space<hbm>> -> memref<32x128xf32, #tpu.memory_space<hbm>>
    %dma_start3A_334 = arith.constant 0 : i32
    %dma_start3A_335 = arith.constant 0 : i32
    %dma_start3A_336 = tpu.memref_slice %arg10[%dma_start3A_327, %dma_start3A_334, %dma_start3A_335] : memref<8x32x128xf32, #tpu.memory_space<vmem>> -> memref<1x32x128xf32, #tpu.memory_space<vmem>>
    %dma_start3A_337 = tpu.memref_squeeze %dma_start3A_336 : memref<1x32x128xf32, #tpu.memory_space<vmem>> -> memref<32x128xf32, #tpu.memory_space<vmem>>
    %dma_start3A_338 = arith.constant 0 : i32
    %dma_start3A_339 = tpu.memref_slice %arg4[%dma_start3A_338, %multiple_of3A_323] : memref<32x1000000xf32, #tpu.memory_space<hbm>> -> memref<32x128xf32, #tpu.memory_space<hbm>>
    tpu.enqueue_dma source(%dma_start3A_339 : memref<32x128xf32, #tpu.memory_space<hbm>>) target(%dma_start3A_337 : memref<32x128xf32, #tpu.memory_space<vmem>>) target_semaphore(%arg20 : memref<!tpu.dma_semaphore, #tpu.memory_space<semaphore_mem>>)
    %dma_start3A_340 = arith.constant 5 : i32
    %dma_start3A_341 = arith.constant 0 : i32
    %dma_start3A_342 = arith.constant 0 : i32
    %dma_start3A_343 = tpu.memref_slice %arg11[%dma_start3A_340, %dma_start3A_341, %dma_start3A_342] : memref<8x32x128xf32, #tpu.memory_space<vmem>> -> memref<1x32x128xf32, #tpu.memory_space<vmem>>
    %dma_start3A_344 = tpu.memref_squeeze %dma_start3A_343 : memref<1x32x128xf32, #tpu.memory_space<vmem>> -> memref<32x128xf32, #tpu.memory_space<vmem>>
    %dma_start3A_345 = arith.constant 0 : i32
    %dma_start3A_346 = tpu.memref_slice %arg5[%dma_start3A_345, %multiple_of3A_326] : memref<32x1000000xf32, #tpu.memory_space<hbm>> -> memref<32x128xf32, #tpu.memory_space<hbm>>
    %dma_start3A_347 = arith.constant 0 : i32
    %dma_start3A_348 = arith.constant 0 : i32
    %dma_start3A_349 = tpu.memref_slice %arg11[%dma_start3A_340, %dma_start3A_347, %dma_start3A_348] : memref<8x32x128xf32, #tpu.memory_space<vmem>> -> memref<1x32x128xf32, #tpu.memory_space<vmem>>
    %dma_start3A_350 = tpu.memref_squeeze %dma_start3A_349 : memref<1x32x128xf32, #tpu.memory_space<vmem>> -> memref<32x128xf32, #tpu.memory_space<vmem>>
    %dma_start3A_351 = arith.constant 0 : i32
    %dma_start3A_352 = tpu.memref_slice %arg5[%dma_start3A_351, %multiple_of3A_326] : memref<32x1000000xf32, #tpu.memory_space<hbm>> -> memref<32x128xf32, #tpu.memory_space<hbm>>
    tpu.enqueue_dma source(%dma_start3A_352 : memref<32x128xf32, #tpu.memory_space<hbm>>) target(%dma_start3A_350 : memref<32x128xf32, #tpu.memory_space<vmem>>) target_semaphore(%arg20 : memref<!tpu.dma_semaphore, #tpu.memory_space<semaphore_mem>>)
    %shift_right_logical3A_353 = arith.constant 7 : i32
    %shift_right_logical3A_354 = vector.broadcast %shift_right_logical3A_353 : i32 to vector<16xi32>
    %shift_right_logical3A_355 = arith.shrui %get3A_8, %shift_right_logical3A_354 : vector<16xi32>
    %eq3A_356 = arith.constant 6 : i32
    %eq3A_357 = vector.broadcast %eq3A_356 : i32 to vector<16xi32>
    %eq3A_358 = arith.cmpi eq, %iota3A, %eq3A_357 : vector<16xi32>
    %jit3A_359 = arith.constant 0 : i32
    %broadcast_in_dim3A_360 = vector.broadcast %jit3A_359 : i32 to vector<16xi32>
    %select_n3A_361 = arith.select %eq3A_358, %shift_right_logical3A_355, %broadcast_in_dim3A_360 : vector<16xi1>, vector<16xi32>
    %reduce_sum3A_362 = arith.constant true
    %reduce_sum3A_363 = vector.broadcast %reduce_sum3A_362 : i1 to vector<16xi1>
    %reduce_sum3A_364 = tpu.scan <sum>, %select_n3A_361 masked %reduce_sum3A_363 : vector<16xi32>, vector<16xi1> -> vector<16xi32>
    %reduce_sum3A_365 = vector.extract %reduce_sum3A_364[15] : i32 from vector<16xi32>
    %shift_right_logical3A_366 = arith.constant 7 : i32
    %shift_right_logical3A_367 = vector.broadcast %shift_right_logical3A_366 : i32 to vector<16xi32>
    %shift_right_logical3A_368 = arith.shrui %get3A_10, %shift_right_logical3A_367 : vector<16xi32>
    %eq3A_369 = arith.constant 6 : i32
    %eq3A_370 = vector.broadcast %eq3A_369 : i32 to vector<16xi32>
    %eq3A_371 = arith.cmpi eq, %iota3A, %eq3A_370 : vector<16xi32>
    %jit3A_372 = arith.constant 0 : i32
    %broadcast_in_dim3A_373 = vector.broadcast %jit3A_372 : i32 to vector<16xi32>
    %select_n3A_374 = arith.select %eq3A_371, %shift_right_logical3A_368, %broadcast_in_dim3A_373 : vector<16xi1>, vector<16xi32>
    %reduce_sum3A_375 = arith.constant true
    %reduce_sum3A_376 = vector.broadcast %reduce_sum3A_375 : i1 to vector<16xi1>
    %reduce_sum3A_377 = tpu.scan <sum>, %select_n3A_374 masked %reduce_sum3A_376 : vector<16xi32>, vector<16xi1> -> vector<16xi32>
    %reduce_sum3A_378 = vector.extract %reduce_sum3A_377[15] : i32 from vector<16xi32>
    %mul3A_379 = arith.constant 128 : i32
    %mul3A_380 = arith.muli %reduce_sum3A_365, %mul3A_379 : i32
    %multiple_of3A_381 = tpu.assume_multiple %mul3A_380, 128 : i32
    %mul3A_382 = arith.constant 128 : i32
    %mul3A_383 = arith.muli %reduce_sum3A_378, %mul3A_382 : i32
    %multiple_of3A_384 = tpu.assume_multiple %mul3A_383, 128 : i32
    %dma_start3A_385 = arith.constant 6 : i32
    %dma_start3A_386 = arith.constant 0 : i32
    %dma_start3A_387 = arith.constant 0 : i32
    %dma_start3A_388 = tpu.memref_slice %arg10[%dma_start3A_385, %dma_start3A_386, %dma_start3A_387] : memref<8x32x128xf32, #tpu.memory_space<vmem>> -> memref<1x32x128xf32, #tpu.memory_space<vmem>>
    %dma_start3A_389 = tpu.memref_squeeze %dma_start3A_388 : memref<1x32x128xf32, #tpu.memory_space<vmem>> -> memref<32x128xf32, #tpu.memory_space<vmem>>
    %dma_start3A_390 = arith.constant 0 : i32
    %dma_start3A_391 = tpu.memref_slice %arg4[%dma_start3A_390, %multiple_of3A_381] : memref<32x1000000xf32, #tpu.memory_space<hbm>> -> memref<32x128xf32, #tpu.memory_space<hbm>>
    %dma_start3A_392 = arith.constant 0 : i32
    %dma_start3A_393 = arith.constant 0 : i32
    %dma_start3A_394 = tpu.memref_slice %arg10[%dma_start3A_385, %dma_start3A_392, %dma_start3A_393] : memref<8x32x128xf32, #tpu.memory_space<vmem>> -> memref<1x32x128xf32, #tpu.memory_space<vmem>>
    %dma_start3A_395 = tpu.memref_squeeze %dma_start3A_394 : memref<1x32x128xf32, #tpu.memory_space<vmem>> -> memref<32x128xf32, #tpu.memory_space<vmem>>
    %dma_start3A_396 = arith.constant 0 : i32
    %dma_start3A_397 = tpu.memref_slice %arg4[%dma_start3A_396, %multiple_of3A_381] : memref<32x1000000xf32, #tpu.memory_space<hbm>> -> memref<32x128xf32, #tpu.memory_space<hbm>>
    tpu.enqueue_dma source(%dma_start3A_397 : memref<32x128xf32, #tpu.memory_space<hbm>>) target(%dma_start3A_395 : memref<32x128xf32, #tpu.memory_space<vmem>>) target_semaphore(%arg21 : memref<!tpu.dma_semaphore, #tpu.memory_space<semaphore_mem>>)
    %dma_start3A_398 = arith.constant 6 : i32
    %dma_start3A_399 = arith.constant 0 : i32
    %dma_start3A_400 = arith.constant 0 : i32
    %dma_start3A_401 = tpu.memref_slice %arg11[%dma_start3A_398, %dma_start3A_399, %dma_start3A_400] : memref<8x32x128xf32, #tpu.memory_space<vmem>> -> memref<1x32x128xf32, #tpu.memory_space<vmem>>
    %dma_start3A_402 = tpu.memref_squeeze %dma_start3A_401 : memref<1x32x128xf32, #tpu.memory_space<vmem>> -> memref<32x128xf32, #tpu.memory_space<vmem>>
    %dma_start3A_403 = arith.constant 0 : i32
    %dma_start3A_404 = tpu.memref_slice %arg5[%dma_start3A_403, %multiple_of3A_384] : memref<32x1000000xf32, #tpu.memory_space<hbm>> -> memref<32x128xf32, #tpu.memory_space<hbm>>
    %dma_start3A_405 = arith.constant 0 : i32
    %dma_start3A_406 = arith.constant 0 : i32
    %dma_start3A_407 = tpu.memref_slice %arg11[%dma_start3A_398, %dma_start3A_405, %dma_start3A_406] : memref<8x32x128xf32, #tpu.memory_space<vmem>> -> memref<1x32x128xf32, #tpu.memory_space<vmem>>
    %dma_start3A_408 = tpu.memref_squeeze %dma_start3A_407 : memref<1x32x128xf32, #tpu.memory_space<vmem>> -> memref<32x128xf32, #tpu.memory_space<vmem>>
    %dma_start3A_409 = arith.constant 0 : i32
    %dma_start3A_410 = tpu.memref_slice %arg5[%dma_start3A_409, %multiple_of3A_384] : memref<32x1000000xf32, #tpu.memory_space<hbm>> -> memref<32x128xf32, #tpu.memory_space<hbm>>
    tpu.enqueue_dma source(%dma_start3A_410 : memref<32x128xf32, #tpu.memory_space<hbm>>) target(%dma_start3A_408 : memref<32x128xf32, #tpu.memory_space<vmem>>) target_semaphore(%arg21 : memref<!tpu.dma_semaphore, #tpu.memory_space<semaphore_mem>>)
    %shift_right_logical3A_411 = arith.constant 7 : i32
    %shift_right_logical3A_412 = vector.broadcast %shift_right_logical3A_411 : i32 to vector<16xi32>
    %shift_right_logical3A_413 = arith.shrui %get3A_8, %shift_right_logical3A_412 : vector<16xi32>
    %eq3A_414 = arith.constant 7 : i32
    %eq3A_415 = vector.broadcast %eq3A_414 : i32 to vector<16xi32>
    %eq3A_416 = arith.cmpi eq, %iota3A, %eq3A_415 : vector<16xi32>
    %jit3A_417 = arith.constant 0 : i32
    %broadcast_in_dim3A_418 = vector.broadcast %jit3A_417 : i32 to vector<16xi32>
    %select_n3A_419 = arith.select %eq3A_416, %shift_right_logical3A_413, %broadcast_in_dim3A_418 : vector<16xi1>, vector<16xi32>
    %reduce_sum3A_420 = arith.constant true
    %reduce_sum3A_421 = vector.broadcast %reduce_sum3A_420 : i1 to vector<16xi1>
    %reduce_sum3A_422 = tpu.scan <sum>, %select_n3A_419 masked %reduce_sum3A_421 : vector<16xi32>, vector<16xi1> -> vector<16xi32>
    %reduce_sum3A_423 = vector.extract %reduce_sum3A_422[15] : i32 from vector<16xi32>
    %shift_right_logical3A_424 = arith.constant 7 : i32
    %shift_right_logical3A_425 = vector.broadcast %shift_right_logical3A_424 : i32 to vector<16xi32>
    %shift_right_logical3A_426 = arith.shrui %get3A_10, %shift_right_logical3A_425 : vector<16xi32>
    %eq3A_427 = arith.constant 7 : i32
    %eq3A_428 = vector.broadcast %eq3A_427 : i32 to vector<16xi32>
    %eq3A_429 = arith.cmpi eq, %iota3A, %eq3A_428 : vector<16xi32>
    %jit3A_430 = arith.constant 0 : i32
    %broadcast_in_dim3A_431 = vector.broadcast %jit3A_430 : i32 to vector<16xi32>
    %select_n3A_432 = arith.select %eq3A_429, %shift_right_logical3A_426, %broadcast_in_dim3A_431 : vector<16xi1>, vector<16xi32>
    %reduce_sum3A_433 = arith.constant true
    %reduce_sum3A_434 = vector.broadcast %reduce_sum3A_433 : i1 to vector<16xi1>
    %reduce_sum3A_435 = tpu.scan <sum>, %select_n3A_432 masked %reduce_sum3A_434 : vector<16xi32>, vector<16xi1> -> vector<16xi32>
    %reduce_sum3A_436 = vector.extract %reduce_sum3A_435[15] : i32 from vector<16xi32>
    %mul3A_437 = arith.constant 128 : i32
    %mul3A_438 = arith.muli %reduce_sum3A_423, %mul3A_437 : i32
    %multiple_of3A_439 = tpu.assume_multiple %mul3A_438, 128 : i32
    %mul3A_440 = arith.constant 128 : i32
    %mul3A_441 = arith.muli %reduce_sum3A_436, %mul3A_440 : i32
    %multiple_of3A_442 = tpu.assume_multiple %mul3A_441, 128 : i32
    %dma_start3A_443 = arith.constant 7 : i32
    %dma_start3A_444 = arith.constant 0 : i32
    %dma_start3A_445 = arith.constant 0 : i32
    %dma_start3A_446 = tpu.memref_slice %arg10[%dma_start3A_443, %dma_start3A_444, %dma_start3A_445] : memref<8x32x128xf32, #tpu.memory_space<vmem>> -> memref<1x32x128xf32, #tpu.memory_space<vmem>>
    %dma_start3A_447 = tpu.memref_squeeze %dma_start3A_446 : memref<1x32x128xf32, #tpu.memory_space<vmem>> -> memref<32x128xf32, #tpu.memory_space<vmem>>
    %dma_start3A_448 = arith.constant 0 : i32
    %dma_start3A_449 = tpu.memref_slice %arg4[%dma_start3A_448, %multiple_of3A_439] : memref<32x1000000xf32, #tpu.memory_space<hbm>> -> memref<32x128xf32, #tpu.memory_space<hbm>>
    %dma_start3A_450 = arith.constant 0 : i32
    %dma_start3A_451 = arith.constant 0 : i32
    %dma_start3A_452 = tpu.memref_slice %arg10[%dma_start3A_443, %dma_start3A_450, %dma_start3A_451] : memref<8x32x128xf32, #tpu.memory_space<vmem>> -> memref<1x32x128xf32, #tpu.memory_space<vmem>>
    %dma_start3A_453 = tpu.memref_squeeze %dma_start3A_452 : memref<1x32x128xf32, #tpu.memory_space<vmem>> -> memref<32x128xf32, #tpu.memory_space<vmem>>
    %dma_start3A_454 = arith.constant 0 : i32
    %dma_start3A_455 = tpu.memref_slice %arg4[%dma_start3A_454, %multiple_of3A_439] : memref<32x1000000xf32, #tpu.memory_space<hbm>> -> memref<32x128xf32, #tpu.memory_space<hbm>>
    tpu.enqueue_dma source(%dma_start3A_455 : memref<32x128xf32, #tpu.memory_space<hbm>>) target(%dma_start3A_453 : memref<32x128xf32, #tpu.memory_space<vmem>>) target_semaphore(%arg22 : memref<!tpu.dma_semaphore, #tpu.memory_space<semaphore_mem>>)
    %dma_start3A_456 = arith.constant 7 : i32
    %dma_start3A_457 = arith.constant 0 : i32
    %dma_start3A_458 = arith.constant 0 : i32
    %dma_start3A_459 = tpu.memref_slice %arg11[%dma_start3A_456, %dma_start3A_457, %dma_start3A_458] : memref<8x32x128xf32, #tpu.memory_space<vmem>> -> memref<1x32x128xf32, #tpu.memory_space<vmem>>
    %dma_start3A_460 = tpu.memref_squeeze %dma_start3A_459 : memref<1x32x128xf32, #tpu.memory_space<vmem>> -> memref<32x128xf32, #tpu.memory_space<vmem>>
    %dma_start3A_461 = arith.constant 0 : i32
    %dma_start3A_462 = tpu.memref_slice %arg5[%dma_start3A_461, %multiple_of3A_442] : memref<32x1000000xf32, #tpu.memory_space<hbm>> -> memref<32x128xf32, #tpu.memory_space<hbm>>
    %dma_start3A_463 = arith.constant 0 : i32
    %dma_start3A_464 = arith.constant 0 : i32
    %dma_start3A_465 = tpu.memref_slice %arg11[%dma_start3A_456, %dma_start3A_463, %dma_start3A_464] : memref<8x32x128xf32, #tpu.memory_space<vmem>> -> memref<1x32x128xf32, #tpu.memory_space<vmem>>
    %dma_start3A_466 = tpu.memref_squeeze %dma_start3A_465 : memref<1x32x128xf32, #tpu.memory_space<vmem>> -> memref<32x128xf32, #tpu.memory_space<vmem>>
    %dma_start3A_467 = arith.constant 0 : i32
    %dma_start3A_468 = tpu.memref_slice %arg5[%dma_start3A_467, %multiple_of3A_442] : memref<32x1000000xf32, #tpu.memory_space<hbm>> -> memref<32x128xf32, #tpu.memory_space<hbm>>
    tpu.enqueue_dma source(%dma_start3A_468 : memref<32x128xf32, #tpu.memory_space<hbm>>) target(%dma_start3A_466 : memref<32x128xf32, #tpu.memory_space<vmem>>) target_semaphore(%arg22 : memref<!tpu.dma_semaphore, #tpu.memory_space<semaphore_mem>>)
    %scan3A = arith.constant 0 : i32
    %scan3A_469 = arith.constant 0 : i32
    %scan3A_470 = arith.constant 32 : i32
    %scan3A_471 = arith.addi %scan3A_469, %scan3A_470 : i32
    %scan3A_472 = arith.constant 1 : i32
    scf.for %scan3A_713 = %scan3A_469 to %scan3A_471 step %scan3A_472  : i32 {
      %mul3A_714 = arith.constant 16 : i32
      %mul3A_715 = arith.muli %scan3A_713, %mul3A_714 : i32
      %multiple_of3A_716 = tpu.assume_multiple %mul3A_715, 16 : i32
      %get3A_717 = arith.index_cast %multiple_of3A_716 : i32 to index
      %get3A_718 = tpu.vector_load %arg8[%get3A_717] {strides = array<i32>} : memref<512xi32, #tpu.memory_space<vmem>>, vector<16xi32>,
      %get3A_719 = arith.index_cast %multiple_of3A_716 : i32 to index
      %get3A_720 = tpu.vector_load %arg9[%get3A_719] {strides = array<i32>} : memref<512xi32, #tpu.memory_space<vmem>>, vector<16xi32>,
      %and3A = arith.constant 127 : i32
      %and3A_721 = vector.broadcast %and3A : i32 to vector<16xi32>
      %and3A_722 = arith.andi %get3A_718, %and3A_721 : vector<16xi32>
      %and3A_723 = arith.constant 127 : i32
      %and3A_724 = vector.broadcast %and3A_723 : i32 to vector<16xi32>
      %and3A_725 = arith.andi %get3A_720, %and3A_724 : vector<16xi32>
      %shift_right_logical3A_726 = arith.constant 7 : i32
      %shift_right_logical3A_727 = vector.broadcast %shift_right_logical3A_726 : i32 to vector<16xi32>
      %shift_right_logical3A_728 = arith.shrui %get3A_718, %shift_right_logical3A_727 : vector<16xi32>
      %shift_right_logical3A_729 = arith.constant 7 : i32
      %shift_right_logical3A_730 = vector.broadcast %shift_right_logical3A_729 : i32 to vector<16xi32>
      %shift_right_logical3A_731 = arith.shrui %get3A_720, %shift_right_logical3A_730 : vector<16xi32>
      %add3A_732 = arith.constant 1 : i32
      %add3A_733 = arith.addi %scan3A_713, %add3A_732 : i32
      %rem3A = arith.constant 32 : i32
      %rem3A_734 = arith.remsi %add3A_733, %rem3A : i32
      %mul3A_735 = arith.constant 16 : i32
      %mul3A_736 = arith.muli %rem3A_734, %mul3A_735 : i32
      %multiple_of3A_737 = tpu.assume_multiple %mul3A_736, 16 : i32
      %get3A_738 = arith.index_cast %multiple_of3A_737 : i32 to index
      %get3A_739 = tpu.vector_load %arg8[%get3A_738] {strides = array<i32>} : memref<512xi32, #tpu.memory_space<vmem>>, vector<16xi32>,
      %shift_right_logical3A_740 = arith.constant 7 : i32
      %shift_right_logical3A_741 = vector.broadcast %shift_right_logical3A_740 : i32 to vector<16xi32>
      %shift_right_logical3A_742 = arith.shrui %get3A_739, %shift_right_logical3A_741 : vector<16xi32>
      %get3A_743 = arith.index_cast %multiple_of3A_737 : i32 to index
      %get3A_744 = tpu.vector_load %arg9[%get3A_743] {strides = array<i32>} : memref<512xi32, #tpu.memory_space<vmem>>, vector<16xi32>,
      %shift_right_logical3A_745 = arith.constant 7 : i32
      %shift_right_logical3A_746 = vector.broadcast %shift_right_logical3A_745 : i32 to vector<16xi32>
      %shift_right_logical3A_747 = arith.shrui %get3A_744, %shift_right_logical3A_746 : vector<16xi32>
      %eq3A_748 = arith.constant 0 : i32
      %eq3A_749 = vector.broadcast %eq3A_748 : i32 to vector<16xi32>
      %eq3A_750 = arith.cmpi eq, %iota3A, %eq3A_749 : vector<16xi32>
      %jit3A_751 = arith.constant 0 : i32
      %broadcast_in_dim3A_752 = vector.broadcast %jit3A_751 : i32 to vector<16xi32>
      %select_n3A_753 = arith.select %eq3A_750, %and3A_722, %broadcast_in_dim3A_752 : vector<16xi1>, vector<16xi32>
      %reduce_sum3A_754 = arith.constant true
      %reduce_sum3A_755 = vector.broadcast %reduce_sum3A_754 : i1 to vector<16xi1>
      %reduce_sum3A_756 = tpu.scan <sum>, %select_n3A_753 masked %reduce_sum3A_755 : vector<16xi32>, vector<16xi1> -> vector<16xi32>
      %reduce_sum3A_757 = vector.extract %reduce_sum3A_756[15] : i32 from vector<16xi32>
      %eq3A_758 = arith.constant 0 : i32
      %eq3A_759 = vector.broadcast %eq3A_758 : i32 to vector<16xi32>
      %eq3A_760 = arith.cmpi eq, %iota3A, %eq3A_759 : vector<16xi32>
      %jit3A_761 = arith.constant 0 : i32
      %broadcast_in_dim3A_762 = vector.broadcast %jit3A_761 : i32 to vector<16xi32>
      %select_n3A_763 = arith.select %eq3A_760, %and3A_725, %broadcast_in_dim3A_762 : vector<16xi1>, vector<16xi32>
      %reduce_sum3A_764 = arith.constant true
      %reduce_sum3A_765 = vector.broadcast %reduce_sum3A_764 : i1 to vector<16xi1>
      %reduce_sum3A_766 = tpu.scan <sum>, %select_n3A_763 masked %reduce_sum3A_765 : vector<16xi32>, vector<16xi1> -> vector<16xi32>
      %reduce_sum3A_767 = vector.extract %reduce_sum3A_766[15] : i32 from vector<16xi32>
      %eq3A_768 = arith.constant 8 : i32
      %eq3A_769 = vector.broadcast %eq3A_768 : i32 to vector<16xi32>
      %eq3A_770 = arith.cmpi eq, %iota3A, %eq3A_769 : vector<16xi32>
      %jit3A_771 = arith.constant 0 : i32
      %broadcast_in_dim3A_772 = vector.broadcast %jit3A_771 : i32 to vector<16xi32>
      %select_n3A_773 = arith.select %eq3A_770, %shift_right_logical3A_728, %broadcast_in_dim3A_772 : vector<16xi1>, vector<16xi32>
      %reduce_sum3A_774 = arith.constant true
      %reduce_sum3A_775 = vector.broadcast %reduce_sum3A_774 : i1 to vector<16xi1>
      %reduce_sum3A_776 = tpu.scan <sum>, %select_n3A_773 masked %reduce_sum3A_775 : vector<16xi32>, vector<16xi1> -> vector<16xi32>
      %reduce_sum3A_777 = vector.extract %reduce_sum3A_776[15] : i32 from vector<16xi32>
      %eq3A_778 = arith.constant 8 : i32
      %eq3A_779 = vector.broadcast %eq3A_778 : i32 to vector<16xi32>
      %eq3A_780 = arith.cmpi eq, %iota3A, %eq3A_779 : vector<16xi32>
      %jit3A_781 = arith.constant 0 : i32
      %broadcast_in_dim3A_782 = vector.broadcast %jit3A_781 : i32 to vector<16xi32>
      %select_n3A_783 = arith.select %eq3A_780, %shift_right_logical3A_731, %broadcast_in_dim3A_782 : vector<16xi1>, vector<16xi32>
      %reduce_sum3A_784 = arith.constant true
      %reduce_sum3A_785 = vector.broadcast %reduce_sum3A_784 : i1 to vector<16xi1>
      %reduce_sum3A_786 = tpu.scan <sum>, %select_n3A_783 masked %reduce_sum3A_785 : vector<16xi32>, vector<16xi1> -> vector<16xi32>
      %reduce_sum3A_787 = vector.extract %reduce_sum3A_786[15] : i32 from vector<16xi32>
      %dma_wait3A_788 = arith.constant 0 : i32
      %dma_wait3A_789 = arith.constant 0 : i32
      %dma_wait3A_790 = arith.constant 0 : i32
      %dma_wait3A_791 = tpu.memref_slice %arg10[%dma_wait3A_788, %dma_wait3A_789, %dma_wait3A_790] : memref<8x32x128xf32, #tpu.memory_space<vmem>> -> memref<1x32x128xf32, #tpu.memory_space<vmem>>
      %dma_wait3A_792 = tpu.memref_squeeze %dma_wait3A_791 : memref<1x32x128xf32, #tpu.memory_space<vmem>> -> memref<32x128xf32, #tpu.memory_space<vmem>>
      %dma_wait3A_793 = arith.constant 0 : i32
      %dma_wait3A_794 = arith.constant 0 : i32
      %dma_wait3A_795 = tpu.memref_slice %arg4[%dma_wait3A_793, %dma_wait3A_794] : memref<32x1000000xf32, #tpu.memory_space<hbm>> -> memref<32x128xf32, #tpu.memory_space<hbm>>
      %dma_wait3A_796 = arith.constant 0 : i32
      %dma_wait3A_797 = arith.constant 0 : i32
      %dma_wait3A_798 = tpu.memref_slice %arg10[%dma_wait3A_788, %dma_wait3A_796, %dma_wait3A_797] : memref<8x32x128xf32, #tpu.memory_space<vmem>> -> memref<1x32x128xf32, #tpu.memory_space<vmem>>
      %dma_wait3A_799 = tpu.memref_squeeze %dma_wait3A_798 : memref<1x32x128xf32, #tpu.memory_space<vmem>> -> memref<32x128xf32, #tpu.memory_space<vmem>>
      %dma_wait3A_800 = arith.constant 0 : i32
      %dma_wait3A_801 = arith.constant 0 : i32
      %dma_wait3A_802 = tpu.memref_slice %arg4[%dma_wait3A_800, %dma_wait3A_801] : memref<32x1000000xf32, #tpu.memory_space<hbm>> -> memref<32x128xf32, #tpu.memory_space<hbm>>
      tpu.wait_dma2 semaphore(%arg15 : memref<!tpu.dma_semaphore, #tpu.memory_space<semaphore_mem>>) src(%dma_wait3A_802 : memref<32x128xf32, #tpu.memory_space<hbm>>) dst(%dma_wait3A_799 : memref<32x128xf32, #tpu.memory_space<vmem>>)
      %dma_wait3A_803 = arith.constant 0 : i32
      %dma_wait3A_804 = arith.constant 0 : i32
      %dma_wait3A_805 = arith.constant 0 : i32
      %dma_wait3A_806 = tpu.memref_slice %arg11[%dma_wait3A_803, %dma_wait3A_804, %dma_wait3A_805] : memref<8x32x128xf32, #tpu.memory_space<vmem>> -> memref<1x32x128xf32, #tpu.memory_space<vmem>>
      %dma_wait3A_807 = tpu.memref_squeeze %dma_wait3A_806 : memref<1x32x128xf32, #tpu.memory_space<vmem>> -> memref<32x128xf32, #tpu.memory_space<vmem>>
      %dma_wait3A_808 = arith.constant 0 : i32
      %dma_wait3A_809 = arith.constant 0 : i32
      %dma_wait3A_810 = tpu.memref_slice %arg4[%dma_wait3A_808, %dma_wait3A_809] : memref<32x1000000xf32, #tpu.memory_space<hbm>> -> memref<32x128xf32, #tpu.memory_space<hbm>>
      %dma_wait3A_811 = arith.constant 0 : i32
      %dma_wait3A_812 = arith.constant 0 : i32
      %dma_wait3A_813 = tpu.memref_slice %arg11[%dma_wait3A_803, %dma_wait3A_811, %dma_wait3A_812] : memref<8x32x128xf32, #tpu.memory_space<vmem>> -> memref<1x32x128xf32, #tpu.memory_space<vmem>>
      %dma_wait3A_814 = tpu.memref_squeeze %dma_wait3A_813 : memref<1x32x128xf32, #tpu.memory_space<vmem>> -> memref<32x128xf32, #tpu.memory_space<vmem>>
      %dma_wait3A_815 = arith.constant 0 : i32
      %dma_wait3A_816 = arith.constant 0 : i32
      %dma_wait3A_817 = tpu.memref_slice %arg4[%dma_wait3A_815, %dma_wait3A_816] : memref<32x1000000xf32, #tpu.memory_space<hbm>> -> memref<32x128xf32, #tpu.memory_space<hbm>>
      tpu.wait_dma2 semaphore(%arg15 : memref<!tpu.dma_semaphore, #tpu.memory_space<semaphore_mem>>) src(%dma_wait3A_817 : memref<32x128xf32, #tpu.memory_space<hbm>>) dst(%dma_wait3A_814 : memref<32x128xf32, #tpu.memory_space<vmem>>)
      %add3A_818 = vector.broadcast %reduce_sum3A_757 : i32 to vector<16xi32>
      %add3A_819 = arith.addi %broadcast_in_dim3A_3, %add3A_818 : vector<16xi32>
      %add3A_820 = vector.broadcast %reduce_sum3A_767 : i32 to vector<16xi32>
      %add3A_821 = arith.addi %broadcast_in_dim3A_3, %add3A_820 : vector<16xi32>
      %gather3A_822 = arith.constant 0 : i32
      %gather3A_823 = arith.constant 0 : i32
      %gather3A_824 = arith.constant 0 : i32
      %gather3A_825 = tpu.memref_slice %arg10[%gather3A_822, %gather3A_823, %gather3A_824] : memref<8x32x128xf32, #tpu.memory_space<vmem>> -> memref<1x32x128xf32, #tpu.memory_space<vmem>>
      %gather3A_826 = tpu.memref_squeeze %gather3A_825 : memref<1x32x128xf32, #tpu.memory_space<vmem>> -> memref<32x128xf32, #tpu.memory_space<vmem>>
      %gather3A_827 = tpu.vector_load_idx %gather3A_826[%iota3A, %add3A_819] : memref<32x128xf32, #tpu.memory_space<vmem>>[vector<16xi32>, vector<16xi32>], vector<16xf32>,
      %add3A_828 = arith.constant 16 : i32
      %add3A_829 = vector.broadcast %add3A_828 : i32 to vector<16xi32>
      %add3A_830 = arith.addi %iota3A, %add3A_829 : vector<16xi32>
      %gather3A_831 = arith.constant 0 : i32
      %gather3A_832 = arith.constant 0 : i32
      %gather3A_833 = arith.constant 0 : i32
      %gather3A_834 = tpu.memref_slice %arg10[%gather3A_831, %gather3A_832, %gather3A_833] : memref<8x32x128xf32, #tpu.memory_space<vmem>> -> memref<1x32x128xf32, #tpu.memory_space<vmem>>
      %gather3A_835 = tpu.memref_squeeze %gather3A_834 : memref<1x32x128xf32, #tpu.memory_space<vmem>> -> memref<32x128xf32, #tpu.memory_space<vmem>>
      %gather3A_836 = tpu.vector_load_idx %gather3A_835[%add3A_830, %add3A_819] : memref<32x128xf32, #tpu.memory_space<vmem>>[vector<16xi32>, vector<16xi32>], vector<16xf32>,
      %gather3A_837 = arith.constant 0 : i32
      %gather3A_838 = arith.constant 0 : i32
      %gather3A_839 = arith.constant 0 : i32
      %gather3A_840 = tpu.memref_slice %arg11[%gather3A_837, %gather3A_838, %gather3A_839] : memref<8x32x128xf32, #tpu.memory_space<vmem>> -> memref<1x32x128xf32, #tpu.memory_space<vmem>>
      %gather3A_841 = tpu.memref_squeeze %gather3A_840 : memref<1x32x128xf32, #tpu.memory_space<vmem>> -> memref<32x128xf32, #tpu.memory_space<vmem>>
      %gather3A_842 = tpu.vector_load_idx %gather3A_841[%iota3A, %add3A_821] : memref<32x128xf32, #tpu.memory_space<vmem>>[vector<16xi32>, vector<16xi32>], vector<16xf32>,
      %add3A_843 = arith.constant 16 : i32
      %add3A_844 = vector.broadcast %add3A_843 : i32 to vector<16xi32>
      %add3A_845 = arith.addi %iota3A, %add3A_844 : vector<16xi32>
      %gather3A_846 = arith.constant 0 : i32
      %gather3A_847 = arith.constant 0 : i32
      %gather3A_848 = arith.constant 0 : i32
      %gather3A_849 = tpu.memref_slice %arg11[%gather3A_846, %gather3A_847, %gather3A_848] : memref<8x32x128xf32, #tpu.memory_space<vmem>> -> memref<1x32x128xf32, #tpu.memory_space<vmem>>
      %gather3A_850 = tpu.memref_squeeze %gather3A_849 : memref<1x32x128xf32, #tpu.memory_space<vmem>> -> memref<32x128xf32, #tpu.memory_space<vmem>>
      %gather3A_851 = tpu.vector_load_idx %gather3A_850[%add3A_845, %add3A_821] : memref<32x128xf32, #tpu.memory_space<vmem>>[vector<16xi32>, vector<16xi32>], vector<16xf32>,
      %mul3A_852 = arith.mulf %gather3A_827, %gather3A_842 : vector<16xf32>
      %mul3A_853 = arith.mulf %mul3A_852, %gather3A : vector<16xf32>
      %mul3A_854 = arith.mulf %gather3A_836, %gather3A_851 : vector<16xf32>
      %mul3A_855 = arith.mulf %mul3A_854, %gather3A_7 : vector<16xf32>
      %add3A_856 = arith.addf %mul3A_853, %mul3A_855 : vector<16xf32>
      %swap3A = arith.constant 0 : i32
      %swap3A_857 = arith.index_cast %swap3A : i32 to index
      %swap3A_858 = arith.constant 0 : index
      %swap3A_859 = tpu.vector_load %arg12[%swap3A_857, %swap3A_858] {strides = array<i32>} : memref<16x16xf32, #tpu.memory_space<vmem>>, vector<16xf32>,
      tpu.vector_store %arg12[%swap3A_857, %swap3A_858], %add3A_856 {strides = array<i32>} : memref<16x16xf32, #tpu.memory_space<vmem>>, vector<16xf32>,
      %mul3A_860 = arith.constant 128 : i32
      %mul3A_861 = arith.muli %reduce_sum3A_777, %mul3A_860 : i32
      %multiple_of3A_862 = tpu.assume_multiple %mul3A_861, 128 : i32
      %mul3A_863 = arith.constant 128 : i32
      %mul3A_864 = arith.muli %reduce_sum3A_787, %mul3A_863 : i32
      %multiple_of3A_865 = tpu.assume_multiple %mul3A_864, 128 : i32
      %dma_start3A_866 = arith.constant 0 : i32
      %dma_start3A_867 = arith.constant 0 : i32
      %dma_start3A_868 = arith.constant 0 : i32
      %dma_start3A_869 = tpu.memref_slice %arg10[%dma_start3A_866, %dma_start3A_867, %dma_start3A_868] : memref<8x32x128xf32, #tpu.memory_space<vmem>> -> memref<1x32x128xf32, #tpu.memory_space<vmem>>
      %dma_start3A_870 = tpu.memref_squeeze %dma_start3A_869 : memref<1x32x128xf32, #tpu.memory_space<vmem>> -> memref<32x128xf32, #tpu.memory_space<vmem>>
      %dma_start3A_871 = arith.constant 0 : i32
      %dma_start3A_872 = tpu.memref_slice %arg4[%dma_start3A_871, %multiple_of3A_862] : memref<32x1000000xf32, #tpu.memory_space<hbm>> -> memref<32x128xf32, #tpu.memory_space<hbm>>
      %dma_start3A_873 = arith.constant 0 : i32
      %dma_start3A_874 = arith.constant 0 : i32
      %dma_start3A_875 = tpu.memref_slice %arg10[%dma_start3A_866, %dma_start3A_873, %dma_start3A_874] : memref<8x32x128xf32, #tpu.memory_space<vmem>> -> memref<1x32x128xf32, #tpu.memory_space<vmem>>
      %dma_start3A_876 = tpu.memref_squeeze %dma_start3A_875 : memref<1x32x128xf32, #tpu.memory_space<vmem>> -> memref<32x128xf32, #tpu.memory_space<vmem>>
      %dma_start3A_877 = arith.constant 0 : i32
      %dma_start3A_878 = tpu.memref_slice %arg4[%dma_start3A_877, %multiple_of3A_862] : memref<32x1000000xf32, #tpu.memory_space<hbm>> -> memref<32x128xf32, #tpu.memory_space<hbm>>
      tpu.enqueue_dma source(%dma_start3A_878 : memref<32x128xf32, #tpu.memory_space<hbm>>) target(%dma_start3A_876 : memref<32x128xf32, #tpu.memory_space<vmem>>) target_semaphore(%arg15 : memref<!tpu.dma_semaphore, #tpu.memory_space<semaphore_mem>>)
      %dma_start3A_879 = arith.constant 0 : i32
      %dma_start3A_880 = arith.constant 0 : i32
      %dma_start3A_881 = arith.constant 0 : i32
      %dma_start3A_882 = tpu.memref_slice %arg11[%dma_start3A_879, %dma_start3A_880, %dma_start3A_881] : memref<8x32x128xf32, #tpu.memory_space<vmem>> -> memref<1x32x128xf32, #tpu.memory_space<vmem>>
      %dma_start3A_883 = tpu.memref_squeeze %dma_start3A_882 : memref<1x32x128xf32, #tpu.memory_space<vmem>> -> memref<32x128xf32, #tpu.memory_space<vmem>>
      %dma_start3A_884 = arith.constant 0 : i32
      %dma_start3A_885 = tpu.memref_slice %arg5[%dma_start3A_884, %multiple_of3A_865] : memref<32x1000000xf32, #tpu.memory_space<hbm>> -> memref<32x128xf32, #tpu.memory_space<hbm>>
      %dma_start3A_886 = arith.constant 0 : i32
      %dma_start3A_887 = arith.constant 0 : i32
      %dma_start3A_888 = tpu.memref_slice %arg11[%dma_start3A_879, %dma_start3A_886, %dma_start3A_887] : memref<8x32x128xf32, #tpu.memory_space<vmem>> -> memref<1x32x128xf32, #tpu.memory_space<vmem>>
      %dma_start3A_889 = tpu.memref_squeeze %dma_start3A_888 : memref<1x32x128xf32, #tpu.memory_space<vmem>> -> memref<32x128xf32, #tpu.memory_space<vmem>>
      %dma_start3A_890 = arith.constant 0 : i32
      %dma_start3A_891 = tpu.memref_slice %arg5[%dma_start3A_890, %multiple_of3A_865] : memref<32x1000000xf32, #tpu.memory_space<hbm>> -> memref<32x128xf32, #tpu.memory_space<hbm>>
      tpu.enqueue_dma source(%dma_start3A_891 : memref<32x128xf32, #tpu.memory_space<hbm>>) target(%dma_start3A_889 : memref<32x128xf32, #tpu.memory_space<vmem>>) target_semaphore(%arg15 : memref<!tpu.dma_semaphore, #tpu.memory_space<semaphore_mem>>)
      %eq3A_892 = arith.constant 1 : i32
      %eq3A_893 = vector.broadcast %eq3A_892 : i32 to vector<16xi32>
      %eq3A_894 = arith.cmpi eq, %iota3A, %eq3A_893 : vector<16xi32>
      %jit3A_895 = arith.constant 0 : i32
      %broadcast_in_dim3A_896 = vector.broadcast %jit3A_895 : i32 to vector<16xi32>
      %select_n3A_897 = arith.select %eq3A_894, %and3A_722, %broadcast_in_dim3A_896 : vector<16xi1>, vector<16xi32>
      %reduce_sum3A_898 = arith.constant true
      %reduce_sum3A_899 = vector.broadcast %reduce_sum3A_898 : i1 to vector<16xi1>
      %reduce_sum3A_900 = tpu.scan <sum>, %select_n3A_897 masked %reduce_sum3A_899 : vector<16xi32>, vector<16xi1> -> vector<16xi32>
      %reduce_sum3A_901 = vector.extract %reduce_sum3A_900[15] : i32 from vector<16xi32>
      %eq3A_902 = arith.constant 1 : i32
      %eq3A_903 = vector.broadcast %eq3A_902 : i32 to vector<16xi32>
      %eq3A_904 = arith.cmpi eq, %iota3A, %eq3A_903 : vector<16xi32>
      %jit3A_905 = arith.constant 0 : i32
      %broadcast_in_dim3A_906 = vector.broadcast %jit3A_905 : i32 to vector<16xi32>
      %select_n3A_907 = arith.select %eq3A_904, %and3A_725, %broadcast_in_dim3A_906 : vector<16xi1>, vector<16xi32>
      %reduce_sum3A_908 = arith.constant true
      %reduce_sum3A_909 = vector.broadcast %reduce_sum3A_908 : i1 to vector<16xi1>
      %reduce_sum3A_910 = tpu.scan <sum>, %select_n3A_907 masked %reduce_sum3A_909 : vector<16xi32>, vector<16xi1> -> vector<16xi32>
      %reduce_sum3A_911 = vector.extract %reduce_sum3A_910[15] : i32 from vector<16xi32>
      %eq3A_912 = arith.constant 9 : i32
      %eq3A_913 = vector.broadcast %eq3A_912 : i32 to vector<16xi32>
      %eq3A_914 = arith.cmpi eq, %iota3A, %eq3A_913 : vector<16xi32>
      %jit3A_915 = arith.constant 0 : i32
      %broadcast_in_dim3A_916 = vector.broadcast %jit3A_915 : i32 to vector<16xi32>
      %select_n3A_917 = arith.select %eq3A_914, %shift_right_logical3A_728, %broadcast_in_dim3A_916 : vector<16xi1>, vector<16xi32>
      %reduce_sum3A_918 = arith.constant true
      %reduce_sum3A_919 = vector.broadcast %reduce_sum3A_918 : i1 to vector<16xi1>
      %reduce_sum3A_920 = tpu.scan <sum>, %select_n3A_917 masked %reduce_sum3A_919 : vector<16xi32>, vector<16xi1> -> vector<16xi32>
      %reduce_sum3A_921 = vector.extract %reduce_sum3A_920[15] : i32 from vector<16xi32>
      %eq3A_922 = arith.constant 9 : i32
      %eq3A_923 = vector.broadcast %eq3A_922 : i32 to vector<16xi32>
      %eq3A_924 = arith.cmpi eq, %iota3A, %eq3A_923 : vector<16xi32>
      %jit3A_925 = arith.constant 0 : i32
      %broadcast_in_dim3A_926 = vector.broadcast %jit3A_925 : i32 to vector<16xi32>
      %select_n3A_927 = arith.select %eq3A_924, %shift_right_logical3A_731, %broadcast_in_dim3A_926 : vector<16xi1>, vector<16xi32>
      %reduce_sum3A_928 = arith.constant true
      %reduce_sum3A_929 = vector.broadcast %reduce_sum3A_928 : i1 to vector<16xi1>
      %reduce_sum3A_930 = tpu.scan <sum>, %select_n3A_927 masked %reduce_sum3A_929 : vector<16xi32>, vector<16xi1> -> vector<16xi32>
      %reduce_sum3A_931 = vector.extract %reduce_sum3A_930[15] : i32 from vector<16xi32>
      %dma_wait3A_932 = arith.constant 1 : i32
      %dma_wait3A_933 = arith.constant 0 : i32
      %dma_wait3A_934 = arith.constant 0 : i32
      %dma_wait3A_935 = tpu.memref_slice %arg10[%dma_wait3A_932, %dma_wait3A_933, %dma_wait3A_934] : memref<8x32x128xf32, #tpu.memory_space<vmem>> -> memref<1x32x128xf32, #tpu.memory_space<vmem>>
      %dma_wait3A_936 = tpu.memref_squeeze %dma_wait3A_935 : memref<1x32x128xf32, #tpu.memory_space<vmem>> -> memref<32x128xf32, #tpu.memory_space<vmem>>
      %dma_wait3A_937 = arith.constant 0 : i32
      %dma_wait3A_938 = arith.constant 0 : i32
      %dma_wait3A_939 = tpu.memref_slice %arg4[%dma_wait3A_937, %dma_wait3A_938] : memref<32x1000000xf32, #tpu.memory_space<hbm>> -> memref<32x128xf32, #tpu.memory_space<hbm>>
      %dma_wait3A_940 = arith.constant 0 : i32
      %dma_wait3A_941 = arith.constant 0 : i32
      %dma_wait3A_942 = tpu.memref_slice %arg10[%dma_wait3A_932, %dma_wait3A_940, %dma_wait3A_941] : memref<8x32x128xf32, #tpu.memory_space<vmem>> -> memref<1x32x128xf32, #tpu.memory_space<vmem>>
      %dma_wait3A_943 = tpu.memref_squeeze %dma_wait3A_942 : memref<1x32x128xf32, #tpu.memory_space<vmem>> -> memref<32x128xf32, #tpu.memory_space<vmem>>
      %dma_wait3A_944 = arith.constant 0 : i32
      %dma_wait3A_945 = arith.constant 0 : i32
      %dma_wait3A_946 = tpu.memref_slice %arg4[%dma_wait3A_944, %dma_wait3A_945] : memref<32x1000000xf32, #tpu.memory_space<hbm>> -> memref<32x128xf32, #tpu.memory_space<hbm>>
      tpu.wait_dma2 semaphore(%arg16 : memref<!tpu.dma_semaphore, #tpu.memory_space<semaphore_mem>>) src(%dma_wait3A_946 : memref<32x128xf32, #tpu.memory_space<hbm>>) dst(%dma_wait3A_943 : memref<32x128xf32, #tpu.memory_space<vmem>>)
      %dma_wait3A_947 = arith.constant 1 : i32
      %dma_wait3A_948 = arith.constant 0 : i32
      %dma_wait3A_949 = arith.constant 0 : i32
      %dma_wait3A_950 = tpu.memref_slice %arg11[%dma_wait3A_947, %dma_wait3A_948, %dma_wait3A_949] : memref<8x32x128xf32, #tpu.memory_space<vmem>> -> memref<1x32x128xf32, #tpu.memory_space<vmem>>
      %dma_wait3A_951 = tpu.memref_squeeze %dma_wait3A_950 : memref<1x32x128xf32, #tpu.memory_space<vmem>> -> memref<32x128xf32, #tpu.memory_space<vmem>>
      %dma_wait3A_952 = arith.constant 0 : i32
      %dma_wait3A_953 = arith.constant 0 : i32
      %dma_wait3A_954 = tpu.memref_slice %arg4[%dma_wait3A_952, %dma_wait3A_953] : memref<32x1000000xf32, #tpu.memory_space<hbm>> -> memref<32x128xf32, #tpu.memory_space<hbm>>
      %dma_wait3A_955 = arith.constant 0 : i32
      %dma_wait3A_956 = arith.constant 0 : i32
      %dma_wait3A_957 = tpu.memref_slice %arg11[%dma_wait3A_947, %dma_wait3A_955, %dma_wait3A_956] : memref<8x32x128xf32, #tpu.memory_space<vmem>> -> memref<1x32x128xf32, #tpu.memory_space<vmem>>
      %dma_wait3A_958 = tpu.memref_squeeze %dma_wait3A_957 : memref<1x32x128xf32, #tpu.memory_space<vmem>> -> memref<32x128xf32, #tpu.memory_space<vmem>>
      %dma_wait3A_959 = arith.constant 0 : i32
      %dma_wait3A_960 = arith.constant 0 : i32
      %dma_wait3A_961 = tpu.memref_slice %arg4[%dma_wait3A_959, %dma_wait3A_960] : memref<32x1000000xf32, #tpu.memory_space<hbm>> -> memref<32x128xf32, #tpu.memory_space<hbm>>
      tpu.wait_dma2 semaphore(%arg16 : memref<!tpu.dma_semaphore, #tpu.memory_space<semaphore_mem>>) src(%dma_wait3A_961 : memref<32x128xf32, #tpu.memory_space<hbm>>) dst(%dma_wait3A_958 : memref<32x128xf32, #tpu.memory_space<vmem>>)
      %add3A_962 = vector.broadcast %reduce_sum3A_901 : i32 to vector<16xi32>
      %add3A_963 = arith.addi %broadcast_in_dim3A_3, %add3A_962 : vector<16xi32>
      %add3A_964 = vector.broadcast %reduce_sum3A_911 : i32 to vector<16xi32>
      %add3A_965 = arith.addi %broadcast_in_dim3A_3, %add3A_964 : vector<16xi32>
      %gather3A_966 = arith.constant 1 : i32
      %gather3A_967 = arith.constant 0 : i32
      %gather3A_968 = arith.constant 0 : i32
      %gather3A_969 = tpu.memref_slice %arg10[%gather3A_966, %gather3A_967, %gather3A_968] : memref<8x32x128xf32, #tpu.memory_space<vmem>> -> memref<1x32x128xf32, #tpu.memory_space<vmem>>
      %gather3A_970 = tpu.memref_squeeze %gather3A_969 : memref<1x32x128xf32, #tpu.memory_space<vmem>> -> memref<32x128xf32, #tpu.memory_space<vmem>>
      %gather3A_971 = tpu.vector_load_idx %gather3A_970[%iota3A, %add3A_963] : memref<32x128xf32, #tpu.memory_space<vmem>>[vector<16xi32>, vector<16xi32>], vector<16xf32>,
      %add3A_972 = arith.constant 16 : i32
      %add3A_973 = vector.broadcast %add3A_972 : i32 to vector<16xi32>
      %add3A_974 = arith.addi %iota3A, %add3A_973 : vector<16xi32>
      %gather3A_975 = arith.constant 1 : i32
      %gather3A_976 = arith.constant 0 : i32
      %gather3A_977 = arith.constant 0 : i32
      %gather3A_978 = tpu.memref_slice %arg10[%gather3A_975, %gather3A_976, %gather3A_977] : memref<8x32x128xf32, #tpu.memory_space<vmem>> -> memref<1x32x128xf32, #tpu.memory_space<vmem>>
      %gather3A_979 = tpu.memref_squeeze %gather3A_978 : memref<1x32x128xf32, #tpu.memory_space<vmem>> -> memref<32x128xf32, #tpu.memory_space<vmem>>
      %gather3A_980 = tpu.vector_load_idx %gather3A_979[%add3A_974, %add3A_963] : memref<32x128xf32, #tpu.memory_space<vmem>>[vector<16xi32>, vector<16xi32>], vector<16xf32>,
      %gather3A_981 = arith.constant 1 : i32
      %gather3A_982 = arith.constant 0 : i32
      %gather3A_983 = arith.constant 0 : i32
      %gather3A_984 = tpu.memref_slice %arg11[%gather3A_981, %gather3A_982, %gather3A_983] : memref<8x32x128xf32, #tpu.memory_space<vmem>> -> memref<1x32x128xf32, #tpu.memory_space<vmem>>
      %gather3A_985 = tpu.memref_squeeze %gather3A_984 : memref<1x32x128xf32, #tpu.memory_space<vmem>> -> memref<32x128xf32, #tpu.memory_space<vmem>>
      %gather3A_986 = tpu.vector_load_idx %gather3A_985[%iota3A, %add3A_965] : memref<32x128xf32, #tpu.memory_space<vmem>>[vector<16xi32>, vector<16xi32>], vector<16xf32>,
      %add3A_987 = arith.constant 16 : i32
      %add3A_988 = vector.broadcast %add3A_987 : i32 to vector<16xi32>
      %add3A_989 = arith.addi %iota3A, %add3A_988 : vector<16xi32>
      %gather3A_990 = arith.constant 1 : i32
      %gather3A_991 = arith.constant 0 : i32
      %gather3A_992 = arith.constant 0 : i32
      %gather3A_993 = tpu.memref_slice %arg11[%gather3A_990, %gather3A_991, %gather3A_992] : memref<8x32x128xf32, #tpu.memory_space<vmem>> -> memref<1x32x128xf32, #tpu.memory_space<vmem>>
      %gather3A_994 = tpu.memref_squeeze %gather3A_993 : memref<1x32x128xf32, #tpu.memory_space<vmem>> -> memref<32x128xf32, #tpu.memory_space<vmem>>
      %gather3A_995 = tpu.vector_load_idx %gather3A_994[%add3A_989, %add3A_965] : memref<32x128xf32, #tpu.memory_space<vmem>>[vector<16xi32>, vector<16xi32>], vector<16xf32>,
      %mul3A_996 = arith.mulf %gather3A_971, %gather3A_986 : vector<16xf32>
      %mul3A_997 = arith.mulf %mul3A_996, %gather3A : vector<16xf32>
      %mul3A_998 = arith.mulf %gather3A_980, %gather3A_995 : vector<16xf32>
      %mul3A_999 = arith.mulf %mul3A_998, %gather3A_7 : vector<16xf32>
      %add3A_1000 = arith.addf %mul3A_997, %mul3A_999 : vector<16xf32>
      %swap3A_1001 = arith.constant 1 : i32
      %swap3A_1002 = arith.index_cast %swap3A_1001 : i32 to index
      %swap3A_1003 = arith.constant 0 : index
      %swap3A_1004 = tpu.vector_load %arg12[%swap3A_1002, %swap3A_1003] {strides = array<i32>} : memref<16x16xf32, #tpu.memory_space<vmem>>, vector<16xf32>,
      tpu.vector_store %arg12[%swap3A_1002, %swap3A_1003], %add3A_1000 {strides = array<i32>} : memref<16x16xf32, #tpu.memory_space<vmem>>, vector<16xf32>,
      %mul3A_1005 = arith.constant 128 : i32
      %mul3A_1006 = arith.muli %reduce_sum3A_921, %mul3A_1005 : i32
      %multiple_of3A_1007 = tpu.assume_multiple %mul3A_1006, 128 : i32
      %mul3A_1008 = arith.constant 128 : i32
      %mul3A_1009 = arith.muli %reduce_sum3A_931, %mul3A_1008 : i32
      %multiple_of3A_1010 = tpu.assume_multiple %mul3A_1009, 128 : i32
      %dma_start3A_1011 = arith.constant 1 : i32
      %dma_start3A_1012 = arith.constant 0 : i32
      %dma_start3A_1013 = arith.constant 0 : i32
      %dma_start3A_1014 = tpu.memref_slice %arg10[%dma_start3A_1011, %dma_start3A_1012, %dma_start3A_1013] : memref<8x32x128xf32, #tpu.memory_space<vmem>> -> memref<1x32x128xf32, #tpu.memory_space<vmem>>
      %dma_start3A_1015 = tpu.memref_squeeze %dma_start3A_1014 : memref<1x32x128xf32, #tpu.memory_space<vmem>> -> memref<32x128xf32, #tpu.memory_space<vmem>>
      %dma_start3A_1016 = arith.constant 0 : i32
      %dma_start3A_1017 = tpu.memref_slice %arg4[%dma_start3A_1016, %multiple_of3A_1007] : memref<32x1000000xf32, #tpu.memory_space<hbm>> -> memref<32x128xf32, #tpu.memory_space<hbm>>
      %dma_start3A_1018 = arith.constant 0 : i32
      %dma_start3A_1019 = arith.constant 0 : i32
      %dma_start3A_1020 = tpu.memref_slice %arg10[%dma_start3A_1011, %dma_start3A_1018, %dma_start3A_1019] : memref<8x32x128xf32, #tpu.memory_space<vmem>> -> memref<1x32x128xf32, #tpu.memory_space<vmem>>
      %dma_start3A_1021 = tpu.memref_squeeze %dma_start3A_1020 : memref<1x32x128xf32, #tpu.memory_space<vmem>> -> memref<32x128xf32, #tpu.memory_space<vmem>>
      %dma_start3A_1022 = arith.constant 0 : i32
      %dma_start3A_1023 = tpu.memref_slice %arg4[%dma_start3A_1022, %multiple_of3A_1007] : memref<32x1000000xf32, #tpu.memory_space<hbm>> -> memref<32x128xf32, #tpu.memory_space<hbm>>
      tpu.enqueue_dma source(%dma_start3A_1023 : memref<32x128xf32, #tpu.memory_space<hbm>>) target(%dma_start3A_1021 : memref<32x128xf32, #tpu.memory_space<vmem>>) target_semaphore(%arg16 : memref<!tpu.dma_semaphore, #tpu.memory_space<semaphore_mem>>)
      %dma_start3A_1024 = arith.constant 1 : i32
      %dma_start3A_1025 = arith.constant 0 : i32
      %dma_start3A_1026 = arith.constant 0 : i32
      %dma_start3A_1027 = tpu.memref_slice %arg11[%dma_start3A_1024, %dma_start3A_1025, %dma_start3A_1026] : memref<8x32x128xf32, #tpu.memory_space<vmem>> -> memref<1x32x128xf32, #tpu.memory_space<vmem>>
      %dma_start3A_1028 = tpu.memref_squeeze %dma_start3A_1027 : memref<1x32x128xf32, #tpu.memory_space<vmem>> -> memref<32x128xf32, #tpu.memory_space<vmem>>
      %dma_start3A_1029 = arith.constant 0 : i32
      %dma_start3A_1030 = tpu.memref_slice %arg5[%dma_start3A_1029, %multiple_of3A_1010] : memref<32x1000000xf32, #tpu.memory_space<hbm>> -> memref<32x128xf32, #tpu.memory_space<hbm>>
      %dma_start3A_1031 = arith.constant 0 : i32
      %dma_start3A_1032 = arith.constant 0 : i32
      %dma_start3A_1033 = tpu.memref_slice %arg11[%dma_start3A_1024, %dma_start3A_1031, %dma_start3A_1032] : memref<8x32x128xf32, #tpu.memory_space<vmem>> -> memref<1x32x128xf32, #tpu.memory_space<vmem>>
      %dma_start3A_1034 = tpu.memref_squeeze %dma_start3A_1033 : memref<1x32x128xf32, #tpu.memory_space<vmem>> -> memref<32x128xf32, #tpu.memory_space<vmem>>
      %dma_start3A_1035 = arith.constant 0 : i32
      %dma_start3A_1036 = tpu.memref_slice %arg5[%dma_start3A_1035, %multiple_of3A_1010] : memref<32x1000000xf32, #tpu.memory_space<hbm>> -> memref<32x128xf32, #tpu.memory_space<hbm>>
      tpu.enqueue_dma source(%dma_start3A_1036 : memref<32x128xf32, #tpu.memory_space<hbm>>) target(%dma_start3A_1034 : memref<32x128xf32, #tpu.memory_space<vmem>>) target_semaphore(%arg16 : memref<!tpu.dma_semaphore, #tpu.memory_space<semaphore_mem>>)
      %eq3A_1037 = arith.constant 2 : i32
      %eq3A_1038 = vector.broadcast %eq3A_1037 : i32 to vector<16xi32>
      %eq3A_1039 = arith.cmpi eq, %iota3A, %eq3A_1038 : vector<16xi32>
      %jit3A_1040 = arith.constant 0 : i32
      %broadcast_in_dim3A_1041 = vector.broadcast %jit3A_1040 : i32 to vector<16xi32>
      %select_n3A_1042 = arith.select %eq3A_1039, %and3A_722, %broadcast_in_dim3A_1041 : vector<16xi1>, vector<16xi32>
      %reduce_sum3A_1043 = arith.constant true
      %reduce_sum3A_1044 = vector.broadcast %reduce_sum3A_1043 : i1 to vector<16xi1>
      %reduce_sum3A_1045 = tpu.scan <sum>, %select_n3A_1042 masked %reduce_sum3A_1044 : vector<16xi32>, vector<16xi1> -> vector<16xi32>
      %reduce_sum3A_1046 = vector.extract %reduce_sum3A_1045[15] : i32 from vector<16xi32>
      %eq3A_1047 = arith.constant 2 : i32
      %eq3A_1048 = vector.broadcast %eq3A_1047 : i32 to vector<16xi32>
      %eq3A_1049 = arith.cmpi eq, %iota3A, %eq3A_1048 : vector<16xi32>
      %jit3A_1050 = arith.constant 0 : i32
      %broadcast_in_dim3A_1051 = vector.broadcast %jit3A_1050 : i32 to vector<16xi32>
      %select_n3A_1052 = arith.select %eq3A_1049, %and3A_725, %broadcast_in_dim3A_1051 : vector<16xi1>, vector<16xi32>
      %reduce_sum3A_1053 = arith.constant true
      %reduce_sum3A_1054 = vector.broadcast %reduce_sum3A_1053 : i1 to vector<16xi1>
      %reduce_sum3A_1055 = tpu.scan <sum>, %select_n3A_1052 masked %reduce_sum3A_1054 : vector<16xi32>, vector<16xi1> -> vector<16xi32>
      %reduce_sum3A_1056 = vector.extract %reduce_sum3A_1055[15] : i32 from vector<16xi32>
      %eq3A_1057 = arith.constant 10 : i32
      %eq3A_1058 = vector.broadcast %eq3A_1057 : i32 to vector<16xi32>
      %eq3A_1059 = arith.cmpi eq, %iota3A, %eq3A_1058 : vector<16xi32>
      %jit3A_1060 = arith.constant 0 : i32
      %broadcast_in_dim3A_1061 = vector.broadcast %jit3A_1060 : i32 to vector<16xi32>
      %select_n3A_1062 = arith.select %eq3A_1059, %shift_right_logical3A_728, %broadcast_in_dim3A_1061 : vector<16xi1>, vector<16xi32>
      %reduce_sum3A_1063 = arith.constant true
      %reduce_sum3A_1064 = vector.broadcast %reduce_sum3A_1063 : i1 to vector<16xi1>
      %reduce_sum3A_1065 = tpu.scan <sum>, %select_n3A_1062 masked %reduce_sum3A_1064 : vector<16xi32>, vector<16xi1> -> vector<16xi32>
      %reduce_sum3A_1066 = vector.extract %reduce_sum3A_1065[15] : i32 from vector<16xi32>
      %eq3A_1067 = arith.constant 10 : i32
      %eq3A_1068 = vector.broadcast %eq3A_1067 : i32 to vector<16xi32>
      %eq3A_1069 = arith.cmpi eq, %iota3A, %eq3A_1068 : vector<16xi32>
      %jit3A_1070 = arith.constant 0 : i32
      %broadcast_in_dim3A_1071 = vector.broadcast %jit3A_1070 : i32 to vector<16xi32>
      %select_n3A_1072 = arith.select %eq3A_1069, %shift_right_logical3A_731, %broadcast_in_dim3A_1071 : vector<16xi1>, vector<16xi32>
      %reduce_sum3A_1073 = arith.constant true
      %reduce_sum3A_1074 = vector.broadcast %reduce_sum3A_1073 : i1 to vector<16xi1>
      %reduce_sum3A_1075 = tpu.scan <sum>, %select_n3A_1072 masked %reduce_sum3A_1074 : vector<16xi32>, vector<16xi1> -> vector<16xi32>
      %reduce_sum3A_1076 = vector.extract %reduce_sum3A_1075[15] : i32 from vector<16xi32>
      %dma_wait3A_1077 = arith.constant 2 : i32
      %dma_wait3A_1078 = arith.constant 0 : i32
      %dma_wait3A_1079 = arith.constant 0 : i32
      %dma_wait3A_1080 = tpu.memref_slice %arg10[%dma_wait3A_1077, %dma_wait3A_1078, %dma_wait3A_1079] : memref<8x32x128xf32, #tpu.memory_space<vmem>> -> memref<1x32x128xf32, #tpu.memory_space<vmem>>
      %dma_wait3A_1081 = tpu.memref_squeeze %dma_wait3A_1080 : memref<1x32x128xf32, #tpu.memory_space<vmem>> -> memref<32x128xf32, #tpu.memory_space<vmem>>
      %dma_wait3A_1082 = arith.constant 0 : i32
      %dma_wait3A_1083 = arith.constant 0 : i32
      %dma_wait3A_1084 = tpu.memref_slice %arg4[%dma_wait3A_1082, %dma_wait3A_1083] : memref<32x1000000xf32, #tpu.memory_space<hbm>> -> memref<32x128xf32, #tpu.memory_space<hbm>>
      %dma_wait3A_1085 = arith.constant 0 : i32
      %dma_wait3A_1086 = arith.constant 0 : i32
      %dma_wait3A_1087 = tpu.memref_slice %arg10[%dma_wait3A_1077, %dma_wait3A_1085, %dma_wait3A_1086] : memref<8x32x128xf32, #tpu.memory_space<vmem>> -> memref<1x32x128xf32, #tpu.memory_space<vmem>>
      %dma_wait3A_1088 = tpu.memref_squeeze %dma_wait3A_1087 : memref<1x32x128xf32, #tpu.memory_space<vmem>> -> memref<32x128xf32, #tpu.memory_space<vmem>>
      %dma_wait3A_1089 = arith.constant 0 : i32
      %dma_wait3A_1090 = arith.constant 0 : i32
      %dma_wait3A_1091 = tpu.memref_slice %arg4[%dma_wait3A_1089, %dma_wait3A_1090] : memref<32x1000000xf32, #tpu.memory_space<hbm>> -> memref<32x128xf32, #tpu.memory_space<hbm>>
      tpu.wait_dma2 semaphore(%arg17 : memref<!tpu.dma_semaphore, #tpu.memory_space<semaphore_mem>>) src(%dma_wait3A_1091 : memref<32x128xf32, #tpu.memory_space<hbm>>) dst(%dma_wait3A_1088 : memref<32x128xf32, #tpu.memory_space<vmem>>)
      %dma_wait3A_1092 = arith.constant 2 : i32
      %dma_wait3A_1093 = arith.constant 0 : i32
      %dma_wait3A_1094 = arith.constant 0 : i32
      %dma_wait3A_1095 = tpu.memref_slice %arg11[%dma_wait3A_1092, %dma_wait3A_1093, %dma_wait3A_1094] : memref<8x32x128xf32, #tpu.memory_space<vmem>> -> memref<1x32x128xf32, #tpu.memory_space<vmem>>
      %dma_wait3A_1096 = tpu.memref_squeeze %dma_wait3A_1095 : memref<1x32x128xf32, #tpu.memory_space<vmem>> -> memref<32x128xf32, #tpu.memory_space<vmem>>
      %dma_wait3A_1097 = arith.constant 0 : i32
      %dma_wait3A_1098 = arith.constant 0 : i32
      %dma_wait3A_1099 = tpu.memref_slice %arg4[%dma_wait3A_1097, %dma_wait3A_1098] : memref<32x1000000xf32, #tpu.memory_space<hbm>> -> memref<32x128xf32, #tpu.memory_space<hbm>>
      %dma_wait3A_1100 = arith.constant 0 : i32
      %dma_wait3A_1101 = arith.constant 0 : i32
      %dma_wait3A_1102 = tpu.memref_slice %arg11[%dma_wait3A_1092, %dma_wait3A_1100, %dma_wait3A_1101] : memref<8x32x128xf32, #tpu.memory_space<vmem>> -> memref<1x32x128xf32, #tpu.memory_space<vmem>>
      %dma_wait3A_1103 = tpu.memref_squeeze %dma_wait3A_1102 : memref<1x32x128xf32, #tpu.memory_space<vmem>> -> memref<32x128xf32, #tpu.memory_space<vmem>>
      %dma_wait3A_1104 = arith.constant 0 : i32
      %dma_wait3A_1105 = arith.constant 0 : i32
      %dma_wait3A_1106 = tpu.memref_slice %arg4[%dma_wait3A_1104, %dma_wait3A_1105] : memref<32x1000000xf32, #tpu.memory_space<hbm>> -> memref<32x128xf32, #tpu.memory_space<hbm>>
      tpu.wait_dma2 semaphore(%arg17 : memref<!tpu.dma_semaphore, #tpu.memory_space<semaphore_mem>>) src(%dma_wait3A_1106 : memref<32x128xf32, #tpu.memory_space<hbm>>) dst(%dma_wait3A_1103 : memref<32x128xf32, #tpu.memory_space<vmem>>)
      %add3A_1107 = vector.broadcast %reduce_sum3A_1046 : i32 to vector<16xi32>
      %add3A_1108 = arith.addi %broadcast_in_dim3A_3, %add3A_1107 : vector<16xi32>
      %add3A_1109 = vector.broadcast %reduce_sum3A_1056 : i32 to vector<16xi32>
      %add3A_1110 = arith.addi %broadcast_in_dim3A_3, %add3A_1109 : vector<16xi32>
      %gather3A_1111 = arith.constant 2 : i32
      %gather3A_1112 = arith.constant 0 : i32
      %gather3A_1113 = arith.constant 0 : i32
      %gather3A_1114 = tpu.memref_slice %arg10[%gather3A_1111, %gather3A_1112, %gather3A_1113] : memref<8x32x128xf32, #tpu.memory_space<vmem>> -> memref<1x32x128xf32, #tpu.memory_space<vmem>>
      %gather3A_1115 = tpu.memref_squeeze %gather3A_1114 : memref<1x32x128xf32, #tpu.memory_space<vmem>> -> memref<32x128xf32, #tpu.memory_space<vmem>>
      %gather3A_1116 = tpu.vector_load_idx %gather3A_1115[%iota3A, %add3A_1108] : memref<32x128xf32, #tpu.memory_space<vmem>>[vector<16xi32>, vector<16xi32>], vector<16xf32>,
      %add3A_1117 = arith.constant 16 : i32
      %add3A_1118 = vector.broadcast %add3A_1117 : i32 to vector<16xi32>
      %add3A_1119 = arith.addi %iota3A, %add3A_1118 : vector<16xi32>
      %gather3A_1120 = arith.constant 2 : i32
      %gather3A_1121 = arith.constant 0 : i32
      %gather3A_1122 = arith.constant 0 : i32
      %gather3A_1123 = tpu.memref_slice %arg10[%gather3A_1120, %gather3A_1121, %gather3A_1122] : memref<8x32x128xf32, #tpu.memory_space<vmem>> -> memref<1x32x128xf32, #tpu.memory_space<vmem>>
      %gather3A_1124 = tpu.memref_squeeze %gather3A_1123 : memref<1x32x128xf32, #tpu.memory_space<vmem>> -> memref<32x128xf32, #tpu.memory_space<vmem>>
      %gather3A_1125 = tpu.vector_load_idx %gather3A_1124[%add3A_1119, %add3A_1108] : memref<32x128xf32, #tpu.memory_space<vmem>>[vector<16xi32>, vector<16xi32>], vector<16xf32>,
      %gather3A_1126 = arith.constant 2 : i32
      %gather3A_1127 = arith.constant 0 : i32
      %gather3A_1128 = arith.constant 0 : i32
      %gather3A_1129 = tpu.memref_slice %arg11[%gather3A_1126, %gather3A_1127, %gather3A_1128] : memref<8x32x128xf32, #tpu.memory_space<vmem>> -> memref<1x32x128xf32, #tpu.memory_space<vmem>>
      %gather3A_1130 = tpu.memref_squeeze %gather3A_1129 : memref<1x32x128xf32, #tpu.memory_space<vmem>> -> memref<32x128xf32, #tpu.memory_space<vmem>>
      %gather3A_1131 = tpu.vector_load_idx %gather3A_1130[%iota3A, %add3A_1110] : memref<32x128xf32, #tpu.memory_space<vmem>>[vector<16xi32>, vector<16xi32>], vector<16xf32>,
      %add3A_1132 = arith.constant 16 : i32
      %add3A_1133 = vector.broadcast %add3A_1132 : i32 to vector<16xi32>
      %add3A_1134 = arith.addi %iota3A, %add3A_1133 : vector<16xi32>
      %gather3A_1135 = arith.constant 2 : i32
      %gather3A_1136 = arith.constant 0 : i32
      %gather3A_1137 = arith.constant 0 : i32
      %gather3A_1138 = tpu.memref_slice %arg11[%gather3A_1135, %gather3A_1136, %gather3A_1137] : memref<8x32x128xf32, #tpu.memory_space<vmem>> -> memref<1x32x128xf32, #tpu.memory_space<vmem>>
      %gather3A_1139 = tpu.memref_squeeze %gather3A_1138 : memref<1x32x128xf32, #tpu.memory_space<vmem>> -> memref<32x128xf32, #tpu.memory_space<vmem>>
      %gather3A_1140 = tpu.vector_load_idx %gather3A_1139[%add3A_1134, %add3A_1110] : memref<32x128xf32, #tpu.memory_space<vmem>>[vector<16xi32>, vector<16xi32>], vector<16xf32>,
      %mul3A_1141 = arith.mulf %gather3A_1116, %gather3A_1131 : vector<16xf32>
      %mul3A_1142 = arith.mulf %mul3A_1141, %gather3A : vector<16xf32>
      %mul3A_1143 = arith.mulf %gather3A_1125, %gather3A_1140 : vector<16xf32>
      %mul3A_1144 = arith.mulf %mul3A_1143, %gather3A_7 : vector<16xf32>
      %add3A_1145 = arith.addf %mul3A_1142, %mul3A_1144 : vector<16xf32>
      %swap3A_1146 = arith.constant 2 : i32
      %swap3A_1147 = arith.index_cast %swap3A_1146 : i32 to index
      %swap3A_1148 = arith.constant 0 : index
      %swap3A_1149 = tpu.vector_load %arg12[%swap3A_1147, %swap3A_1148] {strides = array<i32>} : memref<16x16xf32, #tpu.memory_space<vmem>>, vector<16xf32>,
      tpu.vector_store %arg12[%swap3A_1147, %swap3A_1148], %add3A_1145 {strides = array<i32>} : memref<16x16xf32, #tpu.memory_space<vmem>>, vector<16xf32>,
      %mul3A_1150 = arith.constant 128 : i32
      %mul3A_1151 = arith.muli %reduce_sum3A_1066, %mul3A_1150 : i32
      %multiple_of3A_1152 = tpu.assume_multiple %mul3A_1151, 128 : i32
      %mul3A_1153 = arith.constant 128 : i32
      %mul3A_1154 = arith.muli %reduce_sum3A_1076, %mul3A_1153 : i32
      %multiple_of3A_1155 = tpu.assume_multiple %mul3A_1154, 128 : i32
      %dma_start3A_1156 = arith.constant 2 : i32
      %dma_start3A_1157 = arith.constant 0 : i32
      %dma_start3A_1158 = arith.constant 0 : i32
      %dma_start3A_1159 = tpu.memref_slice %arg10[%dma_start3A_1156, %dma_start3A_1157, %dma_start3A_1158] : memref<8x32x128xf32, #tpu.memory_space<vmem>> -> memref<1x32x128xf32, #tpu.memory_space<vmem>>
      %dma_start3A_1160 = tpu.memref_squeeze %dma_start3A_1159 : memref<1x32x128xf32, #tpu.memory_space<vmem>> -> memref<32x128xf32, #tpu.memory_space<vmem>>
      %dma_start3A_1161 = arith.constant 0 : i32
      %dma_start3A_1162 = tpu.memref_slice %arg4[%dma_start3A_1161, %multiple_of3A_1152] : memref<32x1000000xf32, #tpu.memory_space<hbm>> -> memref<32x128xf32, #tpu.memory_space<hbm>>
      %dma_start3A_1163 = arith.constant 0 : i32
      %dma_start3A_1164 = arith.constant 0 : i32
      %dma_start3A_1165 = tpu.memref_slice %arg10[%dma_start3A_1156, %dma_start3A_1163, %dma_start3A_1164] : memref<8x32x128xf32, #tpu.memory_space<vmem>> -> memref<1x32x128xf32, #tpu.memory_space<vmem>>
      %dma_start3A_1166 = tpu.memref_squeeze %dma_start3A_1165 : memref<1x32x128xf32, #tpu.memory_space<vmem>> -> memref<32x128xf32, #tpu.memory_space<vmem>>
      %dma_start3A_1167 = arith.constant 0 : i32
      %dma_start3A_1168 = tpu.memref_slice %arg4[%dma_start3A_1167, %multiple_of3A_1152] : memref<32x1000000xf32, #tpu.memory_space<hbm>> -> memref<32x128xf32, #tpu.memory_space<hbm>>
      tpu.enqueue_dma source(%dma_start3A_1168 : memref<32x128xf32, #tpu.memory_space<hbm>>) target(%dma_start3A_1166 : memref<32x128xf32, #tpu.memory_space<vmem>>) target_semaphore(%arg17 : memref<!tpu.dma_semaphore, #tpu.memory_space<semaphore_mem>>)
      %dma_start3A_1169 = arith.constant 2 : i32
      %dma_start3A_1170 = arith.constant 0 : i32
      %dma_start3A_1171 = arith.constant 0 : i32
      %dma_start3A_1172 = tpu.memref_slice %arg11[%dma_start3A_1169, %dma_start3A_1170, %dma_start3A_1171] : memref<8x32x128xf32, #tpu.memory_space<vmem>> -> memref<1x32x128xf32, #tpu.memory_space<vmem>>
      %dma_start3A_1173 = tpu.memref_squeeze %dma_start3A_1172 : memref<1x32x128xf32, #tpu.memory_space<vmem>> -> memref<32x128xf32, #tpu.memory_space<vmem>>
      %dma_start3A_1174 = arith.constant 0 : i32
      %dma_start3A_1175 = tpu.memref_slice %arg5[%dma_start3A_1174, %multiple_of3A_1155] : memref<32x1000000xf32, #tpu.memory_space<hbm>> -> memref<32x128xf32, #tpu.memory_space<hbm>>
      %dma_start3A_1176 = arith.constant 0 : i32
      %dma_start3A_1177 = arith.constant 0 : i32
      %dma_start3A_1178 = tpu.memref_slice %arg11[%dma_start3A_1169, %dma_start3A_1176, %dma_start3A_1177] : memref<8x32x128xf32, #tpu.memory_space<vmem>> -> memref<1x32x128xf32, #tpu.memory_space<vmem>>
      %dma_start3A_1179 = tpu.memref_squeeze %dma_start3A_1178 : memref<1x32x128xf32, #tpu.memory_space<vmem>> -> memref<32x128xf32, #tpu.memory_space<vmem>>
      %dma_start3A_1180 = arith.constant 0 : i32
      %dma_start3A_1181 = tpu.memref_slice %arg5[%dma_start3A_1180, %multiple_of3A_1155] : memref<32x1000000xf32, #tpu.memory_space<hbm>> -> memref<32x128xf32, #tpu.memory_space<hbm>>
      tpu.enqueue_dma source(%dma_start3A_1181 : memref<32x128xf32, #tpu.memory_space<hbm>>) target(%dma_start3A_1179 : memref<32x128xf32, #tpu.memory_space<vmem>>) target_semaphore(%arg17 : memref<!tpu.dma_semaphore, #tpu.memory_space<semaphore_mem>>)
      %eq3A_1182 = arith.constant 3 : i32
      %eq3A_1183 = vector.broadcast %eq3A_1182 : i32 to vector<16xi32>
      %eq3A_1184 = arith.cmpi eq, %iota3A, %eq3A_1183 : vector<16xi32>
      %jit3A_1185 = arith.constant 0 : i32
      %broadcast_in_dim3A_1186 = vector.broadcast %jit3A_1185 : i32 to vector<16xi32>
      %select_n3A_1187 = arith.select %eq3A_1184, %and3A_722, %broadcast_in_dim3A_1186 : vector<16xi1>, vector<16xi32>
      %reduce_sum3A_1188 = arith.constant true
      %reduce_sum3A_1189 = vector.broadcast %reduce_sum3A_1188 : i1 to vector<16xi1>
      %reduce_sum3A_1190 = tpu.scan <sum>, %select_n3A_1187 masked %reduce_sum3A_1189 : vector<16xi32>, vector<16xi1> -> vector<16xi32>
      %reduce_sum3A_1191 = vector.extract %reduce_sum3A_1190[15] : i32 from vector<16xi32>
      %eq3A_1192 = arith.constant 3 : i32
      %eq3A_1193 = vector.broadcast %eq3A_1192 : i32 to vector<16xi32>
      %eq3A_1194 = arith.cmpi eq, %iota3A, %eq3A_1193 : vector<16xi32>
      %jit3A_1195 = arith.constant 0 : i32
      %broadcast_in_dim3A_1196 = vector.broadcast %jit3A_1195 : i32 to vector<16xi32>
      %select_n3A_1197 = arith.select %eq3A_1194, %and3A_725, %broadcast_in_dim3A_1196 : vector<16xi1>, vector<16xi32>
      %reduce_sum3A_1198 = arith.constant true
      %reduce_sum3A_1199 = vector.broadcast %reduce_sum3A_1198 : i1 to vector<16xi1>
      %reduce_sum3A_1200 = tpu.scan <sum>, %select_n3A_1197 masked %reduce_sum3A_1199 : vector<16xi32>, vector<16xi1> -> vector<16xi32>
      %reduce_sum3A_1201 = vector.extract %reduce_sum3A_1200[15] : i32 from vector<16xi32>
      %eq3A_1202 = arith.constant 11 : i32
      %eq3A_1203 = vector.broadcast %eq3A_1202 : i32 to vector<16xi32>
      %eq3A_1204 = arith.cmpi eq, %iota3A, %eq3A_1203 : vector<16xi32>
      %jit3A_1205 = arith.constant 0 : i32
      %broadcast_in_dim3A_1206 = vector.broadcast %jit3A_1205 : i32 to vector<16xi32>
      %select_n3A_1207 = arith.select %eq3A_1204, %shift_right_logical3A_728, %broadcast_in_dim3A_1206 : vector<16xi1>, vector<16xi32>
      %reduce_sum3A_1208 = arith.constant true
      %reduce_sum3A_1209 = vector.broadcast %reduce_sum3A_1208 : i1 to vector<16xi1>
      %reduce_sum3A_1210 = tpu.scan <sum>, %select_n3A_1207 masked %reduce_sum3A_1209 : vector<16xi32>, vector<16xi1> -> vector<16xi32>
      %reduce_sum3A_1211 = vector.extract %reduce_sum3A_1210[15] : i32 from vector<16xi32>
      %eq3A_1212 = arith.constant 11 : i32
      %eq3A_1213 = vector.broadcast %eq3A_1212 : i32 to vector<16xi32>
      %eq3A_1214 = arith.cmpi eq, %iota3A, %eq3A_1213 : vector<16xi32>
      %jit3A_1215 = arith.constant 0 : i32
      %broadcast_in_dim3A_1216 = vector.broadcast %jit3A_1215 : i32 to vector<16xi32>
      %select_n3A_1217 = arith.select %eq3A_1214, %shift_right_logical3A_731, %broadcast_in_dim3A_1216 : vector<16xi1>, vector<16xi32>
      %reduce_sum3A_1218 = arith.constant true
      %reduce_sum3A_1219 = vector.broadcast %reduce_sum3A_1218 : i1 to vector<16xi1>
      %reduce_sum3A_1220 = tpu.scan <sum>, %select_n3A_1217 masked %reduce_sum3A_1219 : vector<16xi32>, vector<16xi1> -> vector<16xi32>
      %reduce_sum3A_1221 = vector.extract %reduce_sum3A_1220[15] : i32 from vector<16xi32>
      %dma_wait3A_1222 = arith.constant 3 : i32
      %dma_wait3A_1223 = arith.constant 0 : i32
      %dma_wait3A_1224 = arith.constant 0 : i32
      %dma_wait3A_1225 = tpu.memref_slice %arg10[%dma_wait3A_1222, %dma_wait3A_1223, %dma_wait3A_1224] : memref<8x32x128xf32, #tpu.memory_space<vmem>> -> memref<1x32x128xf32, #tpu.memory_space<vmem>>
      %dma_wait3A_1226 = tpu.memref_squeeze %dma_wait3A_1225 : memref<1x32x128xf32, #tpu.memory_space<vmem>> -> memref<32x128xf32, #tpu.memory_space<vmem>>
      %dma_wait3A_1227 = arith.constant 0 : i32
      %dma_wait3A_1228 = arith.constant 0 : i32
      %dma_wait3A_1229 = tpu.memref_slice %arg4[%dma_wait3A_1227, %dma_wait3A_1228] : memref<32x1000000xf32, #tpu.memory_space<hbm>> -> memref<32x128xf32, #tpu.memory_space<hbm>>
      %dma_wait3A_1230 = arith.constant 0 : i32
      %dma_wait3A_1231 = arith.constant 0 : i32
      %dma_wait3A_1232 = tpu.memref_slice %arg10[%dma_wait3A_1222, %dma_wait3A_1230, %dma_wait3A_1231] : memref<8x32x128xf32, #tpu.memory_space<vmem>> -> memref<1x32x128xf32, #tpu.memory_space<vmem>>
      %dma_wait3A_1233 = tpu.memref_squeeze %dma_wait3A_1232 : memref<1x32x128xf32, #tpu.memory_space<vmem>> -> memref<32x128xf32, #tpu.memory_space<vmem>>
      %dma_wait3A_1234 = arith.constant 0 : i32
      %dma_wait3A_1235 = arith.constant 0 : i32
      %dma_wait3A_1236 = tpu.memref_slice %arg4[%dma_wait3A_1234, %dma_wait3A_1235] : memref<32x1000000xf32, #tpu.memory_space<hbm>> -> memref<32x128xf32, #tpu.memory_space<hbm>>
      tpu.wait_dma2 semaphore(%arg18 : memref<!tpu.dma_semaphore, #tpu.memory_space<semaphore_mem>>) src(%dma_wait3A_1236 : memref<32x128xf32, #tpu.memory_space<hbm>>) dst(%dma_wait3A_1233 : memref<32x128xf32, #tpu.memory_space<vmem>>)
      %dma_wait3A_1237 = arith.constant 3 : i32
      %dma_wait3A_1238 = arith.constant 0 : i32
      %dma_wait3A_1239 = arith.constant 0 : i32
      %dma_wait3A_1240 = tpu.memref_slice %arg11[%dma_wait3A_1237, %dma_wait3A_1238, %dma_wait3A_1239] : memref<8x32x128xf32, #tpu.memory_space<vmem>> -> memref<1x32x128xf32, #tpu.memory_space<vmem>>
      %dma_wait3A_1241 = tpu.memref_squeeze %dma_wait3A_1240 : memref<1x32x128xf32, #tpu.memory_space<vmem>> -> memref<32x128xf32, #tpu.memory_space<vmem>>
      %dma_wait3A_1242 = arith.constant 0 : i32
      %dma_wait3A_1243 = arith.constant 0 : i32
      %dma_wait3A_1244 = tpu.memref_slice %arg4[%dma_wait3A_1242, %dma_wait3A_1243] : memref<32x1000000xf32, #tpu.memory_space<hbm>> -> memref<32x128xf32, #tpu.memory_space<hbm>>
      %dma_wait3A_1245 = arith.constant 0 : i32
      %dma_wait3A_1246 = arith.constant 0 : i32
      %dma_wait3A_1247 = tpu.memref_slice %arg11[%dma_wait3A_1237, %dma_wait3A_1245, %dma_wait3A_1246] : memref<8x32x128xf32, #tpu.memory_space<vmem>> -> memref<1x32x128xf32, #tpu.memory_space<vmem>>
      %dma_wait3A_1248 = tpu.memref_squeeze %dma_wait3A_1247 : memref<1x32x128xf32, #tpu.memory_space<vmem>> -> memref<32x128xf32, #tpu.memory_space<vmem>>
      %dma_wait3A_1249 = arith.constant 0 : i32
      %dma_wait3A_1250 = arith.constant 0 : i32
      %dma_wait3A_1251 = tpu.memref_slice %arg4[%dma_wait3A_1249, %dma_wait3A_1250] : memref<32x1000000xf32, #tpu.memory_space<hbm>> -> memref<32x128xf32, #tpu.memory_space<hbm>>
      tpu.wait_dma2 semaphore(%arg18 : memref<!tpu.dma_semaphore, #tpu.memory_space<semaphore_mem>>) src(%dma_wait3A_1251 : memref<32x128xf32, #tpu.memory_space<hbm>>) dst(%dma_wait3A_1248 : memref<32x128xf32, #tpu.memory_space<vmem>>)
      %add3A_1252 = vector.broadcast %reduce_sum3A_1191 : i32 to vector<16xi32>
      %add3A_1253 = arith.addi %broadcast_in_dim3A_3, %add3A_1252 : vector<16xi32>
      %add3A_1254 = vector.broadcast %reduce_sum3A_1201 : i32 to vector<16xi32>
      %add3A_1255 = arith.addi %broadcast_in_dim3A_3, %add3A_1254 : vector<16xi32>
      %gather3A_1256 = arith.constant 3 : i32
      %gather3A_1257 = arith.constant 0 : i32
      %gather3A_1258 = arith.constant 0 : i32
      %gather3A_1259 = tpu.memref_slice %arg10[%gather3A_1256, %gather3A_1257, %gather3A_1258] : memref<8x32x128xf32, #tpu.memory_space<vmem>> -> memref<1x32x128xf32, #tpu.memory_space<vmem>>
      %gather3A_1260 = tpu.memref_squeeze %gather3A_1259 : memref<1x32x128xf32, #tpu.memory_space<vmem>> -> memref<32x128xf32, #tpu.memory_space<vmem>>
      %gather3A_1261 = tpu.vector_load_idx %gather3A_1260[%iota3A, %add3A_1253] : memref<32x128xf32, #tpu.memory_space<vmem>>[vector<16xi32>, vector<16xi32>], vector<16xf32>,
      %add3A_1262 = arith.constant 16 : i32
      %add3A_1263 = vector.broadcast %add3A_1262 : i32 to vector<16xi32>
      %add3A_1264 = arith.addi %iota3A, %add3A_1263 : vector<16xi32>
      %gather3A_1265 = arith.constant 3 : i32
      %gather3A_1266 = arith.constant 0 : i32
      %gather3A_1267 = arith.constant 0 : i32
      %gather3A_1268 = tpu.memref_slice %arg10[%gather3A_1265, %gather3A_1266, %gather3A_1267] : memref<8x32x128xf32, #tpu.memory_space<vmem>> -> memref<1x32x128xf32, #tpu.memory_space<vmem>>
      %gather3A_1269 = tpu.memref_squeeze %gather3A_1268 : memref<1x32x128xf32, #tpu.memory_space<vmem>> -> memref<32x128xf32, #tpu.memory_space<vmem>>
      %gather3A_1270 = tpu.vector_load_idx %gather3A_1269[%add3A_1264, %add3A_1253] : memref<32x128xf32, #tpu.memory_space<vmem>>[vector<16xi32>, vector<16xi32>], vector<16xf32>,
      %gather3A_1271 = arith.constant 3 : i32
      %gather3A_1272 = arith.constant 0 : i32
      %gather3A_1273 = arith.constant 0 : i32
      %gather3A_1274 = tpu.memref_slice %arg11[%gather3A_1271, %gather3A_1272, %gather3A_1273] : memref<8x32x128xf32, #tpu.memory_space<vmem>> -> memref<1x32x128xf32, #tpu.memory_space<vmem>>
      %gather3A_1275 = tpu.memref_squeeze %gather3A_1274 : memref<1x32x128xf32, #tpu.memory_space<vmem>> -> memref<32x128xf32, #tpu.memory_space<vmem>>
      %gather3A_1276 = tpu.vector_load_idx %gather3A_1275[%iota3A, %add3A_1255] : memref<32x128xf32, #tpu.memory_space<vmem>>[vector<16xi32>, vector<16xi32>], vector<16xf32>,
      %add3A_1277 = arith.constant 16 : i32
      %add3A_1278 = vector.broadcast %add3A_1277 : i32 to vector<16xi32>
      %add3A_1279 = arith.addi %iota3A, %add3A_1278 : vector<16xi32>
      %gather3A_1280 = arith.constant 3 : i32
      %gather3A_1281 = arith.constant 0 : i32
      %gather3A_1282 = arith.constant 0 : i32
      %gather3A_1283 = tpu.memref_slice %arg11[%gather3A_1280, %gather3A_1281, %gather3A_1282] : memref<8x32x128xf32, #tpu.memory_space<vmem>> -> memref<1x32x128xf32, #tpu.memory_space<vmem>>
      %gather3A_1284 = tpu.memref_squeeze %gather3A_1283 : memref<1x32x128xf32, #tpu.memory_space<vmem>> -> memref<32x128xf32, #tpu.memory_space<vmem>>
      %gather3A_1285 = tpu.vector_load_idx %gather3A_1284[%add3A_1279, %add3A_1255] : memref<32x128xf32, #tpu.memory_space<vmem>>[vector<16xi32>, vector<16xi32>], vector<16xf32>,
      %mul3A_1286 = arith.mulf %gather3A_1261, %gather3A_1276 : vector<16xf32>
      %mul3A_1287 = arith.mulf %mul3A_1286, %gather3A : vector<16xf32>
      %mul3A_1288 = arith.mulf %gather3A_1270, %gather3A_1285 : vector<16xf32>
      %mul3A_1289 = arith.mulf %mul3A_1288, %gather3A_7 : vector<16xf32>
      %add3A_1290 = arith.addf %mul3A_1287, %mul3A_1289 : vector<16xf32>
      %swap3A_1291 = arith.constant 3 : i32
      %swap3A_1292 = arith.index_cast %swap3A_1291 : i32 to index
      %swap3A_1293 = arith.constant 0 : index
      %swap3A_1294 = tpu.vector_load %arg12[%swap3A_1292, %swap3A_1293] {strides = array<i32>} : memref<16x16xf32, #tpu.memory_space<vmem>>, vector<16xf32>,
      tpu.vector_store %arg12[%swap3A_1292, %swap3A_1293], %add3A_1290 {strides = array<i32>} : memref<16x16xf32, #tpu.memory_space<vmem>>, vector<16xf32>,
      %mul3A_1295 = arith.constant 128 : i32
      %mul3A_1296 = arith.muli %reduce_sum3A_1211, %mul3A_1295 : i32
      %multiple_of3A_1297 = tpu.assume_multiple %mul3A_1296, 128 : i32
      %mul3A_1298 = arith.constant 128 : i32
      %mul3A_1299 = arith.muli %reduce_sum3A_1221, %mul3A_1298 : i32
      %multiple_of3A_1300 = tpu.assume_multiple %mul3A_1299, 128 : i32
      %dma_start3A_1301 = arith.constant 3 : i32
      %dma_start3A_1302 = arith.constant 0 : i32
      %dma_start3A_1303 = arith.constant 0 : i32
      %dma_start3A_1304 = tpu.memref_slice %arg10[%dma_start3A_1301, %dma_start3A_1302, %dma_start3A_1303] : memref<8x32x128xf32, #tpu.memory_space<vmem>> -> memref<1x32x128xf32, #tpu.memory_space<vmem>>
      %dma_start3A_1305 = tpu.memref_squeeze %dma_start3A_1304 : memref<1x32x128xf32, #tpu.memory_space<vmem>> -> memref<32x128xf32, #tpu.memory_space<vmem>>
      %dma_start3A_1306 = arith.constant 0 : i32
      %dma_start3A_1307 = tpu.memref_slice %arg4[%dma_start3A_1306, %multiple_of3A_1297] : memref<32x1000000xf32, #tpu.memory_space<hbm>> -> memref<32x128xf32, #tpu.memory_space<hbm>>
      %dma_start3A_1308 = arith.constant 0 : i32
      %dma_start3A_1309 = arith.constant 0 : i32
      %dma_start3A_1310 = tpu.memref_slice %arg10[%dma_start3A_1301, %dma_start3A_1308, %dma_start3A_1309] : memref<8x32x128xf32, #tpu.memory_space<vmem>> -> memref<1x32x128xf32, #tpu.memory_space<vmem>>
      %dma_start3A_1311 = tpu.memref_squeeze %dma_start3A_1310 : memref<1x32x128xf32, #tpu.memory_space<vmem>> -> memref<32x128xf32, #tpu.memory_space<vmem>>
      %dma_start3A_1312 = arith.constant 0 : i32
      %dma_start3A_1313 = tpu.memref_slice %arg4[%dma_start3A_1312, %multiple_of3A_1297] : memref<32x1000000xf32, #tpu.memory_space<hbm>> -> memref<32x128xf32, #tpu.memory_space<hbm>>
      tpu.enqueue_dma source(%dma_start3A_1313 : memref<32x128xf32, #tpu.memory_space<hbm>>) target(%dma_start3A_1311 : memref<32x128xf32, #tpu.memory_space<vmem>>) target_semaphore(%arg18 : memref<!tpu.dma_semaphore, #tpu.memory_space<semaphore_mem>>)
      %dma_start3A_1314 = arith.constant 3 : i32
      %dma_start3A_1315 = arith.constant 0 : i32
      %dma_start3A_1316 = arith.constant 0 : i32
      %dma_start3A_1317 = tpu.memref_slice %arg11[%dma_start3A_1314, %dma_start3A_1315, %dma_start3A_1316] : memref<8x32x128xf32, #tpu.memory_space<vmem>> -> memref<1x32x128xf32, #tpu.memory_space<vmem>>
      %dma_start3A_1318 = tpu.memref_squeeze %dma_start3A_1317 : memref<1x32x128xf32, #tpu.memory_space<vmem>> -> memref<32x128xf32, #tpu.memory_space<vmem>>
      %dma_start3A_1319 = arith.constant 0 : i32
      %dma_start3A_1320 = tpu.memref_slice %arg5[%dma_start3A_1319, %multiple_of3A_1300] : memref<32x1000000xf32, #tpu.memory_space<hbm>> -> memref<32x128xf32, #tpu.memory_space<hbm>>
      %dma_start3A_1321 = arith.constant 0 : i32
      %dma_start3A_1322 = arith.constant 0 : i32
      %dma_start3A_1323 = tpu.memref_slice %arg11[%dma_start3A_1314, %dma_start3A_1321, %dma_start3A_1322] : memref<8x32x128xf32, #tpu.memory_space<vmem>> -> memref<1x32x128xf32, #tpu.memory_space<vmem>>
      %dma_start3A_1324 = tpu.memref_squeeze %dma_start3A_1323 : memref<1x32x128xf32, #tpu.memory_space<vmem>> -> memref<32x128xf32, #tpu.memory_space<vmem>>
      %dma_start3A_1325 = arith.constant 0 : i32
      %dma_start3A_1326 = tpu.memref_slice %arg5[%dma_start3A_1325, %multiple_of3A_1300] : memref<32x1000000xf32, #tpu.memory_space<hbm>> -> memref<32x128xf32, #tpu.memory_space<hbm>>
      tpu.enqueue_dma source(%dma_start3A_1326 : memref<32x128xf32, #tpu.memory_space<hbm>>) target(%dma_start3A_1324 : memref<32x128xf32, #tpu.memory_space<vmem>>) target_semaphore(%arg18 : memref<!tpu.dma_semaphore, #tpu.memory_space<semaphore_mem>>)
      %eq3A_1327 = arith.constant 4 : i32
      %eq3A_1328 = vector.broadcast %eq3A_1327 : i32 to vector<16xi32>
      %eq3A_1329 = arith.cmpi eq, %iota3A, %eq3A_1328 : vector<16xi32>
      %jit3A_1330 = arith.constant 0 : i32
      %broadcast_in_dim3A_1331 = vector.broadcast %jit3A_1330 : i32 to vector<16xi32>
      %select_n3A_1332 = arith.select %eq3A_1329, %and3A_722, %broadcast_in_dim3A_1331 : vector<16xi1>, vector<16xi32>
      %reduce_sum3A_1333 = arith.constant true
      %reduce_sum3A_1334 = vector.broadcast %reduce_sum3A_1333 : i1 to vector<16xi1>
      %reduce_sum3A_1335 = tpu.scan <sum>, %select_n3A_1332 masked %reduce_sum3A_1334 : vector<16xi32>, vector<16xi1> -> vector<16xi32>
      %reduce_sum3A_1336 = vector.extract %reduce_sum3A_1335[15] : i32 from vector<16xi32>
      %eq3A_1337 = arith.constant 4 : i32
      %eq3A_1338 = vector.broadcast %eq3A_1337 : i32 to vector<16xi32>
      %eq3A_1339 = arith.cmpi eq, %iota3A, %eq3A_1338 : vector<16xi32>
      %jit3A_1340 = arith.constant 0 : i32
      %broadcast_in_dim3A_1341 = vector.broadcast %jit3A_1340 : i32 to vector<16xi32>
      %select_n3A_1342 = arith.select %eq3A_1339, %and3A_725, %broadcast_in_dim3A_1341 : vector<16xi1>, vector<16xi32>
      %reduce_sum3A_1343 = arith.constant true
      %reduce_sum3A_1344 = vector.broadcast %reduce_sum3A_1343 : i1 to vector<16xi1>
      %reduce_sum3A_1345 = tpu.scan <sum>, %select_n3A_1342 masked %reduce_sum3A_1344 : vector<16xi32>, vector<16xi1> -> vector<16xi32>
      %reduce_sum3A_1346 = vector.extract %reduce_sum3A_1345[15] : i32 from vector<16xi32>
      %eq3A_1347 = arith.constant 12 : i32
      %eq3A_1348 = vector.broadcast %eq3A_1347 : i32 to vector<16xi32>
      %eq3A_1349 = arith.cmpi eq, %iota3A, %eq3A_1348 : vector<16xi32>
      %jit3A_1350 = arith.constant 0 : i32
      %broadcast_in_dim3A_1351 = vector.broadcast %jit3A_1350 : i32 to vector<16xi32>
      %select_n3A_1352 = arith.select %eq3A_1349, %shift_right_logical3A_728, %broadcast_in_dim3A_1351 : vector<16xi1>, vector<16xi32>
      %reduce_sum3A_1353 = arith.constant true
      %reduce_sum3A_1354 = vector.broadcast %reduce_sum3A_1353 : i1 to vector<16xi1>
      %reduce_sum3A_1355 = tpu.scan <sum>, %select_n3A_1352 masked %reduce_sum3A_1354 : vector<16xi32>, vector<16xi1> -> vector<16xi32>
      %reduce_sum3A_1356 = vector.extract %reduce_sum3A_1355[15] : i32 from vector<16xi32>
      %eq3A_1357 = arith.constant 12 : i32
      %eq3A_1358 = vector.broadcast %eq3A_1357 : i32 to vector<16xi32>
      %eq3A_1359 = arith.cmpi eq, %iota3A, %eq3A_1358 : vector<16xi32>
      %jit3A_1360 = arith.constant 0 : i32
      %broadcast_in_dim3A_1361 = vector.broadcast %jit3A_1360 : i32 to vector<16xi32>
      %select_n3A_1362 = arith.select %eq3A_1359, %shift_right_logical3A_731, %broadcast_in_dim3A_1361 : vector<16xi1>, vector<16xi32>
      %reduce_sum3A_1363 = arith.constant true
      %reduce_sum3A_1364 = vector.broadcast %reduce_sum3A_1363 : i1 to vector<16xi1>
      %reduce_sum3A_1365 = tpu.scan <sum>, %select_n3A_1362 masked %reduce_sum3A_1364 : vector<16xi32>, vector<16xi1> -> vector<16xi32>
      %reduce_sum3A_1366 = vector.extract %reduce_sum3A_1365[15] : i32 from vector<16xi32>
      %dma_wait3A_1367 = arith.constant 4 : i32
      %dma_wait3A_1368 = arith.constant 0 : i32
      %dma_wait3A_1369 = arith.constant 0 : i32
      %dma_wait3A_1370 = tpu.memref_slice %arg10[%dma_wait3A_1367, %dma_wait3A_1368, %dma_wait3A_1369] : memref<8x32x128xf32, #tpu.memory_space<vmem>> -> memref<1x32x128xf32, #tpu.memory_space<vmem>>
      %dma_wait3A_1371 = tpu.memref_squeeze %dma_wait3A_1370 : memref<1x32x128xf32, #tpu.memory_space<vmem>> -> memref<32x128xf32, #tpu.memory_space<vmem>>
      %dma_wait3A_1372 = arith.constant 0 : i32
      %dma_wait3A_1373 = arith.constant 0 : i32
      %dma_wait3A_1374 = tpu.memref_slice %arg4[%dma_wait3A_1372, %dma_wait3A_1373] : memref<32x1000000xf32, #tpu.memory_space<hbm>> -> memref<32x128xf32, #tpu.memory_space<hbm>>
      %dma_wait3A_1375 = arith.constant 0 : i32
      %dma_wait3A_1376 = arith.constant 0 : i32
      %dma_wait3A_1377 = tpu.memref_slice %arg10[%dma_wait3A_1367, %dma_wait3A_1375, %dma_wait3A_1376] : memref<8x32x128xf32, #tpu.memory_space<vmem>> -> memref<1x32x128xf32, #tpu.memory_space<vmem>>
      %dma_wait3A_1378 = tpu.memref_squeeze %dma_wait3A_1377 : memref<1x32x128xf32, #tpu.memory_space<vmem>> -> memref<32x128xf32, #tpu.memory_space<vmem>>
      %dma_wait3A_1379 = arith.constant 0 : i32
      %dma_wait3A_1380 = arith.constant 0 : i32
      %dma_wait3A_1381 = tpu.memref_slice %arg4[%dma_wait3A_1379, %dma_wait3A_1380] : memref<32x1000000xf32, #tpu.memory_space<hbm>> -> memref<32x128xf32, #tpu.memory_space<hbm>>
      tpu.wait_dma2 semaphore(%arg19 : memref<!tpu.dma_semaphore, #tpu.memory_space<semaphore_mem>>) src(%dma_wait3A_1381 : memref<32x128xf32, #tpu.memory_space<hbm>>) dst(%dma_wait3A_1378 : memref<32x128xf32, #tpu.memory_space<vmem>>)
      %dma_wait3A_1382 = arith.constant 4 : i32
      %dma_wait3A_1383 = arith.constant 0 : i32
      %dma_wait3A_1384 = arith.constant 0 : i32
      %dma_wait3A_1385 = tpu.memref_slice %arg11[%dma_wait3A_1382, %dma_wait3A_1383, %dma_wait3A_1384] : memref<8x32x128xf32, #tpu.memory_space<vmem>> -> memref<1x32x128xf32, #tpu.memory_space<vmem>>
      %dma_wait3A_1386 = tpu.memref_squeeze %dma_wait3A_1385 : memref<1x32x128xf32, #tpu.memory_space<vmem>> -> memref<32x128xf32, #tpu.memory_space<vmem>>
      %dma_wait3A_1387 = arith.constant 0 : i32
      %dma_wait3A_1388 = arith.constant 0 : i32
      %dma_wait3A_1389 = tpu.memref_slice %arg4[%dma_wait3A_1387, %dma_wait3A_1388] : memref<32x1000000xf32, #tpu.memory_space<hbm>> -> memref<32x128xf32, #tpu.memory_space<hbm>>
      %dma_wait3A_1390 = arith.constant 0 : i32
      %dma_wait3A_1391 = arith.constant 0 : i32
      %dma_wait3A_1392 = tpu.memref_slice %arg11[%dma_wait3A_1382, %dma_wait3A_1390, %dma_wait3A_1391] : memref<8x32x128xf32, #tpu.memory_space<vmem>> -> memref<1x32x128xf32, #tpu.memory_space<vmem>>
      %dma_wait3A_1393 = tpu.memref_squeeze %dma_wait3A_1392 : memref<1x32x128xf32, #tpu.memory_space<vmem>> -> memref<32x128xf32, #tpu.memory_space<vmem>>
      %dma_wait3A_1394 = arith.constant 0 : i32
      %dma_wait3A_1395 = arith.constant 0 : i32
      %dma_wait3A_1396 = tpu.memref_slice %arg4[%dma_wait3A_1394, %dma_wait3A_1395] : memref<32x1000000xf32, #tpu.memory_space<hbm>> -> memref<32x128xf32, #tpu.memory_space<hbm>>
      tpu.wait_dma2 semaphore(%arg19 : memref<!tpu.dma_semaphore, #tpu.memory_space<semaphore_mem>>) src(%dma_wait3A_1396 : memref<32x128xf32, #tpu.memory_space<hbm>>) dst(%dma_wait3A_1393 : memref<32x128xf32, #tpu.memory_space<vmem>>)
      %add3A_1397 = vector.broadcast %reduce_sum3A_1336 : i32 to vector<16xi32>
      %add3A_1398 = arith.addi %broadcast_in_dim3A_3, %add3A_1397 : vector<16xi32>
      %add3A_1399 = vector.broadcast %reduce_sum3A_1346 : i32 to vector<16xi32>
      %add3A_1400 = arith.addi %broadcast_in_dim3A_3, %add3A_1399 : vector<16xi32>
      %gather3A_1401 = arith.constant 4 : i32
      %gather3A_1402 = arith.constant 0 : i32
      %gather3A_1403 = arith.constant 0 : i32
      %gather3A_1404 = tpu.memref_slice %arg10[%gather3A_1401, %gather3A_1402, %gather3A_1403] : memref<8x32x128xf32, #tpu.memory_space<vmem>> -> memref<1x32x128xf32, #tpu.memory_space<vmem>>
      %gather3A_1405 = tpu.memref_squeeze %gather3A_1404 : memref<1x32x128xf32, #tpu.memory_space<vmem>> -> memref<32x128xf32, #tpu.memory_space<vmem>>
      %gather3A_1406 = tpu.vector_load_idx %gather3A_1405[%iota3A, %add3A_1398] : memref<32x128xf32, #tpu.memory_space<vmem>>[vector<16xi32>, vector<16xi32>], vector<16xf32>,
      %add3A_1407 = arith.constant 16 : i32
      %add3A_1408 = vector.broadcast %add3A_1407 : i32 to vector<16xi32>
      %add3A_1409 = arith.addi %iota3A, %add3A_1408 : vector<16xi32>
      %gather3A_1410 = arith.constant 4 : i32
      %gather3A_1411 = arith.constant 0 : i32
      %gather3A_1412 = arith.constant 0 : i32
      %gather3A_1413 = tpu.memref_slice %arg10[%gather3A_1410, %gather3A_1411, %gather3A_1412] : memref<8x32x128xf32, #tpu.memory_space<vmem>> -> memref<1x32x128xf32, #tpu.memory_space<vmem>>
      %gather3A_1414 = tpu.memref_squeeze %gather3A_1413 : memref<1x32x128xf32, #tpu.memory_space<vmem>> -> memref<32x128xf32, #tpu.memory_space<vmem>>
      %gather3A_1415 = tpu.vector_load_idx %gather3A_1414[%add3A_1409, %add3A_1398] : memref<32x128xf32, #tpu.memory_space<vmem>>[vector<16xi32>, vector<16xi32>], vector<16xf32>,
      %gather3A_1416 = arith.constant 4 : i32
      %gather3A_1417 = arith.constant 0 : i32
      %gather3A_1418 = arith.constant 0 : i32
      %gather3A_1419 = tpu.memref_slice %arg11[%gather3A_1416, %gather3A_1417, %gather3A_1418] : memref<8x32x128xf32, #tpu.memory_space<vmem>> -> memref<1x32x128xf32, #tpu.memory_space<vmem>>
      %gather3A_1420 = tpu.memref_squeeze %gather3A_1419 : memref<1x32x128xf32, #tpu.memory_space<vmem>> -> memref<32x128xf32, #tpu.memory_space<vmem>>
      %gather3A_1421 = tpu.vector_load_idx %gather3A_1420[%iota3A, %add3A_1400] : memref<32x128xf32, #tpu.memory_space<vmem>>[vector<16xi32>, vector<16xi32>], vector<16xf32>,
      %add3A_1422 = arith.constant 16 : i32
      %add3A_1423 = vector.broadcast %add3A_1422 : i32 to vector<16xi32>
      %add3A_1424 = arith.addi %iota3A, %add3A_1423 : vector<16xi32>
      %gather3A_1425 = arith.constant 4 : i32
      %gather3A_1426 = arith.constant 0 : i32
      %gather3A_1427 = arith.constant 0 : i32
      %gather3A_1428 = tpu.memref_slice %arg11[%gather3A_1425, %gather3A_1426, %gather3A_1427] : memref<8x32x128xf32, #tpu.memory_space<vmem>> -> memref<1x32x128xf32, #tpu.memory_space<vmem>>
      %gather3A_1429 = tpu.memref_squeeze %gather3A_1428 : memref<1x32x128xf32, #tpu.memory_space<vmem>> -> memref<32x128xf32, #tpu.memory_space<vmem>>
      %gather3A_1430 = tpu.vector_load_idx %gather3A_1429[%add3A_1424, %add3A_1400] : memref<32x128xf32, #tpu.memory_space<vmem>>[vector<16xi32>, vector<16xi32>], vector<16xf32>,
      %mul3A_1431 = arith.mulf %gather3A_1406, %gather3A_1421 : vector<16xf32>
      %mul3A_1432 = arith.mulf %mul3A_1431, %gather3A : vector<16xf32>
      %mul3A_1433 = arith.mulf %gather3A_1415, %gather3A_1430 : vector<16xf32>
      %mul3A_1434 = arith.mulf %mul3A_1433, %gather3A_7 : vector<16xf32>
      %add3A_1435 = arith.addf %mul3A_1432, %mul3A_1434 : vector<16xf32>
      %swap3A_1436 = arith.constant 4 : i32
      %swap3A_1437 = arith.index_cast %swap3A_1436 : i32 to index
      %swap3A_1438 = arith.constant 0 : index
      %swap3A_1439 = tpu.vector_load %arg12[%swap3A_1437, %swap3A_1438] {strides = array<i32>} : memref<16x16xf32, #tpu.memory_space<vmem>>, vector<16xf32>,
      tpu.vector_store %arg12[%swap3A_1437, %swap3A_1438], %add3A_1435 {strides = array<i32>} : memref<16x16xf32, #tpu.memory_space<vmem>>, vector<16xf32>,
      %mul3A_1440 = arith.constant 128 : i32
      %mul3A_1441 = arith.muli %reduce_sum3A_1356, %mul3A_1440 : i32
      %multiple_of3A_1442 = tpu.assume_multiple %mul3A_1441, 128 : i32
      %mul3A_1443 = arith.constant 128 : i32
      %mul3A_1444 = arith.muli %reduce_sum3A_1366, %mul3A_1443 : i32
      %multiple_of3A_1445 = tpu.assume_multiple %mul3A_1444, 128 : i32
      %dma_start3A_1446 = arith.constant 4 : i32
      %dma_start3A_1447 = arith.constant 0 : i32
      %dma_start3A_1448 = arith.constant 0 : i32
      %dma_start3A_1449 = tpu.memref_slice %arg10[%dma_start3A_1446, %dma_start3A_1447, %dma_start3A_1448] : memref<8x32x128xf32, #tpu.memory_space<vmem>> -> memref<1x32x128xf32, #tpu.memory_space<vmem>>
      %dma_start3A_1450 = tpu.memref_squeeze %dma_start3A_1449 : memref<1x32x128xf32, #tpu.memory_space<vmem>> -> memref<32x128xf32, #tpu.memory_space<vmem>>
      %dma_start3A_1451 = arith.constant 0 : i32
      %dma_start3A_1452 = tpu.memref_slice %arg4[%dma_start3A_1451, %multiple_of3A_1442] : memref<32x1000000xf32, #tpu.memory_space<hbm>> -> memref<32x128xf32, #tpu.memory_space<hbm>>
      %dma_start3A_1453 = arith.constant 0 : i32
      %dma_start3A_1454 = arith.constant 0 : i32
      %dma_start3A_1455 = tpu.memref_slice %arg10[%dma_start3A_1446, %dma_start3A_1453, %dma_start3A_1454] : memref<8x32x128xf32, #tpu.memory_space<vmem>> -> memref<1x32x128xf32, #tpu.memory_space<vmem>>
      %dma_start3A_1456 = tpu.memref_squeeze %dma_start3A_1455 : memref<1x32x128xf32, #tpu.memory_space<vmem>> -> memref<32x128xf32, #tpu.memory_space<vmem>>
      %dma_start3A_1457 = arith.constant 0 : i32
      %dma_start3A_1458 = tpu.memref_slice %arg4[%dma_start3A_1457, %multiple_of3A_1442] : memref<32x1000000xf32, #tpu.memory_space<hbm>> -> memref<32x128xf32, #tpu.memory_space<hbm>>
      tpu.enqueue_dma source(%dma_start3A_1458 : memref<32x128xf32, #tpu.memory_space<hbm>>) target(%dma_start3A_1456 : memref<32x128xf32, #tpu.memory_space<vmem>>) target_semaphore(%arg19 : memref<!tpu.dma_semaphore, #tpu.memory_space<semaphore_mem>>)
      %dma_start3A_1459 = arith.constant 4 : i32
      %dma_start3A_1460 = arith.constant 0 : i32
      %dma_start3A_1461 = arith.constant 0 : i32
      %dma_start3A_1462 = tpu.memref_slice %arg11[%dma_start3A_1459, %dma_start3A_1460, %dma_start3A_1461] : memref<8x32x128xf32, #tpu.memory_space<vmem>> -> memref<1x32x128xf32, #tpu.memory_space<vmem>>
      %dma_start3A_1463 = tpu.memref_squeeze %dma_start3A_1462 : memref<1x32x128xf32, #tpu.memory_space<vmem>> -> memref<32x128xf32, #tpu.memory_space<vmem>>
      %dma_start3A_1464 = arith.constant 0 : i32
      %dma_start3A_1465 = tpu.memref_slice %arg5[%dma_start3A_1464, %multiple_of3A_1445] : memref<32x1000000xf32, #tpu.memory_space<hbm>> -> memref<32x128xf32, #tpu.memory_space<hbm>>
      %dma_start3A_1466 = arith.constant 0 : i32
      %dma_start3A_1467 = arith.constant 0 : i32
      %dma_start3A_1468 = tpu.memref_slice %arg11[%dma_start3A_1459, %dma_start3A_1466, %dma_start3A_1467] : memref<8x32x128xf32, #tpu.memory_space<vmem>> -> memref<1x32x128xf32, #tpu.memory_space<vmem>>
      %dma_start3A_1469 = tpu.memref_squeeze %dma_start3A_1468 : memref<1x32x128xf32, #tpu.memory_space<vmem>> -> memref<32x128xf32, #tpu.memory_space<vmem>>
      %dma_start3A_1470 = arith.constant 0 : i32
      %dma_start3A_1471 = tpu.memref_slice %arg5[%dma_start3A_1470, %multiple_of3A_1445] : memref<32x1000000xf32, #tpu.memory_space<hbm>> -> memref<32x128xf32, #tpu.memory_space<hbm>>
      tpu.enqueue_dma source(%dma_start3A_1471 : memref<32x128xf32, #tpu.memory_space<hbm>>) target(%dma_start3A_1469 : memref<32x128xf32, #tpu.memory_space<vmem>>) target_semaphore(%arg19 : memref<!tpu.dma_semaphore, #tpu.memory_space<semaphore_mem>>)
      %eq3A_1472 = arith.constant 5 : i32
      %eq3A_1473 = vector.broadcast %eq3A_1472 : i32 to vector<16xi32>
      %eq3A_1474 = arith.cmpi eq, %iota3A, %eq3A_1473 : vector<16xi32>
      %jit3A_1475 = arith.constant 0 : i32
      %broadcast_in_dim3A_1476 = vector.broadcast %jit3A_1475 : i32 to vector<16xi32>
      %select_n3A_1477 = arith.select %eq3A_1474, %and3A_722, %broadcast_in_dim3A_1476 : vector<16xi1>, vector<16xi32>
      %reduce_sum3A_1478 = arith.constant true
      %reduce_sum3A_1479 = vector.broadcast %reduce_sum3A_1478 : i1 to vector<16xi1>
      %reduce_sum3A_1480 = tpu.scan <sum>, %select_n3A_1477 masked %reduce_sum3A_1479 : vector<16xi32>, vector<16xi1> -> vector<16xi32>
      %reduce_sum3A_1481 = vector.extract %reduce_sum3A_1480[15] : i32 from vector<16xi32>
      %eq3A_1482 = arith.constant 5 : i32
      %eq3A_1483 = vector.broadcast %eq3A_1482 : i32 to vector<16xi32>
      %eq3A_1484 = arith.cmpi eq, %iota3A, %eq3A_1483 : vector<16xi32>
      %jit3A_1485 = arith.constant 0 : i32
      %broadcast_in_dim3A_1486 = vector.broadcast %jit3A_1485 : i32 to vector<16xi32>
      %select_n3A_1487 = arith.select %eq3A_1484, %and3A_725, %broadcast_in_dim3A_1486 : vector<16xi1>, vector<16xi32>
      %reduce_sum3A_1488 = arith.constant true
      %reduce_sum3A_1489 = vector.broadcast %reduce_sum3A_1488 : i1 to vector<16xi1>
      %reduce_sum3A_1490 = tpu.scan <sum>, %select_n3A_1487 masked %reduce_sum3A_1489 : vector<16xi32>, vector<16xi1> -> vector<16xi32>
      %reduce_sum3A_1491 = vector.extract %reduce_sum3A_1490[15] : i32 from vector<16xi32>
      %eq3A_1492 = arith.constant 13 : i32
      %eq3A_1493 = vector.broadcast %eq3A_1492 : i32 to vector<16xi32>
      %eq3A_1494 = arith.cmpi eq, %iota3A, %eq3A_1493 : vector<16xi32>
      %jit3A_1495 = arith.constant 0 : i32
      %broadcast_in_dim3A_1496 = vector.broadcast %jit3A_1495 : i32 to vector<16xi32>
      %select_n3A_1497 = arith.select %eq3A_1494, %shift_right_logical3A_728, %broadcast_in_dim3A_1496 : vector<16xi1>, vector<16xi32>
      %reduce_sum3A_1498 = arith.constant true
      %reduce_sum3A_1499 = vector.broadcast %reduce_sum3A_1498 : i1 to vector<16xi1>
      %reduce_sum3A_1500 = tpu.scan <sum>, %select_n3A_1497 masked %reduce_sum3A_1499 : vector<16xi32>, vector<16xi1> -> vector<16xi32>
      %reduce_sum3A_1501 = vector.extract %reduce_sum3A_1500[15] : i32 from vector<16xi32>
      %eq3A_1502 = arith.constant 13 : i32
      %eq3A_1503 = vector.broadcast %eq3A_1502 : i32 to vector<16xi32>
      %eq3A_1504 = arith.cmpi eq, %iota3A, %eq3A_1503 : vector<16xi32>
      %jit3A_1505 = arith.constant 0 : i32
      %broadcast_in_dim3A_1506 = vector.broadcast %jit3A_1505 : i32 to vector<16xi32>
      %select_n3A_1507 = arith.select %eq3A_1504, %shift_right_logical3A_731, %broadcast_in_dim3A_1506 : vector<16xi1>, vector<16xi32>
      %reduce_sum3A_1508 = arith.constant true
      %reduce_sum3A_1509 = vector.broadcast %reduce_sum3A_1508 : i1 to vector<16xi1>
      %reduce_sum3A_1510 = tpu.scan <sum>, %select_n3A_1507 masked %reduce_sum3A_1509 : vector<16xi32>, vector<16xi1> -> vector<16xi32>
      %reduce_sum3A_1511 = vector.extract %reduce_sum3A_1510[15] : i32 from vector<16xi32>
      %dma_wait3A_1512 = arith.constant 5 : i32
      %dma_wait3A_1513 = arith.constant 0 : i32
      %dma_wait3A_1514 = arith.constant 0 : i32
      %dma_wait3A_1515 = tpu.memref_slice %arg10[%dma_wait3A_1512, %dma_wait3A_1513, %dma_wait3A_1514] : memref<8x32x128xf32, #tpu.memory_space<vmem>> -> memref<1x32x128xf32, #tpu.memory_space<vmem>>
      %dma_wait3A_1516 = tpu.memref_squeeze %dma_wait3A_1515 : memref<1x32x128xf32, #tpu.memory_space<vmem>> -> memref<32x128xf32, #tpu.memory_space<vmem>>
      %dma_wait3A_1517 = arith.constant 0 : i32
      %dma_wait3A_1518 = arith.constant 0 : i32
      %dma_wait3A_1519 = tpu.memref_slice %arg4[%dma_wait3A_1517, %dma_wait3A_1518] : memref<32x1000000xf32, #tpu.memory_space<hbm>> -> memref<32x128xf32, #tpu.memory_space<hbm>>
      %dma_wait3A_1520 = arith.constant 0 : i32
      %dma_wait3A_1521 = arith.constant 0 : i32
      %dma_wait3A_1522 = tpu.memref_slice %arg10[%dma_wait3A_1512, %dma_wait3A_1520, %dma_wait3A_1521] : memref<8x32x128xf32, #tpu.memory_space<vmem>> -> memref<1x32x128xf32, #tpu.memory_space<vmem>>
      %dma_wait3A_1523 = tpu.memref_squeeze %dma_wait3A_1522 : memref<1x32x128xf32, #tpu.memory_space<vmem>> -> memref<32x128xf32, #tpu.memory_space<vmem>>
      %dma_wait3A_1524 = arith.constant 0 : i32
      %dma_wait3A_1525 = arith.constant 0 : i32
      %dma_wait3A_1526 = tpu.memref_slice %arg4[%dma_wait3A_1524, %dma_wait3A_1525] : memref<32x1000000xf32, #tpu.memory_space<hbm>> -> memref<32x128xf32, #tpu.memory_space<hbm>>
      tpu.wait_dma2 semaphore(%arg20 : memref<!tpu.dma_semaphore, #tpu.memory_space<semaphore_mem>>) src(%dma_wait3A_1526 : memref<32x128xf32, #tpu.memory_space<hbm>>) dst(%dma_wait3A_1523 : memref<32x128xf32, #tpu.memory_space<vmem>>)
      %dma_wait3A_1527 = arith.constant 5 : i32
      %dma_wait3A_1528 = arith.constant 0 : i32
      %dma_wait3A_1529 = arith.constant 0 : i32
      %dma_wait3A_1530 = tpu.memref_slice %arg11[%dma_wait3A_1527, %dma_wait3A_1528, %dma_wait3A_1529] : memref<8x32x128xf32, #tpu.memory_space<vmem>> -> memref<1x32x128xf32, #tpu.memory_space<vmem>>
      %dma_wait3A_1531 = tpu.memref_squeeze %dma_wait3A_1530 : memref<1x32x128xf32, #tpu.memory_space<vmem>> -> memref<32x128xf32, #tpu.memory_space<vmem>>
      %dma_wait3A_1532 = arith.constant 0 : i32
      %dma_wait3A_1533 = arith.constant 0 : i32
      %dma_wait3A_1534 = tpu.memref_slice %arg4[%dma_wait3A_1532, %dma_wait3A_1533] : memref<32x1000000xf32, #tpu.memory_space<hbm>> -> memref<32x128xf32, #tpu.memory_space<hbm>>
      %dma_wait3A_1535 = arith.constant 0 : i32
      %dma_wait3A_1536 = arith.constant 0 : i32
      %dma_wait3A_1537 = tpu.memref_slice %arg11[%dma_wait3A_1527, %dma_wait3A_1535, %dma_wait3A_1536] : memref<8x32x128xf32, #tpu.memory_space<vmem>> -> memref<1x32x128xf32, #tpu.memory_space<vmem>>
      %dma_wait3A_1538 = tpu.memref_squeeze %dma_wait3A_1537 : memref<1x32x128xf32, #tpu.memory_space<vmem>> -> memref<32x128xf32, #tpu.memory_space<vmem>>
      %dma_wait3A_1539 = arith.constant 0 : i32
      %dma_wait3A_1540 = arith.constant 0 : i32
      %dma_wait3A_1541 = tpu.memref_slice %arg4[%dma_wait3A_1539, %dma_wait3A_1540] : memref<32x1000000xf32, #tpu.memory_space<hbm>> -> memref<32x128xf32, #tpu.memory_space<hbm>>
      tpu.wait_dma2 semaphore(%arg20 : memref<!tpu.dma_semaphore, #tpu.memory_space<semaphore_mem>>) src(%dma_wait3A_1541 : memref<32x128xf32, #tpu.memory_space<hbm>>) dst(%dma_wait3A_1538 : memref<32x128xf32, #tpu.memory_space<vmem>>)
      %add3A_1542 = vector.broadcast %reduce_sum3A_1481 : i32 to vector<16xi32>
      %add3A_1543 = arith.addi %broadcast_in_dim3A_3, %add3A_1542 : vector<16xi32>
      %add3A_1544 = vector.broadcast %reduce_sum3A_1491 : i32 to vector<16xi32>
      %add3A_1545 = arith.addi %broadcast_in_dim3A_3, %add3A_1544 : vector<16xi32>
      %gather3A_1546 = arith.constant 5 : i32
      %gather3A_1547 = arith.constant 0 : i32
      %gather3A_1548 = arith.constant 0 : i32
      %gather3A_1549 = tpu.memref_slice %arg10[%gather3A_1546, %gather3A_1547, %gather3A_1548] : memref<8x32x128xf32, #tpu.memory_space<vmem>> -> memref<1x32x128xf32, #tpu.memory_space<vmem>>
      %gather3A_1550 = tpu.memref_squeeze %gather3A_1549 : memref<1x32x128xf32, #tpu.memory_space<vmem>> -> memref<32x128xf32, #tpu.memory_space<vmem>>
      %gather3A_1551 = tpu.vector_load_idx %gather3A_1550[%iota3A, %add3A_1543] : memref<32x128xf32, #tpu.memory_space<vmem>>[vector<16xi32>, vector<16xi32>], vector<16xf32>,
      %add3A_1552 = arith.constant 16 : i32
      %add3A_1553 = vector.broadcast %add3A_1552 : i32 to vector<16xi32>
      %add3A_1554 = arith.addi %iota3A, %add3A_1553 : vector<16xi32>
      %gather3A_1555 = arith.constant 5 : i32
      %gather3A_1556 = arith.constant 0 : i32
      %gather3A_1557 = arith.constant 0 : i32
      %gather3A_1558 = tpu.memref_slice %arg10[%gather3A_1555, %gather3A_1556, %gather3A_1557] : memref<8x32x128xf32, #tpu.memory_space<vmem>> -> memref<1x32x128xf32, #tpu.memory_space<vmem>>
      %gather3A_1559 = tpu.memref_squeeze %gather3A_1558 : memref<1x32x128xf32, #tpu.memory_space<vmem>> -> memref<32x128xf32, #tpu.memory_space<vmem>>
      %gather3A_1560 = tpu.vector_load_idx %gather3A_1559[%add3A_1554, %add3A_1543] : memref<32x128xf32, #tpu.memory_space<vmem>>[vector<16xi32>, vector<16xi32>], vector<16xf32>,
      %gather3A_1561 = arith.constant 5 : i32
      %gather3A_1562 = arith.constant 0 : i32
      %gather3A_1563 = arith.constant 0 : i32
      %gather3A_1564 = tpu.memref_slice %arg11[%gather3A_1561, %gather3A_1562, %gather3A_1563] : memref<8x32x128xf32, #tpu.memory_space<vmem>> -> memref<1x32x128xf32, #tpu.memory_space<vmem>>
      %gather3A_1565 = tpu.memref_squeeze %gather3A_1564 : memref<1x32x128xf32, #tpu.memory_space<vmem>> -> memref<32x128xf32, #tpu.memory_space<vmem>>
      %gather3A_1566 = tpu.vector_load_idx %gather3A_1565[%iota3A, %add3A_1545] : memref<32x128xf32, #tpu.memory_space<vmem>>[vector<16xi32>, vector<16xi32>], vector<16xf32>,
      %add3A_1567 = arith.constant 16 : i32
      %add3A_1568 = vector.broadcast %add3A_1567 : i32 to vector<16xi32>
      %add3A_1569 = arith.addi %iota3A, %add3A_1568 : vector<16xi32>
      %gather3A_1570 = arith.constant 5 : i32
      %gather3A_1571 = arith.constant 0 : i32
      %gather3A_1572 = arith.constant 0 : i32
      %gather3A_1573 = tpu.memref_slice %arg11[%gather3A_1570, %gather3A_1571, %gather3A_1572] : memref<8x32x128xf32, #tpu.memory_space<vmem>> -> memref<1x32x128xf32, #tpu.memory_space<vmem>>
      %gather3A_1574 = tpu.memref_squeeze %gather3A_1573 : memref<1x32x128xf32, #tpu.memory_space<vmem>> -> memref<32x128xf32, #tpu.memory_space<vmem>>
      %gather3A_1575 = tpu.vector_load_idx %gather3A_1574[%add3A_1569, %add3A_1545] : memref<32x128xf32, #tpu.memory_space<vmem>>[vector<16xi32>, vector<16xi32>], vector<16xf32>,
      %mul3A_1576 = arith.mulf %gather3A_1551, %gather3A_1566 : vector<16xf32>
      %mul3A_1577 = arith.mulf %mul3A_1576, %gather3A : vector<16xf32>
      %mul3A_1578 = arith.mulf %gather3A_1560, %gather3A_1575 : vector<16xf32>
      %mul3A_1579 = arith.mulf %mul3A_1578, %gather3A_7 : vector<16xf32>
      %add3A_1580 = arith.addf %mul3A_1577, %mul3A_1579 : vector<16xf32>
      %swap3A_1581 = arith.constant 5 : i32
      %swap3A_1582 = arith.index_cast %swap3A_1581 : i32 to index
      %swap3A_1583 = arith.constant 0 : index
      %swap3A_1584 = tpu.vector_load %arg12[%swap3A_1582, %swap3A_1583] {strides = array<i32>} : memref<16x16xf32, #tpu.memory_space<vmem>>, vector<16xf32>,
      tpu.vector_store %arg12[%swap3A_1582, %swap3A_1583], %add3A_1580 {strides = array<i32>} : memref<16x16xf32, #tpu.memory_space<vmem>>, vector<16xf32>,
      %mul3A_1585 = arith.constant 128 : i32
      %mul3A_1586 = arith.muli %reduce_sum3A_1501, %mul3A_1585 : i32
      %multiple_of3A_1587 = tpu.assume_multiple %mul3A_1586, 128 : i32
      %mul3A_1588 = arith.constant 128 : i32
      %mul3A_1589 = arith.muli %reduce_sum3A_1511, %mul3A_1588 : i32
      %multiple_of3A_1590 = tpu.assume_multiple %mul3A_1589, 128 : i32
      %dma_start3A_1591 = arith.constant 5 : i32
      %dma_start3A_1592 = arith.constant 0 : i32
      %dma_start3A_1593 = arith.constant 0 : i32
      %dma_start3A_1594 = tpu.memref_slice %arg10[%dma_start3A_1591, %dma_start3A_1592, %dma_start3A_1593] : memref<8x32x128xf32, #tpu.memory_space<vmem>> -> memref<1x32x128xf32, #tpu.memory_space<vmem>>
      %dma_start3A_1595 = tpu.memref_squeeze %dma_start3A_1594 : memref<1x32x128xf32, #tpu.memory_space<vmem>> -> memref<32x128xf32, #tpu.memory_space<vmem>>
      %dma_start3A_1596 = arith.constant 0 : i32
      %dma_start3A_1597 = tpu.memref_slice %arg4[%dma_start3A_1596, %multiple_of3A_1587] : memref<32x1000000xf32, #tpu.memory_space<hbm>> -> memref<32x128xf32, #tpu.memory_space<hbm>>
      %dma_start3A_1598 = arith.constant 0 : i32
      %dma_start3A_1599 = arith.constant 0 : i32
      %dma_start3A_1600 = tpu.memref_slice %arg10[%dma_start3A_1591, %dma_start3A_1598, %dma_start3A_1599] : memref<8x32x128xf32, #tpu.memory_space<vmem>> -> memref<1x32x128xf32, #tpu.memory_space<vmem>>
      %dma_start3A_1601 = tpu.memref_squeeze %dma_start3A_1600 : memref<1x32x128xf32, #tpu.memory_space<vmem>> -> memref<32x128xf32, #tpu.memory_space<vmem>>
      %dma_start3A_1602 = arith.constant 0 : i32
      %dma_start3A_1603 = tpu.memref_slice %arg4[%dma_start3A_1602, %multiple_of3A_1587] : memref<32x1000000xf32, #tpu.memory_space<hbm>> -> memref<32x128xf32, #tpu.memory_space<hbm>>
      tpu.enqueue_dma source(%dma_start3A_1603 : memref<32x128xf32, #tpu.memory_space<hbm>>) target(%dma_start3A_1601 : memref<32x128xf32, #tpu.memory_space<vmem>>) target_semaphore(%arg20 : memref<!tpu.dma_semaphore, #tpu.memory_space<semaphore_mem>>)
      %dma_start3A_1604 = arith.constant 5 : i32
      %dma_start3A_1605 = arith.constant 0 : i32
      %dma_start3A_1606 = arith.constant 0 : i32
      %dma_start3A_1607 = tpu.memref_slice %arg11[%dma_start3A_1604, %dma_start3A_1605, %dma_start3A_1606] : memref<8x32x128xf32, #tpu.memory_space<vmem>> -> memref<1x32x128xf32, #tpu.memory_space<vmem>>
      %dma_start3A_1608 = tpu.memref_squeeze %dma_start3A_1607 : memref<1x32x128xf32, #tpu.memory_space<vmem>> -> memref<32x128xf32, #tpu.memory_space<vmem>>
      %dma_start3A_1609 = arith.constant 0 : i32
      %dma_start3A_1610 = tpu.memref_slice %arg5[%dma_start3A_1609, %multiple_of3A_1590] : memref<32x1000000xf32, #tpu.memory_space<hbm>> -> memref<32x128xf32, #tpu.memory_space<hbm>>
      %dma_start3A_1611 = arith.constant 0 : i32
      %dma_start3A_1612 = arith.constant 0 : i32
      %dma_start3A_1613 = tpu.memref_slice %arg11[%dma_start3A_1604, %dma_start3A_1611, %dma_start3A_1612] : memref<8x32x128xf32, #tpu.memory_space<vmem>> -> memref<1x32x128xf32, #tpu.memory_space<vmem>>
      %dma_start3A_1614 = tpu.memref_squeeze %dma_start3A_1613 : memref<1x32x128xf32, #tpu.memory_space<vmem>> -> memref<32x128xf32, #tpu.memory_space<vmem>>
      %dma_start3A_1615 = arith.constant 0 : i32
      %dma_start3A_1616 = tpu.memref_slice %arg5[%dma_start3A_1615, %multiple_of3A_1590] : memref<32x1000000xf32, #tpu.memory_space<hbm>> -> memref<32x128xf32, #tpu.memory_space<hbm>>
      tpu.enqueue_dma source(%dma_start3A_1616 : memref<32x128xf32, #tpu.memory_space<hbm>>) target(%dma_start3A_1614 : memref<32x128xf32, #tpu.memory_space<vmem>>) target_semaphore(%arg20 : memref<!tpu.dma_semaphore, #tpu.memory_space<semaphore_mem>>)
      %eq3A_1617 = arith.constant 6 : i32
      %eq3A_1618 = vector.broadcast %eq3A_1617 : i32 to vector<16xi32>
      %eq3A_1619 = arith.cmpi eq, %iota3A, %eq3A_1618 : vector<16xi32>
      %jit3A_1620 = arith.constant 0 : i32
      %broadcast_in_dim3A_1621 = vector.broadcast %jit3A_1620 : i32 to vector<16xi32>
      %select_n3A_1622 = arith.select %eq3A_1619, %and3A_722, %broadcast_in_dim3A_1621 : vector<16xi1>, vector<16xi32>
      %reduce_sum3A_1623 = arith.constant true
      %reduce_sum3A_1624 = vector.broadcast %reduce_sum3A_1623 : i1 to vector<16xi1>
      %reduce_sum3A_1625 = tpu.scan <sum>, %select_n3A_1622 masked %reduce_sum3A_1624 : vector<16xi32>, vector<16xi1> -> vector<16xi32>
      %reduce_sum3A_1626 = vector.extract %reduce_sum3A_1625[15] : i32 from vector<16xi32>
      %eq3A_1627 = arith.constant 6 : i32
      %eq3A_1628 = vector.broadcast %eq3A_1627 : i32 to vector<16xi32>
      %eq3A_1629 = arith.cmpi eq, %iota3A, %eq3A_1628 : vector<16xi32>
      %jit3A_1630 = arith.constant 0 : i32
      %broadcast_in_dim3A_1631 = vector.broadcast %jit3A_1630 : i32 to vector<16xi32>
      %select_n3A_1632 = arith.select %eq3A_1629, %and3A_725, %broadcast_in_dim3A_1631 : vector<16xi1>, vector<16xi32>
      %reduce_sum3A_1633 = arith.constant true
      %reduce_sum3A_1634 = vector.broadcast %reduce_sum3A_1633 : i1 to vector<16xi1>
      %reduce_sum3A_1635 = tpu.scan <sum>, %select_n3A_1632 masked %reduce_sum3A_1634 : vector<16xi32>, vector<16xi1> -> vector<16xi32>
      %reduce_sum3A_1636 = vector.extract %reduce_sum3A_1635[15] : i32 from vector<16xi32>
      %eq3A_1637 = arith.constant 14 : i32
      %eq3A_1638 = vector.broadcast %eq3A_1637 : i32 to vector<16xi32>
      %eq3A_1639 = arith.cmpi eq, %iota3A, %eq3A_1638 : vector<16xi32>
      %jit3A_1640 = arith.constant 0 : i32
      %broadcast_in_dim3A_1641 = vector.broadcast %jit3A_1640 : i32 to vector<16xi32>
      %select_n3A_1642 = arith.select %eq3A_1639, %shift_right_logical3A_728, %broadcast_in_dim3A_1641 : vector<16xi1>, vector<16xi32>
      %reduce_sum3A_1643 = arith.constant true
      %reduce_sum3A_1644 = vector.broadcast %reduce_sum3A_1643 : i1 to vector<16xi1>
      %reduce_sum3A_1645 = tpu.scan <sum>, %select_n3A_1642 masked %reduce_sum3A_1644 : vector<16xi32>, vector<16xi1> -> vector<16xi32>
      %reduce_sum3A_1646 = vector.extract %reduce_sum3A_1645[15] : i32 from vector<16xi32>
      %eq3A_1647 = arith.constant 14 : i32
      %eq3A_1648 = vector.broadcast %eq3A_1647 : i32 to vector<16xi32>
      %eq3A_1649 = arith.cmpi eq, %iota3A, %eq3A_1648 : vector<16xi32>
      %jit3A_1650 = arith.constant 0 : i32
      %broadcast_in_dim3A_1651 = vector.broadcast %jit3A_1650 : i32 to vector<16xi32>
      %select_n3A_1652 = arith.select %eq3A_1649, %shift_right_logical3A_731, %broadcast_in_dim3A_1651 : vector<16xi1>, vector<16xi32>
      %reduce_sum3A_1653 = arith.constant true
      %reduce_sum3A_1654 = vector.broadcast %reduce_sum3A_1653 : i1 to vector<16xi1>
      %reduce_sum3A_1655 = tpu.scan <sum>, %select_n3A_1652 masked %reduce_sum3A_1654 : vector<16xi32>, vector<16xi1> -> vector<16xi32>
      %reduce_sum3A_1656 = vector.extract %reduce_sum3A_1655[15] : i32 from vector<16xi32>
      %dma_wait3A_1657 = arith.constant 6 : i32
      %dma_wait3A_1658 = arith.constant 0 : i32
      %dma_wait3A_1659 = arith.constant 0 : i32
      %dma_wait3A_1660 = tpu.memref_slice %arg10[%dma_wait3A_1657, %dma_wait3A_1658, %dma_wait3A_1659] : memref<8x32x128xf32, #tpu.memory_space<vmem>> -> memref<1x32x128xf32, #tpu.memory_space<vmem>>
      %dma_wait3A_1661 = tpu.memref_squeeze %dma_wait3A_1660 : memref<1x32x128xf32, #tpu.memory_space<vmem>> -> memref<32x128xf32, #tpu.memory_space<vmem>>
      %dma_wait3A_1662 = arith.constant 0 : i32
      %dma_wait3A_1663 = arith.constant 0 : i32
      %dma_wait3A_1664 = tpu.memref_slice %arg4[%dma_wait3A_1662, %dma_wait3A_1663] : memref<32x1000000xf32, #tpu.memory_space<hbm>> -> memref<32x128xf32, #tpu.memory_space<hbm>>
      %dma_wait3A_1665 = arith.constant 0 : i32
      %dma_wait3A_1666 = arith.constant 0 : i32
      %dma_wait3A_1667 = tpu.memref_slice %arg10[%dma_wait3A_1657, %dma_wait3A_1665, %dma_wait3A_1666] : memref<8x32x128xf32, #tpu.memory_space<vmem>> -> memref<1x32x128xf32, #tpu.memory_space<vmem>>
      %dma_wait3A_1668 = tpu.memref_squeeze %dma_wait3A_1667 : memref<1x32x128xf32, #tpu.memory_space<vmem>> -> memref<32x128xf32, #tpu.memory_space<vmem>>
      %dma_wait3A_1669 = arith.constant 0 : i32
      %dma_wait3A_1670 = arith.constant 0 : i32
      %dma_wait3A_1671 = tpu.memref_slice %arg4[%dma_wait3A_1669, %dma_wait3A_1670] : memref<32x1000000xf32, #tpu.memory_space<hbm>> -> memref<32x128xf32, #tpu.memory_space<hbm>>
      tpu.wait_dma2 semaphore(%arg21 : memref<!tpu.dma_semaphore, #tpu.memory_space<semaphore_mem>>) src(%dma_wait3A_1671 : memref<32x128xf32, #tpu.memory_space<hbm>>) dst(%dma_wait3A_1668 : memref<32x128xf32, #tpu.memory_space<vmem>>)
      %dma_wait3A_1672 = arith.constant 6 : i32
      %dma_wait3A_1673 = arith.constant 0 : i32
      %dma_wait3A_1674 = arith.constant 0 : i32
      %dma_wait3A_1675 = tpu.memref_slice %arg11[%dma_wait3A_1672, %dma_wait3A_1673, %dma_wait3A_1674] : memref<8x32x128xf32, #tpu.memory_space<vmem>> -> memref<1x32x128xf32, #tpu.memory_space<vmem>>
      %dma_wait3A_1676 = tpu.memref_squeeze %dma_wait3A_1675 : memref<1x32x128xf32, #tpu.memory_space<vmem>> -> memref<32x128xf32, #tpu.memory_space<vmem>>
      %dma_wait3A_1677 = arith.constant 0 : i32
      %dma_wait3A_1678 = arith.constant 0 : i32
      %dma_wait3A_1679 = tpu.memref_slice %arg4[%dma_wait3A_1677, %dma_wait3A_1678] : memref<32x1000000xf32, #tpu.memory_space<hbm>> -> memref<32x128xf32, #tpu.memory_space<hbm>>
      %dma_wait3A_1680 = arith.constant 0 : i32
      %dma_wait3A_1681 = arith.constant 0 : i32
      %dma_wait3A_1682 = tpu.memref_slice %arg11[%dma_wait3A_1672, %dma_wait3A_1680, %dma_wait3A_1681] : memref<8x32x128xf32, #tpu.memory_space<vmem>> -> memref<1x32x128xf32, #tpu.memory_space<vmem>>
      %dma_wait3A_1683 = tpu.memref_squeeze %dma_wait3A_1682 : memref<1x32x128xf32, #tpu.memory_space<vmem>> -> memref<32x128xf32, #tpu.memory_space<vmem>>
      %dma_wait3A_1684 = arith.constant 0 : i32
      %dma_wait3A_1685 = arith.constant 0 : i32
      %dma_wait3A_1686 = tpu.memref_slice %arg4[%dma_wait3A_1684, %dma_wait3A_1685] : memref<32x1000000xf32, #tpu.memory_space<hbm>> -> memref<32x128xf32, #tpu.memory_space<hbm>>
      tpu.wait_dma2 semaphore(%arg21 : memref<!tpu.dma_semaphore, #tpu.memory_space<semaphore_mem>>) src(%dma_wait3A_1686 : memref<32x128xf32, #tpu.memory_space<hbm>>) dst(%dma_wait3A_1683 : memref<32x128xf32, #tpu.memory_space<vmem>>)
      %add3A_1687 = vector.broadcast %reduce_sum3A_1626 : i32 to vector<16xi32>
      %add3A_1688 = arith.addi %broadcast_in_dim3A_3, %add3A_1687 : vector<16xi32>
      %add3A_1689 = vector.broadcast %reduce_sum3A_1636 : i32 to vector<16xi32>
      %add3A_1690 = arith.addi %broadcast_in_dim3A_3, %add3A_1689 : vector<16xi32>
      %gather3A_1691 = arith.constant 6 : i32
      %gather3A_1692 = arith.constant 0 : i32
      %gather3A_1693 = arith.constant 0 : i32
      %gather3A_1694 = tpu.memref_slice %arg10[%gather3A_1691, %gather3A_1692, %gather3A_1693] : memref<8x32x128xf32, #tpu.memory_space<vmem>> -> memref<1x32x128xf32, #tpu.memory_space<vmem>>
      %gather3A_1695 = tpu.memref_squeeze %gather3A_1694 : memref<1x32x128xf32, #tpu.memory_space<vmem>> -> memref<32x128xf32, #tpu.memory_space<vmem>>
      %gather3A_1696 = tpu.vector_load_idx %gather3A_1695[%iota3A, %add3A_1688] : memref<32x128xf32, #tpu.memory_space<vmem>>[vector<16xi32>, vector<16xi32>], vector<16xf32>,
      %add3A_1697 = arith.constant 16 : i32
      %add3A_1698 = vector.broadcast %add3A_1697 : i32 to vector<16xi32>
      %add3A_1699 = arith.addi %iota3A, %add3A_1698 : vector<16xi32>
      %gather3A_1700 = arith.constant 6 : i32
      %gather3A_1701 = arith.constant 0 : i32
      %gather3A_1702 = arith.constant 0 : i32
      %gather3A_1703 = tpu.memref_slice %arg10[%gather3A_1700, %gather3A_1701, %gather3A_1702] : memref<8x32x128xf32, #tpu.memory_space<vmem>> -> memref<1x32x128xf32, #tpu.memory_space<vmem>>
      %gather3A_1704 = tpu.memref_squeeze %gather3A_1703 : memref<1x32x128xf32, #tpu.memory_space<vmem>> -> memref<32x128xf32, #tpu.memory_space<vmem>>
      %gather3A_1705 = tpu.vector_load_idx %gather3A_1704[%add3A_1699, %add3A_1688] : memref<32x128xf32, #tpu.memory_space<vmem>>[vector<16xi32>, vector<16xi32>], vector<16xf32>,
      %gather3A_1706 = arith.constant 6 : i32
      %gather3A_1707 = arith.constant 0 : i32
      %gather3A_1708 = arith.constant 0 : i32
      %gather3A_1709 = tpu.memref_slice %arg11[%gather3A_1706, %gather3A_1707, %gather3A_1708] : memref<8x32x128xf32, #tpu.memory_space<vmem>> -> memref<1x32x128xf32, #tpu.memory_space<vmem>>
      %gather3A_1710 = tpu.memref_squeeze %gather3A_1709 : memref<1x32x128xf32, #tpu.memory_space<vmem>> -> memref<32x128xf32, #tpu.memory_space<vmem>>
      %gather3A_1711 = tpu.vector_load_idx %gather3A_1710[%iota3A, %add3A_1690] : memref<32x128xf32, #tpu.memory_space<vmem>>[vector<16xi32>, vector<16xi32>], vector<16xf32>,
      %add3A_1712 = arith.constant 16 : i32
      %add3A_1713 = vector.broadcast %add3A_1712 : i32 to vector<16xi32>
      %add3A_1714 = arith.addi %iota3A, %add3A_1713 : vector<16xi32>
      %gather3A_1715 = arith.constant 6 : i32
      %gather3A_1716 = arith.constant 0 : i32
      %gather3A_1717 = arith.constant 0 : i32
      %gather3A_1718 = tpu.memref_slice %arg11[%gather3A_1715, %gather3A_1716, %gather3A_1717] : memref<8x32x128xf32, #tpu.memory_space<vmem>> -> memref<1x32x128xf32, #tpu.memory_space<vmem>>
      %gather3A_1719 = tpu.memref_squeeze %gather3A_1718 : memref<1x32x128xf32, #tpu.memory_space<vmem>> -> memref<32x128xf32, #tpu.memory_space<vmem>>
      %gather3A_1720 = tpu.vector_load_idx %gather3A_1719[%add3A_1714, %add3A_1690] : memref<32x128xf32, #tpu.memory_space<vmem>>[vector<16xi32>, vector<16xi32>], vector<16xf32>,
      %mul3A_1721 = arith.mulf %gather3A_1696, %gather3A_1711 : vector<16xf32>
      %mul3A_1722 = arith.mulf %mul3A_1721, %gather3A : vector<16xf32>
      %mul3A_1723 = arith.mulf %gather3A_1705, %gather3A_1720 : vector<16xf32>
      %mul3A_1724 = arith.mulf %mul3A_1723, %gather3A_7 : vector<16xf32>
      %add3A_1725 = arith.addf %mul3A_1722, %mul3A_1724 : vector<16xf32>
      %swap3A_1726 = arith.constant 6 : i32
      %swap3A_1727 = arith.index_cast %swap3A_1726 : i32 to index
      %swap3A_1728 = arith.constant 0 : index
      %swap3A_1729 = tpu.vector_load %arg12[%swap3A_1727, %swap3A_1728] {strides = array<i32>} : memref<16x16xf32, #tpu.memory_space<vmem>>, vector<16xf32>,
      tpu.vector_store %arg12[%swap3A_1727, %swap3A_1728], %add3A_1725 {strides = array<i32>} : memref<16x16xf32, #tpu.memory_space<vmem>>, vector<16xf32>,
      %mul3A_1730 = arith.constant 128 : i32
      %mul3A_1731 = arith.muli %reduce_sum3A_1646, %mul3A_1730 : i32
      %multiple_of3A_1732 = tpu.assume_multiple %mul3A_1731, 128 : i32
      %mul3A_1733 = arith.constant 128 : i32
      %mul3A_1734 = arith.muli %reduce_sum3A_1656, %mul3A_1733 : i32
      %multiple_of3A_1735 = tpu.assume_multiple %mul3A_1734, 128 : i32
      %dma_start3A_1736 = arith.constant 6 : i32
      %dma_start3A_1737 = arith.constant 0 : i32
      %dma_start3A_1738 = arith.constant 0 : i32
      %dma_start3A_1739 = tpu.memref_slice %arg10[%dma_start3A_1736, %dma_start3A_1737, %dma_start3A_1738] : memref<8x32x128xf32, #tpu.memory_space<vmem>> -> memref<1x32x128xf32, #tpu.memory_space<vmem>>
      %dma_start3A_1740 = tpu.memref_squeeze %dma_start3A_1739 : memref<1x32x128xf32, #tpu.memory_space<vmem>> -> memref<32x128xf32, #tpu.memory_space<vmem>>
      %dma_start3A_1741 = arith.constant 0 : i32
      %dma_start3A_1742 = tpu.memref_slice %arg4[%dma_start3A_1741, %multiple_of3A_1732] : memref<32x1000000xf32, #tpu.memory_space<hbm>> -> memref<32x128xf32, #tpu.memory_space<hbm>>
      %dma_start3A_1743 = arith.constant 0 : i32
      %dma_start3A_1744 = arith.constant 0 : i32
      %dma_start3A_1745 = tpu.memref_slice %arg10[%dma_start3A_1736, %dma_start3A_1743, %dma_start3A_1744] : memref<8x32x128xf32, #tpu.memory_space<vmem>> -> memref<1x32x128xf32, #tpu.memory_space<vmem>>
      %dma_start3A_1746 = tpu.memref_squeeze %dma_start3A_1745 : memref<1x32x128xf32, #tpu.memory_space<vmem>> -> memref<32x128xf32, #tpu.memory_space<vmem>>
      %dma_start3A_1747 = arith.constant 0 : i32
      %dma_start3A_1748 = tpu.memref_slice %arg4[%dma_start3A_1747, %multiple_of3A_1732] : memref<32x1000000xf32, #tpu.memory_space<hbm>> -> memref<32x128xf32, #tpu.memory_space<hbm>>
      tpu.enqueue_dma source(%dma_start3A_1748 : memref<32x128xf32, #tpu.memory_space<hbm>>) target(%dma_start3A_1746 : memref<32x128xf32, #tpu.memory_space<vmem>>) target_semaphore(%arg21 : memref<!tpu.dma_semaphore, #tpu.memory_space<semaphore_mem>>)
      %dma_start3A_1749 = arith.constant 6 : i32
      %dma_start3A_1750 = arith.constant 0 : i32
      %dma_start3A_1751 = arith.constant 0 : i32
      %dma_start3A_1752 = tpu.memref_slice %arg11[%dma_start3A_1749, %dma_start3A_1750, %dma_start3A_1751] : memref<8x32x128xf32, #tpu.memory_space<vmem>> -> memref<1x32x128xf32, #tpu.memory_space<vmem>>
      %dma_start3A_1753 = tpu.memref_squeeze %dma_start3A_1752 : memref<1x32x128xf32, #tpu.memory_space<vmem>> -> memref<32x128xf32, #tpu.memory_space<vmem>>
      %dma_start3A_1754 = arith.constant 0 : i32
      %dma_start3A_1755 = tpu.memref_slice %arg5[%dma_start3A_1754, %multiple_of3A_1735] : memref<32x1000000xf32, #tpu.memory_space<hbm>> -> memref<32x128xf32, #tpu.memory_space<hbm>>
      %dma_start3A_1756 = arith.constant 0 : i32
      %dma_start3A_1757 = arith.constant 0 : i32
      %dma_start3A_1758 = tpu.memref_slice %arg11[%dma_start3A_1749, %dma_start3A_1756, %dma_start3A_1757] : memref<8x32x128xf32, #tpu.memory_space<vmem>> -> memref<1x32x128xf32, #tpu.memory_space<vmem>>
      %dma_start3A_1759 = tpu.memref_squeeze %dma_start3A_1758 : memref<1x32x128xf32, #tpu.memory_space<vmem>> -> memref<32x128xf32, #tpu.memory_space<vmem>>
      %dma_start3A_1760 = arith.constant 0 : i32
      %dma_start3A_1761 = tpu.memref_slice %arg5[%dma_start3A_1760, %multiple_of3A_1735] : memref<32x1000000xf32, #tpu.memory_space<hbm>> -> memref<32x128xf32, #tpu.memory_space<hbm>>
      tpu.enqueue_dma source(%dma_start3A_1761 : memref<32x128xf32, #tpu.memory_space<hbm>>) target(%dma_start3A_1759 : memref<32x128xf32, #tpu.memory_space<vmem>>) target_semaphore(%arg21 : memref<!tpu.dma_semaphore, #tpu.memory_space<semaphore_mem>>)
      %eq3A_1762 = arith.constant 7 : i32
      %eq3A_1763 = vector.broadcast %eq3A_1762 : i32 to vector<16xi32>
      %eq3A_1764 = arith.cmpi eq, %iota3A, %eq3A_1763 : vector<16xi32>
      %jit3A_1765 = arith.constant 0 : i32
      %broadcast_in_dim3A_1766 = vector.broadcast %jit3A_1765 : i32 to vector<16xi32>
      %select_n3A_1767 = arith.select %eq3A_1764, %and3A_722, %broadcast_in_dim3A_1766 : vector<16xi1>, vector<16xi32>
      %reduce_sum3A_1768 = arith.constant true
      %reduce_sum3A_1769 = vector.broadcast %reduce_sum3A_1768 : i1 to vector<16xi1>
      %reduce_sum3A_1770 = tpu.scan <sum>, %select_n3A_1767 masked %reduce_sum3A_1769 : vector<16xi32>, vector<16xi1> -> vector<16xi32>
      %reduce_sum3A_1771 = vector.extract %reduce_sum3A_1770[15] : i32 from vector<16xi32>
      %eq3A_1772 = arith.constant 7 : i32
      %eq3A_1773 = vector.broadcast %eq3A_1772 : i32 to vector<16xi32>
      %eq3A_1774 = arith.cmpi eq, %iota3A, %eq3A_1773 : vector<16xi32>
      %jit3A_1775 = arith.constant 0 : i32
      %broadcast_in_dim3A_1776 = vector.broadcast %jit3A_1775 : i32 to vector<16xi32>
      %select_n3A_1777 = arith.select %eq3A_1774, %and3A_725, %broadcast_in_dim3A_1776 : vector<16xi1>, vector<16xi32>
      %reduce_sum3A_1778 = arith.constant true
      %reduce_sum3A_1779 = vector.broadcast %reduce_sum3A_1778 : i1 to vector<16xi1>
      %reduce_sum3A_1780 = tpu.scan <sum>, %select_n3A_1777 masked %reduce_sum3A_1779 : vector<16xi32>, vector<16xi1> -> vector<16xi32>
      %reduce_sum3A_1781 = vector.extract %reduce_sum3A_1780[15] : i32 from vector<16xi32>
      %eq3A_1782 = arith.constant 15 : i32
      %eq3A_1783 = vector.broadcast %eq3A_1782 : i32 to vector<16xi32>
      %eq3A_1784 = arith.cmpi eq, %iota3A, %eq3A_1783 : vector<16xi32>
      %jit3A_1785 = arith.constant 0 : i32
      %broadcast_in_dim3A_1786 = vector.broadcast %jit3A_1785 : i32 to vector<16xi32>
      %select_n3A_1787 = arith.select %eq3A_1784, %shift_right_logical3A_728, %broadcast_in_dim3A_1786 : vector<16xi1>, vector<16xi32>
      %reduce_sum3A_1788 = arith.constant true
      %reduce_sum3A_1789 = vector.broadcast %reduce_sum3A_1788 : i1 to vector<16xi1>
      %reduce_sum3A_1790 = tpu.scan <sum>, %select_n3A_1787 masked %reduce_sum3A_1789 : vector<16xi32>, vector<16xi1> -> vector<16xi32>
      %reduce_sum3A_1791 = vector.extract %reduce_sum3A_1790[15] : i32 from vector<16xi32>
      %eq3A_1792 = arith.constant 15 : i32
      %eq3A_1793 = vector.broadcast %eq3A_1792 : i32 to vector<16xi32>
      %eq3A_1794 = arith.cmpi eq, %iota3A, %eq3A_1793 : vector<16xi32>
      %jit3A_1795 = arith.constant 0 : i32
      %broadcast_in_dim3A_1796 = vector.broadcast %jit3A_1795 : i32 to vector<16xi32>
      %select_n3A_1797 = arith.select %eq3A_1794, %shift_right_logical3A_731, %broadcast_in_dim3A_1796 : vector<16xi1>, vector<16xi32>
      %reduce_sum3A_1798 = arith.constant true
      %reduce_sum3A_1799 = vector.broadcast %reduce_sum3A_1798 : i1 to vector<16xi1>
      %reduce_sum3A_1800 = tpu.scan <sum>, %select_n3A_1797 masked %reduce_sum3A_1799 : vector<16xi32>, vector<16xi1> -> vector<16xi32>
      %reduce_sum3A_1801 = vector.extract %reduce_sum3A_1800[15] : i32 from vector<16xi32>
      %dma_wait3A_1802 = arith.constant 7 : i32
      %dma_wait3A_1803 = arith.constant 0 : i32
      %dma_wait3A_1804 = arith.constant 0 : i32
      %dma_wait3A_1805 = tpu.memref_slice %arg10[%dma_wait3A_1802, %dma_wait3A_1803, %dma_wait3A_1804] : memref<8x32x128xf32, #tpu.memory_space<vmem>> -> memref<1x32x128xf32, #tpu.memory_space<vmem>>
      %dma_wait3A_1806 = tpu.memref_squeeze %dma_wait3A_1805 : memref<1x32x128xf32, #tpu.memory_space<vmem>> -> memref<32x128xf32, #tpu.memory_space<vmem>>
      %dma_wait3A_1807 = arith.constant 0 : i32
      %dma_wait3A_1808 = arith.constant 0 : i32
      %dma_wait3A_1809 = tpu.memref_slice %arg4[%dma_wait3A_1807, %dma_wait3A_1808] : memref<32x1000000xf32, #tpu.memory_space<hbm>> -> memref<32x128xf32, #tpu.memory_space<hbm>>
      %dma_wait3A_1810 = arith.constant 0 : i32
      %dma_wait3A_1811 = arith.constant 0 : i32
      %dma_wait3A_1812 = tpu.memref_slice %arg10[%dma_wait3A_1802, %dma_wait3A_1810, %dma_wait3A_1811] : memref<8x32x128xf32, #tpu.memory_space<vmem>> -> memref<1x32x128xf32, #tpu.memory_space<vmem>>
      %dma_wait3A_1813 = tpu.memref_squeeze %dma_wait3A_1812 : memref<1x32x128xf32, #tpu.memory_space<vmem>> -> memref<32x128xf32, #tpu.memory_space<vmem>>
      %dma_wait3A_1814 = arith.constant 0 : i32
      %dma_wait3A_1815 = arith.constant 0 : i32
      %dma_wait3A_1816 = tpu.memref_slice %arg4[%dma_wait3A_1814, %dma_wait3A_1815] : memref<32x1000000xf32, #tpu.memory_space<hbm>> -> memref<32x128xf32, #tpu.memory_space<hbm>>
      tpu.wait_dma2 semaphore(%arg22 : memref<!tpu.dma_semaphore, #tpu.memory_space<semaphore_mem>>) src(%dma_wait3A_1816 : memref<32x128xf32, #tpu.memory_space<hbm>>) dst(%dma_wait3A_1813 : memref<32x128xf32, #tpu.memory_space<vmem>>)
      %dma_wait3A_1817 = arith.constant 7 : i32
      %dma_wait3A_1818 = arith.constant 0 : i32
      %dma_wait3A_1819 = arith.constant 0 : i32
      %dma_wait3A_1820 = tpu.memref_slice %arg11[%dma_wait3A_1817, %dma_wait3A_1818, %dma_wait3A_1819] : memref<8x32x128xf32, #tpu.memory_space<vmem>> -> memref<1x32x128xf32, #tpu.memory_space<vmem>>
      %dma_wait3A_1821 = tpu.memref_squeeze %dma_wait3A_1820 : memref<1x32x128xf32, #tpu.memory_space<vmem>> -> memref<32x128xf32, #tpu.memory_space<vmem>>
      %dma_wait3A_1822 = arith.constant 0 : i32
      %dma_wait3A_1823 = arith.constant 0 : i32
      %dma_wait3A_1824 = tpu.memref_slice %arg4[%dma_wait3A_1822, %dma_wait3A_1823] : memref<32x1000000xf32, #tpu.memory_space<hbm>> -> memref<32x128xf32, #tpu.memory_space<hbm>>
      %dma_wait3A_1825 = arith.constant 0 : i32
      %dma_wait3A_1826 = arith.constant 0 : i32
      %dma_wait3A_1827 = tpu.memref_slice %arg11[%dma_wait3A_1817, %dma_wait3A_1825, %dma_wait3A_1826] : memref<8x32x128xf32, #tpu.memory_space<vmem>> -> memref<1x32x128xf32, #tpu.memory_space<vmem>>
      %dma_wait3A_1828 = tpu.memref_squeeze %dma_wait3A_1827 : memref<1x32x128xf32, #tpu.memory_space<vmem>> -> memref<32x128xf32, #tpu.memory_space<vmem>>
      %dma_wait3A_1829 = arith.constant 0 : i32
      %dma_wait3A_1830 = arith.constant 0 : i32
      %dma_wait3A_1831 = tpu.memref_slice %arg4[%dma_wait3A_1829, %dma_wait3A_1830] : memref<32x1000000xf32, #tpu.memory_space<hbm>> -> memref<32x128xf32, #tpu.memory_space<hbm>>
      tpu.wait_dma2 semaphore(%arg22 : memref<!tpu.dma_semaphore, #tpu.memory_space<semaphore_mem>>) src(%dma_wait3A_1831 : memref<32x128xf32, #tpu.memory_space<hbm>>) dst(%dma_wait3A_1828 : memref<32x128xf32, #tpu.memory_space<vmem>>)
      %add3A_1832 = vector.broadcast %reduce_sum3A_1771 : i32 to vector<16xi32>
      %add3A_1833 = arith.addi %broadcast_in_dim3A_3, %add3A_1832 : vector<16xi32>
      %add3A_1834 = vector.broadcast %reduce_sum3A_1781 : i32 to vector<16xi32>
      %add3A_1835 = arith.addi %broadcast_in_dim3A_3, %add3A_1834 : vector<16xi32>
      %gather3A_1836 = arith.constant 7 : i32
      %gather3A_1837 = arith.constant 0 : i32
      %gather3A_1838 = arith.constant 0 : i32
      %gather3A_1839 = tpu.memref_slice %arg10[%gather3A_1836, %gather3A_1837, %gather3A_1838] : memref<8x32x128xf32, #tpu.memory_space<vmem>> -> memref<1x32x128xf32, #tpu.memory_space<vmem>>
      %gather3A_1840 = tpu.memref_squeeze %gather3A_1839 : memref<1x32x128xf32, #tpu.memory_space<vmem>> -> memref<32x128xf32, #tpu.memory_space<vmem>>
      %gather3A_1841 = tpu.vector_load_idx %gather3A_1840[%iota3A, %add3A_1833] : memref<32x128xf32, #tpu.memory_space<vmem>>[vector<16xi32>, vector<16xi32>], vector<16xf32>,
      %add3A_1842 = arith.constant 16 : i32
      %add3A_1843 = vector.broadcast %add3A_1842 : i32 to vector<16xi32>
      %add3A_1844 = arith.addi %iota3A, %add3A_1843 : vector<16xi32>
      %gather3A_1845 = arith.constant 7 : i32
      %gather3A_1846 = arith.constant 0 : i32
      %gather3A_1847 = arith.constant 0 : i32
      %gather3A_1848 = tpu.memref_slice %arg10[%gather3A_1845, %gather3A_1846, %gather3A_1847] : memref<8x32x128xf32, #tpu.memory_space<vmem>> -> memref<1x32x128xf32, #tpu.memory_space<vmem>>
      %gather3A_1849 = tpu.memref_squeeze %gather3A_1848 : memref<1x32x128xf32, #tpu.memory_space<vmem>> -> memref<32x128xf32, #tpu.memory_space<vmem>>
      %gather3A_1850 = tpu.vector_load_idx %gather3A_1849[%add3A_1844, %add3A_1833] : memref<32x128xf32, #tpu.memory_space<vmem>>[vector<16xi32>, vector<16xi32>], vector<16xf32>,
      %gather3A_1851 = arith.constant 7 : i32
      %gather3A_1852 = arith.constant 0 : i32
      %gather3A_1853 = arith.constant 0 : i32
      %gather3A_1854 = tpu.memref_slice %arg11[%gather3A_1851, %gather3A_1852, %gather3A_1853] : memref<8x32x128xf32, #tpu.memory_space<vmem>> -> memref<1x32x128xf32, #tpu.memory_space<vmem>>
      %gather3A_1855 = tpu.memref_squeeze %gather3A_1854 : memref<1x32x128xf32, #tpu.memory_space<vmem>> -> memref<32x128xf32, #tpu.memory_space<vmem>>
      %gather3A_1856 = tpu.vector_load_idx %gather3A_1855[%iota3A, %add3A_1835] : memref<32x128xf32, #tpu.memory_space<vmem>>[vector<16xi32>, vector<16xi32>], vector<16xf32>,
      %add3A_1857 = arith.constant 16 : i32
      %add3A_1858 = vector.broadcast %add3A_1857 : i32 to vector<16xi32>
      %add3A_1859 = arith.addi %iota3A, %add3A_1858 : vector<16xi32>
      %gather3A_1860 = arith.constant 7 : i32
      %gather3A_1861 = arith.constant 0 : i32
      %gather3A_1862 = arith.constant 0 : i32
      %gather3A_1863 = tpu.memref_slice %arg11[%gather3A_1860, %gather3A_1861, %gather3A_1862] : memref<8x32x128xf32, #tpu.memory_space<vmem>> -> memref<1x32x128xf32, #tpu.memory_space<vmem>>
      %gather3A_1864 = tpu.memref_squeeze %gather3A_1863 : memref<1x32x128xf32, #tpu.memory_space<vmem>> -> memref<32x128xf32, #tpu.memory_space<vmem>>
      %gather3A_1865 = tpu.vector_load_idx %gather3A_1864[%add3A_1859, %add3A_1835] : memref<32x128xf32, #tpu.memory_space<vmem>>[vector<16xi32>, vector<16xi32>], vector<16xf32>,
      %mul3A_1866 = arith.mulf %gather3A_1841, %gather3A_1856 : vector<16xf32>
      %mul3A_1867 = arith.mulf %mul3A_1866, %gather3A : vector<16xf32>
      %mul3A_1868 = arith.mulf %gather3A_1850, %gather3A_1865 : vector<16xf32>
      %mul3A_1869 = arith.mulf %mul3A_1868, %gather3A_7 : vector<16xf32>
      %add3A_1870 = arith.addf %mul3A_1867, %mul3A_1869 : vector<16xf32>
      %swap3A_1871 = arith.constant 7 : i32
      %swap3A_1872 = arith.index_cast %swap3A_1871 : i32 to index
      %swap3A_1873 = arith.constant 0 : index
      %swap3A_1874 = tpu.vector_load %arg12[%swap3A_1872, %swap3A_1873] {strides = array<i32>} : memref<16x16xf32, #tpu.memory_space<vmem>>, vector<16xf32>,
      tpu.vector_store %arg12[%swap3A_1872, %swap3A_1873], %add3A_1870 {strides = array<i32>} : memref<16x16xf32, #tpu.memory_space<vmem>>, vector<16xf32>,
      %mul3A_1875 = arith.constant 128 : i32
      %mul3A_1876 = arith.muli %reduce_sum3A_1791, %mul3A_1875 : i32
      %multiple_of3A_1877 = tpu.assume_multiple %mul3A_1876, 128 : i32
      %mul3A_1878 = arith.constant 128 : i32
      %mul3A_1879 = arith.muli %reduce_sum3A_1801, %mul3A_1878 : i32
      %multiple_of3A_1880 = tpu.assume_multiple %mul3A_1879, 128 : i32
      %dma_start3A_1881 = arith.constant 7 : i32
      %dma_start3A_1882 = arith.constant 0 : i32
      %dma_start3A_1883 = arith.constant 0 : i32
      %dma_start3A_1884 = tpu.memref_slice %arg10[%dma_start3A_1881, %dma_start3A_1882, %dma_start3A_1883] : memref<8x32x128xf32, #tpu.memory_space<vmem>> -> memref<1x32x128xf32, #tpu.memory_space<vmem>>
      %dma_start3A_1885 = tpu.memref_squeeze %dma_start3A_1884 : memref<1x32x128xf32, #tpu.memory_space<vmem>> -> memref<32x128xf32, #tpu.memory_space<vmem>>
      %dma_start3A_1886 = arith.constant 0 : i32
      %dma_start3A_1887 = tpu.memref_slice %arg4[%dma_start3A_1886, %multiple_of3A_1877] : memref<32x1000000xf32, #tpu.memory_space<hbm>> -> memref<32x128xf32, #tpu.memory_space<hbm>>
      %dma_start3A_1888 = arith.constant 0 : i32
      %dma_start3A_1889 = arith.constant 0 : i32
      %dma_start3A_1890 = tpu.memref_slice %arg10[%dma_start3A_1881, %dma_start3A_1888, %dma_start3A_1889] : memref<8x32x128xf32, #tpu.memory_space<vmem>> -> memref<1x32x128xf32, #tpu.memory_space<vmem>>
      %dma_start3A_1891 = tpu.memref_squeeze %dma_start3A_1890 : memref<1x32x128xf32, #tpu.memory_space<vmem>> -> memref<32x128xf32, #tpu.memory_space<vmem>>
      %dma_start3A_1892 = arith.constant 0 : i32
      %dma_start3A_1893 = tpu.memref_slice %arg4[%dma_start3A_1892, %multiple_of3A_1877] : memref<32x1000000xf32, #tpu.memory_space<hbm>> -> memref<32x128xf32, #tpu.memory_space<hbm>>
      tpu.enqueue_dma source(%dma_start3A_1893 : memref<32x128xf32, #tpu.memory_space<hbm>>) target(%dma_start3A_1891 : memref<32x128xf32, #tpu.memory_space<vmem>>) target_semaphore(%arg22 : memref<!tpu.dma_semaphore, #tpu.memory_space<semaphore_mem>>)
      %dma_start3A_1894 = arith.constant 7 : i32
      %dma_start3A_1895 = arith.constant 0 : i32
      %dma_start3A_1896 = arith.constant 0 : i32
      %dma_start3A_1897 = tpu.memref_slice %arg11[%dma_start3A_1894, %dma_start3A_1895, %dma_start3A_1896] : memref<8x32x128xf32, #tpu.memory_space<vmem>> -> memref<1x32x128xf32, #tpu.memory_space<vmem>>
      %dma_start3A_1898 = tpu.memref_squeeze %dma_start3A_1897 : memref<1x32x128xf32, #tpu.memory_space<vmem>> -> memref<32x128xf32, #tpu.memory_space<vmem>>
      %dma_start3A_1899 = arith.constant 0 : i32
      %dma_start3A_1900 = tpu.memref_slice %arg5[%dma_start3A_1899, %multiple_of3A_1880] : memref<32x1000000xf32, #tpu.memory_space<hbm>> -> memref<32x128xf32, #tpu.memory_space<hbm>>
      %dma_start3A_1901 = arith.constant 0 : i32
      %dma_start3A_1902 = arith.constant 0 : i32
      %dma_start3A_1903 = tpu.memref_slice %arg11[%dma_start3A_1894, %dma_start3A_1901, %dma_start3A_1902] : memref<8x32x128xf32, #tpu.memory_space<vmem>> -> memref<1x32x128xf32, #tpu.memory_space<vmem>>
      %dma_start3A_1904 = tpu.memref_squeeze %dma_start3A_1903 : memref<1x32x128xf32, #tpu.memory_space<vmem>> -> memref<32x128xf32, #tpu.memory_space<vmem>>
      %dma_start3A_1905 = arith.constant 0 : i32
      %dma_start3A_1906 = tpu.memref_slice %arg5[%dma_start3A_1905, %multiple_of3A_1880] : memref<32x1000000xf32, #tpu.memory_space<hbm>> -> memref<32x128xf32, #tpu.memory_space<hbm>>
      tpu.enqueue_dma source(%dma_start3A_1906 : memref<32x128xf32, #tpu.memory_space<hbm>>) target(%dma_start3A_1904 : memref<32x128xf32, #tpu.memory_space<vmem>>) target_semaphore(%arg22 : memref<!tpu.dma_semaphore, #tpu.memory_space<semaphore_mem>>)
      %eq3A_1907 = arith.constant 8 : i32
      %eq3A_1908 = vector.broadcast %eq3A_1907 : i32 to vector<16xi32>
      %eq3A_1909 = arith.cmpi eq, %iota3A, %eq3A_1908 : vector<16xi32>
      %jit3A_1910 = arith.constant 0 : i32
      %broadcast_in_dim3A_1911 = vector.broadcast %jit3A_1910 : i32 to vector<16xi32>
      %select_n3A_1912 = arith.select %eq3A_1909, %and3A_722, %broadcast_in_dim3A_1911 : vector<16xi1>, vector<16xi32>
      %reduce_sum3A_1913 = arith.constant true
      %reduce_sum3A_1914 = vector.broadcast %reduce_sum3A_1913 : i1 to vector<16xi1>
      %reduce_sum3A_1915 = tpu.scan <sum>, %select_n3A_1912 masked %reduce_sum3A_1914 : vector<16xi32>, vector<16xi1> -> vector<16xi32>
      %reduce_sum3A_1916 = vector.extract %reduce_sum3A_1915[15] : i32 from vector<16xi32>
      %eq3A_1917 = arith.constant 8 : i32
      %eq3A_1918 = vector.broadcast %eq3A_1917 : i32 to vector<16xi32>
      %eq3A_1919 = arith.cmpi eq, %iota3A, %eq3A_1918 : vector<16xi32>
      %jit3A_1920 = arith.constant 0 : i32
      %broadcast_in_dim3A_1921 = vector.broadcast %jit3A_1920 : i32 to vector<16xi32>
      %select_n3A_1922 = arith.select %eq3A_1919, %and3A_725, %broadcast_in_dim3A_1921 : vector<16xi1>, vector<16xi32>
      %reduce_sum3A_1923 = arith.constant true
      %reduce_sum3A_1924 = vector.broadcast %reduce_sum3A_1923 : i1 to vector<16xi1>
      %reduce_sum3A_1925 = tpu.scan <sum>, %select_n3A_1922 masked %reduce_sum3A_1924 : vector<16xi32>, vector<16xi1> -> vector<16xi32>
      %reduce_sum3A_1926 = vector.extract %reduce_sum3A_1925[15] : i32 from vector<16xi32>
      %eq3A_1927 = arith.constant 0 : i32
      %eq3A_1928 = vector.broadcast %eq3A_1927 : i32 to vector<16xi32>
      %eq3A_1929 = arith.cmpi eq, %iota3A, %eq3A_1928 : vector<16xi32>
      %jit3A_1930 = arith.constant 0 : i32
      %broadcast_in_dim3A_1931 = vector.broadcast %jit3A_1930 : i32 to vector<16xi32>
      %select_n3A_1932 = arith.select %eq3A_1929, %shift_right_logical3A_742, %broadcast_in_dim3A_1931 : vector<16xi1>, vector<16xi32>
      %reduce_sum3A_1933 = arith.constant true
      %reduce_sum3A_1934 = vector.broadcast %reduce_sum3A_1933 : i1 to vector<16xi1>
      %reduce_sum3A_1935 = tpu.scan <sum>, %select_n3A_1932 masked %reduce_sum3A_1934 : vector<16xi32>, vector<16xi1> -> vector<16xi32>
      %reduce_sum3A_1936 = vector.extract %reduce_sum3A_1935[15] : i32 from vector<16xi32>
      %eq3A_1937 = arith.constant 0 : i32
      %eq3A_1938 = vector.broadcast %eq3A_1937 : i32 to vector<16xi32>
      %eq3A_1939 = arith.cmpi eq, %iota3A, %eq3A_1938 : vector<16xi32>
      %jit3A_1940 = arith.constant 0 : i32
      %broadcast_in_dim3A_1941 = vector.broadcast %jit3A_1940 : i32 to vector<16xi32>
      %select_n3A_1942 = arith.select %eq3A_1939, %shift_right_logical3A_747, %broadcast_in_dim3A_1941 : vector<16xi1>, vector<16xi32>
      %reduce_sum3A_1943 = arith.constant true
      %reduce_sum3A_1944 = vector.broadcast %reduce_sum3A_1943 : i1 to vector<16xi1>
      %reduce_sum3A_1945 = tpu.scan <sum>, %select_n3A_1942 masked %reduce_sum3A_1944 : vector<16xi32>, vector<16xi1> -> vector<16xi32>
      %reduce_sum3A_1946 = vector.extract %reduce_sum3A_1945[15] : i32 from vector<16xi32>
      %dma_wait3A_1947 = arith.constant 0 : i32
      %dma_wait3A_1948 = arith.constant 0 : i32
      %dma_wait3A_1949 = arith.constant 0 : i32
      %dma_wait3A_1950 = tpu.memref_slice %arg10[%dma_wait3A_1947, %dma_wait3A_1948, %dma_wait3A_1949] : memref<8x32x128xf32, #tpu.memory_space<vmem>> -> memref<1x32x128xf32, #tpu.memory_space<vmem>>
      %dma_wait3A_1951 = tpu.memref_squeeze %dma_wait3A_1950 : memref<1x32x128xf32, #tpu.memory_space<vmem>> -> memref<32x128xf32, #tpu.memory_space<vmem>>
      %dma_wait3A_1952 = arith.constant 0 : i32
      %dma_wait3A_1953 = arith.constant 0 : i32
      %dma_wait3A_1954 = tpu.memref_slice %arg4[%dma_wait3A_1952, %dma_wait3A_1953] : memref<32x1000000xf32, #tpu.memory_space<hbm>> -> memref<32x128xf32, #tpu.memory_space<hbm>>
      %dma_wait3A_1955 = arith.constant 0 : i32
      %dma_wait3A_1956 = arith.constant 0 : i32
      %dma_wait3A_1957 = tpu.memref_slice %arg10[%dma_wait3A_1947, %dma_wait3A_1955, %dma_wait3A_1956] : memref<8x32x128xf32, #tpu.memory_space<vmem>> -> memref<1x32x128xf32, #tpu.memory_space<vmem>>
      %dma_wait3A_1958 = tpu.memref_squeeze %dma_wait3A_1957 : memref<1x32x128xf32, #tpu.memory_space<vmem>> -> memref<32x128xf32, #tpu.memory_space<vmem>>
      %dma_wait3A_1959 = arith.constant 0 : i32
      %dma_wait3A_1960 = arith.constant 0 : i32
      %dma_wait3A_1961 = tpu.memref_slice %arg4[%dma_wait3A_1959, %dma_wait3A_1960] : memref<32x1000000xf32, #tpu.memory_space<hbm>> -> memref<32x128xf32, #tpu.memory_space<hbm>>
      tpu.wait_dma2 semaphore(%arg15 : memref<!tpu.dma_semaphore, #tpu.memory_space<semaphore_mem>>) src(%dma_wait3A_1961 : memref<32x128xf32, #tpu.memory_space<hbm>>) dst(%dma_wait3A_1958 : memref<32x128xf32, #tpu.memory_space<vmem>>)
      %dma_wait3A_1962 = arith.constant 0 : i32
      %dma_wait3A_1963 = arith.constant 0 : i32
      %dma_wait3A_1964 = arith.constant 0 : i32
      %dma_wait3A_1965 = tpu.memref_slice %arg11[%dma_wait3A_1962, %dma_wait3A_1963, %dma_wait3A_1964] : memref<8x32x128xf32, #tpu.memory_space<vmem>> -> memref<1x32x128xf32, #tpu.memory_space<vmem>>
      %dma_wait3A_1966 = tpu.memref_squeeze %dma_wait3A_1965 : memref<1x32x128xf32, #tpu.memory_space<vmem>> -> memref<32x128xf32, #tpu.memory_space<vmem>>
      %dma_wait3A_1967 = arith.constant 0 : i32
      %dma_wait3A_1968 = arith.constant 0 : i32
      %dma_wait3A_1969 = tpu.memref_slice %arg4[%dma_wait3A_1967, %dma_wait3A_1968] : memref<32x1000000xf32, #tpu.memory_space<hbm>> -> memref<32x128xf32, #tpu.memory_space<hbm>>
      %dma_wait3A_1970 = arith.constant 0 : i32
      %dma_wait3A_1971 = arith.constant 0 : i32
      %dma_wait3A_1972 = tpu.memref_slice %arg11[%dma_wait3A_1962, %dma_wait3A_1970, %dma_wait3A_1971] : memref<8x32x128xf32, #tpu.memory_space<vmem>> -> memref<1x32x128xf32, #tpu.memory_space<vmem>>
      %dma_wait3A_1973 = tpu.memref_squeeze %dma_wait3A_1972 : memref<1x32x128xf32, #tpu.memory_space<vmem>> -> memref<32x128xf32, #tpu.memory_space<vmem>>
      %dma_wait3A_1974 = arith.constant 0 : i32
      %dma_wait3A_1975 = arith.constant 0 : i32
      %dma_wait3A_1976 = tpu.memref_slice %arg4[%dma_wait3A_1974, %dma_wait3A_1975] : memref<32x1000000xf32, #tpu.memory_space<hbm>> -> memref<32x128xf32, #tpu.memory_space<hbm>>
      tpu.wait_dma2 semaphore(%arg15 : memref<!tpu.dma_semaphore, #tpu.memory_space<semaphore_mem>>) src(%dma_wait3A_1976 : memref<32x128xf32, #tpu.memory_space<hbm>>) dst(%dma_wait3A_1973 : memref<32x128xf32, #tpu.memory_space<vmem>>)
      %add3A_1977 = vector.broadcast %reduce_sum3A_1916 : i32 to vector<16xi32>
      %add3A_1978 = arith.addi %broadcast_in_dim3A_3, %add3A_1977 : vector<16xi32>
      %add3A_1979 = vector.broadcast %reduce_sum3A_1926 : i32 to vector<16xi32>
      %add3A_1980 = arith.addi %broadcast_in_dim3A_3, %add3A_1979 : vector<16xi32>
      %gather3A_1981 = arith.constant 0 : i32
      %gather3A_1982 = arith.constant 0 : i32
      %gather3A_1983 = arith.constant 0 : i32
      %gather3A_1984 = tpu.memref_slice %arg10[%gather3A_1981, %gather3A_1982, %gather3A_1983] : memref<8x32x128xf32, #tpu.memory_space<vmem>> -> memref<1x32x128xf32, #tpu.memory_space<vmem>>
      %gather3A_1985 = tpu.memref_squeeze %gather3A_1984 : memref<1x32x128xf32, #tpu.memory_space<vmem>> -> memref<32x128xf32, #tpu.memory_space<vmem>>
      %gather3A_1986 = tpu.vector_load_idx %gather3A_1985[%iota3A, %add3A_1978] : memref<32x128xf32, #tpu.memory_space<vmem>>[vector<16xi32>, vector<16xi32>], vector<16xf32>,
      %add3A_1987 = arith.constant 16 : i32
      %add3A_1988 = vector.broadcast %add3A_1987 : i32 to vector<16xi32>
      %add3A_1989 = arith.addi %iota3A, %add3A_1988 : vector<16xi32>
      %gather3A_1990 = arith.constant 0 : i32
      %gather3A_1991 = arith.constant 0 : i32
      %gather3A_1992 = arith.constant 0 : i32
      %gather3A_1993 = tpu.memref_slice %arg10[%gather3A_1990, %gather3A_1991, %gather3A_1992] : memref<8x32x128xf32, #tpu.memory_space<vmem>> -> memref<1x32x128xf32, #tpu.memory_space<vmem>>
      %gather3A_1994 = tpu.memref_squeeze %gather3A_1993 : memref<1x32x128xf32, #tpu.memory_space<vmem>> -> memref<32x128xf32, #tpu.memory_space<vmem>>
      %gather3A_1995 = tpu.vector_load_idx %gather3A_1994[%add3A_1989, %add3A_1978] : memref<32x128xf32, #tpu.memory_space<vmem>>[vector<16xi32>, vector<16xi32>], vector<16xf32>,
      %gather3A_1996 = arith.constant 0 : i32
      %gather3A_1997 = arith.constant 0 : i32
      %gather3A_1998 = arith.constant 0 : i32
      %gather3A_1999 = tpu.memref_slice %arg11[%gather3A_1996, %gather3A_1997, %gather3A_1998] : memref<8x32x128xf32, #tpu.memory_space<vmem>> -> memref<1x32x128xf32, #tpu.memory_space<vmem>>
      %gather3A_2000 = tpu.memref_squeeze %gather3A_1999 : memref<1x32x128xf32, #tpu.memory_space<vmem>> -> memref<32x128xf32, #tpu.memory_space<vmem>>
      %gather3A_2001 = tpu.vector_load_idx %gather3A_2000[%iota3A, %add3A_1980] : memref<32x128xf32, #tpu.memory_space<vmem>>[vector<16xi32>, vector<16xi32>], vector<16xf32>,
      %add3A_2002 = arith.constant 16 : i32
      %add3A_2003 = vector.broadcast %add3A_2002 : i32 to vector<16xi32>
      %add3A_2004 = arith.addi %iota3A, %add3A_2003 : vector<16xi32>
      %gather3A_2005 = arith.constant 0 : i32
      %gather3A_2006 = arith.constant 0 : i32
      %gather3A_2007 = arith.constant 0 : i32
      %gather3A_2008 = tpu.memref_slice %arg11[%gather3A_2005, %gather3A_2006, %gather3A_2007] : memref<8x32x128xf32, #tpu.memory_space<vmem>> -> memref<1x32x128xf32, #tpu.memory_space<vmem>>
      %gather3A_2009 = tpu.memref_squeeze %gather3A_2008 : memref<1x32x128xf32, #tpu.memory_space<vmem>> -> memref<32x128xf32, #tpu.memory_space<vmem>>
      %gather3A_2010 = tpu.vector_load_idx %gather3A_2009[%add3A_2004, %add3A_1980] : memref<32x128xf32, #tpu.memory_space<vmem>>[vector<16xi32>, vector<16xi32>], vector<16xf32>,
      %mul3A_2011 = arith.mulf %gather3A_1986, %gather3A_2001 : vector<16xf32>
      %mul3A_2012 = arith.mulf %mul3A_2011, %gather3A : vector<16xf32>
      %mul3A_2013 = arith.mulf %gather3A_1995, %gather3A_2010 : vector<16xf32>
      %mul3A_2014 = arith.mulf %mul3A_2013, %gather3A_7 : vector<16xf32>
      %add3A_2015 = arith.addf %mul3A_2012, %mul3A_2014 : vector<16xf32>
      %swap3A_2016 = arith.constant 8 : i32
      %swap3A_2017 = arith.index_cast %swap3A_2016 : i32 to index
      %swap3A_2018 = arith.constant 0 : index
      %swap3A_2019 = tpu.vector_load %arg12[%swap3A_2017, %swap3A_2018] {strides = array<i32>} : memref<16x16xf32, #tpu.memory_space<vmem>>, vector<16xf32>,
      tpu.vector_store %arg12[%swap3A_2017, %swap3A_2018], %add3A_2015 {strides = array<i32>} : memref<16x16xf32, #tpu.memory_space<vmem>>, vector<16xf32>,
      %mul3A_2020 = arith.constant 128 : i32
      %mul3A_2021 = arith.muli %reduce_sum3A_1936, %mul3A_2020 : i32
      %multiple_of3A_2022 = tpu.assume_multiple %mul3A_2021, 128 : i32
      %mul3A_2023 = arith.constant 128 : i32
      %mul3A_2024 = arith.muli %reduce_sum3A_1946, %mul3A_2023 : i32
      %multiple_of3A_2025 = tpu.assume_multiple %mul3A_2024, 128 : i32
      %dma_start3A_2026 = arith.constant 0 : i32
      %dma_start3A_2027 = arith.constant 0 : i32
      %dma_start3A_2028 = arith.constant 0 : i32
      %dma_start3A_2029 = tpu.memref_slice %arg10[%dma_start3A_2026, %dma_start3A_2027, %dma_start3A_2028] : memref<8x32x128xf32, #tpu.memory_space<vmem>> -> memref<1x32x128xf32, #tpu.memory_space<vmem>>
      %dma_start3A_2030 = tpu.memref_squeeze %dma_start3A_2029 : memref<1x32x128xf32, #tpu.memory_space<vmem>> -> memref<32x128xf32, #tpu.memory_space<vmem>>
      %dma_start3A_2031 = arith.constant 0 : i32
      %dma_start3A_2032 = tpu.memref_slice %arg4[%dma_start3A_2031, %multiple_of3A_2022] : memref<32x1000000xf32, #tpu.memory_space<hbm>> -> memref<32x128xf32, #tpu.memory_space<hbm>>
      %dma_start3A_2033 = arith.constant 0 : i32
      %dma_start3A_2034 = arith.constant 0 : i32
      %dma_start3A_2035 = tpu.memref_slice %arg10[%dma_start3A_2026, %dma_start3A_2033, %dma_start3A_2034] : memref<8x32x128xf32, #tpu.memory_space<vmem>> -> memref<1x32x128xf32, #tpu.memory_space<vmem>>
      %dma_start3A_2036 = tpu.memref_squeeze %dma_start3A_2035 : memref<1x32x128xf32, #tpu.memory_space<vmem>> -> memref<32x128xf32, #tpu.memory_space<vmem>>
      %dma_start3A_2037 = arith.constant 0 : i32
      %dma_start3A_2038 = tpu.memref_slice %arg4[%dma_start3A_2037, %multiple_of3A_2022] : memref<32x1000000xf32, #tpu.memory_space<hbm>> -> memref<32x128xf32, #tpu.memory_space<hbm>>
      tpu.enqueue_dma source(%dma_start3A_2038 : memref<32x128xf32, #tpu.memory_space<hbm>>) target(%dma_start3A_2036 : memref<32x128xf32, #tpu.memory_space<vmem>>) target_semaphore(%arg15 : memref<!tpu.dma_semaphore, #tpu.memory_space<semaphore_mem>>)
      %dma_start3A_2039 = arith.constant 0 : i32
      %dma_start3A_2040 = arith.constant 0 : i32
      %dma_start3A_2041 = arith.constant 0 : i32
      %dma_start3A_2042 = tpu.memref_slice %arg11[%dma_start3A_2039, %dma_start3A_2040, %dma_start3A_2041] : memref<8x32x128xf32, #tpu.memory_space<vmem>> -> memref<1x32x128xf32, #tpu.memory_space<vmem>>
      %dma_start3A_2043 = tpu.memref_squeeze %dma_start3A_2042 : memref<1x32x128xf32, #tpu.memory_space<vmem>> -> memref<32x128xf32, #tpu.memory_space<vmem>>
      %dma_start3A_2044 = arith.constant 0 : i32
      %dma_start3A_2045 = tpu.memref_slice %arg5[%dma_start3A_2044, %multiple_of3A_2025] : memref<32x1000000xf32, #tpu.memory_space<hbm>> -> memref<32x128xf32, #tpu.memory_space<hbm>>
      %dma_start3A_2046 = arith.constant 0 : i32
      %dma_start3A_2047 = arith.constant 0 : i32
      %dma_start3A_2048 = tpu.memref_slice %arg11[%dma_start3A_2039, %dma_start3A_2046, %dma_start3A_2047] : memref<8x32x128xf32, #tpu.memory_space<vmem>> -> memref<1x32x128xf32, #tpu.memory_space<vmem>>
      %dma_start3A_2049 = tpu.memref_squeeze %dma_start3A_2048 : memref<1x32x128xf32, #tpu.memory_space<vmem>> -> memref<32x128xf32, #tpu.memory_space<vmem>>
      %dma_start3A_2050 = arith.constant 0 : i32
      %dma_start3A_2051 = tpu.memref_slice %arg5[%dma_start3A_2050, %multiple_of3A_2025] : memref<32x1000000xf32, #tpu.memory_space<hbm>> -> memref<32x128xf32, #tpu.memory_space<hbm>>
      tpu.enqueue_dma source(%dma_start3A_2051 : memref<32x128xf32, #tpu.memory_space<hbm>>) target(%dma_start3A_2049 : memref<32x128xf32, #tpu.memory_space<vmem>>) target_semaphore(%arg15 : memref<!tpu.dma_semaphore, #tpu.memory_space<semaphore_mem>>)
      %eq3A_2052 = arith.constant 9 : i32
      %eq3A_2053 = vector.broadcast %eq3A_2052 : i32 to vector<16xi32>
      %eq3A_2054 = arith.cmpi eq, %iota3A, %eq3A_2053 : vector<16xi32>
      %jit3A_2055 = arith.constant 0 : i32
      %broadcast_in_dim3A_2056 = vector.broadcast %jit3A_2055 : i32 to vector<16xi32>
      %select_n3A_2057 = arith.select %eq3A_2054, %and3A_722, %broadcast_in_dim3A_2056 : vector<16xi1>, vector<16xi32>
      %reduce_sum3A_2058 = arith.constant true
      %reduce_sum3A_2059 = vector.broadcast %reduce_sum3A_2058 : i1 to vector<16xi1>
      %reduce_sum3A_2060 = tpu.scan <sum>, %select_n3A_2057 masked %reduce_sum3A_2059 : vector<16xi32>, vector<16xi1> -> vector<16xi32>
      %reduce_sum3A_2061 = vector.extract %reduce_sum3A_2060[15] : i32 from vector<16xi32>
      %eq3A_2062 = arith.constant 9 : i32
      %eq3A_2063 = vector.broadcast %eq3A_2062 : i32 to vector<16xi32>
      %eq3A_2064 = arith.cmpi eq, %iota3A, %eq3A_2063 : vector<16xi32>
      %jit3A_2065 = arith.constant 0 : i32
      %broadcast_in_dim3A_2066 = vector.broadcast %jit3A_2065 : i32 to vector<16xi32>
      %select_n3A_2067 = arith.select %eq3A_2064, %and3A_725, %broadcast_in_dim3A_2066 : vector<16xi1>, vector<16xi32>
      %reduce_sum3A_2068 = arith.constant true
      %reduce_sum3A_2069 = vector.broadcast %reduce_sum3A_2068 : i1 to vector<16xi1>
      %reduce_sum3A_2070 = tpu.scan <sum>, %select_n3A_2067 masked %reduce_sum3A_2069 : vector<16xi32>, vector<16xi1> -> vector<16xi32>
      %reduce_sum3A_2071 = vector.extract %reduce_sum3A_2070[15] : i32 from vector<16xi32>
      %eq3A_2072 = arith.constant 1 : i32
      %eq3A_2073 = vector.broadcast %eq3A_2072 : i32 to vector<16xi32>
      %eq3A_2074 = arith.cmpi eq, %iota3A, %eq3A_2073 : vector<16xi32>
      %jit3A_2075 = arith.constant 0 : i32
      %broadcast_in_dim3A_2076 = vector.broadcast %jit3A_2075 : i32 to vector<16xi32>
      %select_n3A_2077 = arith.select %eq3A_2074, %shift_right_logical3A_742, %broadcast_in_dim3A_2076 : vector<16xi1>, vector<16xi32>
      %reduce_sum3A_2078 = arith.constant true
      %reduce_sum3A_2079 = vector.broadcast %reduce_sum3A_2078 : i1 to vector<16xi1>
      %reduce_sum3A_2080 = tpu.scan <sum>, %select_n3A_2077 masked %reduce_sum3A_2079 : vector<16xi32>, vector<16xi1> -> vector<16xi32>
      %reduce_sum3A_2081 = vector.extract %reduce_sum3A_2080[15] : i32 from vector<16xi32>
      %eq3A_2082 = arith.constant 1 : i32
      %eq3A_2083 = vector.broadcast %eq3A_2082 : i32 to vector<16xi32>
      %eq3A_2084 = arith.cmpi eq, %iota3A, %eq3A_2083 : vector<16xi32>
      %jit3A_2085 = arith.constant 0 : i32
      %broadcast_in_dim3A_2086 = vector.broadcast %jit3A_2085 : i32 to vector<16xi32>
      %select_n3A_2087 = arith.select %eq3A_2084, %shift_right_logical3A_747, %broadcast_in_dim3A_2086 : vector<16xi1>, vector<16xi32>
      %reduce_sum3A_2088 = arith.constant true
      %reduce_sum3A_2089 = vector.broadcast %reduce_sum3A_2088 : i1 to vector<16xi1>
      %reduce_sum3A_2090 = tpu.scan <sum>, %select_n3A_2087 masked %reduce_sum3A_2089 : vector<16xi32>, vector<16xi1> -> vector<16xi32>
      %reduce_sum3A_2091 = vector.extract %reduce_sum3A_2090[15] : i32 from vector<16xi32>
      %dma_wait3A_2092 = arith.constant 1 : i32
      %dma_wait3A_2093 = arith.constant 0 : i32
      %dma_wait3A_2094 = arith.constant 0 : i32
      %dma_wait3A_2095 = tpu.memref_slice %arg10[%dma_wait3A_2092, %dma_wait3A_2093, %dma_wait3A_2094] : memref<8x32x128xf32, #tpu.memory_space<vmem>> -> memref<1x32x128xf32, #tpu.memory_space<vmem>>
      %dma_wait3A_2096 = tpu.memref_squeeze %dma_wait3A_2095 : memref<1x32x128xf32, #tpu.memory_space<vmem>> -> memref<32x128xf32, #tpu.memory_space<vmem>>
      %dma_wait3A_2097 = arith.constant 0 : i32
      %dma_wait3A_2098 = arith.constant 0 : i32
      %dma_wait3A_2099 = tpu.memref_slice %arg4[%dma_wait3A_2097, %dma_wait3A_2098] : memref<32x1000000xf32, #tpu.memory_space<hbm>> -> memref<32x128xf32, #tpu.memory_space<hbm>>
      %dma_wait3A_2100 = arith.constant 0 : i32
      %dma_wait3A_2101 = arith.constant 0 : i32
      %dma_wait3A_2102 = tpu.memref_slice %arg10[%dma_wait3A_2092, %dma_wait3A_2100, %dma_wait3A_2101] : memref<8x32x128xf32, #tpu.memory_space<vmem>> -> memref<1x32x128xf32, #tpu.memory_space<vmem>>
      %dma_wait3A_2103 = tpu.memref_squeeze %dma_wait3A_2102 : memref<1x32x128xf32, #tpu.memory_space<vmem>> -> memref<32x128xf32, #tpu.memory_space<vmem>>
      %dma_wait3A_2104 = arith.constant 0 : i32
      %dma_wait3A_2105 = arith.constant 0 : i32
      %dma_wait3A_2106 = tpu.memref_slice %arg4[%dma_wait3A_2104, %dma_wait3A_2105] : memref<32x1000000xf32, #tpu.memory_space<hbm>> -> memref<32x128xf32, #tpu.memory_space<hbm>>
      tpu.wait_dma2 semaphore(%arg16 : memref<!tpu.dma_semaphore, #tpu.memory_space<semaphore_mem>>) src(%dma_wait3A_2106 : memref<32x128xf32, #tpu.memory_space<hbm>>) dst(%dma_wait3A_2103 : memref<32x128xf32, #tpu.memory_space<vmem>>)
      %dma_wait3A_2107 = arith.constant 1 : i32
      %dma_wait3A_2108 = arith.constant 0 : i32
      %dma_wait3A_2109 = arith.constant 0 : i32
      %dma_wait3A_2110 = tpu.memref_slice %arg11[%dma_wait3A_2107, %dma_wait3A_2108, %dma_wait3A_2109] : memref<8x32x128xf32, #tpu.memory_space<vmem>> -> memref<1x32x128xf32, #tpu.memory_space<vmem>>
      %dma_wait3A_2111 = tpu.memref_squeeze %dma_wait3A_2110 : memref<1x32x128xf32, #tpu.memory_space<vmem>> -> memref<32x128xf32, #tpu.memory_space<vmem>>
      %dma_wait3A_2112 = arith.constant 0 : i32
      %dma_wait3A_2113 = arith.constant 0 : i32
      %dma_wait3A_2114 = tpu.memref_slice %arg4[%dma_wait3A_2112, %dma_wait3A_2113] : memref<32x1000000xf32, #tpu.memory_space<hbm>> -> memref<32x128xf32, #tpu.memory_space<hbm>>
      %dma_wait3A_2115 = arith.constant 0 : i32
      %dma_wait3A_2116 = arith.constant 0 : i32
      %dma_wait3A_2117 = tpu.memref_slice %arg11[%dma_wait3A_2107, %dma_wait3A_2115, %dma_wait3A_2116] : memref<8x32x128xf32, #tpu.memory_space<vmem>> -> memref<1x32x128xf32, #tpu.memory_space<vmem>>
      %dma_wait3A_2118 = tpu.memref_squeeze %dma_wait3A_2117 : memref<1x32x128xf32, #tpu.memory_space<vmem>> -> memref<32x128xf32, #tpu.memory_space<vmem>>
      %dma_wait3A_2119 = arith.constant 0 : i32
      %dma_wait3A_2120 = arith.constant 0 : i32
      %dma_wait3A_2121 = tpu.memref_slice %arg4[%dma_wait3A_2119, %dma_wait3A_2120] : memref<32x1000000xf32, #tpu.memory_space<hbm>> -> memref<32x128xf32, #tpu.memory_space<hbm>>
      tpu.wait_dma2 semaphore(%arg16 : memref<!tpu.dma_semaphore, #tpu.memory_space<semaphore_mem>>) src(%dma_wait3A_2121 : memref<32x128xf32, #tpu.memory_space<hbm>>) dst(%dma_wait3A_2118 : memref<32x128xf32, #tpu.memory_space<vmem>>)
      %add3A_2122 = vector.broadcast %reduce_sum3A_2061 : i32 to vector<16xi32>
      %add3A_2123 = arith.addi %broadcast_in_dim3A_3, %add3A_2122 : vector<16xi32>
      %add3A_2124 = vector.broadcast %reduce_sum3A_2071 : i32 to vector<16xi32>
      %add3A_2125 = arith.addi %broadcast_in_dim3A_3, %add3A_2124 : vector<16xi32>
      %gather3A_2126 = arith.constant 1 : i32
      %gather3A_2127 = arith.constant 0 : i32
      %gather3A_2128 = arith.constant 0 : i32
      %gather3A_2129 = tpu.memref_slice %arg10[%gather3A_2126, %gather3A_2127, %gather3A_2128] : memref<8x32x128xf32, #tpu.memory_space<vmem>> -> memref<1x32x128xf32, #tpu.memory_space<vmem>>
      %gather3A_2130 = tpu.memref_squeeze %gather3A_2129 : memref<1x32x128xf32, #tpu.memory_space<vmem>> -> memref<32x128xf32, #tpu.memory_space<vmem>>
      %gather3A_2131 = tpu.vector_load_idx %gather3A_2130[%iota3A, %add3A_2123] : memref<32x128xf32, #tpu.memory_space<vmem>>[vector<16xi32>, vector<16xi32>], vector<16xf32>,
      %add3A_2132 = arith.constant 16 : i32
      %add3A_2133 = vector.broadcast %add3A_2132 : i32 to vector<16xi32>
      %add3A_2134 = arith.addi %iota3A, %add3A_2133 : vector<16xi32>
      %gather3A_2135 = arith.constant 1 : i32
      %gather3A_2136 = arith.constant 0 : i32
      %gather3A_2137 = arith.constant 0 : i32
      %gather3A_2138 = tpu.memref_slice %arg10[%gather3A_2135, %gather3A_2136, %gather3A_2137] : memref<8x32x128xf32, #tpu.memory_space<vmem>> -> memref<1x32x128xf32, #tpu.memory_space<vmem>>
      %gather3A_2139 = tpu.memref_squeeze %gather3A_2138 : memref<1x32x128xf32, #tpu.memory_space<vmem>> -> memref<32x128xf32, #tpu.memory_space<vmem>>
      %gather3A_2140 = tpu.vector_load_idx %gather3A_2139[%add3A_2134, %add3A_2123] : memref<32x128xf32, #tpu.memory_space<vmem>>[vector<16xi32>, vector<16xi32>], vector<16xf32>,
      %gather3A_2141 = arith.constant 1 : i32
      %gather3A_2142 = arith.constant 0 : i32
      %gather3A_2143 = arith.constant 0 : i32
      %gather3A_2144 = tpu.memref_slice %arg11[%gather3A_2141, %gather3A_2142, %gather3A_2143] : memref<8x32x128xf32, #tpu.memory_space<vmem>> -> memref<1x32x128xf32, #tpu.memory_space<vmem>>
      %gather3A_2145 = tpu.memref_squeeze %gather3A_2144 : memref<1x32x128xf32, #tpu.memory_space<vmem>> -> memref<32x128xf32, #tpu.memory_space<vmem>>
      %gather3A_2146 = tpu.vector_load_idx %gather3A_2145[%iota3A, %add3A_2125] : memref<32x128xf32, #tpu.memory_space<vmem>>[vector<16xi32>, vector<16xi32>], vector<16xf32>,
      %add3A_2147 = arith.constant 16 : i32
      %add3A_2148 = vector.broadcast %add3A_2147 : i32 to vector<16xi32>
      %add3A_2149 = arith.addi %iota3A, %add3A_2148 : vector<16xi32>
      %gather3A_2150 = arith.constant 1 : i32
      %gather3A_2151 = arith.constant 0 : i32
      %gather3A_2152 = arith.constant 0 : i32
      %gather3A_2153 = tpu.memref_slice %arg11[%gather3A_2150, %gather3A_2151, %gather3A_2152] : memref<8x32x128xf32, #tpu.memory_space<vmem>> -> memref<1x32x128xf32, #tpu.memory_space<vmem>>
      %gather3A_2154 = tpu.memref_squeeze %gather3A_2153 : memref<1x32x128xf32, #tpu.memory_space<vmem>> -> memref<32x128xf32, #tpu.memory_space<vmem>>
      %gather3A_2155 = tpu.vector_load_idx %gather3A_2154[%add3A_2149, %add3A_2125] : memref<32x128xf32, #tpu.memory_space<vmem>>[vector<16xi32>, vector<16xi32>], vector<16xf32>,
      %mul3A_2156 = arith.mulf %gather3A_2131, %gather3A_2146 : vector<16xf32>
      %mul3A_2157 = arith.mulf %mul3A_2156, %gather3A : vector<16xf32>
      %mul3A_2158 = arith.mulf %gather3A_2140, %gather3A_2155 : vector<16xf32>
      %mul3A_2159 = arith.mulf %mul3A_2158, %gather3A_7 : vector<16xf32>
      %add3A_2160 = arith.addf %mul3A_2157, %mul3A_2159 : vector<16xf32>
      %swap3A_2161 = arith.constant 9 : i32
      %swap3A_2162 = arith.index_cast %swap3A_2161 : i32 to index
      %swap3A_2163 = arith.constant 0 : index
      %swap3A_2164 = tpu.vector_load %arg12[%swap3A_2162, %swap3A_2163] {strides = array<i32>} : memref<16x16xf32, #tpu.memory_space<vmem>>, vector<16xf32>,
      tpu.vector_store %arg12[%swap3A_2162, %swap3A_2163], %add3A_2160 {strides = array<i32>} : memref<16x16xf32, #tpu.memory_space<vmem>>, vector<16xf32>,
      %mul3A_2165 = arith.constant 128 : i32
      %mul3A_2166 = arith.muli %reduce_sum3A_2081, %mul3A_2165 : i32
      %multiple_of3A_2167 = tpu.assume_multiple %mul3A_2166, 128 : i32
      %mul3A_2168 = arith.constant 128 : i32
      %mul3A_2169 = arith.muli %reduce_sum3A_2091, %mul3A_2168 : i32
      %multiple_of3A_2170 = tpu.assume_multiple %mul3A_2169, 128 : i32
      %dma_start3A_2171 = arith.constant 1 : i32
      %dma_start3A_2172 = arith.constant 0 : i32
      %dma_start3A_2173 = arith.constant 0 : i32
      %dma_start3A_2174 = tpu.memref_slice %arg10[%dma_start3A_2171, %dma_start3A_2172, %dma_start3A_2173] : memref<8x32x128xf32, #tpu.memory_space<vmem>> -> memref<1x32x128xf32, #tpu.memory_space<vmem>>
      %dma_start3A_2175 = tpu.memref_squeeze %dma_start3A_2174 : memref<1x32x128xf32, #tpu.memory_space<vmem>> -> memref<32x128xf32, #tpu.memory_space<vmem>>
      %dma_start3A_2176 = arith.constant 0 : i32
      %dma_start3A_2177 = tpu.memref_slice %arg4[%dma_start3A_2176, %multiple_of3A_2167] : memref<32x1000000xf32, #tpu.memory_space<hbm>> -> memref<32x128xf32, #tpu.memory_space<hbm>>
      %dma_start3A_2178 = arith.constant 0 : i32
      %dma_start3A_2179 = arith.constant 0 : i32
      %dma_start3A_2180 = tpu.memref_slice %arg10[%dma_start3A_2171, %dma_start3A_2178, %dma_start3A_2179] : memref<8x32x128xf32, #tpu.memory_space<vmem>> -> memref<1x32x128xf32, #tpu.memory_space<vmem>>
      %dma_start3A_2181 = tpu.memref_squeeze %dma_start3A_2180 : memref<1x32x128xf32, #tpu.memory_space<vmem>> -> memref<32x128xf32, #tpu.memory_space<vmem>>
      %dma_start3A_2182 = arith.constant 0 : i32
      %dma_start3A_2183 = tpu.memref_slice %arg4[%dma_start3A_2182, %multiple_of3A_2167] : memref<32x1000000xf32, #tpu.memory_space<hbm>> -> memref<32x128xf32, #tpu.memory_space<hbm>>
      tpu.enqueue_dma source(%dma_start3A_2183 : memref<32x128xf32, #tpu.memory_space<hbm>>) target(%dma_start3A_2181 : memref<32x128xf32, #tpu.memory_space<vmem>>) target_semaphore(%arg16 : memref<!tpu.dma_semaphore, #tpu.memory_space<semaphore_mem>>)
      %dma_start3A_2184 = arith.constant 1 : i32
      %dma_start3A_2185 = arith.constant 0 : i32
      %dma_start3A_2186 = arith.constant 0 : i32
      %dma_start3A_2187 = tpu.memref_slice %arg11[%dma_start3A_2184, %dma_start3A_2185, %dma_start3A_2186] : memref<8x32x128xf32, #tpu.memory_space<vmem>> -> memref<1x32x128xf32, #tpu.memory_space<vmem>>
      %dma_start3A_2188 = tpu.memref_squeeze %dma_start3A_2187 : memref<1x32x128xf32, #tpu.memory_space<vmem>> -> memref<32x128xf32, #tpu.memory_space<vmem>>
      %dma_start3A_2189 = arith.constant 0 : i32
      %dma_start3A_2190 = tpu.memref_slice %arg5[%dma_start3A_2189, %multiple_of3A_2170] : memref<32x1000000xf32, #tpu.memory_space<hbm>> -> memref<32x128xf32, #tpu.memory_space<hbm>>
      %dma_start3A_2191 = arith.constant 0 : i32
      %dma_start3A_2192 = arith.constant 0 : i32
      %dma_start3A_2193 = tpu.memref_slice %arg11[%dma_start3A_2184, %dma_start3A_2191, %dma_start3A_2192] : memref<8x32x128xf32, #tpu.memory_space<vmem>> -> memref<1x32x128xf32, #tpu.memory_space<vmem>>
      %dma_start3A_2194 = tpu.memref_squeeze %dma_start3A_2193 : memref<1x32x128xf32, #tpu.memory_space<vmem>> -> memref<32x128xf32, #tpu.memory_space<vmem>>
      %dma_start3A_2195 = arith.constant 0 : i32
      %dma_start3A_2196 = tpu.memref_slice %arg5[%dma_start3A_2195, %multiple_of3A_2170] : memref<32x1000000xf32, #tpu.memory_space<hbm>> -> memref<32x128xf32, #tpu.memory_space<hbm>>
      tpu.enqueue_dma source(%dma_start3A_2196 : memref<32x128xf32, #tpu.memory_space<hbm>>) target(%dma_start3A_2194 : memref<32x128xf32, #tpu.memory_space<vmem>>) target_semaphore(%arg16 : memref<!tpu.dma_semaphore, #tpu.memory_space<semaphore_mem>>)
      %eq3A_2197 = arith.constant 10 : i32
      %eq3A_2198 = vector.broadcast %eq3A_2197 : i32 to vector<16xi32>
      %eq3A_2199 = arith.cmpi eq, %iota3A, %eq3A_2198 : vector<16xi32>
      %jit3A_2200 = arith.constant 0 : i32
      %broadcast_in_dim3A_2201 = vector.broadcast %jit3A_2200 : i32 to vector<16xi32>
      %select_n3A_2202 = arith.select %eq3A_2199, %and3A_722, %broadcast_in_dim3A_2201 : vector<16xi1>, vector<16xi32>
      %reduce_sum3A_2203 = arith.constant true
      %reduce_sum3A_2204 = vector.broadcast %reduce_sum3A_2203 : i1 to vector<16xi1>
      %reduce_sum3A_2205 = tpu.scan <sum>, %select_n3A_2202 masked %reduce_sum3A_2204 : vector<16xi32>, vector<16xi1> -> vector<16xi32>
      %reduce_sum3A_2206 = vector.extract %reduce_sum3A_2205[15] : i32 from vector<16xi32>
      %eq3A_2207 = arith.constant 10 : i32
      %eq3A_2208 = vector.broadcast %eq3A_2207 : i32 to vector<16xi32>
      %eq3A_2209 = arith.cmpi eq, %iota3A, %eq3A_2208 : vector<16xi32>
      %jit3A_2210 = arith.constant 0 : i32
      %broadcast_in_dim3A_2211 = vector.broadcast %jit3A_2210 : i32 to vector<16xi32>
      %select_n3A_2212 = arith.select %eq3A_2209, %and3A_725, %broadcast_in_dim3A_2211 : vector<16xi1>, vector<16xi32>
      %reduce_sum3A_2213 = arith.constant true
      %reduce_sum3A_2214 = vector.broadcast %reduce_sum3A_2213 : i1 to vector<16xi1>
      %reduce_sum3A_2215 = tpu.scan <sum>, %select_n3A_2212 masked %reduce_sum3A_2214 : vector<16xi32>, vector<16xi1> -> vector<16xi32>
      %reduce_sum3A_2216 = vector.extract %reduce_sum3A_2215[15] : i32 from vector<16xi32>
      %eq3A_2217 = arith.constant 2 : i32
      %eq3A_2218 = vector.broadcast %eq3A_2217 : i32 to vector<16xi32>
      %eq3A_2219 = arith.cmpi eq, %iota3A, %eq3A_2218 : vector<16xi32>
      %jit3A_2220 = arith.constant 0 : i32
      %broadcast_in_dim3A_2221 = vector.broadcast %jit3A_2220 : i32 to vector<16xi32>
      %select_n3A_2222 = arith.select %eq3A_2219, %shift_right_logical3A_742, %broadcast_in_dim3A_2221 : vector<16xi1>, vector<16xi32>
      %reduce_sum3A_2223 = arith.constant true
      %reduce_sum3A_2224 = vector.broadcast %reduce_sum3A_2223 : i1 to vector<16xi1>
      %reduce_sum3A_2225 = tpu.scan <sum>, %select_n3A_2222 masked %reduce_sum3A_2224 : vector<16xi32>, vector<16xi1> -> vector<16xi32>
      %reduce_sum3A_2226 = vector.extract %reduce_sum3A_2225[15] : i32 from vector<16xi32>
      %eq3A_2227 = arith.constant 2 : i32
      %eq3A_2228 = vector.broadcast %eq3A_2227 : i32 to vector<16xi32>
      %eq3A_2229 = arith.cmpi eq, %iota3A, %eq3A_2228 : vector<16xi32>
      %jit3A_2230 = arith.constant 0 : i32
      %broadcast_in_dim3A_2231 = vector.broadcast %jit3A_2230 : i32 to vector<16xi32>
      %select_n3A_2232 = arith.select %eq3A_2229, %shift_right_logical3A_747, %broadcast_in_dim3A_2231 : vector<16xi1>, vector<16xi32>
      %reduce_sum3A_2233 = arith.constant true
      %reduce_sum3A_2234 = vector.broadcast %reduce_sum3A_2233 : i1 to vector<16xi1>
      %reduce_sum3A_2235 = tpu.scan <sum>, %select_n3A_2232 masked %reduce_sum3A_2234 : vector<16xi32>, vector<16xi1> -> vector<16xi32>
      %reduce_sum3A_2236 = vector.extract %reduce_sum3A_2235[15] : i32 from vector<16xi32>
      %dma_wait3A_2237 = arith.constant 2 : i32
      %dma_wait3A_2238 = arith.constant 0 : i32
      %dma_wait3A_2239 = arith.constant 0 : i32
      %dma_wait3A_2240 = tpu.memref_slice %arg10[%dma_wait3A_2237, %dma_wait3A_2238, %dma_wait3A_2239] : memref<8x32x128xf32, #tpu.memory_space<vmem>> -> memref<1x32x128xf32, #tpu.memory_space<vmem>>
      %dma_wait3A_2241 = tpu.memref_squeeze %dma_wait3A_2240 : memref<1x32x128xf32, #tpu.memory_space<vmem>> -> memref<32x128xf32, #tpu.memory_space<vmem>>
      %dma_wait3A_2242 = arith.constant 0 : i32
      %dma_wait3A_2243 = arith.constant 0 : i32
      %dma_wait3A_2244 = tpu.memref_slice %arg4[%dma_wait3A_2242, %dma_wait3A_2243] : memref<32x1000000xf32, #tpu.memory_space<hbm>> -> memref<32x128xf32, #tpu.memory_space<hbm>>
      %dma_wait3A_2245 = arith.constant 0 : i32
      %dma_wait3A_2246 = arith.constant 0 : i32
      %dma_wait3A_2247 = tpu.memref_slice %arg10[%dma_wait3A_2237, %dma_wait3A_2245, %dma_wait3A_2246] : memref<8x32x128xf32, #tpu.memory_space<vmem>> -> memref<1x32x128xf32, #tpu.memory_space<vmem>>
      %dma_wait3A_2248 = tpu.memref_squeeze %dma_wait3A_2247 : memref<1x32x128xf32, #tpu.memory_space<vmem>> -> memref<32x128xf32, #tpu.memory_space<vmem>>
      %dma_wait3A_2249 = arith.constant 0 : i32
      %dma_wait3A_2250 = arith.constant 0 : i32
      %dma_wait3A_2251 = tpu.memref_slice %arg4[%dma_wait3A_2249, %dma_wait3A_2250] : memref<32x1000000xf32, #tpu.memory_space<hbm>> -> memref<32x128xf32, #tpu.memory_space<hbm>>
      tpu.wait_dma2 semaphore(%arg17 : memref<!tpu.dma_semaphore, #tpu.memory_space<semaphore_mem>>) src(%dma_wait3A_2251 : memref<32x128xf32, #tpu.memory_space<hbm>>) dst(%dma_wait3A_2248 : memref<32x128xf32, #tpu.memory_space<vmem>>)
      %dma_wait3A_2252 = arith.constant 2 : i32
      %dma_wait3A_2253 = arith.constant 0 : i32
      %dma_wait3A_2254 = arith.constant 0 : i32
      %dma_wait3A_2255 = tpu.memref_slice %arg11[%dma_wait3A_2252, %dma_wait3A_2253, %dma_wait3A_2254] : memref<8x32x128xf32, #tpu.memory_space<vmem>> -> memref<1x32x128xf32, #tpu.memory_space<vmem>>
      %dma_wait3A_2256 = tpu.memref_squeeze %dma_wait3A_2255 : memref<1x32x128xf32, #tpu.memory_space<vmem>> -> memref<32x128xf32, #tpu.memory_space<vmem>>
      %dma_wait3A_2257 = arith.constant 0 : i32
      %dma_wait3A_2258 = arith.constant 0 : i32
      %dma_wait3A_2259 = tpu.memref_slice %arg4[%dma_wait3A_2257, %dma_wait3A_2258] : memref<32x1000000xf32, #tpu.memory_space<hbm>> -> memref<32x128xf32, #tpu.memory_space<hbm>>
      %dma_wait3A_2260 = arith.constant 0 : i32
      %dma_wait3A_2261 = arith.constant 0 : i32
      %dma_wait3A_2262 = tpu.memref_slice %arg11[%dma_wait3A_2252, %dma_wait3A_2260, %dma_wait3A_2261] : memref<8x32x128xf32, #tpu.memory_space<vmem>> -> memref<1x32x128xf32, #tpu.memory_space<vmem>>
      %dma_wait3A_2263 = tpu.memref_squeeze %dma_wait3A_2262 : memref<1x32x128xf32, #tpu.memory_space<vmem>> -> memref<32x128xf32, #tpu.memory_space<vmem>>
      %dma_wait3A_2264 = arith.constant 0 : i32
      %dma_wait3A_2265 = arith.constant 0 : i32
      %dma_wait3A_2266 = tpu.memref_slice %arg4[%dma_wait3A_2264, %dma_wait3A_2265] : memref<32x1000000xf32, #tpu.memory_space<hbm>> -> memref<32x128xf32, #tpu.memory_space<hbm>>
      tpu.wait_dma2 semaphore(%arg17 : memref<!tpu.dma_semaphore, #tpu.memory_space<semaphore_mem>>) src(%dma_wait3A_2266 : memref<32x128xf32, #tpu.memory_space<hbm>>) dst(%dma_wait3A_2263 : memref<32x128xf32, #tpu.memory_space<vmem>>)
      %add3A_2267 = vector.broadcast %reduce_sum3A_2206 : i32 to vector<16xi32>
      %add3A_2268 = arith.addi %broadcast_in_dim3A_3, %add3A_2267 : vector<16xi32>
      %add3A_2269 = vector.broadcast %reduce_sum3A_2216 : i32 to vector<16xi32>
      %add3A_2270 = arith.addi %broadcast_in_dim3A_3, %add3A_2269 : vector<16xi32>
      %gather3A_2271 = arith.constant 2 : i32
      %gather3A_2272 = arith.constant 0 : i32
      %gather3A_2273 = arith.constant 0 : i32
      %gather3A_2274 = tpu.memref_slice %arg10[%gather3A_2271, %gather3A_2272, %gather3A_2273] : memref<8x32x128xf32, #tpu.memory_space<vmem>> -> memref<1x32x128xf32, #tpu.memory_space<vmem>>
      %gather3A_2275 = tpu.memref_squeeze %gather3A_2274 : memref<1x32x128xf32, #tpu.memory_space<vmem>> -> memref<32x128xf32, #tpu.memory_space<vmem>>
      %gather3A_2276 = tpu.vector_load_idx %gather3A_2275[%iota3A, %add3A_2268] : memref<32x128xf32, #tpu.memory_space<vmem>>[vector<16xi32>, vector<16xi32>], vector<16xf32>,
      %add3A_2277 = arith.constant 16 : i32
      %add3A_2278 = vector.broadcast %add3A_2277 : i32 to vector<16xi32>
      %add3A_2279 = arith.addi %iota3A, %add3A_2278 : vector<16xi32>
      %gather3A_2280 = arith.constant 2 : i32
      %gather3A_2281 = arith.constant 0 : i32
      %gather3A_2282 = arith.constant 0 : i32
      %gather3A_2283 = tpu.memref_slice %arg10[%gather3A_2280, %gather3A_2281, %gather3A_2282] : memref<8x32x128xf32, #tpu.memory_space<vmem>> -> memref<1x32x128xf32, #tpu.memory_space<vmem>>
      %gather3A_2284 = tpu.memref_squeeze %gather3A_2283 : memref<1x32x128xf32, #tpu.memory_space<vmem>> -> memref<32x128xf32, #tpu.memory_space<vmem>>
      %gather3A_2285 = tpu.vector_load_idx %gather3A_2284[%add3A_2279, %add3A_2268] : memref<32x128xf32, #tpu.memory_space<vmem>>[vector<16xi32>, vector<16xi32>], vector<16xf32>,
      %gather3A_2286 = arith.constant 2 : i32
      %gather3A_2287 = arith.constant 0 : i32
      %gather3A_2288 = arith.constant 0 : i32
      %gather3A_2289 = tpu.memref_slice %arg11[%gather3A_2286, %gather3A_2287, %gather3A_2288] : memref<8x32x128xf32, #tpu.memory_space<vmem>> -> memref<1x32x128xf32, #tpu.memory_space<vmem>>
      %gather3A_2290 = tpu.memref_squeeze %gather3A_2289 : memref<1x32x128xf32, #tpu.memory_space<vmem>> -> memref<32x128xf32, #tpu.memory_space<vmem>>
      %gather3A_2291 = tpu.vector_load_idx %gather3A_2290[%iota3A, %add3A_2270] : memref<32x128xf32, #tpu.memory_space<vmem>>[vector<16xi32>, vector<16xi32>], vector<16xf32>,
      %add3A_2292 = arith.constant 16 : i32
      %add3A_2293 = vector.broadcast %add3A_2292 : i32 to vector<16xi32>
      %add3A_2294 = arith.addi %iota3A, %add3A_2293 : vector<16xi32>
      %gather3A_2295 = arith.constant 2 : i32
      %gather3A_2296 = arith.constant 0 : i32
      %gather3A_2297 = arith.constant 0 : i32
      %gather3A_2298 = tpu.memref_slice %arg11[%gather3A_2295, %gather3A_2296, %gather3A_2297] : memref<8x32x128xf32, #tpu.memory_space<vmem>> -> memref<1x32x128xf32, #tpu.memory_space<vmem>>
      %gather3A_2299 = tpu.memref_squeeze %gather3A_2298 : memref<1x32x128xf32, #tpu.memory_space<vmem>> -> memref<32x128xf32, #tpu.memory_space<vmem>>
      %gather3A_2300 = tpu.vector_load_idx %gather3A_2299[%add3A_2294, %add3A_2270] : memref<32x128xf32, #tpu.memory_space<vmem>>[vector<16xi32>, vector<16xi32>], vector<16xf32>,
      %mul3A_2301 = arith.mulf %gather3A_2276, %gather3A_2291 : vector<16xf32>
      %mul3A_2302 = arith.mulf %mul3A_2301, %gather3A : vector<16xf32>
      %mul3A_2303 = arith.mulf %gather3A_2285, %gather3A_2300 : vector<16xf32>
      %mul3A_2304 = arith.mulf %mul3A_2303, %gather3A_7 : vector<16xf32>
      %add3A_2305 = arith.addf %mul3A_2302, %mul3A_2304 : vector<16xf32>
      %swap3A_2306 = arith.constant 10 : i32
      %swap3A_2307 = arith.index_cast %swap3A_2306 : i32 to index
      %swap3A_2308 = arith.constant 0 : index
      %swap3A_2309 = tpu.vector_load %arg12[%swap3A_2307, %swap3A_2308] {strides = array<i32>} : memref<16x16xf32, #tpu.memory_space<vmem>>, vector<16xf32>,
      tpu.vector_store %arg12[%swap3A_2307, %swap3A_2308], %add3A_2305 {strides = array<i32>} : memref<16x16xf32, #tpu.memory_space<vmem>>, vector<16xf32>,
      %mul3A_2310 = arith.constant 128 : i32
      %mul3A_2311 = arith.muli %reduce_sum3A_2226, %mul3A_2310 : i32
      %multiple_of3A_2312 = tpu.assume_multiple %mul3A_2311, 128 : i32
      %mul3A_2313 = arith.constant 128 : i32
      %mul3A_2314 = arith.muli %reduce_sum3A_2236, %mul3A_2313 : i32
      %multiple_of3A_2315 = tpu.assume_multiple %mul3A_2314, 128 : i32
      %dma_start3A_2316 = arith.constant 2 : i32
      %dma_start3A_2317 = arith.constant 0 : i32
      %dma_start3A_2318 = arith.constant 0 : i32
      %dma_start3A_2319 = tpu.memref_slice %arg10[%dma_start3A_2316, %dma_start3A_2317, %dma_start3A_2318] : memref<8x32x128xf32, #tpu.memory_space<vmem>> -> memref<1x32x128xf32, #tpu.memory_space<vmem>>
      %dma_start3A_2320 = tpu.memref_squeeze %dma_start3A_2319 : memref<1x32x128xf32, #tpu.memory_space<vmem>> -> memref<32x128xf32, #tpu.memory_space<vmem>>
      %dma_start3A_2321 = arith.constant 0 : i32
      %dma_start3A_2322 = tpu.memref_slice %arg4[%dma_start3A_2321, %multiple_of3A_2312] : memref<32x1000000xf32, #tpu.memory_space<hbm>> -> memref<32x128xf32, #tpu.memory_space<hbm>>
      %dma_start3A_2323 = arith.constant 0 : i32
      %dma_start3A_2324 = arith.constant 0 : i32
      %dma_start3A_2325 = tpu.memref_slice %arg10[%dma_start3A_2316, %dma_start3A_2323, %dma_start3A_2324] : memref<8x32x128xf32, #tpu.memory_space<vmem>> -> memref<1x32x128xf32, #tpu.memory_space<vmem>>
      %dma_start3A_2326 = tpu.memref_squeeze %dma_start3A_2325 : memref<1x32x128xf32, #tpu.memory_space<vmem>> -> memref<32x128xf32, #tpu.memory_space<vmem>>
      %dma_start3A_2327 = arith.constant 0 : i32
      %dma_start3A_2328 = tpu.memref_slice %arg4[%dma_start3A_2327, %multiple_of3A_2312] : memref<32x1000000xf32, #tpu.memory_space<hbm>> -> memref<32x128xf32, #tpu.memory_space<hbm>>
      tpu.enqueue_dma source(%dma_start3A_2328 : memref<32x128xf32, #tpu.memory_space<hbm>>) target(%dma_start3A_2326 : memref<32x128xf32, #tpu.memory_space<vmem>>) target_semaphore(%arg17 : memref<!tpu.dma_semaphore, #tpu.memory_space<semaphore_mem>>)
      %dma_start3A_2329 = arith.constant 2 : i32
      %dma_start3A_2330 = arith.constant 0 : i32
      %dma_start3A_2331 = arith.constant 0 : i32
      %dma_start3A_2332 = tpu.memref_slice %arg11[%dma_start3A_2329, %dma_start3A_2330, %dma_start3A_2331] : memref<8x32x128xf32, #tpu.memory_space<vmem>> -> memref<1x32x128xf32, #tpu.memory_space<vmem>>
      %dma_start3A_2333 = tpu.memref_squeeze %dma_start3A_2332 : memref<1x32x128xf32, #tpu.memory_space<vmem>> -> memref<32x128xf32, #tpu.memory_space<vmem>>
      %dma_start3A_2334 = arith.constant 0 : i32
      %dma_start3A_2335 = tpu.memref_slice %arg5[%dma_start3A_2334, %multiple_of3A_2315] : memref<32x1000000xf32, #tpu.memory_space<hbm>> -> memref<32x128xf32, #tpu.memory_space<hbm>>
      %dma_start3A_2336 = arith.constant 0 : i32
      %dma_start3A_2337 = arith.constant 0 : i32
      %dma_start3A_2338 = tpu.memref_slice %arg11[%dma_start3A_2329, %dma_start3A_2336, %dma_start3A_2337] : memref<8x32x128xf32, #tpu.memory_space<vmem>> -> memref<1x32x128xf32, #tpu.memory_space<vmem>>
      %dma_start3A_2339 = tpu.memref_squeeze %dma_start3A_2338 : memref<1x32x128xf32, #tpu.memory_space<vmem>> -> memref<32x128xf32, #tpu.memory_space<vmem>>
      %dma_start3A_2340 = arith.constant 0 : i32
      %dma_start3A_2341 = tpu.memref_slice %arg5[%dma_start3A_2340, %multiple_of3A_2315] : memref<32x1000000xf32, #tpu.memory_space<hbm>> -> memref<32x128xf32, #tpu.memory_space<hbm>>
      tpu.enqueue_dma source(%dma_start3A_2341 : memref<32x128xf32, #tpu.memory_space<hbm>>) target(%dma_start3A_2339 : memref<32x128xf32, #tpu.memory_space<vmem>>) target_semaphore(%arg17 : memref<!tpu.dma_semaphore, #tpu.memory_space<semaphore_mem>>)
      %eq3A_2342 = arith.constant 11 : i32
      %eq3A_2343 = vector.broadcast %eq3A_2342 : i32 to vector<16xi32>
      %eq3A_2344 = arith.cmpi eq, %iota3A, %eq3A_2343 : vector<16xi32>
      %jit3A_2345 = arith.constant 0 : i32
      %broadcast_in_dim3A_2346 = vector.broadcast %jit3A_2345 : i32 to vector<16xi32>
      %select_n3A_2347 = arith.select %eq3A_2344, %and3A_722, %broadcast_in_dim3A_2346 : vector<16xi1>, vector<16xi32>
      %reduce_sum3A_2348 = arith.constant true
      %reduce_sum3A_2349 = vector.broadcast %reduce_sum3A_2348 : i1 to vector<16xi1>
      %reduce_sum3A_2350 = tpu.scan <sum>, %select_n3A_2347 masked %reduce_sum3A_2349 : vector<16xi32>, vector<16xi1> -> vector<16xi32>
      %reduce_sum3A_2351 = vector.extract %reduce_sum3A_2350[15] : i32 from vector<16xi32>
      %eq3A_2352 = arith.constant 11 : i32
      %eq3A_2353 = vector.broadcast %eq3A_2352 : i32 to vector<16xi32>
      %eq3A_2354 = arith.cmpi eq, %iota3A, %eq3A_2353 : vector<16xi32>
      %jit3A_2355 = arith.constant 0 : i32
      %broadcast_in_dim3A_2356 = vector.broadcast %jit3A_2355 : i32 to vector<16xi32>
      %select_n3A_2357 = arith.select %eq3A_2354, %and3A_725, %broadcast_in_dim3A_2356 : vector<16xi1>, vector<16xi32>
      %reduce_sum3A_2358 = arith.constant true
      %reduce_sum3A_2359 = vector.broadcast %reduce_sum3A_2358 : i1 to vector<16xi1>
      %reduce_sum3A_2360 = tpu.scan <sum>, %select_n3A_2357 masked %reduce_sum3A_2359 : vector<16xi32>, vector<16xi1> -> vector<16xi32>
      %reduce_sum3A_2361 = vector.extract %reduce_sum3A_2360[15] : i32 from vector<16xi32>
      %eq3A_2362 = arith.constant 3 : i32
      %eq3A_2363 = vector.broadcast %eq3A_2362 : i32 to vector<16xi32>
      %eq3A_2364 = arith.cmpi eq, %iota3A, %eq3A_2363 : vector<16xi32>
      %jit3A_2365 = arith.constant 0 : i32
      %broadcast_in_dim3A_2366 = vector.broadcast %jit3A_2365 : i32 to vector<16xi32>
      %select_n3A_2367 = arith.select %eq3A_2364, %shift_right_logical3A_742, %broadcast_in_dim3A_2366 : vector<16xi1>, vector<16xi32>
      %reduce_sum3A_2368 = arith.constant true
      %reduce_sum3A_2369 = vector.broadcast %reduce_sum3A_2368 : i1 to vector<16xi1>
      %reduce_sum3A_2370 = tpu.scan <sum>, %select_n3A_2367 masked %reduce_sum3A_2369 : vector<16xi32>, vector<16xi1> -> vector<16xi32>
      %reduce_sum3A_2371 = vector.extract %reduce_sum3A_2370[15] : i32 from vector<16xi32>
      %eq3A_2372 = arith.constant 3 : i32
      %eq3A_2373 = vector.broadcast %eq3A_2372 : i32 to vector<16xi32>
      %eq3A_2374 = arith.cmpi eq, %iota3A, %eq3A_2373 : vector<16xi32>
      %jit3A_2375 = arith.constant 0 : i32
      %broadcast_in_dim3A_2376 = vector.broadcast %jit3A_2375 : i32 to vector<16xi32>
      %select_n3A_2377 = arith.select %eq3A_2374, %shift_right_logical3A_747, %broadcast_in_dim3A_2376 : vector<16xi1>, vector<16xi32>
      %reduce_sum3A_2378 = arith.constant true
      %reduce_sum3A_2379 = vector.broadcast %reduce_sum3A_2378 : i1 to vector<16xi1>
      %reduce_sum3A_2380 = tpu.scan <sum>, %select_n3A_2377 masked %reduce_sum3A_2379 : vector<16xi32>, vector<16xi1> -> vector<16xi32>
      %reduce_sum3A_2381 = vector.extract %reduce_sum3A_2380[15] : i32 from vector<16xi32>
      %dma_wait3A_2382 = arith.constant 3 : i32
      %dma_wait3A_2383 = arith.constant 0 : i32
      %dma_wait3A_2384 = arith.constant 0 : i32
      %dma_wait3A_2385 = tpu.memref_slice %arg10[%dma_wait3A_2382, %dma_wait3A_2383, %dma_wait3A_2384] : memref<8x32x128xf32, #tpu.memory_space<vmem>> -> memref<1x32x128xf32, #tpu.memory_space<vmem>>
      %dma_wait3A_2386 = tpu.memref_squeeze %dma_wait3A_2385 : memref<1x32x128xf32, #tpu.memory_space<vmem>> -> memref<32x128xf32, #tpu.memory_space<vmem>>
      %dma_wait3A_2387 = arith.constant 0 : i32
      %dma_wait3A_2388 = arith.constant 0 : i32
      %dma_wait3A_2389 = tpu.memref_slice %arg4[%dma_wait3A_2387, %dma_wait3A_2388] : memref<32x1000000xf32, #tpu.memory_space<hbm>> -> memref<32x128xf32, #tpu.memory_space<hbm>>
      %dma_wait3A_2390 = arith.constant 0 : i32
      %dma_wait3A_2391 = arith.constant 0 : i32
      %dma_wait3A_2392 = tpu.memref_slice %arg10[%dma_wait3A_2382, %dma_wait3A_2390, %dma_wait3A_2391] : memref<8x32x128xf32, #tpu.memory_space<vmem>> -> memref<1x32x128xf32, #tpu.memory_space<vmem>>
      %dma_wait3A_2393 = tpu.memref_squeeze %dma_wait3A_2392 : memref<1x32x128xf32, #tpu.memory_space<vmem>> -> memref<32x128xf32, #tpu.memory_space<vmem>>
      %dma_wait3A_2394 = arith.constant 0 : i32
      %dma_wait3A_2395 = arith.constant 0 : i32
      %dma_wait3A_2396 = tpu.memref_slice %arg4[%dma_wait3A_2394, %dma_wait3A_2395] : memref<32x1000000xf32, #tpu.memory_space<hbm>> -> memref<32x128xf32, #tpu.memory_space<hbm>>
      tpu.wait_dma2 semaphore(%arg18 : memref<!tpu.dma_semaphore, #tpu.memory_space<semaphore_mem>>) src(%dma_wait3A_2396 : memref<32x128xf32, #tpu.memory_space<hbm>>) dst(%dma_wait3A_2393 : memref<32x128xf32, #tpu.memory_space<vmem>>)
      %dma_wait3A_2397 = arith.constant 3 : i32
      %dma_wait3A_2398 = arith.constant 0 : i32
      %dma_wait3A_2399 = arith.constant 0 : i32
      %dma_wait3A_2400 = tpu.memref_slice %arg11[%dma_wait3A_2397, %dma_wait3A_2398, %dma_wait3A_2399] : memref<8x32x128xf32, #tpu.memory_space<vmem>> -> memref<1x32x128xf32, #tpu.memory_space<vmem>>
      %dma_wait3A_2401 = tpu.memref_squeeze %dma_wait3A_2400 : memref<1x32x128xf32, #tpu.memory_space<vmem>> -> memref<32x128xf32, #tpu.memory_space<vmem>>
      %dma_wait3A_2402 = arith.constant 0 : i32
      %dma_wait3A_2403 = arith.constant 0 : i32
      %dma_wait3A_2404 = tpu.memref_slice %arg4[%dma_wait3A_2402, %dma_wait3A_2403] : memref<32x1000000xf32, #tpu.memory_space<hbm>> -> memref<32x128xf32, #tpu.memory_space<hbm>>
      %dma_wait3A_2405 = arith.constant 0 : i32
      %dma_wait3A_2406 = arith.constant 0 : i32
      %dma_wait3A_2407 = tpu.memref_slice %arg11[%dma_wait3A_2397, %dma_wait3A_2405, %dma_wait3A_2406] : memref<8x32x128xf32, #tpu.memory_space<vmem>> -> memref<1x32x128xf32, #tpu.memory_space<vmem>>
      %dma_wait3A_2408 = tpu.memref_squeeze %dma_wait3A_2407 : memref<1x32x128xf32, #tpu.memory_space<vmem>> -> memref<32x128xf32, #tpu.memory_space<vmem>>
      %dma_wait3A_2409 = arith.constant 0 : i32
      %dma_wait3A_2410 = arith.constant 0 : i32
      %dma_wait3A_2411 = tpu.memref_slice %arg4[%dma_wait3A_2409, %dma_wait3A_2410] : memref<32x1000000xf32, #tpu.memory_space<hbm>> -> memref<32x128xf32, #tpu.memory_space<hbm>>
      tpu.wait_dma2 semaphore(%arg18 : memref<!tpu.dma_semaphore, #tpu.memory_space<semaphore_mem>>) src(%dma_wait3A_2411 : memref<32x128xf32, #tpu.memory_space<hbm>>) dst(%dma_wait3A_2408 : memref<32x128xf32, #tpu.memory_space<vmem>>)
      %add3A_2412 = vector.broadcast %reduce_sum3A_2351 : i32 to vector<16xi32>
      %add3A_2413 = arith.addi %broadcast_in_dim3A_3, %add3A_2412 : vector<16xi32>
      %add3A_2414 = vector.broadcast %reduce_sum3A_2361 : i32 to vector<16xi32>
      %add3A_2415 = arith.addi %broadcast_in_dim3A_3, %add3A_2414 : vector<16xi32>
      %gather3A_2416 = arith.constant 3 : i32
      %gather3A_2417 = arith.constant 0 : i32
      %gather3A_2418 = arith.constant 0 : i32
      %gather3A_2419 = tpu.memref_slice %arg10[%gather3A_2416, %gather3A_2417, %gather3A_2418] : memref<8x32x128xf32, #tpu.memory_space<vmem>> -> memref<1x32x128xf32, #tpu.memory_space<vmem>>
      %gather3A_2420 = tpu.memref_squeeze %gather3A_2419 : memref<1x32x128xf32, #tpu.memory_space<vmem>> -> memref<32x128xf32, #tpu.memory_space<vmem>>
      %gather3A_2421 = tpu.vector_load_idx %gather3A_2420[%iota3A, %add3A_2413] : memref<32x128xf32, #tpu.memory_space<vmem>>[vector<16xi32>, vector<16xi32>], vector<16xf32>,
      %add3A_2422 = arith.constant 16 : i32
      %add3A_2423 = vector.broadcast %add3A_2422 : i32 to vector<16xi32>
      %add3A_2424 = arith.addi %iota3A, %add3A_2423 : vector<16xi32>
      %gather3A_2425 = arith.constant 3 : i32
      %gather3A_2426 = arith.constant 0 : i32
      %gather3A_2427 = arith.constant 0 : i32
      %gather3A_2428 = tpu.memref_slice %arg10[%gather3A_2425, %gather3A_2426, %gather3A_2427] : memref<8x32x128xf32, #tpu.memory_space<vmem>> -> memref<1x32x128xf32, #tpu.memory_space<vmem>>
      %gather3A_2429 = tpu.memref_squeeze %gather3A_2428 : memref<1x32x128xf32, #tpu.memory_space<vmem>> -> memref<32x128xf32, #tpu.memory_space<vmem>>
      %gather3A_2430 = tpu.vector_load_idx %gather3A_2429[%add3A_2424, %add3A_2413] : memref<32x128xf32, #tpu.memory_space<vmem>>[vector<16xi32>, vector<16xi32>], vector<16xf32>,
      %gather3A_2431 = arith.constant 3 : i32
      %gather3A_2432 = arith.constant 0 : i32
      %gather3A_2433 = arith.constant 0 : i32
      %gather3A_2434 = tpu.memref_slice %arg11[%gather3A_2431, %gather3A_2432, %gather3A_2433] : memref<8x32x128xf32, #tpu.memory_space<vmem>> -> memref<1x32x128xf32, #tpu.memory_space<vmem>>
      %gather3A_2435 = tpu.memref_squeeze %gather3A_2434 : memref<1x32x128xf32, #tpu.memory_space<vmem>> -> memref<32x128xf32, #tpu.memory_space<vmem>>
      %gather3A_2436 = tpu.vector_load_idx %gather3A_2435[%iota3A, %add3A_2415] : memref<32x128xf32, #tpu.memory_space<vmem>>[vector<16xi32>, vector<16xi32>], vector<16xf32>,
      %add3A_2437 = arith.constant 16 : i32
      %add3A_2438 = vector.broadcast %add3A_2437 : i32 to vector<16xi32>
      %add3A_2439 = arith.addi %iota3A, %add3A_2438 : vector<16xi32>
      %gather3A_2440 = arith.constant 3 : i32
      %gather3A_2441 = arith.constant 0 : i32
      %gather3A_2442 = arith.constant 0 : i32
      %gather3A_2443 = tpu.memref_slice %arg11[%gather3A_2440, %gather3A_2441, %gather3A_2442] : memref<8x32x128xf32, #tpu.memory_space<vmem>> -> memref<1x32x128xf32, #tpu.memory_space<vmem>>
      %gather3A_2444 = tpu.memref_squeeze %gather3A_2443 : memref<1x32x128xf32, #tpu.memory_space<vmem>> -> memref<32x128xf32, #tpu.memory_space<vmem>>
      %gather3A_2445 = tpu.vector_load_idx %gather3A_2444[%add3A_2439, %add3A_2415] : memref<32x128xf32, #tpu.memory_space<vmem>>[vector<16xi32>, vector<16xi32>], vector<16xf32>,
      %mul3A_2446 = arith.mulf %gather3A_2421, %gather3A_2436 : vector<16xf32>
      %mul3A_2447 = arith.mulf %mul3A_2446, %gather3A : vector<16xf32>
      %mul3A_2448 = arith.mulf %gather3A_2430, %gather3A_2445 : vector<16xf32>
      %mul3A_2449 = arith.mulf %mul3A_2448, %gather3A_7 : vector<16xf32>
      %add3A_2450 = arith.addf %mul3A_2447, %mul3A_2449 : vector<16xf32>
      %swap3A_2451 = arith.constant 11 : i32
      %swap3A_2452 = arith.index_cast %swap3A_2451 : i32 to index
      %swap3A_2453 = arith.constant 0 : index
      %swap3A_2454 = tpu.vector_load %arg12[%swap3A_2452, %swap3A_2453] {strides = array<i32>} : memref<16x16xf32, #tpu.memory_space<vmem>>, vector<16xf32>,
      tpu.vector_store %arg12[%swap3A_2452, %swap3A_2453], %add3A_2450 {strides = array<i32>} : memref<16x16xf32, #tpu.memory_space<vmem>>, vector<16xf32>,
      %mul3A_2455 = arith.constant 128 : i32
      %mul3A_2456 = arith.muli %reduce_sum3A_2371, %mul3A_2455 : i32
      %multiple_of3A_2457 = tpu.assume_multiple %mul3A_2456, 128 : i32
      %mul3A_2458 = arith.constant 128 : i32
      %mul3A_2459 = arith.muli %reduce_sum3A_2381, %mul3A_2458 : i32
      %multiple_of3A_2460 = tpu.assume_multiple %mul3A_2459, 128 : i32
      %dma_start3A_2461 = arith.constant 3 : i32
      %dma_start3A_2462 = arith.constant 0 : i32
      %dma_start3A_2463 = arith.constant 0 : i32
      %dma_start3A_2464 = tpu.memref_slice %arg10[%dma_start3A_2461, %dma_start3A_2462, %dma_start3A_2463] : memref<8x32x128xf32, #tpu.memory_space<vmem>> -> memref<1x32x128xf32, #tpu.memory_space<vmem>>
      %dma_start3A_2465 = tpu.memref_squeeze %dma_start3A_2464 : memref<1x32x128xf32, #tpu.memory_space<vmem>> -> memref<32x128xf32, #tpu.memory_space<vmem>>
      %dma_start3A_2466 = arith.constant 0 : i32
      %dma_start3A_2467 = tpu.memref_slice %arg4[%dma_start3A_2466, %multiple_of3A_2457] : memref<32x1000000xf32, #tpu.memory_space<hbm>> -> memref<32x128xf32, #tpu.memory_space<hbm>>
      %dma_start3A_2468 = arith.constant 0 : i32
      %dma_start3A_2469 = arith.constant 0 : i32
      %dma_start3A_2470 = tpu.memref_slice %arg10[%dma_start3A_2461, %dma_start3A_2468, %dma_start3A_2469] : memref<8x32x128xf32, #tpu.memory_space<vmem>> -> memref<1x32x128xf32, #tpu.memory_space<vmem>>
      %dma_start3A_2471 = tpu.memref_squeeze %dma_start3A_2470 : memref<1x32x128xf32, #tpu.memory_space<vmem>> -> memref<32x128xf32, #tpu.memory_space<vmem>>
      %dma_start3A_2472 = arith.constant 0 : i32
      %dma_start3A_2473 = tpu.memref_slice %arg4[%dma_start3A_2472, %multiple_of3A_2457] : memref<32x1000000xf32, #tpu.memory_space<hbm>> -> memref<32x128xf32, #tpu.memory_space<hbm>>
      tpu.enqueue_dma source(%dma_start3A_2473 : memref<32x128xf32, #tpu.memory_space<hbm>>) target(%dma_start3A_2471 : memref<32x128xf32, #tpu.memory_space<vmem>>) target_semaphore(%arg18 : memref<!tpu.dma_semaphore, #tpu.memory_space<semaphore_mem>>)
      %dma_start3A_2474 = arith.constant 3 : i32
      %dma_start3A_2475 = arith.constant 0 : i32
      %dma_start3A_2476 = arith.constant 0 : i32
      %dma_start3A_2477 = tpu.memref_slice %arg11[%dma_start3A_2474, %dma_start3A_2475, %dma_start3A_2476] : memref<8x32x128xf32, #tpu.memory_space<vmem>> -> memref<1x32x128xf32, #tpu.memory_space<vmem>>
      %dma_start3A_2478 = tpu.memref_squeeze %dma_start3A_2477 : memref<1x32x128xf32, #tpu.memory_space<vmem>> -> memref<32x128xf32, #tpu.memory_space<vmem>>
      %dma_start3A_2479 = arith.constant 0 : i32
      %dma_start3A_2480 = tpu.memref_slice %arg5[%dma_start3A_2479, %multiple_of3A_2460] : memref<32x1000000xf32, #tpu.memory_space<hbm>> -> memref<32x128xf32, #tpu.memory_space<hbm>>
      %dma_start3A_2481 = arith.constant 0 : i32
      %dma_start3A_2482 = arith.constant 0 : i32
      %dma_start3A_2483 = tpu.memref_slice %arg11[%dma_start3A_2474, %dma_start3A_2481, %dma_start3A_2482] : memref<8x32x128xf32, #tpu.memory_space<vmem>> -> memref<1x32x128xf32, #tpu.memory_space<vmem>>
      %dma_start3A_2484 = tpu.memref_squeeze %dma_start3A_2483 : memref<1x32x128xf32, #tpu.memory_space<vmem>> -> memref<32x128xf32, #tpu.memory_space<vmem>>
      %dma_start3A_2485 = arith.constant 0 : i32
      %dma_start3A_2486 = tpu.memref_slice %arg5[%dma_start3A_2485, %multiple_of3A_2460] : memref<32x1000000xf32, #tpu.memory_space<hbm>> -> memref<32x128xf32, #tpu.memory_space<hbm>>
      tpu.enqueue_dma source(%dma_start3A_2486 : memref<32x128xf32, #tpu.memory_space<hbm>>) target(%dma_start3A_2484 : memref<32x128xf32, #tpu.memory_space<vmem>>) target_semaphore(%arg18 : memref<!tpu.dma_semaphore, #tpu.memory_space<semaphore_mem>>)
      %eq3A_2487 = arith.constant 12 : i32
      %eq3A_2488 = vector.broadcast %eq3A_2487 : i32 to vector<16xi32>
      %eq3A_2489 = arith.cmpi eq, %iota3A, %eq3A_2488 : vector<16xi32>
      %jit3A_2490 = arith.constant 0 : i32
      %broadcast_in_dim3A_2491 = vector.broadcast %jit3A_2490 : i32 to vector<16xi32>
      %select_n3A_2492 = arith.select %eq3A_2489, %and3A_722, %broadcast_in_dim3A_2491 : vector<16xi1>, vector<16xi32>
      %reduce_sum3A_2493 = arith.constant true
      %reduce_sum3A_2494 = vector.broadcast %reduce_sum3A_2493 : i1 to vector<16xi1>
      %reduce_sum3A_2495 = tpu.scan <sum>, %select_n3A_2492 masked %reduce_sum3A_2494 : vector<16xi32>, vector<16xi1> -> vector<16xi32>
      %reduce_sum3A_2496 = vector.extract %reduce_sum3A_2495[15] : i32 from vector<16xi32>
      %eq3A_2497 = arith.constant 12 : i32
      %eq3A_2498 = vector.broadcast %eq3A_2497 : i32 to vector<16xi32>
      %eq3A_2499 = arith.cmpi eq, %iota3A, %eq3A_2498 : vector<16xi32>
      %jit3A_2500 = arith.constant 0 : i32
      %broadcast_in_dim3A_2501 = vector.broadcast %jit3A_2500 : i32 to vector<16xi32>
      %select_n3A_2502 = arith.select %eq3A_2499, %and3A_725, %broadcast_in_dim3A_2501 : vector<16xi1>, vector<16xi32>
      %reduce_sum3A_2503 = arith.constant true
      %reduce_sum3A_2504 = vector.broadcast %reduce_sum3A_2503 : i1 to vector<16xi1>
      %reduce_sum3A_2505 = tpu.scan <sum>, %select_n3A_2502 masked %reduce_sum3A_2504 : vector<16xi32>, vector<16xi1> -> vector<16xi32>
      %reduce_sum3A_2506 = vector.extract %reduce_sum3A_2505[15] : i32 from vector<16xi32>
      %eq3A_2507 = arith.constant 4 : i32
      %eq3A_2508 = vector.broadcast %eq3A_2507 : i32 to vector<16xi32>
      %eq3A_2509 = arith.cmpi eq, %iota3A, %eq3A_2508 : vector<16xi32>
      %jit3A_2510 = arith.constant 0 : i32
      %broadcast_in_dim3A_2511 = vector.broadcast %jit3A_2510 : i32 to vector<16xi32>
      %select_n3A_2512 = arith.select %eq3A_2509, %shift_right_logical3A_742, %broadcast_in_dim3A_2511 : vector<16xi1>, vector<16xi32>
      %reduce_sum3A_2513 = arith.constant true
      %reduce_sum3A_2514 = vector.broadcast %reduce_sum3A_2513 : i1 to vector<16xi1>
      %reduce_sum3A_2515 = tpu.scan <sum>, %select_n3A_2512 masked %reduce_sum3A_2514 : vector<16xi32>, vector<16xi1> -> vector<16xi32>
      %reduce_sum3A_2516 = vector.extract %reduce_sum3A_2515[15] : i32 from vector<16xi32>
      %eq3A_2517 = arith.constant 4 : i32
      %eq3A_2518 = vector.broadcast %eq3A_2517 : i32 to vector<16xi32>
      %eq3A_2519 = arith.cmpi eq, %iota3A, %eq3A_2518 : vector<16xi32>
      %jit3A_2520 = arith.constant 0 : i32
      %broadcast_in_dim3A_2521 = vector.broadcast %jit3A_2520 : i32 to vector<16xi32>
      %select_n3A_2522 = arith.select %eq3A_2519, %shift_right_logical3A_747, %broadcast_in_dim3A_2521 : vector<16xi1>, vector<16xi32>
      %reduce_sum3A_2523 = arith.constant true
      %reduce_sum3A_2524 = vector.broadcast %reduce_sum3A_2523 : i1 to vector<16xi1>
      %reduce_sum3A_2525 = tpu.scan <sum>, %select_n3A_2522 masked %reduce_sum3A_2524 : vector<16xi32>, vector<16xi1> -> vector<16xi32>
      %reduce_sum3A_2526 = vector.extract %reduce_sum3A_2525[15] : i32 from vector<16xi32>
      %dma_wait3A_2527 = arith.constant 4 : i32
      %dma_wait3A_2528 = arith.constant 0 : i32
      %dma_wait3A_2529 = arith.constant 0 : i32
      %dma_wait3A_2530 = tpu.memref_slice %arg10[%dma_wait3A_2527, %dma_wait3A_2528, %dma_wait3A_2529] : memref<8x32x128xf32, #tpu.memory_space<vmem>> -> memref<1x32x128xf32, #tpu.memory_space<vmem>>
      %dma_wait3A_2531 = tpu.memref_squeeze %dma_wait3A_2530 : memref<1x32x128xf32, #tpu.memory_space<vmem>> -> memref<32x128xf32, #tpu.memory_space<vmem>>
      %dma_wait3A_2532 = arith.constant 0 : i32
      %dma_wait3A_2533 = arith.constant 0 : i32
      %dma_wait3A_2534 = tpu.memref_slice %arg4[%dma_wait3A_2532, %dma_wait3A_2533] : memref<32x1000000xf32, #tpu.memory_space<hbm>> -> memref<32x128xf32, #tpu.memory_space<hbm>>
      %dma_wait3A_2535 = arith.constant 0 : i32
      %dma_wait3A_2536 = arith.constant 0 : i32
      %dma_wait3A_2537 = tpu.memref_slice %arg10[%dma_wait3A_2527, %dma_wait3A_2535, %dma_wait3A_2536] : memref<8x32x128xf32, #tpu.memory_space<vmem>> -> memref<1x32x128xf32, #tpu.memory_space<vmem>>
      %dma_wait3A_2538 = tpu.memref_squeeze %dma_wait3A_2537 : memref<1x32x128xf32, #tpu.memory_space<vmem>> -> memref<32x128xf32, #tpu.memory_space<vmem>>
      %dma_wait3A_2539 = arith.constant 0 : i32
      %dma_wait3A_2540 = arith.constant 0 : i32
      %dma_wait3A_2541 = tpu.memref_slice %arg4[%dma_wait3A_2539, %dma_wait3A_2540] : memref<32x1000000xf32, #tpu.memory_space<hbm>> -> memref<32x128xf32, #tpu.memory_space<hbm>>
      tpu.wait_dma2 semaphore(%arg19 : memref<!tpu.dma_semaphore, #tpu.memory_space<semaphore_mem>>) src(%dma_wait3A_2541 : memref<32x128xf32, #tpu.memory_space<hbm>>) dst(%dma_wait3A_2538 : memref<32x128xf32, #tpu.memory_space<vmem>>)
      %dma_wait3A_2542 = arith.constant 4 : i32
      %dma_wait3A_2543 = arith.constant 0 : i32
      %dma_wait3A_2544 = arith.constant 0 : i32
      %dma_wait3A_2545 = tpu.memref_slice %arg11[%dma_wait3A_2542, %dma_wait3A_2543, %dma_wait3A_2544] : memref<8x32x128xf32, #tpu.memory_space<vmem>> -> memref<1x32x128xf32, #tpu.memory_space<vmem>>
      %dma_wait3A_2546 = tpu.memref_squeeze %dma_wait3A_2545 : memref<1x32x128xf32, #tpu.memory_space<vmem>> -> memref<32x128xf32, #tpu.memory_space<vmem>>
      %dma_wait3A_2547 = arith.constant 0 : i32
      %dma_wait3A_2548 = arith.constant 0 : i32
      %dma_wait3A_2549 = tpu.memref_slice %arg4[%dma_wait3A_2547, %dma_wait3A_2548] : memref<32x1000000xf32, #tpu.memory_space<hbm>> -> memref<32x128xf32, #tpu.memory_space<hbm>>
      %dma_wait3A_2550 = arith.constant 0 : i32
      %dma_wait3A_2551 = arith.constant 0 : i32
      %dma_wait3A_2552 = tpu.memref_slice %arg11[%dma_wait3A_2542, %dma_wait3A_2550, %dma_wait3A_2551] : memref<8x32x128xf32, #tpu.memory_space<vmem>> -> memref<1x32x128xf32, #tpu.memory_space<vmem>>
      %dma_wait3A_2553 = tpu.memref_squeeze %dma_wait3A_2552 : memref<1x32x128xf32, #tpu.memory_space<vmem>> -> memref<32x128xf32, #tpu.memory_space<vmem>>
      %dma_wait3A_2554 = arith.constant 0 : i32
      %dma_wait3A_2555 = arith.constant 0 : i32
      %dma_wait3A_2556 = tpu.memref_slice %arg4[%dma_wait3A_2554, %dma_wait3A_2555] : memref<32x1000000xf32, #tpu.memory_space<hbm>> -> memref<32x128xf32, #tpu.memory_space<hbm>>
      tpu.wait_dma2 semaphore(%arg19 : memref<!tpu.dma_semaphore, #tpu.memory_space<semaphore_mem>>) src(%dma_wait3A_2556 : memref<32x128xf32, #tpu.memory_space<hbm>>) dst(%dma_wait3A_2553 : memref<32x128xf32, #tpu.memory_space<vmem>>)
      %add3A_2557 = vector.broadcast %reduce_sum3A_2496 : i32 to vector<16xi32>
      %add3A_2558 = arith.addi %broadcast_in_dim3A_3, %add3A_2557 : vector<16xi32>
      %add3A_2559 = vector.broadcast %reduce_sum3A_2506 : i32 to vector<16xi32>
      %add3A_2560 = arith.addi %broadcast_in_dim3A_3, %add3A_2559 : vector<16xi32>
      %gather3A_2561 = arith.constant 4 : i32
      %gather3A_2562 = arith.constant 0 : i32
      %gather3A_2563 = arith.constant 0 : i32
      %gather3A_2564 = tpu.memref_slice %arg10[%gather3A_2561, %gather3A_2562, %gather3A_2563] : memref<8x32x128xf32, #tpu.memory_space<vmem>> -> memref<1x32x128xf32, #tpu.memory_space<vmem>>
      %gather3A_2565 = tpu.memref_squeeze %gather3A_2564 : memref<1x32x128xf32, #tpu.memory_space<vmem>> -> memref<32x128xf32, #tpu.memory_space<vmem>>
      %gather3A_2566 = tpu.vector_load_idx %gather3A_2565[%iota3A, %add3A_2558] : memref<32x128xf32, #tpu.memory_space<vmem>>[vector<16xi32>, vector<16xi32>], vector<16xf32>,
      %add3A_2567 = arith.constant 16 : i32
      %add3A_2568 = vector.broadcast %add3A_2567 : i32 to vector<16xi32>
      %add3A_2569 = arith.addi %iota3A, %add3A_2568 : vector<16xi32>
      %gather3A_2570 = arith.constant 4 : i32
      %gather3A_2571 = arith.constant 0 : i32
      %gather3A_2572 = arith.constant 0 : i32
      %gather3A_2573 = tpu.memref_slice %arg10[%gather3A_2570, %gather3A_2571, %gather3A_2572] : memref<8x32x128xf32, #tpu.memory_space<vmem>> -> memref<1x32x128xf32, #tpu.memory_space<vmem>>
      %gather3A_2574 = tpu.memref_squeeze %gather3A_2573 : memref<1x32x128xf32, #tpu.memory_space<vmem>> -> memref<32x128xf32, #tpu.memory_space<vmem>>
      %gather3A_2575 = tpu.vector_load_idx %gather3A_2574[%add3A_2569, %add3A_2558] : memref<32x128xf32, #tpu.memory_space<vmem>>[vector<16xi32>, vector<16xi32>], vector<16xf32>,
      %gather3A_2576 = arith.constant 4 : i32
      %gather3A_2577 = arith.constant 0 : i32
      %gather3A_2578 = arith.constant 0 : i32
      %gather3A_2579 = tpu.memref_slice %arg11[%gather3A_2576, %gather3A_2577, %gather3A_2578] : memref<8x32x128xf32, #tpu.memory_space<vmem>> -> memref<1x32x128xf32, #tpu.memory_space<vmem>>
      %gather3A_2580 = tpu.memref_squeeze %gather3A_2579 : memref<1x32x128xf32, #tpu.memory_space<vmem>> -> memref<32x128xf32, #tpu.memory_space<vmem>>
      %gather3A_2581 = tpu.vector_load_idx %gather3A_2580[%iota3A, %add3A_2560] : memref<32x128xf32, #tpu.memory_space<vmem>>[vector<16xi32>, vector<16xi32>], vector<16xf32>,
      %add3A_2582 = arith.constant 16 : i32
      %add3A_2583 = vector.broadcast %add3A_2582 : i32 to vector<16xi32>
      %add3A_2584 = arith.addi %iota3A, %add3A_2583 : vector<16xi32>
      %gather3A_2585 = arith.constant 4 : i32
      %gather3A_2586 = arith.constant 0 : i32
      %gather3A_2587 = arith.constant 0 : i32
      %gather3A_2588 = tpu.memref_slice %arg11[%gather3A_2585, %gather3A_2586, %gather3A_2587] : memref<8x32x128xf32, #tpu.memory_space<vmem>> -> memref<1x32x128xf32, #tpu.memory_space<vmem>>
      %gather3A_2589 = tpu.memref_squeeze %gather3A_2588 : memref<1x32x128xf32, #tpu.memory_space<vmem>> -> memref<32x128xf32, #tpu.memory_space<vmem>>
      %gather3A_2590 = tpu.vector_load_idx %gather3A_2589[%add3A_2584, %add3A_2560] : memref<32x128xf32, #tpu.memory_space<vmem>>[vector<16xi32>, vector<16xi32>], vector<16xf32>,
      %mul3A_2591 = arith.mulf %gather3A_2566, %gather3A_2581 : vector<16xf32>
      %mul3A_2592 = arith.mulf %mul3A_2591, %gather3A : vector<16xf32>
      %mul3A_2593 = arith.mulf %gather3A_2575, %gather3A_2590 : vector<16xf32>
      %mul3A_2594 = arith.mulf %mul3A_2593, %gather3A_7 : vector<16xf32>
      %add3A_2595 = arith.addf %mul3A_2592, %mul3A_2594 : vector<16xf32>
      %swap3A_2596 = arith.constant 12 : i32
      %swap3A_2597 = arith.index_cast %swap3A_2596 : i32 to index
      %swap3A_2598 = arith.constant 0 : index
      %swap3A_2599 = tpu.vector_load %arg12[%swap3A_2597, %swap3A_2598] {strides = array<i32>} : memref<16x16xf32, #tpu.memory_space<vmem>>, vector<16xf32>,
      tpu.vector_store %arg12[%swap3A_2597, %swap3A_2598], %add3A_2595 {strides = array<i32>} : memref<16x16xf32, #tpu.memory_space<vmem>>, vector<16xf32>,
      %mul3A_2600 = arith.constant 128 : i32
      %mul3A_2601 = arith.muli %reduce_sum3A_2516, %mul3A_2600 : i32
      %multiple_of3A_2602 = tpu.assume_multiple %mul3A_2601, 128 : i32
      %mul3A_2603 = arith.constant 128 : i32
      %mul3A_2604 = arith.muli %reduce_sum3A_2526, %mul3A_2603 : i32
      %multiple_of3A_2605 = tpu.assume_multiple %mul3A_2604, 128 : i32
      %dma_start3A_2606 = arith.constant 4 : i32
      %dma_start3A_2607 = arith.constant 0 : i32
      %dma_start3A_2608 = arith.constant 0 : i32
      %dma_start3A_2609 = tpu.memref_slice %arg10[%dma_start3A_2606, %dma_start3A_2607, %dma_start3A_2608] : memref<8x32x128xf32, #tpu.memory_space<vmem>> -> memref<1x32x128xf32, #tpu.memory_space<vmem>>
      %dma_start3A_2610 = tpu.memref_squeeze %dma_start3A_2609 : memref<1x32x128xf32, #tpu.memory_space<vmem>> -> memref<32x128xf32, #tpu.memory_space<vmem>>
      %dma_start3A_2611 = arith.constant 0 : i32
      %dma_start3A_2612 = tpu.memref_slice %arg4[%dma_start3A_2611, %multiple_of3A_2602] : memref<32x1000000xf32, #tpu.memory_space<hbm>> -> memref<32x128xf32, #tpu.memory_space<hbm>>
      %dma_start3A_2613 = arith.constant 0 : i32
      %dma_start3A_2614 = arith.constant 0 : i32
      %dma_start3A_2615 = tpu.memref_slice %arg10[%dma_start3A_2606, %dma_start3A_2613, %dma_start3A_2614] : memref<8x32x128xf32, #tpu.memory_space<vmem>> -> memref<1x32x128xf32, #tpu.memory_space<vmem>>
      %dma_start3A_2616 = tpu.memref_squeeze %dma_start3A_2615 : memref<1x32x128xf32, #tpu.memory_space<vmem>> -> memref<32x128xf32, #tpu.memory_space<vmem>>
      %dma_start3A_2617 = arith.constant 0 : i32
      %dma_start3A_2618 = tpu.memref_slice %arg4[%dma_start3A_2617, %multiple_of3A_2602] : memref<32x1000000xf32, #tpu.memory_space<hbm>> -> memref<32x128xf32, #tpu.memory_space<hbm>>
      tpu.enqueue_dma source(%dma_start3A_2618 : memref<32x128xf32, #tpu.memory_space<hbm>>) target(%dma_start3A_2616 : memref<32x128xf32, #tpu.memory_space<vmem>>) target_semaphore(%arg19 : memref<!tpu.dma_semaphore, #tpu.memory_space<semaphore_mem>>)
      %dma_start3A_2619 = arith.constant 4 : i32
      %dma_start3A_2620 = arith.constant 0 : i32
      %dma_start3A_2621 = arith.constant 0 : i32
      %dma_start3A_2622 = tpu.memref_slice %arg11[%dma_start3A_2619, %dma_start3A_2620, %dma_start3A_2621] : memref<8x32x128xf32, #tpu.memory_space<vmem>> -> memref<1x32x128xf32, #tpu.memory_space<vmem>>
      %dma_start3A_2623 = tpu.memref_squeeze %dma_start3A_2622 : memref<1x32x128xf32, #tpu.memory_space<vmem>> -> memref<32x128xf32, #tpu.memory_space<vmem>>
      %dma_start3A_2624 = arith.constant 0 : i32
      %dma_start3A_2625 = tpu.memref_slice %arg5[%dma_start3A_2624, %multiple_of3A_2605] : memref<32x1000000xf32, #tpu.memory_space<hbm>> -> memref<32x128xf32, #tpu.memory_space<hbm>>
      %dma_start3A_2626 = arith.constant 0 : i32
      %dma_start3A_2627 = arith.constant 0 : i32
      %dma_start3A_2628 = tpu.memref_slice %arg11[%dma_start3A_2619, %dma_start3A_2626, %dma_start3A_2627] : memref<8x32x128xf32, #tpu.memory_space<vmem>> -> memref<1x32x128xf32, #tpu.memory_space<vmem>>
      %dma_start3A_2629 = tpu.memref_squeeze %dma_start3A_2628 : memref<1x32x128xf32, #tpu.memory_space<vmem>> -> memref<32x128xf32, #tpu.memory_space<vmem>>
      %dma_start3A_2630 = arith.constant 0 : i32
      %dma_start3A_2631 = tpu.memref_slice %arg5[%dma_start3A_2630, %multiple_of3A_2605] : memref<32x1000000xf32, #tpu.memory_space<hbm>> -> memref<32x128xf32, #tpu.memory_space<hbm>>
      tpu.enqueue_dma source(%dma_start3A_2631 : memref<32x128xf32, #tpu.memory_space<hbm>>) target(%dma_start3A_2629 : memref<32x128xf32, #tpu.memory_space<vmem>>) target_semaphore(%arg19 : memref<!tpu.dma_semaphore, #tpu.memory_space<semaphore_mem>>)
      %eq3A_2632 = arith.constant 13 : i32
      %eq3A_2633 = vector.broadcast %eq3A_2632 : i32 to vector<16xi32>
      %eq3A_2634 = arith.cmpi eq, %iota3A, %eq3A_2633 : vector<16xi32>
      %jit3A_2635 = arith.constant 0 : i32
      %broadcast_in_dim3A_2636 = vector.broadcast %jit3A_2635 : i32 to vector<16xi32>
      %select_n3A_2637 = arith.select %eq3A_2634, %and3A_722, %broadcast_in_dim3A_2636 : vector<16xi1>, vector<16xi32>
      %reduce_sum3A_2638 = arith.constant true
      %reduce_sum3A_2639 = vector.broadcast %reduce_sum3A_2638 : i1 to vector<16xi1>
      %reduce_sum3A_2640 = tpu.scan <sum>, %select_n3A_2637 masked %reduce_sum3A_2639 : vector<16xi32>, vector<16xi1> -> vector<16xi32>
      %reduce_sum3A_2641 = vector.extract %reduce_sum3A_2640[15] : i32 from vector<16xi32>
      %eq3A_2642 = arith.constant 13 : i32
      %eq3A_2643 = vector.broadcast %eq3A_2642 : i32 to vector<16xi32>
      %eq3A_2644 = arith.cmpi eq, %iota3A, %eq3A_2643 : vector<16xi32>
      %jit3A_2645 = arith.constant 0 : i32
      %broadcast_in_dim3A_2646 = vector.broadcast %jit3A_2645 : i32 to vector<16xi32>
      %select_n3A_2647 = arith.select %eq3A_2644, %and3A_725, %broadcast_in_dim3A_2646 : vector<16xi1>, vector<16xi32>
      %reduce_sum3A_2648 = arith.constant true
      %reduce_sum3A_2649 = vector.broadcast %reduce_sum3A_2648 : i1 to vector<16xi1>
      %reduce_sum3A_2650 = tpu.scan <sum>, %select_n3A_2647 masked %reduce_sum3A_2649 : vector<16xi32>, vector<16xi1> -> vector<16xi32>
      %reduce_sum3A_2651 = vector.extract %reduce_sum3A_2650[15] : i32 from vector<16xi32>
      %eq3A_2652 = arith.constant 5 : i32
      %eq3A_2653 = vector.broadcast %eq3A_2652 : i32 to vector<16xi32>
      %eq3A_2654 = arith.cmpi eq, %iota3A, %eq3A_2653 : vector<16xi32>
      %jit3A_2655 = arith.constant 0 : i32
      %broadcast_in_dim3A_2656 = vector.broadcast %jit3A_2655 : i32 to vector<16xi32>
      %select_n3A_2657 = arith.select %eq3A_2654, %shift_right_logical3A_742, %broadcast_in_dim3A_2656 : vector<16xi1>, vector<16xi32>
      %reduce_sum3A_2658 = arith.constant true
      %reduce_sum3A_2659 = vector.broadcast %reduce_sum3A_2658 : i1 to vector<16xi1>
      %reduce_sum3A_2660 = tpu.scan <sum>, %select_n3A_2657 masked %reduce_sum3A_2659 : vector<16xi32>, vector<16xi1> -> vector<16xi32>
      %reduce_sum3A_2661 = vector.extract %reduce_sum3A_2660[15] : i32 from vector<16xi32>
      %eq3A_2662 = arith.constant 5 : i32
      %eq3A_2663 = vector.broadcast %eq3A_2662 : i32 to vector<16xi32>
      %eq3A_2664 = arith.cmpi eq, %iota3A, %eq3A_2663 : vector<16xi32>
      %jit3A_2665 = arith.constant 0 : i32
      %broadcast_in_dim3A_2666 = vector.broadcast %jit3A_2665 : i32 to vector<16xi32>
      %select_n3A_2667 = arith.select %eq3A_2664, %shift_right_logical3A_747, %broadcast_in_dim3A_2666 : vector<16xi1>, vector<16xi32>
      %reduce_sum3A_2668 = arith.constant true
      %reduce_sum3A_2669 = vector.broadcast %reduce_sum3A_2668 : i1 to vector<16xi1>
      %reduce_sum3A_2670 = tpu.scan <sum>, %select_n3A_2667 masked %reduce_sum3A_2669 : vector<16xi32>, vector<16xi1> -> vector<16xi32>
      %reduce_sum3A_2671 = vector.extract %reduce_sum3A_2670[15] : i32 from vector<16xi32>
      %dma_wait3A_2672 = arith.constant 5 : i32
      %dma_wait3A_2673 = arith.constant 0 : i32
      %dma_wait3A_2674 = arith.constant 0 : i32
      %dma_wait3A_2675 = tpu.memref_slice %arg10[%dma_wait3A_2672, %dma_wait3A_2673, %dma_wait3A_2674] : memref<8x32x128xf32, #tpu.memory_space<vmem>> -> memref<1x32x128xf32, #tpu.memory_space<vmem>>
      %dma_wait3A_2676 = tpu.memref_squeeze %dma_wait3A_2675 : memref<1x32x128xf32, #tpu.memory_space<vmem>> -> memref<32x128xf32, #tpu.memory_space<vmem>>
      %dma_wait3A_2677 = arith.constant 0 : i32
      %dma_wait3A_2678 = arith.constant 0 : i32
      %dma_wait3A_2679 = tpu.memref_slice %arg4[%dma_wait3A_2677, %dma_wait3A_2678] : memref<32x1000000xf32, #tpu.memory_space<hbm>> -> memref<32x128xf32, #tpu.memory_space<hbm>>
      %dma_wait3A_2680 = arith.constant 0 : i32
      %dma_wait3A_2681 = arith.constant 0 : i32
      %dma_wait3A_2682 = tpu.memref_slice %arg10[%dma_wait3A_2672, %dma_wait3A_2680, %dma_wait3A_2681] : memref<8x32x128xf32, #tpu.memory_space<vmem>> -> memref<1x32x128xf32, #tpu.memory_space<vmem>>
      %dma_wait3A_2683 = tpu.memref_squeeze %dma_wait3A_2682 : memref<1x32x128xf32, #tpu.memory_space<vmem>> -> memref<32x128xf32, #tpu.memory_space<vmem>>
      %dma_wait3A_2684 = arith.constant 0 : i32
      %dma_wait3A_2685 = arith.constant 0 : i32
      %dma_wait3A_2686 = tpu.memref_slice %arg4[%dma_wait3A_2684, %dma_wait3A_2685] : memref<32x1000000xf32, #tpu.memory_space<hbm>> -> memref<32x128xf32, #tpu.memory_space<hbm>>
      tpu.wait_dma2 semaphore(%arg20 : memref<!tpu.dma_semaphore, #tpu.memory_space<semaphore_mem>>) src(%dma_wait3A_2686 : memref<32x128xf32, #tpu.memory_space<hbm>>) dst(%dma_wait3A_2683 : memref<32x128xf32, #tpu.memory_space<vmem>>)
      %dma_wait3A_2687 = arith.constant 5 : i32
      %dma_wait3A_2688 = arith.constant 0 : i32
      %dma_wait3A_2689 = arith.constant 0 : i32
      %dma_wait3A_2690 = tpu.memref_slice %arg11[%dma_wait3A_2687, %dma_wait3A_2688, %dma_wait3A_2689] : memref<8x32x128xf32, #tpu.memory_space<vmem>> -> memref<1x32x128xf32, #tpu.memory_space<vmem>>
      %dma_wait3A_2691 = tpu.memref_squeeze %dma_wait3A_2690 : memref<1x32x128xf32, #tpu.memory_space<vmem>> -> memref<32x128xf32, #tpu.memory_space<vmem>>
      %dma_wait3A_2692 = arith.constant 0 : i32
      %dma_wait3A_2693 = arith.constant 0 : i32
      %dma_wait3A_2694 = tpu.memref_slice %arg4[%dma_wait3A_2692, %dma_wait3A_2693] : memref<32x1000000xf32, #tpu.memory_space<hbm>> -> memref<32x128xf32, #tpu.memory_space<hbm>>
      %dma_wait3A_2695 = arith.constant 0 : i32
      %dma_wait3A_2696 = arith.constant 0 : i32
      %dma_wait3A_2697 = tpu.memref_slice %arg11[%dma_wait3A_2687, %dma_wait3A_2695, %dma_wait3A_2696] : memref<8x32x128xf32, #tpu.memory_space<vmem>> -> memref<1x32x128xf32, #tpu.memory_space<vmem>>
      %dma_wait3A_2698 = tpu.memref_squeeze %dma_wait3A_2697 : memref<1x32x128xf32, #tpu.memory_space<vmem>> -> memref<32x128xf32, #tpu.memory_space<vmem>>
      %dma_wait3A_2699 = arith.constant 0 : i32
      %dma_wait3A_2700 = arith.constant 0 : i32
      %dma_wait3A_2701 = tpu.memref_slice %arg4[%dma_wait3A_2699, %dma_wait3A_2700] : memref<32x1000000xf32, #tpu.memory_space<hbm>> -> memref<32x128xf32, #tpu.memory_space<hbm>>
      tpu.wait_dma2 semaphore(%arg20 : memref<!tpu.dma_semaphore, #tpu.memory_space<semaphore_mem>>) src(%dma_wait3A_2701 : memref<32x128xf32, #tpu.memory_space<hbm>>) dst(%dma_wait3A_2698 : memref<32x128xf32, #tpu.memory_space<vmem>>)
      %add3A_2702 = vector.broadcast %reduce_sum3A_2641 : i32 to vector<16xi32>
      %add3A_2703 = arith.addi %broadcast_in_dim3A_3, %add3A_2702 : vector<16xi32>
      %add3A_2704 = vector.broadcast %reduce_sum3A_2651 : i32 to vector<16xi32>
      %add3A_2705 = arith.addi %broadcast_in_dim3A_3, %add3A_2704 : vector<16xi32>
      %gather3A_2706 = arith.constant 5 : i32
      %gather3A_2707 = arith.constant 0 : i32
      %gather3A_2708 = arith.constant 0 : i32
      %gather3A_2709 = tpu.memref_slice %arg10[%gather3A_2706, %gather3A_2707, %gather3A_2708] : memref<8x32x128xf32, #tpu.memory_space<vmem>> -> memref<1x32x128xf32, #tpu.memory_space<vmem>>
      %gather3A_2710 = tpu.memref_squeeze %gather3A_2709 : memref<1x32x128xf32, #tpu.memory_space<vmem>> -> memref<32x128xf32, #tpu.memory_space<vmem>>
      %gather3A_2711 = tpu.vector_load_idx %gather3A_2710[%iota3A, %add3A_2703] : memref<32x128xf32, #tpu.memory_space<vmem>>[vector<16xi32>, vector<16xi32>], vector<16xf32>,
      %add3A_2712 = arith.constant 16 : i32
      %add3A_2713 = vector.broadcast %add3A_2712 : i32 to vector<16xi32>
      %add3A_2714 = arith.addi %iota3A, %add3A_2713 : vector<16xi32>
      %gather3A_2715 = arith.constant 5 : i32
      %gather3A_2716 = arith.constant 0 : i32
      %gather3A_2717 = arith.constant 0 : i32
      %gather3A_2718 = tpu.memref_slice %arg10[%gather3A_2715, %gather3A_2716, %gather3A_2717] : memref<8x32x128xf32, #tpu.memory_space<vmem>> -> memref<1x32x128xf32, #tpu.memory_space<vmem>>
      %gather3A_2719 = tpu.memref_squeeze %gather3A_2718 : memref<1x32x128xf32, #tpu.memory_space<vmem>> -> memref<32x128xf32, #tpu.memory_space<vmem>>
      %gather3A_2720 = tpu.vector_load_idx %gather3A_2719[%add3A_2714, %add3A_2703] : memref<32x128xf32, #tpu.memory_space<vmem>>[vector<16xi32>, vector<16xi32>], vector<16xf32>,
      %gather3A_2721 = arith.constant 5 : i32
      %gather3A_2722 = arith.constant 0 : i32
      %gather3A_2723 = arith.constant 0 : i32
      %gather3A_2724 = tpu.memref_slice %arg11[%gather3A_2721, %gather3A_2722, %gather3A_2723] : memref<8x32x128xf32, #tpu.memory_space<vmem>> -> memref<1x32x128xf32, #tpu.memory_space<vmem>>
      %gather3A_2725 = tpu.memref_squeeze %gather3A_2724 : memref<1x32x128xf32, #tpu.memory_space<vmem>> -> memref<32x128xf32, #tpu.memory_space<vmem>>
      %gather3A_2726 = tpu.vector_load_idx %gather3A_2725[%iota3A, %add3A_2705] : memref<32x128xf32, #tpu.memory_space<vmem>>[vector<16xi32>, vector<16xi32>], vector<16xf32>,
      %add3A_2727 = arith.constant 16 : i32
      %add3A_2728 = vector.broadcast %add3A_2727 : i32 to vector<16xi32>
      %add3A_2729 = arith.addi %iota3A, %add3A_2728 : vector<16xi32>
      %gather3A_2730 = arith.constant 5 : i32
      %gather3A_2731 = arith.constant 0 : i32
      %gather3A_2732 = arith.constant 0 : i32
      %gather3A_2733 = tpu.memref_slice %arg11[%gather3A_2730, %gather3A_2731, %gather3A_2732] : memref<8x32x128xf32, #tpu.memory_space<vmem>> -> memref<1x32x128xf32, #tpu.memory_space<vmem>>
      %gather3A_2734 = tpu.memref_squeeze %gather3A_2733 : memref<1x32x128xf32, #tpu.memory_space<vmem>> -> memref<32x128xf32, #tpu.memory_space<vmem>>
      %gather3A_2735 = tpu.vector_load_idx %gather3A_2734[%add3A_2729, %add3A_2705] : memref<32x128xf32, #tpu.memory_space<vmem>>[vector<16xi32>, vector<16xi32>], vector<16xf32>,
      %mul3A_2736 = arith.mulf %gather3A_2711, %gather3A_2726 : vector<16xf32>
      %mul3A_2737 = arith.mulf %mul3A_2736, %gather3A : vector<16xf32>
      %mul3A_2738 = arith.mulf %gather3A_2720, %gather3A_2735 : vector<16xf32>
      %mul3A_2739 = arith.mulf %mul3A_2738, %gather3A_7 : vector<16xf32>
      %add3A_2740 = arith.addf %mul3A_2737, %mul3A_2739 : vector<16xf32>
      %swap3A_2741 = arith.constant 13 : i32
      %swap3A_2742 = arith.index_cast %swap3A_2741 : i32 to index
      %swap3A_2743 = arith.constant 0 : index
      %swap3A_2744 = tpu.vector_load %arg12[%swap3A_2742, %swap3A_2743] {strides = array<i32>} : memref<16x16xf32, #tpu.memory_space<vmem>>, vector<16xf32>,
      tpu.vector_store %arg12[%swap3A_2742, %swap3A_2743], %add3A_2740 {strides = array<i32>} : memref<16x16xf32, #tpu.memory_space<vmem>>, vector<16xf32>,
      %mul3A_2745 = arith.constant 128 : i32
      %mul3A_2746 = arith.muli %reduce_sum3A_2661, %mul3A_2745 : i32
      %multiple_of3A_2747 = tpu.assume_multiple %mul3A_2746, 128 : i32
      %mul3A_2748 = arith.constant 128 : i32
      %mul3A_2749 = arith.muli %reduce_sum3A_2671, %mul3A_2748 : i32
      %multiple_of3A_2750 = tpu.assume_multiple %mul3A_2749, 128 : i32
      %dma_start3A_2751 = arith.constant 5 : i32
      %dma_start3A_2752 = arith.constant 0 : i32
      %dma_start3A_2753 = arith.constant 0 : i32
      %dma_start3A_2754 = tpu.memref_slice %arg10[%dma_start3A_2751, %dma_start3A_2752, %dma_start3A_2753] : memref<8x32x128xf32, #tpu.memory_space<vmem>> -> memref<1x32x128xf32, #tpu.memory_space<vmem>>
      %dma_start3A_2755 = tpu.memref_squeeze %dma_start3A_2754 : memref<1x32x128xf32, #tpu.memory_space<vmem>> -> memref<32x128xf32, #tpu.memory_space<vmem>>
      %dma_start3A_2756 = arith.constant 0 : i32
      %dma_start3A_2757 = tpu.memref_slice %arg4[%dma_start3A_2756, %multiple_of3A_2747] : memref<32x1000000xf32, #tpu.memory_space<hbm>> -> memref<32x128xf32, #tpu.memory_space<hbm>>
      %dma_start3A_2758 = arith.constant 0 : i32
      %dma_start3A_2759 = arith.constant 0 : i32
      %dma_start3A_2760 = tpu.memref_slice %arg10[%dma_start3A_2751, %dma_start3A_2758, %dma_start3A_2759] : memref<8x32x128xf32, #tpu.memory_space<vmem>> -> memref<1x32x128xf32, #tpu.memory_space<vmem>>
      %dma_start3A_2761 = tpu.memref_squeeze %dma_start3A_2760 : memref<1x32x128xf32, #tpu.memory_space<vmem>> -> memref<32x128xf32, #tpu.memory_space<vmem>>
      %dma_start3A_2762 = arith.constant 0 : i32
      %dma_start3A_2763 = tpu.memref_slice %arg4[%dma_start3A_2762, %multiple_of3A_2747] : memref<32x1000000xf32, #tpu.memory_space<hbm>> -> memref<32x128xf32, #tpu.memory_space<hbm>>
      tpu.enqueue_dma source(%dma_start3A_2763 : memref<32x128xf32, #tpu.memory_space<hbm>>) target(%dma_start3A_2761 : memref<32x128xf32, #tpu.memory_space<vmem>>) target_semaphore(%arg20 : memref<!tpu.dma_semaphore, #tpu.memory_space<semaphore_mem>>)
      %dma_start3A_2764 = arith.constant 5 : i32
      %dma_start3A_2765 = arith.constant 0 : i32
      %dma_start3A_2766 = arith.constant 0 : i32
      %dma_start3A_2767 = tpu.memref_slice %arg11[%dma_start3A_2764, %dma_start3A_2765, %dma_start3A_2766] : memref<8x32x128xf32, #tpu.memory_space<vmem>> -> memref<1x32x128xf32, #tpu.memory_space<vmem>>
      %dma_start3A_2768 = tpu.memref_squeeze %dma_start3A_2767 : memref<1x32x128xf32, #tpu.memory_space<vmem>> -> memref<32x128xf32, #tpu.memory_space<vmem>>
      %dma_start3A_2769 = arith.constant 0 : i32
      %dma_start3A_2770 = tpu.memref_slice %arg5[%dma_start3A_2769, %multiple_of3A_2750] : memref<32x1000000xf32, #tpu.memory_space<hbm>> -> memref<32x128xf32, #tpu.memory_space<hbm>>
      %dma_start3A_2771 = arith.constant 0 : i32
      %dma_start3A_2772 = arith.constant 0 : i32
      %dma_start3A_2773 = tpu.memref_slice %arg11[%dma_start3A_2764, %dma_start3A_2771, %dma_start3A_2772] : memref<8x32x128xf32, #tpu.memory_space<vmem>> -> memref<1x32x128xf32, #tpu.memory_space<vmem>>
      %dma_start3A_2774 = tpu.memref_squeeze %dma_start3A_2773 : memref<1x32x128xf32, #tpu.memory_space<vmem>> -> memref<32x128xf32, #tpu.memory_space<vmem>>
      %dma_start3A_2775 = arith.constant 0 : i32
      %dma_start3A_2776 = tpu.memref_slice %arg5[%dma_start3A_2775, %multiple_of3A_2750] : memref<32x1000000xf32, #tpu.memory_space<hbm>> -> memref<32x128xf32, #tpu.memory_space<hbm>>
      tpu.enqueue_dma source(%dma_start3A_2776 : memref<32x128xf32, #tpu.memory_space<hbm>>) target(%dma_start3A_2774 : memref<32x128xf32, #tpu.memory_space<vmem>>) target_semaphore(%arg20 : memref<!tpu.dma_semaphore, #tpu.memory_space<semaphore_mem>>)
      %eq3A_2777 = arith.constant 14 : i32
      %eq3A_2778 = vector.broadcast %eq3A_2777 : i32 to vector<16xi32>
      %eq3A_2779 = arith.cmpi eq, %iota3A, %eq3A_2778 : vector<16xi32>
      %jit3A_2780 = arith.constant 0 : i32
      %broadcast_in_dim3A_2781 = vector.broadcast %jit3A_2780 : i32 to vector<16xi32>
      %select_n3A_2782 = arith.select %eq3A_2779, %and3A_722, %broadcast_in_dim3A_2781 : vector<16xi1>, vector<16xi32>
      %reduce_sum3A_2783 = arith.constant true
      %reduce_sum3A_2784 = vector.broadcast %reduce_sum3A_2783 : i1 to vector<16xi1>
      %reduce_sum3A_2785 = tpu.scan <sum>, %select_n3A_2782 masked %reduce_sum3A_2784 : vector<16xi32>, vector<16xi1> -> vector<16xi32>
      %reduce_sum3A_2786 = vector.extract %reduce_sum3A_2785[15] : i32 from vector<16xi32>
      %eq3A_2787 = arith.constant 14 : i32
      %eq3A_2788 = vector.broadcast %eq3A_2787 : i32 to vector<16xi32>
      %eq3A_2789 = arith.cmpi eq, %iota3A, %eq3A_2788 : vector<16xi32>
      %jit3A_2790 = arith.constant 0 : i32
      %broadcast_in_dim3A_2791 = vector.broadcast %jit3A_2790 : i32 to vector<16xi32>
      %select_n3A_2792 = arith.select %eq3A_2789, %and3A_725, %broadcast_in_dim3A_2791 : vector<16xi1>, vector<16xi32>
      %reduce_sum3A_2793 = arith.constant true
      %reduce_sum3A_2794 = vector.broadcast %reduce_sum3A_2793 : i1 to vector<16xi1>
      %reduce_sum3A_2795 = tpu.scan <sum>, %select_n3A_2792 masked %reduce_sum3A_2794 : vector<16xi32>, vector<16xi1> -> vector<16xi32>
      %reduce_sum3A_2796 = vector.extract %reduce_sum3A_2795[15] : i32 from vector<16xi32>
      %eq3A_2797 = arith.constant 6 : i32
      %eq3A_2798 = vector.broadcast %eq3A_2797 : i32 to vector<16xi32>
      %eq3A_2799 = arith.cmpi eq, %iota3A, %eq3A_2798 : vector<16xi32>
      %jit3A_2800 = arith.constant 0 : i32
      %broadcast_in_dim3A_2801 = vector.broadcast %jit3A_2800 : i32 to vector<16xi32>
      %select_n3A_2802 = arith.select %eq3A_2799, %shift_right_logical3A_742, %broadcast_in_dim3A_2801 : vector<16xi1>, vector<16xi32>
      %reduce_sum3A_2803 = arith.constant true
      %reduce_sum3A_2804 = vector.broadcast %reduce_sum3A_2803 : i1 to vector<16xi1>
      %reduce_sum3A_2805 = tpu.scan <sum>, %select_n3A_2802 masked %reduce_sum3A_2804 : vector<16xi32>, vector<16xi1> -> vector<16xi32>
      %reduce_sum3A_2806 = vector.extract %reduce_sum3A_2805[15] : i32 from vector<16xi32>
      %eq3A_2807 = arith.constant 6 : i32
      %eq3A_2808 = vector.broadcast %eq3A_2807 : i32 to vector<16xi32>
      %eq3A_2809 = arith.cmpi eq, %iota3A, %eq3A_2808 : vector<16xi32>
      %jit3A_2810 = arith.constant 0 : i32
      %broadcast_in_dim3A_2811 = vector.broadcast %jit3A_2810 : i32 to vector<16xi32>
      %select_n3A_2812 = arith.select %eq3A_2809, %shift_right_logical3A_747, %broadcast_in_dim3A_2811 : vector<16xi1>, vector<16xi32>
      %reduce_sum3A_2813 = arith.constant true
      %reduce_sum3A_2814 = vector.broadcast %reduce_sum3A_2813 : i1 to vector<16xi1>
      %reduce_sum3A_2815 = tpu.scan <sum>, %select_n3A_2812 masked %reduce_sum3A_2814 : vector<16xi32>, vector<16xi1> -> vector<16xi32>
      %reduce_sum3A_2816 = vector.extract %reduce_sum3A_2815[15] : i32 from vector<16xi32>
      %dma_wait3A_2817 = arith.constant 6 : i32
      %dma_wait3A_2818 = arith.constant 0 : i32
      %dma_wait3A_2819 = arith.constant 0 : i32
      %dma_wait3A_2820 = tpu.memref_slice %arg10[%dma_wait3A_2817, %dma_wait3A_2818, %dma_wait3A_2819] : memref<8x32x128xf32, #tpu.memory_space<vmem>> -> memref<1x32x128xf32, #tpu.memory_space<vmem>>
      %dma_wait3A_2821 = tpu.memref_squeeze %dma_wait3A_2820 : memref<1x32x128xf32, #tpu.memory_space<vmem>> -> memref<32x128xf32, #tpu.memory_space<vmem>>
      %dma_wait3A_2822 = arith.constant 0 : i32
      %dma_wait3A_2823 = arith.constant 0 : i32
      %dma_wait3A_2824 = tpu.memref_slice %arg4[%dma_wait3A_2822, %dma_wait3A_2823] : memref<32x1000000xf32, #tpu.memory_space<hbm>> -> memref<32x128xf32, #tpu.memory_space<hbm>>
      %dma_wait3A_2825 = arith.constant 0 : i32
      %dma_wait3A_2826 = arith.constant 0 : i32
      %dma_wait3A_2827 = tpu.memref_slice %arg10[%dma_wait3A_2817, %dma_wait3A_2825, %dma_wait3A_2826] : memref<8x32x128xf32, #tpu.memory_space<vmem>> -> memref<1x32x128xf32, #tpu.memory_space<vmem>>
      %dma_wait3A_2828 = tpu.memref_squeeze %dma_wait3A_2827 : memref<1x32x128xf32, #tpu.memory_space<vmem>> -> memref<32x128xf32, #tpu.memory_space<vmem>>
      %dma_wait3A_2829 = arith.constant 0 : i32
      %dma_wait3A_2830 = arith.constant 0 : i32
      %dma_wait3A_2831 = tpu.memref_slice %arg4[%dma_wait3A_2829, %dma_wait3A_2830] : memref<32x1000000xf32, #tpu.memory_space<hbm>> -> memref<32x128xf32, #tpu.memory_space<hbm>>
      tpu.wait_dma2 semaphore(%arg21 : memref<!tpu.dma_semaphore, #tpu.memory_space<semaphore_mem>>) src(%dma_wait3A_2831 : memref<32x128xf32, #tpu.memory_space<hbm>>) dst(%dma_wait3A_2828 : memref<32x128xf32, #tpu.memory_space<vmem>>)
      %dma_wait3A_2832 = arith.constant 6 : i32
      %dma_wait3A_2833 = arith.constant 0 : i32
      %dma_wait3A_2834 = arith.constant 0 : i32
      %dma_wait3A_2835 = tpu.memref_slice %arg11[%dma_wait3A_2832, %dma_wait3A_2833, %dma_wait3A_2834] : memref<8x32x128xf32, #tpu.memory_space<vmem>> -> memref<1x32x128xf32, #tpu.memory_space<vmem>>
      %dma_wait3A_2836 = tpu.memref_squeeze %dma_wait3A_2835 : memref<1x32x128xf32, #tpu.memory_space<vmem>> -> memref<32x128xf32, #tpu.memory_space<vmem>>
      %dma_wait3A_2837 = arith.constant 0 : i32
      %dma_wait3A_2838 = arith.constant 0 : i32
      %dma_wait3A_2839 = tpu.memref_slice %arg4[%dma_wait3A_2837, %dma_wait3A_2838] : memref<32x1000000xf32, #tpu.memory_space<hbm>> -> memref<32x128xf32, #tpu.memory_space<hbm>>
      %dma_wait3A_2840 = arith.constant 0 : i32
      %dma_wait3A_2841 = arith.constant 0 : i32
      %dma_wait3A_2842 = tpu.memref_slice %arg11[%dma_wait3A_2832, %dma_wait3A_2840, %dma_wait3A_2841] : memref<8x32x128xf32, #tpu.memory_space<vmem>> -> memref<1x32x128xf32, #tpu.memory_space<vmem>>
      %dma_wait3A_2843 = tpu.memref_squeeze %dma_wait3A_2842 : memref<1x32x128xf32, #tpu.memory_space<vmem>> -> memref<32x128xf32, #tpu.memory_space<vmem>>
      %dma_wait3A_2844 = arith.constant 0 : i32
      %dma_wait3A_2845 = arith.constant 0 : i32
      %dma_wait3A_2846 = tpu.memref_slice %arg4[%dma_wait3A_2844, %dma_wait3A_2845] : memref<32x1000000xf32, #tpu.memory_space<hbm>> -> memref<32x128xf32, #tpu.memory_space<hbm>>
      tpu.wait_dma2 semaphore(%arg21 : memref<!tpu.dma_semaphore, #tpu.memory_space<semaphore_mem>>) src(%dma_wait3A_2846 : memref<32x128xf32, #tpu.memory_space<hbm>>) dst(%dma_wait3A_2843 : memref<32x128xf32, #tpu.memory_space<vmem>>)
      %add3A_2847 = vector.broadcast %reduce_sum3A_2786 : i32 to vector<16xi32>
      %add3A_2848 = arith.addi %broadcast_in_dim3A_3, %add3A_2847 : vector<16xi32>
      %add3A_2849 = vector.broadcast %reduce_sum3A_2796 : i32 to vector<16xi32>
      %add3A_2850 = arith.addi %broadcast_in_dim3A_3, %add3A_2849 : vector<16xi32>
      %gather3A_2851 = arith.constant 6 : i32
      %gather3A_2852 = arith.constant 0 : i32
      %gather3A_2853 = arith.constant 0 : i32
      %gather3A_2854 = tpu.memref_slice %arg10[%gather3A_2851, %gather3A_2852, %gather3A_2853] : memref<8x32x128xf32, #tpu.memory_space<vmem>> -> memref<1x32x128xf32, #tpu.memory_space<vmem>>
      %gather3A_2855 = tpu.memref_squeeze %gather3A_2854 : memref<1x32x128xf32, #tpu.memory_space<vmem>> -> memref<32x128xf32, #tpu.memory_space<vmem>>
      %gather3A_2856 = tpu.vector_load_idx %gather3A_2855[%iota3A, %add3A_2848] : memref<32x128xf32, #tpu.memory_space<vmem>>[vector<16xi32>, vector<16xi32>], vector<16xf32>,
      %add3A_2857 = arith.constant 16 : i32
      %add3A_2858 = vector.broadcast %add3A_2857 : i32 to vector<16xi32>
      %add3A_2859 = arith.addi %iota3A, %add3A_2858 : vector<16xi32>
      %gather3A_2860 = arith.constant 6 : i32
      %gather3A_2861 = arith.constant 0 : i32
      %gather3A_2862 = arith.constant 0 : i32
      %gather3A_2863 = tpu.memref_slice %arg10[%gather3A_2860, %gather3A_2861, %gather3A_2862] : memref<8x32x128xf32, #tpu.memory_space<vmem>> -> memref<1x32x128xf32, #tpu.memory_space<vmem>>
      %gather3A_2864 = tpu.memref_squeeze %gather3A_2863 : memref<1x32x128xf32, #tpu.memory_space<vmem>> -> memref<32x128xf32, #tpu.memory_space<vmem>>
      %gather3A_2865 = tpu.vector_load_idx %gather3A_2864[%add3A_2859, %add3A_2848] : memref<32x128xf32, #tpu.memory_space<vmem>>[vector<16xi32>, vector<16xi32>], vector<16xf32>,
      %gather3A_2866 = arith.constant 6 : i32
      %gather3A_2867 = arith.constant 0 : i32
      %gather3A_2868 = arith.constant 0 : i32
      %gather3A_2869 = tpu.memref_slice %arg11[%gather3A_2866, %gather3A_2867, %gather3A_2868] : memref<8x32x128xf32, #tpu.memory_space<vmem>> -> memref<1x32x128xf32, #tpu.memory_space<vmem>>
      %gather3A_2870 = tpu.memref_squeeze %gather3A_2869 : memref<1x32x128xf32, #tpu.memory_space<vmem>> -> memref<32x128xf32, #tpu.memory_space<vmem>>
      %gather3A_2871 = tpu.vector_load_idx %gather3A_2870[%iota3A, %add3A_2850] : memref<32x128xf32, #tpu.memory_space<vmem>>[vector<16xi32>, vector<16xi32>], vector<16xf32>,
      %add3A_2872 = arith.constant 16 : i32
      %add3A_2873 = vector.broadcast %add3A_2872 : i32 to vector<16xi32>
      %add3A_2874 = arith.addi %iota3A, %add3A_2873 : vector<16xi32>
      %gather3A_2875 = arith.constant 6 : i32
      %gather3A_2876 = arith.constant 0 : i32
      %gather3A_2877 = arith.constant 0 : i32
      %gather3A_2878 = tpu.memref_slice %arg11[%gather3A_2875, %gather3A_2876, %gather3A_2877] : memref<8x32x128xf32, #tpu.memory_space<vmem>> -> memref<1x32x128xf32, #tpu.memory_space<vmem>>
      %gather3A_2879 = tpu.memref_squeeze %gather3A_2878 : memref<1x32x128xf32, #tpu.memory_space<vmem>> -> memref<32x128xf32, #tpu.memory_space<vmem>>
      %gather3A_2880 = tpu.vector_load_idx %gather3A_2879[%add3A_2874, %add3A_2850] : memref<32x128xf32, #tpu.memory_space<vmem>>[vector<16xi32>, vector<16xi32>], vector<16xf32>,
      %mul3A_2881 = arith.mulf %gather3A_2856, %gather3A_2871 : vector<16xf32>
      %mul3A_2882 = arith.mulf %mul3A_2881, %gather3A : vector<16xf32>
      %mul3A_2883 = arith.mulf %gather3A_2865, %gather3A_2880 : vector<16xf32>
      %mul3A_2884 = arith.mulf %mul3A_2883, %gather3A_7 : vector<16xf32>
      %add3A_2885 = arith.addf %mul3A_2882, %mul3A_2884 : vector<16xf32>
      %swap3A_2886 = arith.constant 14 : i32
      %swap3A_2887 = arith.index_cast %swap3A_2886 : i32 to index
      %swap3A_2888 = arith.constant 0 : index
      %swap3A_2889 = tpu.vector_load %arg12[%swap3A_2887, %swap3A_2888] {strides = array<i32>} : memref<16x16xf32, #tpu.memory_space<vmem>>, vector<16xf32>,
      tpu.vector_store %arg12[%swap3A_2887, %swap3A_2888], %add3A_2885 {strides = array<i32>} : memref<16x16xf32, #tpu.memory_space<vmem>>, vector<16xf32>,
      %mul3A_2890 = arith.constant 128 : i32
      %mul3A_2891 = arith.muli %reduce_sum3A_2806, %mul3A_2890 : i32
      %multiple_of3A_2892 = tpu.assume_multiple %mul3A_2891, 128 : i32
      %mul3A_2893 = arith.constant 128 : i32
      %mul3A_2894 = arith.muli %reduce_sum3A_2816, %mul3A_2893 : i32
      %multiple_of3A_2895 = tpu.assume_multiple %mul3A_2894, 128 : i32
      %dma_start3A_2896 = arith.constant 6 : i32
      %dma_start3A_2897 = arith.constant 0 : i32
      %dma_start3A_2898 = arith.constant 0 : i32
      %dma_start3A_2899 = tpu.memref_slice %arg10[%dma_start3A_2896, %dma_start3A_2897, %dma_start3A_2898] : memref<8x32x128xf32, #tpu.memory_space<vmem>> -> memref<1x32x128xf32, #tpu.memory_space<vmem>>
      %dma_start3A_2900 = tpu.memref_squeeze %dma_start3A_2899 : memref<1x32x128xf32, #tpu.memory_space<vmem>> -> memref<32x128xf32, #tpu.memory_space<vmem>>
      %dma_start3A_2901 = arith.constant 0 : i32
      %dma_start3A_2902 = tpu.memref_slice %arg4[%dma_start3A_2901, %multiple_of3A_2892] : memref<32x1000000xf32, #tpu.memory_space<hbm>> -> memref<32x128xf32, #tpu.memory_space<hbm>>
      %dma_start3A_2903 = arith.constant 0 : i32
      %dma_start3A_2904 = arith.constant 0 : i32
      %dma_start3A_2905 = tpu.memref_slice %arg10[%dma_start3A_2896, %dma_start3A_2903, %dma_start3A_2904] : memref<8x32x128xf32, #tpu.memory_space<vmem>> -> memref<1x32x128xf32, #tpu.memory_space<vmem>>
      %dma_start3A_2906 = tpu.memref_squeeze %dma_start3A_2905 : memref<1x32x128xf32, #tpu.memory_space<vmem>> -> memref<32x128xf32, #tpu.memory_space<vmem>>
      %dma_start3A_2907 = arith.constant 0 : i32
      %dma_start3A_2908 = tpu.memref_slice %arg4[%dma_start3A_2907, %multiple_of3A_2892] : memref<32x1000000xf32, #tpu.memory_space<hbm>> -> memref<32x128xf32, #tpu.memory_space<hbm>>
      tpu.enqueue_dma source(%dma_start3A_2908 : memref<32x128xf32, #tpu.memory_space<hbm>>) target(%dma_start3A_2906 : memref<32x128xf32, #tpu.memory_space<vmem>>) target_semaphore(%arg21 : memref<!tpu.dma_semaphore, #tpu.memory_space<semaphore_mem>>)
      %dma_start3A_2909 = arith.constant 6 : i32
      %dma_start3A_2910 = arith.constant 0 : i32
      %dma_start3A_2911 = arith.constant 0 : i32
      %dma_start3A_2912 = tpu.memref_slice %arg11[%dma_start3A_2909, %dma_start3A_2910, %dma_start3A_2911] : memref<8x32x128xf32, #tpu.memory_space<vmem>> -> memref<1x32x128xf32, #tpu.memory_space<vmem>>
      %dma_start3A_2913 = tpu.memref_squeeze %dma_start3A_2912 : memref<1x32x128xf32, #tpu.memory_space<vmem>> -> memref<32x128xf32, #tpu.memory_space<vmem>>
      %dma_start3A_2914 = arith.constant 0 : i32
      %dma_start3A_2915 = tpu.memref_slice %arg5[%dma_start3A_2914, %multiple_of3A_2895] : memref<32x1000000xf32, #tpu.memory_space<hbm>> -> memref<32x128xf32, #tpu.memory_space<hbm>>
      %dma_start3A_2916 = arith.constant 0 : i32
      %dma_start3A_2917 = arith.constant 0 : i32
      %dma_start3A_2918 = tpu.memref_slice %arg11[%dma_start3A_2909, %dma_start3A_2916, %dma_start3A_2917] : memref<8x32x128xf32, #tpu.memory_space<vmem>> -> memref<1x32x128xf32, #tpu.memory_space<vmem>>
      %dma_start3A_2919 = tpu.memref_squeeze %dma_start3A_2918 : memref<1x32x128xf32, #tpu.memory_space<vmem>> -> memref<32x128xf32, #tpu.memory_space<vmem>>
      %dma_start3A_2920 = arith.constant 0 : i32
      %dma_start3A_2921 = tpu.memref_slice %arg5[%dma_start3A_2920, %multiple_of3A_2895] : memref<32x1000000xf32, #tpu.memory_space<hbm>> -> memref<32x128xf32, #tpu.memory_space<hbm>>
      tpu.enqueue_dma source(%dma_start3A_2921 : memref<32x128xf32, #tpu.memory_space<hbm>>) target(%dma_start3A_2919 : memref<32x128xf32, #tpu.memory_space<vmem>>) target_semaphore(%arg21 : memref<!tpu.dma_semaphore, #tpu.memory_space<semaphore_mem>>)
      %eq3A_2922 = arith.constant 15 : i32
      %eq3A_2923 = vector.broadcast %eq3A_2922 : i32 to vector<16xi32>
      %eq3A_2924 = arith.cmpi eq, %iota3A, %eq3A_2923 : vector<16xi32>
      %jit3A_2925 = arith.constant 0 : i32
      %broadcast_in_dim3A_2926 = vector.broadcast %jit3A_2925 : i32 to vector<16xi32>
      %select_n3A_2927 = arith.select %eq3A_2924, %and3A_722, %broadcast_in_dim3A_2926 : vector<16xi1>, vector<16xi32>
      %reduce_sum3A_2928 = arith.constant true
      %reduce_sum3A_2929 = vector.broadcast %reduce_sum3A_2928 : i1 to vector<16xi1>
      %reduce_sum3A_2930 = tpu.scan <sum>, %select_n3A_2927 masked %reduce_sum3A_2929 : vector<16xi32>, vector<16xi1> -> vector<16xi32>
      %reduce_sum3A_2931 = vector.extract %reduce_sum3A_2930[15] : i32 from vector<16xi32>
      %eq3A_2932 = arith.constant 15 : i32
      %eq3A_2933 = vector.broadcast %eq3A_2932 : i32 to vector<16xi32>
      %eq3A_2934 = arith.cmpi eq, %iota3A, %eq3A_2933 : vector<16xi32>
      %jit3A_2935 = arith.constant 0 : i32
      %broadcast_in_dim3A_2936 = vector.broadcast %jit3A_2935 : i32 to vector<16xi32>
      %select_n3A_2937 = arith.select %eq3A_2934, %and3A_725, %broadcast_in_dim3A_2936 : vector<16xi1>, vector<16xi32>
      %reduce_sum3A_2938 = arith.constant true
      %reduce_sum3A_2939 = vector.broadcast %reduce_sum3A_2938 : i1 to vector<16xi1>
      %reduce_sum3A_2940 = tpu.scan <sum>, %select_n3A_2937 masked %reduce_sum3A_2939 : vector<16xi32>, vector<16xi1> -> vector<16xi32>
      %reduce_sum3A_2941 = vector.extract %reduce_sum3A_2940[15] : i32 from vector<16xi32>
      %eq3A_2942 = arith.constant 7 : i32
      %eq3A_2943 = vector.broadcast %eq3A_2942 : i32 to vector<16xi32>
      %eq3A_2944 = arith.cmpi eq, %iota3A, %eq3A_2943 : vector<16xi32>
      %jit3A_2945 = arith.constant 0 : i32
      %broadcast_in_dim3A_2946 = vector.broadcast %jit3A_2945 : i32 to vector<16xi32>
      %select_n3A_2947 = arith.select %eq3A_2944, %shift_right_logical3A_742, %broadcast_in_dim3A_2946 : vector<16xi1>, vector<16xi32>
      %reduce_sum3A_2948 = arith.constant true
      %reduce_sum3A_2949 = vector.broadcast %reduce_sum3A_2948 : i1 to vector<16xi1>
      %reduce_sum3A_2950 = tpu.scan <sum>, %select_n3A_2947 masked %reduce_sum3A_2949 : vector<16xi32>, vector<16xi1> -> vector<16xi32>
      %reduce_sum3A_2951 = vector.extract %reduce_sum3A_2950[15] : i32 from vector<16xi32>
      %eq3A_2952 = arith.constant 7 : i32
      %eq3A_2953 = vector.broadcast %eq3A_2952 : i32 to vector<16xi32>
      %eq3A_2954 = arith.cmpi eq, %iota3A, %eq3A_2953 : vector<16xi32>
      %jit3A_2955 = arith.constant 0 : i32
      %broadcast_in_dim3A_2956 = vector.broadcast %jit3A_2955 : i32 to vector<16xi32>
      %select_n3A_2957 = arith.select %eq3A_2954, %shift_right_logical3A_747, %broadcast_in_dim3A_2956 : vector<16xi1>, vector<16xi32>
      %reduce_sum3A_2958 = arith.constant true
      %reduce_sum3A_2959 = vector.broadcast %reduce_sum3A_2958 : i1 to vector<16xi1>
      %reduce_sum3A_2960 = tpu.scan <sum>, %select_n3A_2957 masked %reduce_sum3A_2959 : vector<16xi32>, vector<16xi1> -> vector<16xi32>
      %reduce_sum3A_2961 = vector.extract %reduce_sum3A_2960[15] : i32 from vector<16xi32>
      %dma_wait3A_2962 = arith.constant 7 : i32
      %dma_wait3A_2963 = arith.constant 0 : i32
      %dma_wait3A_2964 = arith.constant 0 : i32
      %dma_wait3A_2965 = tpu.memref_slice %arg10[%dma_wait3A_2962, %dma_wait3A_2963, %dma_wait3A_2964] : memref<8x32x128xf32, #tpu.memory_space<vmem>> -> memref<1x32x128xf32, #tpu.memory_space<vmem>>
      %dma_wait3A_2966 = tpu.memref_squeeze %dma_wait3A_2965 : memref<1x32x128xf32, #tpu.memory_space<vmem>> -> memref<32x128xf32, #tpu.memory_space<vmem>>
      %dma_wait3A_2967 = arith.constant 0 : i32
      %dma_wait3A_2968 = arith.constant 0 : i32
      %dma_wait3A_2969 = tpu.memref_slice %arg4[%dma_wait3A_2967, %dma_wait3A_2968] : memref<32x1000000xf32, #tpu.memory_space<hbm>> -> memref<32x128xf32, #tpu.memory_space<hbm>>
      %dma_wait3A_2970 = arith.constant 0 : i32
      %dma_wait3A_2971 = arith.constant 0 : i32
      %dma_wait3A_2972 = tpu.memref_slice %arg10[%dma_wait3A_2962, %dma_wait3A_2970, %dma_wait3A_2971] : memref<8x32x128xf32, #tpu.memory_space<vmem>> -> memref<1x32x128xf32, #tpu.memory_space<vmem>>
      %dma_wait3A_2973 = tpu.memref_squeeze %dma_wait3A_2972 : memref<1x32x128xf32, #tpu.memory_space<vmem>> -> memref<32x128xf32, #tpu.memory_space<vmem>>
      %dma_wait3A_2974 = arith.constant 0 : i32
      %dma_wait3A_2975 = arith.constant 0 : i32
      %dma_wait3A_2976 = tpu.memref_slice %arg4[%dma_wait3A_2974, %dma_wait3A_2975] : memref<32x1000000xf32, #tpu.memory_space<hbm>> -> memref<32x128xf32, #tpu.memory_space<hbm>>
      tpu.wait_dma2 semaphore(%arg22 : memref<!tpu.dma_semaphore, #tpu.memory_space<semaphore_mem>>) src(%dma_wait3A_2976 : memref<32x128xf32, #tpu.memory_space<hbm>>) dst(%dma_wait3A_2973 : memref<32x128xf32, #tpu.memory_space<vmem>>)
      %dma_wait3A_2977 = arith.constant 7 : i32
      %dma_wait3A_2978 = arith.constant 0 : i32
      %dma_wait3A_2979 = arith.constant 0 : i32
      %dma_wait3A_2980 = tpu.memref_slice %arg11[%dma_wait3A_2977, %dma_wait3A_2978, %dma_wait3A_2979] : memref<8x32x128xf32, #tpu.memory_space<vmem>> -> memref<1x32x128xf32, #tpu.memory_space<vmem>>
      %dma_wait3A_2981 = tpu.memref_squeeze %dma_wait3A_2980 : memref<1x32x128xf32, #tpu.memory_space<vmem>> -> memref<32x128xf32, #tpu.memory_space<vmem>>
      %dma_wait3A_2982 = arith.constant 0 : i32
      %dma_wait3A_2983 = arith.constant 0 : i32
      %dma_wait3A_2984 = tpu.memref_slice %arg4[%dma_wait3A_2982, %dma_wait3A_2983] : memref<32x1000000xf32, #tpu.memory_space<hbm>> -> memref<32x128xf32, #tpu.memory_space<hbm>>
      %dma_wait3A_2985 = arith.constant 0 : i32
      %dma_wait3A_2986 = arith.constant 0 : i32
      %dma_wait3A_2987 = tpu.memref_slice %arg11[%dma_wait3A_2977, %dma_wait3A_2985, %dma_wait3A_2986] : memref<8x32x128xf32, #tpu.memory_space<vmem>> -> memref<1x32x128xf32, #tpu.memory_space<vmem>>
      %dma_wait3A_2988 = tpu.memref_squeeze %dma_wait3A_2987 : memref<1x32x128xf32, #tpu.memory_space<vmem>> -> memref<32x128xf32, #tpu.memory_space<vmem>>
      %dma_wait3A_2989 = arith.constant 0 : i32
      %dma_wait3A_2990 = arith.constant 0 : i32
      %dma_wait3A_2991 = tpu.memref_slice %arg4[%dma_wait3A_2989, %dma_wait3A_2990] : memref<32x1000000xf32, #tpu.memory_space<hbm>> -> memref<32x128xf32, #tpu.memory_space<hbm>>
      tpu.wait_dma2 semaphore(%arg22 : memref<!tpu.dma_semaphore, #tpu.memory_space<semaphore_mem>>) src(%dma_wait3A_2991 : memref<32x128xf32, #tpu.memory_space<hbm>>) dst(%dma_wait3A_2988 : memref<32x128xf32, #tpu.memory_space<vmem>>)
      %add3A_2992 = vector.broadcast %reduce_sum3A_2931 : i32 to vector<16xi32>
      %add3A_2993 = arith.addi %broadcast_in_dim3A_3, %add3A_2992 : vector<16xi32>
      %add3A_2994 = vector.broadcast %reduce_sum3A_2941 : i32 to vector<16xi32>
      %add3A_2995 = arith.addi %broadcast_in_dim3A_3, %add3A_2994 : vector<16xi32>
      %gather3A_2996 = arith.constant 7 : i32
      %gather3A_2997 = arith.constant 0 : i32
      %gather3A_2998 = arith.constant 0 : i32
      %gather3A_2999 = tpu.memref_slice %arg10[%gather3A_2996, %gather3A_2997, %gather3A_2998] : memref<8x32x128xf32, #tpu.memory_space<vmem>> -> memref<1x32x128xf32, #tpu.memory_space<vmem>>
      %gather3A_3000 = tpu.memref_squeeze %gather3A_2999 : memref<1x32x128xf32, #tpu.memory_space<vmem>> -> memref<32x128xf32, #tpu.memory_space<vmem>>
      %gather3A_3001 = tpu.vector_load_idx %gather3A_3000[%iota3A, %add3A_2993] : memref<32x128xf32, #tpu.memory_space<vmem>>[vector<16xi32>, vector<16xi32>], vector<16xf32>,
      %add3A_3002 = arith.constant 16 : i32
      %add3A_3003 = vector.broadcast %add3A_3002 : i32 to vector<16xi32>
      %add3A_3004 = arith.addi %iota3A, %add3A_3003 : vector<16xi32>
      %gather3A_3005 = arith.constant 7 : i32
      %gather3A_3006 = arith.constant 0 : i32
      %gather3A_3007 = arith.constant 0 : i32
      %gather3A_3008 = tpu.memref_slice %arg10[%gather3A_3005, %gather3A_3006, %gather3A_3007] : memref<8x32x128xf32, #tpu.memory_space<vmem>> -> memref<1x32x128xf32, #tpu.memory_space<vmem>>
      %gather3A_3009 = tpu.memref_squeeze %gather3A_3008 : memref<1x32x128xf32, #tpu.memory_space<vmem>> -> memref<32x128xf32, #tpu.memory_space<vmem>>
      %gather3A_3010 = tpu.vector_load_idx %gather3A_3009[%add3A_3004, %add3A_2993] : memref<32x128xf32, #tpu.memory_space<vmem>>[vector<16xi32>, vector<16xi32>], vector<16xf32>,
      %gather3A_3011 = arith.constant 7 : i32
      %gather3A_3012 = arith.constant 0 : i32
      %gather3A_3013 = arith.constant 0 : i32
      %gather3A_3014 = tpu.memref_slice %arg11[%gather3A_3011, %gather3A_3012, %gather3A_3013] : memref<8x32x128xf32, #tpu.memory_space<vmem>> -> memref<1x32x128xf32, #tpu.memory_space<vmem>>
      %gather3A_3015 = tpu.memref_squeeze %gather3A_3014 : memref<1x32x128xf32, #tpu.memory_space<vmem>> -> memref<32x128xf32, #tpu.memory_space<vmem>>
      %gather3A_3016 = tpu.vector_load_idx %gather3A_3015[%iota3A, %add3A_2995] : memref<32x128xf32, #tpu.memory_space<vmem>>[vector<16xi32>, vector<16xi32>], vector<16xf32>,
      %add3A_3017 = arith.constant 16 : i32
      %add3A_3018 = vector.broadcast %add3A_3017 : i32 to vector<16xi32>
      %add3A_3019 = arith.addi %iota3A, %add3A_3018 : vector<16xi32>
      %gather3A_3020 = arith.constant 7 : i32
      %gather3A_3021 = arith.constant 0 : i32
      %gather3A_3022 = arith.constant 0 : i32
      %gather3A_3023 = tpu.memref_slice %arg11[%gather3A_3020, %gather3A_3021, %gather3A_3022] : memref<8x32x128xf32, #tpu.memory_space<vmem>> -> memref<1x32x128xf32, #tpu.memory_space<vmem>>
      %gather3A_3024 = tpu.memref_squeeze %gather3A_3023 : memref<1x32x128xf32, #tpu.memory_space<vmem>> -> memref<32x128xf32, #tpu.memory_space<vmem>>
      %gather3A_3025 = tpu.vector_load_idx %gather3A_3024[%add3A_3019, %add3A_2995] : memref<32x128xf32, #tpu.memory_space<vmem>>[vector<16xi32>, vector<16xi32>], vector<16xf32>,
      %mul3A_3026 = arith.mulf %gather3A_3001, %gather3A_3016 : vector<16xf32>
      %mul3A_3027 = arith.mulf %mul3A_3026, %gather3A : vector<16xf32>
      %mul3A_3028 = arith.mulf %gather3A_3010, %gather3A_3025 : vector<16xf32>
      %mul3A_3029 = arith.mulf %mul3A_3028, %gather3A_7 : vector<16xf32>
      %add3A_3030 = arith.addf %mul3A_3027, %mul3A_3029 : vector<16xf32>
      %swap3A_3031 = arith.constant 15 : i32
      %swap3A_3032 = arith.index_cast %swap3A_3031 : i32 to index
      %swap3A_3033 = arith.constant 0 : index
      %swap3A_3034 = tpu.vector_load %arg12[%swap3A_3032, %swap3A_3033] {strides = array<i32>} : memref<16x16xf32, #tpu.memory_space<vmem>>, vector<16xf32>,
      tpu.vector_store %arg12[%swap3A_3032, %swap3A_3033], %add3A_3030 {strides = array<i32>} : memref<16x16xf32, #tpu.memory_space<vmem>>, vector<16xf32>,
      %mul3A_3035 = arith.constant 128 : i32
      %mul3A_3036 = arith.muli %reduce_sum3A_2951, %mul3A_3035 : i32
      %multiple_of3A_3037 = tpu.assume_multiple %mul3A_3036, 128 : i32
      %mul3A_3038 = arith.constant 128 : i32
      %mul3A_3039 = arith.muli %reduce_sum3A_2961, %mul3A_3038 : i32
      %multiple_of3A_3040 = tpu.assume_multiple %mul3A_3039, 128 : i32
      %dma_start3A_3041 = arith.constant 7 : i32
      %dma_start3A_3042 = arith.constant 0 : i32
      %dma_start3A_3043 = arith.constant 0 : i32
      %dma_start3A_3044 = tpu.memref_slice %arg10[%dma_start3A_3041, %dma_start3A_3042, %dma_start3A_3043] : memref<8x32x128xf32, #tpu.memory_space<vmem>> -> memref<1x32x128xf32, #tpu.memory_space<vmem>>
      %dma_start3A_3045 = tpu.memref_squeeze %dma_start3A_3044 : memref<1x32x128xf32, #tpu.memory_space<vmem>> -> memref<32x128xf32, #tpu.memory_space<vmem>>
      %dma_start3A_3046 = arith.constant 0 : i32
      %dma_start3A_3047 = tpu.memref_slice %arg4[%dma_start3A_3046, %multiple_of3A_3037] : memref<32x1000000xf32, #tpu.memory_space<hbm>> -> memref<32x128xf32, #tpu.memory_space<hbm>>
      %dma_start3A_3048 = arith.constant 0 : i32
      %dma_start3A_3049 = arith.constant 0 : i32
      %dma_start3A_3050 = tpu.memref_slice %arg10[%dma_start3A_3041, %dma_start3A_3048, %dma_start3A_3049] : memref<8x32x128xf32, #tpu.memory_space<vmem>> -> memref<1x32x128xf32, #tpu.memory_space<vmem>>
      %dma_start3A_3051 = tpu.memref_squeeze %dma_start3A_3050 : memref<1x32x128xf32, #tpu.memory_space<vmem>> -> memref<32x128xf32, #tpu.memory_space<vmem>>
      %dma_start3A_3052 = arith.constant 0 : i32
      %dma_start3A_3053 = tpu.memref_slice %arg4[%dma_start3A_3052, %multiple_of3A_3037] : memref<32x1000000xf32, #tpu.memory_space<hbm>> -> memref<32x128xf32, #tpu.memory_space<hbm>>
      tpu.enqueue_dma source(%dma_start3A_3053 : memref<32x128xf32, #tpu.memory_space<hbm>>) target(%dma_start3A_3051 : memref<32x128xf32, #tpu.memory_space<vmem>>) target_semaphore(%arg22 : memref<!tpu.dma_semaphore, #tpu.memory_space<semaphore_mem>>)
      %dma_start3A_3054 = arith.constant 7 : i32
      %dma_start3A_3055 = arith.constant 0 : i32
      %dma_start3A_3056 = arith.constant 0 : i32
      %dma_start3A_3057 = tpu.memref_slice %arg11[%dma_start3A_3054, %dma_start3A_3055, %dma_start3A_3056] : memref<8x32x128xf32, #tpu.memory_space<vmem>> -> memref<1x32x128xf32, #tpu.memory_space<vmem>>
      %dma_start3A_3058 = tpu.memref_squeeze %dma_start3A_3057 : memref<1x32x128xf32, #tpu.memory_space<vmem>> -> memref<32x128xf32, #tpu.memory_space<vmem>>
      %dma_start3A_3059 = arith.constant 0 : i32
      %dma_start3A_3060 = tpu.memref_slice %arg5[%dma_start3A_3059, %multiple_of3A_3040] : memref<32x1000000xf32, #tpu.memory_space<hbm>> -> memref<32x128xf32, #tpu.memory_space<hbm>>
      %dma_start3A_3061 = arith.constant 0 : i32
      %dma_start3A_3062 = arith.constant 0 : i32
      %dma_start3A_3063 = tpu.memref_slice %arg11[%dma_start3A_3054, %dma_start3A_3061, %dma_start3A_3062] : memref<8x32x128xf32, #tpu.memory_space<vmem>> -> memref<1x32x128xf32, #tpu.memory_space<vmem>>
      %dma_start3A_3064 = tpu.memref_squeeze %dma_start3A_3063 : memref<1x32x128xf32, #tpu.memory_space<vmem>> -> memref<32x128xf32, #tpu.memory_space<vmem>>
      %dma_start3A_3065 = arith.constant 0 : i32
      %dma_start3A_3066 = tpu.memref_slice %arg5[%dma_start3A_3065, %multiple_of3A_3040] : memref<32x1000000xf32, #tpu.memory_space<hbm>> -> memref<32x128xf32, #tpu.memory_space<hbm>>
      tpu.enqueue_dma source(%dma_start3A_3066 : memref<32x128xf32, #tpu.memory_space<hbm>>) target(%dma_start3A_3064 : memref<32x128xf32, #tpu.memory_space<vmem>>) target_semaphore(%arg22 : memref<!tpu.dma_semaphore, #tpu.memory_space<semaphore_mem>>)
      %get3A_3067 = arith.constant 32 : i32
      %get3A_3068 = arith.index_cast %get3A_3067 : i32 to index
      %get3A_3069 = arith.constant 0 : index
      %get3A_3070 = tpu.vector_load %arg13[%get3A_3068, %get3A_3069] {strides = array<i32>} : memref<40x16xf32, #tpu.memory_space<vmem>>, vector<16xf32>,
      %add3A_3071 = arith.constant 0 : i32
      %add3A_3072 = vector.broadcast %add3A_3071 : i32 to vector<16xi32>
      %add3A_3073 = arith.addi %iota3A, %add3A_3072 : vector<16xi32>
      %and3A_3074 = arith.constant 15 : i32
      %and3A_3075 = vector.broadcast %and3A_3074 : i32 to vector<16xi32>
      %and3A_3076 = arith.andi %add3A_3073, %and3A_3075 : vector<16xi32>
      %gather3A_3077 = tpu.vector_load_idx %arg12[%iota3A, %and3A_3076] : memref<16x16xf32, #tpu.memory_space<vmem>>[vector<16xi32>, vector<16xi32>], vector<16xf32>,
      %add3A_3078 = arith.addf %get3A_3070, %gather3A_3077 : vector<16xf32>
      %add3A_3079 = arith.constant 1 : i32
      %add3A_3080 = vector.broadcast %add3A_3079 : i32 to vector<16xi32>
      %add3A_3081 = arith.addi %iota3A, %add3A_3080 : vector<16xi32>
      %and3A_3082 = arith.constant 15 : i32
      %and3A_3083 = vector.broadcast %and3A_3082 : i32 to vector<16xi32>
      %and3A_3084 = arith.andi %add3A_3081, %and3A_3083 : vector<16xi32>
      %gather3A_3085 = tpu.vector_load_idx %arg12[%iota3A, %and3A_3084] : memref<16x16xf32, #tpu.memory_space<vmem>>[vector<16xi32>, vector<16xi32>], vector<16xf32>,
      %add3A_3086 = arith.addf %add3A_3078, %gather3A_3085 : vector<16xf32>
      %add3A_3087 = arith.constant 2 : i32
      %add3A_3088 = vector.broadcast %add3A_3087 : i32 to vector<16xi32>
      %add3A_3089 = arith.addi %iota3A, %add3A_3088 : vector<16xi32>
      %and3A_3090 = arith.constant 15 : i32
      %and3A_3091 = vector.broadcast %and3A_3090 : i32 to vector<16xi32>
      %and3A_3092 = arith.andi %add3A_3089, %and3A_3091 : vector<16xi32>
      %gather3A_3093 = tpu.vector_load_idx %arg12[%iota3A, %and3A_3092] : memref<16x16xf32, #tpu.memory_space<vmem>>[vector<16xi32>, vector<16xi32>], vector<16xf32>,
      %add3A_3094 = arith.addf %add3A_3086, %gather3A_3093 : vector<16xf32>
      %add3A_3095 = arith.constant 3 : i32
      %add3A_3096 = vector.broadcast %add3A_3095 : i32 to vector<16xi32>
      %add3A_3097 = arith.addi %iota3A, %add3A_3096 : vector<16xi32>
      %and3A_3098 = arith.constant 15 : i32
      %and3A_3099 = vector.broadcast %and3A_3098 : i32 to vector<16xi32>
      %and3A_3100 = arith.andi %add3A_3097, %and3A_3099 : vector<16xi32>
      %gather3A_3101 = tpu.vector_load_idx %arg12[%iota3A, %and3A_3100] : memref<16x16xf32, #tpu.memory_space<vmem>>[vector<16xi32>, vector<16xi32>], vector<16xf32>,
      %add3A_3102 = arith.addf %add3A_3094, %gather3A_3101 : vector<16xf32>
      %add3A_3103 = arith.constant 4 : i32
      %add3A_3104 = vector.broadcast %add3A_3103 : i32 to vector<16xi32>
      %add3A_3105 = arith.addi %iota3A, %add3A_3104 : vector<16xi32>
      %and3A_3106 = arith.constant 15 : i32
      %and3A_3107 = vector.broadcast %and3A_3106 : i32 to vector<16xi32>
      %and3A_3108 = arith.andi %add3A_3105, %and3A_3107 : vector<16xi32>
      %gather3A_3109 = tpu.vector_load_idx %arg12[%iota3A, %and3A_3108] : memref<16x16xf32, #tpu.memory_space<vmem>>[vector<16xi32>, vector<16xi32>], vector<16xf32>,
      %add3A_3110 = arith.addf %add3A_3102, %gather3A_3109 : vector<16xf32>
      %add3A_3111 = arith.constant 5 : i32
      %add3A_3112 = vector.broadcast %add3A_3111 : i32 to vector<16xi32>
      %add3A_3113 = arith.addi %iota3A, %add3A_3112 : vector<16xi32>
      %and3A_3114 = arith.constant 15 : i32
      %and3A_3115 = vector.broadcast %and3A_3114 : i32 to vector<16xi32>
      %and3A_3116 = arith.andi %add3A_3113, %and3A_3115 : vector<16xi32>
      %gather3A_3117 = tpu.vector_load_idx %arg12[%iota3A, %and3A_3116] : memref<16x16xf32, #tpu.memory_space<vmem>>[vector<16xi32>, vector<16xi32>], vector<16xf32>,
      %add3A_3118 = arith.addf %add3A_3110, %gather3A_3117 : vector<16xf32>
      %add3A_3119 = arith.constant 6 : i32
      %add3A_3120 = vector.broadcast %add3A_3119 : i32 to vector<16xi32>
      %add3A_3121 = arith.addi %iota3A, %add3A_3120 : vector<16xi32>
      %and3A_3122 = arith.constant 15 : i32
      %and3A_3123 = vector.broadcast %and3A_3122 : i32 to vector<16xi32>
      %and3A_3124 = arith.andi %add3A_3121, %and3A_3123 : vector<16xi32>
      %gather3A_3125 = tpu.vector_load_idx %arg12[%iota3A, %and3A_3124] : memref<16x16xf32, #tpu.memory_space<vmem>>[vector<16xi32>, vector<16xi32>], vector<16xf32>,
      %add3A_3126 = arith.addf %add3A_3118, %gather3A_3125 : vector<16xf32>
      %add3A_3127 = arith.constant 7 : i32
      %add3A_3128 = vector.broadcast %add3A_3127 : i32 to vector<16xi32>
      %add3A_3129 = arith.addi %iota3A, %add3A_3128 : vector<16xi32>
      %and3A_3130 = arith.constant 15 : i32
      %and3A_3131 = vector.broadcast %and3A_3130 : i32 to vector<16xi32>
      %and3A_3132 = arith.andi %add3A_3129, %and3A_3131 : vector<16xi32>
      %gather3A_3133 = tpu.vector_load_idx %arg12[%iota3A, %and3A_3132] : memref<16x16xf32, #tpu.memory_space<vmem>>[vector<16xi32>, vector<16xi32>], vector<16xf32>,
      %add3A_3134 = arith.addf %add3A_3126, %gather3A_3133 : vector<16xf32>
      %add3A_3135 = arith.constant 8 : i32
      %add3A_3136 = vector.broadcast %add3A_3135 : i32 to vector<16xi32>
      %add3A_3137 = arith.addi %iota3A, %add3A_3136 : vector<16xi32>
      %and3A_3138 = arith.constant 15 : i32
      %and3A_3139 = vector.broadcast %and3A_3138 : i32 to vector<16xi32>
      %and3A_3140 = arith.andi %add3A_3137, %and3A_3139 : vector<16xi32>
      %gather3A_3141 = tpu.vector_load_idx %arg12[%iota3A, %and3A_3140] : memref<16x16xf32, #tpu.memory_space<vmem>>[vector<16xi32>, vector<16xi32>], vector<16xf32>,
      %add3A_3142 = arith.addf %add3A_3134, %gather3A_3141 : vector<16xf32>
      %add3A_3143 = arith.constant 9 : i32
      %add3A_3144 = vector.broadcast %add3A_3143 : i32 to vector<16xi32>
      %add3A_3145 = arith.addi %iota3A, %add3A_3144 : vector<16xi32>
      %and3A_3146 = arith.constant 15 : i32
      %and3A_3147 = vector.broadcast %and3A_3146 : i32 to vector<16xi32>
      %and3A_3148 = arith.andi %add3A_3145, %and3A_3147 : vector<16xi32>
      %gather3A_3149 = tpu.vector_load_idx %arg12[%iota3A, %and3A_3148] : memref<16x16xf32, #tpu.memory_space<vmem>>[vector<16xi32>, vector<16xi32>], vector<16xf32>,
      %add3A_3150 = arith.addf %add3A_3142, %gather3A_3149 : vector<16xf32>
      %add3A_3151 = arith.constant 10 : i32
      %add3A_3152 = vector.broadcast %add3A_3151 : i32 to vector<16xi32>
      %add3A_3153 = arith.addi %iota3A, %add3A_3152 : vector<16xi32>
      %and3A_3154 = arith.constant 15 : i32
      %and3A_3155 = vector.broadcast %and3A_3154 : i32 to vector<16xi32>
      %and3A_3156 = arith.andi %add3A_3153, %and3A_3155 : vector<16xi32>
      %gather3A_3157 = tpu.vector_load_idx %arg12[%iota3A, %and3A_3156] : memref<16x16xf32, #tpu.memory_space<vmem>>[vector<16xi32>, vector<16xi32>], vector<16xf32>,
      %add3A_3158 = arith.addf %add3A_3150, %gather3A_3157 : vector<16xf32>
      %add3A_3159 = arith.constant 11 : i32
      %add3A_3160 = vector.broadcast %add3A_3159 : i32 to vector<16xi32>
      %add3A_3161 = arith.addi %iota3A, %add3A_3160 : vector<16xi32>
      %and3A_3162 = arith.constant 15 : i32
      %and3A_3163 = vector.broadcast %and3A_3162 : i32 to vector<16xi32>
      %and3A_3164 = arith.andi %add3A_3161, %and3A_3163 : vector<16xi32>
      %gather3A_3165 = tpu.vector_load_idx %arg12[%iota3A, %and3A_3164] : memref<16x16xf32, #tpu.memory_space<vmem>>[vector<16xi32>, vector<16xi32>], vector<16xf32>,
      %add3A_3166 = arith.addf %add3A_3158, %gather3A_3165 : vector<16xf32>
      %add3A_3167 = arith.constant 12 : i32
      %add3A_3168 = vector.broadcast %add3A_3167 : i32 to vector<16xi32>
      %add3A_3169 = arith.addi %iota3A, %add3A_3168 : vector<16xi32>
      %and3A_3170 = arith.constant 15 : i32
      %and3A_3171 = vector.broadcast %and3A_3170 : i32 to vector<16xi32>
      %and3A_3172 = arith.andi %add3A_3169, %and3A_3171 : vector<16xi32>
      %gather3A_3173 = tpu.vector_load_idx %arg12[%iota3A, %and3A_3172] : memref<16x16xf32, #tpu.memory_space<vmem>>[vector<16xi32>, vector<16xi32>], vector<16xf32>,
      %add3A_3174 = arith.addf %add3A_3166, %gather3A_3173 : vector<16xf32>
      %add3A_3175 = arith.constant 13 : i32
      %add3A_3176 = vector.broadcast %add3A_3175 : i32 to vector<16xi32>
      %add3A_3177 = arith.addi %iota3A, %add3A_3176 : vector<16xi32>
      %and3A_3178 = arith.constant 15 : i32
      %and3A_3179 = vector.broadcast %and3A_3178 : i32 to vector<16xi32>
      %and3A_3180 = arith.andi %add3A_3177, %and3A_3179 : vector<16xi32>
      %gather3A_3181 = tpu.vector_load_idx %arg12[%iota3A, %and3A_3180] : memref<16x16xf32, #tpu.memory_space<vmem>>[vector<16xi32>, vector<16xi32>], vector<16xf32>,
      %add3A_3182 = arith.addf %add3A_3174, %gather3A_3181 : vector<16xf32>
      %add3A_3183 = arith.constant 14 : i32
      %add3A_3184 = vector.broadcast %add3A_3183 : i32 to vector<16xi32>
      %add3A_3185 = arith.addi %iota3A, %add3A_3184 : vector<16xi32>
      %and3A_3186 = arith.constant 15 : i32
      %and3A_3187 = vector.broadcast %and3A_3186 : i32 to vector<16xi32>
      %and3A_3188 = arith.andi %add3A_3185, %and3A_3187 : vector<16xi32>
      %gather3A_3189 = tpu.vector_load_idx %arg12[%iota3A, %and3A_3188] : memref<16x16xf32, #tpu.memory_space<vmem>>[vector<16xi32>, vector<16xi32>], vector<16xf32>,
      %add3A_3190 = arith.addf %add3A_3182, %gather3A_3189 : vector<16xf32>
      %add3A_3191 = arith.constant 15 : i32
      %add3A_3192 = vector.broadcast %add3A_3191 : i32 to vector<16xi32>
      %add3A_3193 = arith.addi %iota3A, %add3A_3192 : vector<16xi32>
      %and3A_3194 = arith.constant 15 : i32
      %and3A_3195 = vector.broadcast %and3A_3194 : i32 to vector<16xi32>
      %and3A_3196 = arith.andi %add3A_3193, %and3A_3195 : vector<16xi32>
      %gather3A_3197 = tpu.vector_load_idx %arg12[%iota3A, %and3A_3196] : memref<16x16xf32, #tpu.memory_space<vmem>>[vector<16xi32>, vector<16xi32>], vector<16xf32>,
      %add3A_3198 = arith.addf %add3A_3190, %gather3A_3197 : vector<16xf32>
      %neg3A = arith.constant 0.000000e+00 : f32
      %neg3A_3199 = vector.broadcast %neg3A : f32 to vector<16xf32>
      %neg3A_3200 = arith.subf %neg3A_3199, %add3A_3198 : vector<16xf32>
      %exp3A = math.exp %neg3A_3200 : vector<16xf32>
      %add3A_3201 = arith.constant 1.000000e+00 : f32
      %add3A_3202 = vector.broadcast %add3A_3201 : f32 to vector<16xf32>
      %add3A_3203 = arith.addf %add3A_3202, %exp3A : vector<16xf32>
      %div3A = arith.constant 1.000000e+00 : f32
      %div3A_3204 = vector.broadcast %div3A : f32 to vector<16xf32>
      %div3A_3205 = arith.divf %div3A_3204, %add3A_3203 : vector<16xf32>
      %swap3A_3206 = arith.index_cast %multiple_of3A_716 : i32 to index
      %swap3A_3207 = tpu.vector_load %arg14[%swap3A_3206] {strides = array<i32>} : memref<512xf32, #tpu.memory_space<vmem>>, vector<16xf32>,
      tpu.vector_store %arg14[%swap3A_3206], %div3A_3205 {strides = array<i32>} : memref<512xf32, #tpu.memory_space<vmem>>, vector<16xf32>,
    }
    %scan3A_473 = arith.constant 32 : i32
    %dma_wait3A = arith.constant 0 : i32
    %dma_wait3A_474 = arith.constant 0 : i32
    %dma_wait3A_475 = arith.constant 0 : i32
    %dma_wait3A_476 = tpu.memref_slice %arg10[%dma_wait3A, %dma_wait3A_474, %dma_wait3A_475] : memref<8x32x128xf32, #tpu.memory_space<vmem>> -> memref<1x32x128xf32, #tpu.memory_space<vmem>>
    %dma_wait3A_477 = tpu.memref_squeeze %dma_wait3A_476 : memref<1x32x128xf32, #tpu.memory_space<vmem>> -> memref<32x128xf32, #tpu.memory_space<vmem>>
    %dma_wait3A_478 = arith.constant 0 : i32
    %dma_wait3A_479 = arith.constant 0 : i32
    %dma_wait3A_480 = tpu.memref_slice %arg4[%dma_wait3A_478, %dma_wait3A_479] : memref<32x1000000xf32, #tpu.memory_space<hbm>> -> memref<32x128xf32, #tpu.memory_space<hbm>>
    %dma_wait3A_481 = arith.constant 0 : i32
    %dma_wait3A_482 = arith.constant 0 : i32
    %dma_wait3A_483 = tpu.memref_slice %arg10[%dma_wait3A, %dma_wait3A_481, %dma_wait3A_482] : memref<8x32x128xf32, #tpu.memory_space<vmem>> -> memref<1x32x128xf32, #tpu.memory_space<vmem>>
    %dma_wait3A_484 = tpu.memref_squeeze %dma_wait3A_483 : memref<1x32x128xf32, #tpu.memory_space<vmem>> -> memref<32x128xf32, #tpu.memory_space<vmem>>
    %dma_wait3A_485 = arith.constant 0 : i32
    %dma_wait3A_486 = arith.constant 0 : i32
    %dma_wait3A_487 = tpu.memref_slice %arg4[%dma_wait3A_485, %dma_wait3A_486] : memref<32x1000000xf32, #tpu.memory_space<hbm>> -> memref<32x128xf32, #tpu.memory_space<hbm>>
    tpu.wait_dma2 semaphore(%arg15 : memref<!tpu.dma_semaphore, #tpu.memory_space<semaphore_mem>>) src(%dma_wait3A_487 : memref<32x128xf32, #tpu.memory_space<hbm>>) dst(%dma_wait3A_484 : memref<32x128xf32, #tpu.memory_space<vmem>>)
    %dma_wait3A_488 = arith.constant 0 : i32
    %dma_wait3A_489 = arith.constant 0 : i32
    %dma_wait3A_490 = arith.constant 0 : i32
    %dma_wait3A_491 = tpu.memref_slice %arg11[%dma_wait3A_488, %dma_wait3A_489, %dma_wait3A_490] : memref<8x32x128xf32, #tpu.memory_space<vmem>> -> memref<1x32x128xf32, #tpu.memory_space<vmem>>
    %dma_wait3A_492 = tpu.memref_squeeze %dma_wait3A_491 : memref<1x32x128xf32, #tpu.memory_space<vmem>> -> memref<32x128xf32, #tpu.memory_space<vmem>>
    %dma_wait3A_493 = arith.constant 0 : i32
    %dma_wait3A_494 = arith.constant 0 : i32
    %dma_wait3A_495 = tpu.memref_slice %arg4[%dma_wait3A_493, %dma_wait3A_494] : memref<32x1000000xf32, #tpu.memory_space<hbm>> -> memref<32x128xf32, #tpu.memory_space<hbm>>
    %dma_wait3A_496 = arith.constant 0 : i32
    %dma_wait3A_497 = arith.constant 0 : i32
    %dma_wait3A_498 = tpu.memref_slice %arg11[%dma_wait3A_488, %dma_wait3A_496, %dma_wait3A_497] : memref<8x32x128xf32, #tpu.memory_space<vmem>> -> memref<1x32x128xf32, #tpu.memory_space<vmem>>
    %dma_wait3A_499 = tpu.memref_squeeze %dma_wait3A_498 : memref<1x32x128xf32, #tpu.memory_space<vmem>> -> memref<32x128xf32, #tpu.memory_space<vmem>>
    %dma_wait3A_500 = arith.constant 0 : i32
    %dma_wait3A_501 = arith.constant 0 : i32
    %dma_wait3A_502 = tpu.memref_slice %arg4[%dma_wait3A_500, %dma_wait3A_501] : memref<32x1000000xf32, #tpu.memory_space<hbm>> -> memref<32x128xf32, #tpu.memory_space<hbm>>
    tpu.wait_dma2 semaphore(%arg15 : memref<!tpu.dma_semaphore, #tpu.memory_space<semaphore_mem>>) src(%dma_wait3A_502 : memref<32x128xf32, #tpu.memory_space<hbm>>) dst(%dma_wait3A_499 : memref<32x128xf32, #tpu.memory_space<vmem>>)
    %dma_wait3A_503 = arith.constant 1 : i32
    %dma_wait3A_504 = arith.constant 0 : i32
    %dma_wait3A_505 = arith.constant 0 : i32
    %dma_wait3A_506 = tpu.memref_slice %arg10[%dma_wait3A_503, %dma_wait3A_504, %dma_wait3A_505] : memref<8x32x128xf32, #tpu.memory_space<vmem>> -> memref<1x32x128xf32, #tpu.memory_space<vmem>>
    %dma_wait3A_507 = tpu.memref_squeeze %dma_wait3A_506 : memref<1x32x128xf32, #tpu.memory_space<vmem>> -> memref<32x128xf32, #tpu.memory_space<vmem>>
    %dma_wait3A_508 = arith.constant 0 : i32
    %dma_wait3A_509 = arith.constant 0 : i32
    %dma_wait3A_510 = tpu.memref_slice %arg4[%dma_wait3A_508, %dma_wait3A_509] : memref<32x1000000xf32, #tpu.memory_space<hbm>> -> memref<32x128xf32, #tpu.memory_space<hbm>>
    %dma_wait3A_511 = arith.constant 0 : i32
    %dma_wait3A_512 = arith.constant 0 : i32
    %dma_wait3A_513 = tpu.memref_slice %arg10[%dma_wait3A_503, %dma_wait3A_511, %dma_wait3A_512] : memref<8x32x128xf32, #tpu.memory_space<vmem>> -> memref<1x32x128xf32, #tpu.memory_space<vmem>>
    %dma_wait3A_514 = tpu.memref_squeeze %dma_wait3A_513 : memref<1x32x128xf32, #tpu.memory_space<vmem>> -> memref<32x128xf32, #tpu.memory_space<vmem>>
    %dma_wait3A_515 = arith.constant 0 : i32
    %dma_wait3A_516 = arith.constant 0 : i32
    %dma_wait3A_517 = tpu.memref_slice %arg4[%dma_wait3A_515, %dma_wait3A_516] : memref<32x1000000xf32, #tpu.memory_space<hbm>> -> memref<32x128xf32, #tpu.memory_space<hbm>>
    tpu.wait_dma2 semaphore(%arg16 : memref<!tpu.dma_semaphore, #tpu.memory_space<semaphore_mem>>) src(%dma_wait3A_517 : memref<32x128xf32, #tpu.memory_space<hbm>>) dst(%dma_wait3A_514 : memref<32x128xf32, #tpu.memory_space<vmem>>)
    %dma_wait3A_518 = arith.constant 1 : i32
    %dma_wait3A_519 = arith.constant 0 : i32
    %dma_wait3A_520 = arith.constant 0 : i32
    %dma_wait3A_521 = tpu.memref_slice %arg11[%dma_wait3A_518, %dma_wait3A_519, %dma_wait3A_520] : memref<8x32x128xf32, #tpu.memory_space<vmem>> -> memref<1x32x128xf32, #tpu.memory_space<vmem>>
    %dma_wait3A_522 = tpu.memref_squeeze %dma_wait3A_521 : memref<1x32x128xf32, #tpu.memory_space<vmem>> -> memref<32x128xf32, #tpu.memory_space<vmem>>
    %dma_wait3A_523 = arith.constant 0 : i32
    %dma_wait3A_524 = arith.constant 0 : i32
    %dma_wait3A_525 = tpu.memref_slice %arg4[%dma_wait3A_523, %dma_wait3A_524] : memref<32x1000000xf32, #tpu.memory_space<hbm>> -> memref<32x128xf32, #tpu.memory_space<hbm>>
    %dma_wait3A_526 = arith.constant 0 : i32
    %dma_wait3A_527 = arith.constant 0 : i32
    %dma_wait3A_528 = tpu.memref_slice %arg11[%dma_wait3A_518, %dma_wait3A_526, %dma_wait3A_527] : memref<8x32x128xf32, #tpu.memory_space<vmem>> -> memref<1x32x128xf32, #tpu.memory_space<vmem>>
    %dma_wait3A_529 = tpu.memref_squeeze %dma_wait3A_528 : memref<1x32x128xf32, #tpu.memory_space<vmem>> -> memref<32x128xf32, #tpu.memory_space<vmem>>
    %dma_wait3A_530 = arith.constant 0 : i32
    %dma_wait3A_531 = arith.constant 0 : i32
    %dma_wait3A_532 = tpu.memref_slice %arg4[%dma_wait3A_530, %dma_wait3A_531] : memref<32x1000000xf32, #tpu.memory_space<hbm>> -> memref<32x128xf32, #tpu.memory_space<hbm>>
    tpu.wait_dma2 semaphore(%arg16 : memref<!tpu.dma_semaphore, #tpu.memory_space<semaphore_mem>>) src(%dma_wait3A_532 : memref<32x128xf32, #tpu.memory_space<hbm>>) dst(%dma_wait3A_529 : memref<32x128xf32, #tpu.memory_space<vmem>>)
    %dma_wait3A_533 = arith.constant 2 : i32
    %dma_wait3A_534 = arith.constant 0 : i32
    %dma_wait3A_535 = arith.constant 0 : i32
    %dma_wait3A_536 = tpu.memref_slice %arg10[%dma_wait3A_533, %dma_wait3A_534, %dma_wait3A_535] : memref<8x32x128xf32, #tpu.memory_space<vmem>> -> memref<1x32x128xf32, #tpu.memory_space<vmem>>
    %dma_wait3A_537 = tpu.memref_squeeze %dma_wait3A_536 : memref<1x32x128xf32, #tpu.memory_space<vmem>> -> memref<32x128xf32, #tpu.memory_space<vmem>>
    %dma_wait3A_538 = arith.constant 0 : i32
    %dma_wait3A_539 = arith.constant 0 : i32
    %dma_wait3A_540 = tpu.memref_slice %arg4[%dma_wait3A_538, %dma_wait3A_539] : memref<32x1000000xf32, #tpu.memory_space<hbm>> -> memref<32x128xf32, #tpu.memory_space<hbm>>
    %dma_wait3A_541 = arith.constant 0 : i32
    %dma_wait3A_542 = arith.constant 0 : i32
    %dma_wait3A_543 = tpu.memref_slice %arg10[%dma_wait3A_533, %dma_wait3A_541, %dma_wait3A_542] : memref<8x32x128xf32, #tpu.memory_space<vmem>> -> memref<1x32x128xf32, #tpu.memory_space<vmem>>
    %dma_wait3A_544 = tpu.memref_squeeze %dma_wait3A_543 : memref<1x32x128xf32, #tpu.memory_space<vmem>> -> memref<32x128xf32, #tpu.memory_space<vmem>>
    %dma_wait3A_545 = arith.constant 0 : i32
    %dma_wait3A_546 = arith.constant 0 : i32
    %dma_wait3A_547 = tpu.memref_slice %arg4[%dma_wait3A_545, %dma_wait3A_546] : memref<32x1000000xf32, #tpu.memory_space<hbm>> -> memref<32x128xf32, #tpu.memory_space<hbm>>
    tpu.wait_dma2 semaphore(%arg17 : memref<!tpu.dma_semaphore, #tpu.memory_space<semaphore_mem>>) src(%dma_wait3A_547 : memref<32x128xf32, #tpu.memory_space<hbm>>) dst(%dma_wait3A_544 : memref<32x128xf32, #tpu.memory_space<vmem>>)
    %dma_wait3A_548 = arith.constant 2 : i32
    %dma_wait3A_549 = arith.constant 0 : i32
    %dma_wait3A_550 = arith.constant 0 : i32
    %dma_wait3A_551 = tpu.memref_slice %arg11[%dma_wait3A_548, %dma_wait3A_549, %dma_wait3A_550] : memref<8x32x128xf32, #tpu.memory_space<vmem>> -> memref<1x32x128xf32, #tpu.memory_space<vmem>>
    %dma_wait3A_552 = tpu.memref_squeeze %dma_wait3A_551 : memref<1x32x128xf32, #tpu.memory_space<vmem>> -> memref<32x128xf32, #tpu.memory_space<vmem>>
    %dma_wait3A_553 = arith.constant 0 : i32
    %dma_wait3A_554 = arith.constant 0 : i32
    %dma_wait3A_555 = tpu.memref_slice %arg4[%dma_wait3A_553, %dma_wait3A_554] : memref<32x1000000xf32, #tpu.memory_space<hbm>> -> memref<32x128xf32, #tpu.memory_space<hbm>>
    %dma_wait3A_556 = arith.constant 0 : i32
    %dma_wait3A_557 = arith.constant 0 : i32
    %dma_wait3A_558 = tpu.memref_slice %arg11[%dma_wait3A_548, %dma_wait3A_556, %dma_wait3A_557] : memref<8x32x128xf32, #tpu.memory_space<vmem>> -> memref<1x32x128xf32, #tpu.memory_space<vmem>>
    %dma_wait3A_559 = tpu.memref_squeeze %dma_wait3A_558 : memref<1x32x128xf32, #tpu.memory_space<vmem>> -> memref<32x128xf32, #tpu.memory_space<vmem>>
    %dma_wait3A_560 = arith.constant 0 : i32
    %dma_wait3A_561 = arith.constant 0 : i32
    %dma_wait3A_562 = tpu.memref_slice %arg4[%dma_wait3A_560, %dma_wait3A_561] : memref<32x1000000xf32, #tpu.memory_space<hbm>> -> memref<32x128xf32, #tpu.memory_space<hbm>>
    tpu.wait_dma2 semaphore(%arg17 : memref<!tpu.dma_semaphore, #tpu.memory_space<semaphore_mem>>) src(%dma_wait3A_562 : memref<32x128xf32, #tpu.memory_space<hbm>>) dst(%dma_wait3A_559 : memref<32x128xf32, #tpu.memory_space<vmem>>)
    %dma_wait3A_563 = arith.constant 3 : i32
    %dma_wait3A_564 = arith.constant 0 : i32
    %dma_wait3A_565 = arith.constant 0 : i32
    %dma_wait3A_566 = tpu.memref_slice %arg10[%dma_wait3A_563, %dma_wait3A_564, %dma_wait3A_565] : memref<8x32x128xf32, #tpu.memory_space<vmem>> -> memref<1x32x128xf32, #tpu.memory_space<vmem>>
    %dma_wait3A_567 = tpu.memref_squeeze %dma_wait3A_566 : memref<1x32x128xf32, #tpu.memory_space<vmem>> -> memref<32x128xf32, #tpu.memory_space<vmem>>
    %dma_wait3A_568 = arith.constant 0 : i32
    %dma_wait3A_569 = arith.constant 0 : i32
    %dma_wait3A_570 = tpu.memref_slice %arg4[%dma_wait3A_568, %dma_wait3A_569] : memref<32x1000000xf32, #tpu.memory_space<hbm>> -> memref<32x128xf32, #tpu.memory_space<hbm>>
    %dma_wait3A_571 = arith.constant 0 : i32
    %dma_wait3A_572 = arith.constant 0 : i32
    %dma_wait3A_573 = tpu.memref_slice %arg10[%dma_wait3A_563, %dma_wait3A_571, %dma_wait3A_572] : memref<8x32x128xf32, #tpu.memory_space<vmem>> -> memref<1x32x128xf32, #tpu.memory_space<vmem>>
    %dma_wait3A_574 = tpu.memref_squeeze %dma_wait3A_573 : memref<1x32x128xf32, #tpu.memory_space<vmem>> -> memref<32x128xf32, #tpu.memory_space<vmem>>
    %dma_wait3A_575 = arith.constant 0 : i32
    %dma_wait3A_576 = arith.constant 0 : i32
    %dma_wait3A_577 = tpu.memref_slice %arg4[%dma_wait3A_575, %dma_wait3A_576] : memref<32x1000000xf32, #tpu.memory_space<hbm>> -> memref<32x128xf32, #tpu.memory_space<hbm>>
    tpu.wait_dma2 semaphore(%arg18 : memref<!tpu.dma_semaphore, #tpu.memory_space<semaphore_mem>>) src(%dma_wait3A_577 : memref<32x128xf32, #tpu.memory_space<hbm>>) dst(%dma_wait3A_574 : memref<32x128xf32, #tpu.memory_space<vmem>>)
    %dma_wait3A_578 = arith.constant 3 : i32
    %dma_wait3A_579 = arith.constant 0 : i32
    %dma_wait3A_580 = arith.constant 0 : i32
    %dma_wait3A_581 = tpu.memref_slice %arg11[%dma_wait3A_578, %dma_wait3A_579, %dma_wait3A_580] : memref<8x32x128xf32, #tpu.memory_space<vmem>> -> memref<1x32x128xf32, #tpu.memory_space<vmem>>
    %dma_wait3A_582 = tpu.memref_squeeze %dma_wait3A_581 : memref<1x32x128xf32, #tpu.memory_space<vmem>> -> memref<32x128xf32, #tpu.memory_space<vmem>>
    %dma_wait3A_583 = arith.constant 0 : i32
    %dma_wait3A_584 = arith.constant 0 : i32
    %dma_wait3A_585 = tpu.memref_slice %arg4[%dma_wait3A_583, %dma_wait3A_584] : memref<32x1000000xf32, #tpu.memory_space<hbm>> -> memref<32x128xf32, #tpu.memory_space<hbm>>
    %dma_wait3A_586 = arith.constant 0 : i32
    %dma_wait3A_587 = arith.constant 0 : i32
    %dma_wait3A_588 = tpu.memref_slice %arg11[%dma_wait3A_578, %dma_wait3A_586, %dma_wait3A_587] : memref<8x32x128xf32, #tpu.memory_space<vmem>> -> memref<1x32x128xf32, #tpu.memory_space<vmem>>
    %dma_wait3A_589 = tpu.memref_squeeze %dma_wait3A_588 : memref<1x32x128xf32, #tpu.memory_space<vmem>> -> memref<32x128xf32, #tpu.memory_space<vmem>>
    %dma_wait3A_590 = arith.constant 0 : i32
    %dma_wait3A_591 = arith.constant 0 : i32
    %dma_wait3A_592 = tpu.memref_slice %arg4[%dma_wait3A_590, %dma_wait3A_591] : memref<32x1000000xf32, #tpu.memory_space<hbm>> -> memref<32x128xf32, #tpu.memory_space<hbm>>
    tpu.wait_dma2 semaphore(%arg18 : memref<!tpu.dma_semaphore, #tpu.memory_space<semaphore_mem>>) src(%dma_wait3A_592 : memref<32x128xf32, #tpu.memory_space<hbm>>) dst(%dma_wait3A_589 : memref<32x128xf32, #tpu.memory_space<vmem>>)
    %dma_wait3A_593 = arith.constant 4 : i32
    %dma_wait3A_594 = arith.constant 0 : i32
    %dma_wait3A_595 = arith.constant 0 : i32
    %dma_wait3A_596 = tpu.memref_slice %arg10[%dma_wait3A_593, %dma_wait3A_594, %dma_wait3A_595] : memref<8x32x128xf32, #tpu.memory_space<vmem>> -> memref<1x32x128xf32, #tpu.memory_space<vmem>>
    %dma_wait3A_597 = tpu.memref_squeeze %dma_wait3A_596 : memref<1x32x128xf32, #tpu.memory_space<vmem>> -> memref<32x128xf32, #tpu.memory_space<vmem>>
    %dma_wait3A_598 = arith.constant 0 : i32
    %dma_wait3A_599 = arith.constant 0 : i32
    %dma_wait3A_600 = tpu.memref_slice %arg4[%dma_wait3A_598, %dma_wait3A_599] : memref<32x1000000xf32, #tpu.memory_space<hbm>> -> memref<32x128xf32, #tpu.memory_space<hbm>>
    %dma_wait3A_601 = arith.constant 0 : i32
    %dma_wait3A_602 = arith.constant 0 : i32
    %dma_wait3A_603 = tpu.memref_slice %arg10[%dma_wait3A_593, %dma_wait3A_601, %dma_wait3A_602] : memref<8x32x128xf32, #tpu.memory_space<vmem>> -> memref<1x32x128xf32, #tpu.memory_space<vmem>>
    %dma_wait3A_604 = tpu.memref_squeeze %dma_wait3A_603 : memref<1x32x128xf32, #tpu.memory_space<vmem>> -> memref<32x128xf32, #tpu.memory_space<vmem>>
    %dma_wait3A_605 = arith.constant 0 : i32
    %dma_wait3A_606 = arith.constant 0 : i32
    %dma_wait3A_607 = tpu.memref_slice %arg4[%dma_wait3A_605, %dma_wait3A_606] : memref<32x1000000xf32, #tpu.memory_space<hbm>> -> memref<32x128xf32, #tpu.memory_space<hbm>>
    tpu.wait_dma2 semaphore(%arg19 : memref<!tpu.dma_semaphore, #tpu.memory_space<semaphore_mem>>) src(%dma_wait3A_607 : memref<32x128xf32, #tpu.memory_space<hbm>>) dst(%dma_wait3A_604 : memref<32x128xf32, #tpu.memory_space<vmem>>)
    %dma_wait3A_608 = arith.constant 4 : i32
    %dma_wait3A_609 = arith.constant 0 : i32
    %dma_wait3A_610 = arith.constant 0 : i32
    %dma_wait3A_611 = tpu.memref_slice %arg11[%dma_wait3A_608, %dma_wait3A_609, %dma_wait3A_610] : memref<8x32x128xf32, #tpu.memory_space<vmem>> -> memref<1x32x128xf32, #tpu.memory_space<vmem>>
    %dma_wait3A_612 = tpu.memref_squeeze %dma_wait3A_611 : memref<1x32x128xf32, #tpu.memory_space<vmem>> -> memref<32x128xf32, #tpu.memory_space<vmem>>
    %dma_wait3A_613 = arith.constant 0 : i32
    %dma_wait3A_614 = arith.constant 0 : i32
    %dma_wait3A_615 = tpu.memref_slice %arg4[%dma_wait3A_613, %dma_wait3A_614] : memref<32x1000000xf32, #tpu.memory_space<hbm>> -> memref<32x128xf32, #tpu.memory_space<hbm>>
    %dma_wait3A_616 = arith.constant 0 : i32
    %dma_wait3A_617 = arith.constant 0 : i32
    %dma_wait3A_618 = tpu.memref_slice %arg11[%dma_wait3A_608, %dma_wait3A_616, %dma_wait3A_617] : memref<8x32x128xf32, #tpu.memory_space<vmem>> -> memref<1x32x128xf32, #tpu.memory_space<vmem>>
    %dma_wait3A_619 = tpu.memref_squeeze %dma_wait3A_618 : memref<1x32x128xf32, #tpu.memory_space<vmem>> -> memref<32x128xf32, #tpu.memory_space<vmem>>
    %dma_wait3A_620 = arith.constant 0 : i32
    %dma_wait3A_621 = arith.constant 0 : i32
    %dma_wait3A_622 = tpu.memref_slice %arg4[%dma_wait3A_620, %dma_wait3A_621] : memref<32x1000000xf32, #tpu.memory_space<hbm>> -> memref<32x128xf32, #tpu.memory_space<hbm>>
    tpu.wait_dma2 semaphore(%arg19 : memref<!tpu.dma_semaphore, #tpu.memory_space<semaphore_mem>>) src(%dma_wait3A_622 : memref<32x128xf32, #tpu.memory_space<hbm>>) dst(%dma_wait3A_619 : memref<32x128xf32, #tpu.memory_space<vmem>>)
    %dma_wait3A_623 = arith.constant 5 : i32
    %dma_wait3A_624 = arith.constant 0 : i32
    %dma_wait3A_625 = arith.constant 0 : i32
    %dma_wait3A_626 = tpu.memref_slice %arg10[%dma_wait3A_623, %dma_wait3A_624, %dma_wait3A_625] : memref<8x32x128xf32, #tpu.memory_space<vmem>> -> memref<1x32x128xf32, #tpu.memory_space<vmem>>
    %dma_wait3A_627 = tpu.memref_squeeze %dma_wait3A_626 : memref<1x32x128xf32, #tpu.memory_space<vmem>> -> memref<32x128xf32, #tpu.memory_space<vmem>>
    %dma_wait3A_628 = arith.constant 0 : i32
    %dma_wait3A_629 = arith.constant 0 : i32
    %dma_wait3A_630 = tpu.memref_slice %arg4[%dma_wait3A_628, %dma_wait3A_629] : memref<32x1000000xf32, #tpu.memory_space<hbm>> -> memref<32x128xf32, #tpu.memory_space<hbm>>
    %dma_wait3A_631 = arith.constant 0 : i32
    %dma_wait3A_632 = arith.constant 0 : i32
    %dma_wait3A_633 = tpu.memref_slice %arg10[%dma_wait3A_623, %dma_wait3A_631, %dma_wait3A_632] : memref<8x32x128xf32, #tpu.memory_space<vmem>> -> memref<1x32x128xf32, #tpu.memory_space<vmem>>
    %dma_wait3A_634 = tpu.memref_squeeze %dma_wait3A_633 : memref<1x32x128xf32, #tpu.memory_space<vmem>> -> memref<32x128xf32, #tpu.memory_space<vmem>>
    %dma_wait3A_635 = arith.constant 0 : i32
    %dma_wait3A_636 = arith.constant 0 : i32
    %dma_wait3A_637 = tpu.memref_slice %arg4[%dma_wait3A_635, %dma_wait3A_636] : memref<32x1000000xf32, #tpu.memory_space<hbm>> -> memref<32x128xf32, #tpu.memory_space<hbm>>
    tpu.wait_dma2 semaphore(%arg20 : memref<!tpu.dma_semaphore, #tpu.memory_space<semaphore_mem>>) src(%dma_wait3A_637 : memref<32x128xf32, #tpu.memory_space<hbm>>) dst(%dma_wait3A_634 : memref<32x128xf32, #tpu.memory_space<vmem>>)
    %dma_wait3A_638 = arith.constant 5 : i32
    %dma_wait3A_639 = arith.constant 0 : i32
    %dma_wait3A_640 = arith.constant 0 : i32
    %dma_wait3A_641 = tpu.memref_slice %arg11[%dma_wait3A_638, %dma_wait3A_639, %dma_wait3A_640] : memref<8x32x128xf32, #tpu.memory_space<vmem>> -> memref<1x32x128xf32, #tpu.memory_space<vmem>>
    %dma_wait3A_642 = tpu.memref_squeeze %dma_wait3A_641 : memref<1x32x128xf32, #tpu.memory_space<vmem>> -> memref<32x128xf32, #tpu.memory_space<vmem>>
    %dma_wait3A_643 = arith.constant 0 : i32
    %dma_wait3A_644 = arith.constant 0 : i32
    %dma_wait3A_645 = tpu.memref_slice %arg4[%dma_wait3A_643, %dma_wait3A_644] : memref<32x1000000xf32, #tpu.memory_space<hbm>> -> memref<32x128xf32, #tpu.memory_space<hbm>>
    %dma_wait3A_646 = arith.constant 0 : i32
    %dma_wait3A_647 = arith.constant 0 : i32
    %dma_wait3A_648 = tpu.memref_slice %arg11[%dma_wait3A_638, %dma_wait3A_646, %dma_wait3A_647] : memref<8x32x128xf32, #tpu.memory_space<vmem>> -> memref<1x32x128xf32, #tpu.memory_space<vmem>>
    %dma_wait3A_649 = tpu.memref_squeeze %dma_wait3A_648 : memref<1x32x128xf32, #tpu.memory_space<vmem>> -> memref<32x128xf32, #tpu.memory_space<vmem>>
    %dma_wait3A_650 = arith.constant 0 : i32
    %dma_wait3A_651 = arith.constant 0 : i32
    %dma_wait3A_652 = tpu.memref_slice %arg4[%dma_wait3A_650, %dma_wait3A_651] : memref<32x1000000xf32, #tpu.memory_space<hbm>> -> memref<32x128xf32, #tpu.memory_space<hbm>>
    tpu.wait_dma2 semaphore(%arg20 : memref<!tpu.dma_semaphore, #tpu.memory_space<semaphore_mem>>) src(%dma_wait3A_652 : memref<32x128xf32, #tpu.memory_space<hbm>>) dst(%dma_wait3A_649 : memref<32x128xf32, #tpu.memory_space<vmem>>)
    %dma_wait3A_653 = arith.constant 6 : i32
    %dma_wait3A_654 = arith.constant 0 : i32
    %dma_wait3A_655 = arith.constant 0 : i32
    %dma_wait3A_656 = tpu.memref_slice %arg10[%dma_wait3A_653, %dma_wait3A_654, %dma_wait3A_655] : memref<8x32x128xf32, #tpu.memory_space<vmem>> -> memref<1x32x128xf32, #tpu.memory_space<vmem>>
    %dma_wait3A_657 = tpu.memref_squeeze %dma_wait3A_656 : memref<1x32x128xf32, #tpu.memory_space<vmem>> -> memref<32x128xf32, #tpu.memory_space<vmem>>
    %dma_wait3A_658 = arith.constant 0 : i32
    %dma_wait3A_659 = arith.constant 0 : i32
    %dma_wait3A_660 = tpu.memref_slice %arg4[%dma_wait3A_658, %dma_wait3A_659] : memref<32x1000000xf32, #tpu.memory_space<hbm>> -> memref<32x128xf32, #tpu.memory_space<hbm>>
    %dma_wait3A_661 = arith.constant 0 : i32
    %dma_wait3A_662 = arith.constant 0 : i32
    %dma_wait3A_663 = tpu.memref_slice %arg10[%dma_wait3A_653, %dma_wait3A_661, %dma_wait3A_662] : memref<8x32x128xf32, #tpu.memory_space<vmem>> -> memref<1x32x128xf32, #tpu.memory_space<vmem>>
    %dma_wait3A_664 = tpu.memref_squeeze %dma_wait3A_663 : memref<1x32x128xf32, #tpu.memory_space<vmem>> -> memref<32x128xf32, #tpu.memory_space<vmem>>
    %dma_wait3A_665 = arith.constant 0 : i32
    %dma_wait3A_666 = arith.constant 0 : i32
    %dma_wait3A_667 = tpu.memref_slice %arg4[%dma_wait3A_665, %dma_wait3A_666] : memref<32x1000000xf32, #tpu.memory_space<hbm>> -> memref<32x128xf32, #tpu.memory_space<hbm>>
    tpu.wait_dma2 semaphore(%arg21 : memref<!tpu.dma_semaphore, #tpu.memory_space<semaphore_mem>>) src(%dma_wait3A_667 : memref<32x128xf32, #tpu.memory_space<hbm>>) dst(%dma_wait3A_664 : memref<32x128xf32, #tpu.memory_space<vmem>>)
    %dma_wait3A_668 = arith.constant 6 : i32
    %dma_wait3A_669 = arith.constant 0 : i32
    %dma_wait3A_670 = arith.constant 0 : i32
    %dma_wait3A_671 = tpu.memref_slice %arg11[%dma_wait3A_668, %dma_wait3A_669, %dma_wait3A_670] : memref<8x32x128xf32, #tpu.memory_space<vmem>> -> memref<1x32x128xf32, #tpu.memory_space<vmem>>
    %dma_wait3A_672 = tpu.memref_squeeze %dma_wait3A_671 : memref<1x32x128xf32, #tpu.memory_space<vmem>> -> memref<32x128xf32, #tpu.memory_space<vmem>>
    %dma_wait3A_673 = arith.constant 0 : i32
    %dma_wait3A_674 = arith.constant 0 : i32
    %dma_wait3A_675 = tpu.memref_slice %arg4[%dma_wait3A_673, %dma_wait3A_674] : memref<32x1000000xf32, #tpu.memory_space<hbm>> -> memref<32x128xf32, #tpu.memory_space<hbm>>
    %dma_wait3A_676 = arith.constant 0 : i32
    %dma_wait3A_677 = arith.constant 0 : i32
    %dma_wait3A_678 = tpu.memref_slice %arg11[%dma_wait3A_668, %dma_wait3A_676, %dma_wait3A_677] : memref<8x32x128xf32, #tpu.memory_space<vmem>> -> memref<1x32x128xf32, #tpu.memory_space<vmem>>
    %dma_wait3A_679 = tpu.memref_squeeze %dma_wait3A_678 : memref<1x32x128xf32, #tpu.memory_space<vmem>> -> memref<32x128xf32, #tpu.memory_space<vmem>>
    %dma_wait3A_680 = arith.constant 0 : i32
    %dma_wait3A_681 = arith.constant 0 : i32
    %dma_wait3A_682 = tpu.memref_slice %arg4[%dma_wait3A_680, %dma_wait3A_681] : memref<32x1000000xf32, #tpu.memory_space<hbm>> -> memref<32x128xf32, #tpu.memory_space<hbm>>
    tpu.wait_dma2 semaphore(%arg21 : memref<!tpu.dma_semaphore, #tpu.memory_space<semaphore_mem>>) src(%dma_wait3A_682 : memref<32x128xf32, #tpu.memory_space<hbm>>) dst(%dma_wait3A_679 : memref<32x128xf32, #tpu.memory_space<vmem>>)
    %dma_wait3A_683 = arith.constant 7 : i32
    %dma_wait3A_684 = arith.constant 0 : i32
    %dma_wait3A_685 = arith.constant 0 : i32
    %dma_wait3A_686 = tpu.memref_slice %arg10[%dma_wait3A_683, %dma_wait3A_684, %dma_wait3A_685] : memref<8x32x128xf32, #tpu.memory_space<vmem>> -> memref<1x32x128xf32, #tpu.memory_space<vmem>>
    %dma_wait3A_687 = tpu.memref_squeeze %dma_wait3A_686 : memref<1x32x128xf32, #tpu.memory_space<vmem>> -> memref<32x128xf32, #tpu.memory_space<vmem>>
    %dma_wait3A_688 = arith.constant 0 : i32
    %dma_wait3A_689 = arith.constant 0 : i32
    %dma_wait3A_690 = tpu.memref_slice %arg4[%dma_wait3A_688, %dma_wait3A_689] : memref<32x1000000xf32, #tpu.memory_space<hbm>> -> memref<32x128xf32, #tpu.memory_space<hbm>>
    %dma_wait3A_691 = arith.constant 0 : i32
    %dma_wait3A_692 = arith.constant 0 : i32
    %dma_wait3A_693 = tpu.memref_slice %arg10[%dma_wait3A_683, %dma_wait3A_691, %dma_wait3A_692] : memref<8x32x128xf32, #tpu.memory_space<vmem>> -> memref<1x32x128xf32, #tpu.memory_space<vmem>>
    %dma_wait3A_694 = tpu.memref_squeeze %dma_wait3A_693 : memref<1x32x128xf32, #tpu.memory_space<vmem>> -> memref<32x128xf32, #tpu.memory_space<vmem>>
    %dma_wait3A_695 = arith.constant 0 : i32
    %dma_wait3A_696 = arith.constant 0 : i32
    %dma_wait3A_697 = tpu.memref_slice %arg4[%dma_wait3A_695, %dma_wait3A_696] : memref<32x1000000xf32, #tpu.memory_space<hbm>> -> memref<32x128xf32, #tpu.memory_space<hbm>>
    tpu.wait_dma2 semaphore(%arg22 : memref<!tpu.dma_semaphore, #tpu.memory_space<semaphore_mem>>) src(%dma_wait3A_697 : memref<32x128xf32, #tpu.memory_space<hbm>>) dst(%dma_wait3A_694 : memref<32x128xf32, #tpu.memory_space<vmem>>)
    %dma_wait3A_698 = arith.constant 7 : i32
    %dma_wait3A_699 = arith.constant 0 : i32
    %dma_wait3A_700 = arith.constant 0 : i32
    %dma_wait3A_701 = tpu.memref_slice %arg11[%dma_wait3A_698, %dma_wait3A_699, %dma_wait3A_700] : memref<8x32x128xf32, #tpu.memory_space<vmem>> -> memref<1x32x128xf32, #tpu.memory_space<vmem>>
    %dma_wait3A_702 = tpu.memref_squeeze %dma_wait3A_701 : memref<1x32x128xf32, #tpu.memory_space<vmem>> -> memref<32x128xf32, #tpu.memory_space<vmem>>
    %dma_wait3A_703 = arith.constant 0 : i32
    %dma_wait3A_704 = arith.constant 0 : i32
    %dma_wait3A_705 = tpu.memref_slice %arg4[%dma_wait3A_703, %dma_wait3A_704] : memref<32x1000000xf32, #tpu.memory_space<hbm>> -> memref<32x128xf32, #tpu.memory_space<hbm>>
    %dma_wait3A_706 = arith.constant 0 : i32
    %dma_wait3A_707 = arith.constant 0 : i32
    %dma_wait3A_708 = tpu.memref_slice %arg11[%dma_wait3A_698, %dma_wait3A_706, %dma_wait3A_707] : memref<8x32x128xf32, #tpu.memory_space<vmem>> -> memref<1x32x128xf32, #tpu.memory_space<vmem>>
    %dma_wait3A_709 = tpu.memref_squeeze %dma_wait3A_708 : memref<1x32x128xf32, #tpu.memory_space<vmem>> -> memref<32x128xf32, #tpu.memory_space<vmem>>
    %dma_wait3A_710 = arith.constant 0 : i32
    %dma_wait3A_711 = arith.constant 0 : i32
    %dma_wait3A_712 = tpu.memref_slice %arg4[%dma_wait3A_710, %dma_wait3A_711] : memref<32x1000000xf32, #tpu.memory_space<hbm>> -> memref<32x128xf32, #tpu.memory_space<hbm>>
    tpu.wait_dma2 semaphore(%arg22 : memref<!tpu.dma_semaphore, #tpu.memory_space<semaphore_mem>>) src(%dma_wait3A_712 : memref<32x128xf32, #tpu.memory_space<hbm>>) dst(%dma_wait3A_709 : memref<32x128xf32, #tpu.memory_space<vmem>>)
    "tpu.region"() ({
      %run_scoped3A = tpu.sem_alloc : memref<!tpu.dma_semaphore, #tpu.memory_space<semaphore_mem>>
      %dma_start3A_713 = tpu.memref_slice %arg7[%multiple_of3A] : memref<16384xf32, #tpu.memory_space<hbm>> -> memref<512xf32, #tpu.memory_space<hbm>>
      %dma_start3A_714 = tpu.memref_slice %arg7[%multiple_of3A] : memref<16384xf32, #tpu.memory_space<hbm>> -> memref<512xf32, #tpu.memory_space<hbm>>
      tpu.enqueue_dma source(%arg14 : memref<512xf32, #tpu.memory_space<vmem>>) target(%dma_start3A_714 : memref<512xf32, #tpu.memory_space<hbm>>) target_semaphore(%run_scoped3A : memref<!tpu.dma_semaphore, #tpu.memory_space<semaphore_mem>>)
      %dma_wait3A_715 = tpu.memref_slice %arg7[%multiple_of3A] : memref<16384xf32, #tpu.memory_space<hbm>> -> memref<512xf32, #tpu.memory_space<hbm>>
      %dma_wait3A_716 = tpu.memref_slice %arg7[%multiple_of3A] : memref<16384xf32, #tpu.memory_space<hbm>> -> memref<512xf32, #tpu.memory_space<hbm>>
      tpu.wait_dma2 semaphore(%run_scoped3A : memref<!tpu.dma_semaphore, #tpu.memory_space<semaphore_mem>>) src(%arg14 : memref<512xf32, #tpu.memory_space<vmem>>) dst(%dma_wait3A_716 : memref<512xf32, #tpu.memory_space<hbm>>)
      tpu.yield
    }) : () -> ()
    return
  }
}

</mosaic_0001>

<sc_bundles>
// kernel: kernel.3.cloned.1.call-start
scs
__scs_entry_jumppad:
0x0: {  	(pc) =	sbr.rel $0x88, $3  }
0x1: {  	(tag) =	ssettag $0x0;
	lr =	simm.s32 $0x1  }
0x2: {  	[smem:$0x3F9B] =	sst lr;
	_ =	strace $0xD0000000  }
0x3: {  	_ = 	snop  }
0x4: {  	_ = 	snop  }
0x5: {  	_ = 	snop  }
0x6: {  	_ = 	snop  }
0x7: {  	_ = 	snop  }
__scs_overlays_trampoline_lowered:
0x8: {  	[smem:$0x3FAA] =	sst s0  }
0x9: {  	[smem:$0x3FAB] =	sst s1  }
0xa: {  	[smem:$0x3FAC] =	sst s2  }
0xb: {  	[smem:$0x3FAD] =	sst s3  }
0xc: {  	[smem:$0x3FAE] =	sst s4  }
0xd: {  	[smem:$0x3FAF] =	sst s5  }
0xe: {  	[smem:$0x3FB0] =	sst s6  }
0xf: {  	[smem:$0x3FB1] =	sst s7  }
0x10: {  	[smem:$0x3FB2] =	sst s8  }
0x11: {  	[smem:$0x3FB3] =	sst s9;
	s0 =	simm.s32 @!p0 $0x0  }
0x12: {  	s1 =	sld [smem:$0x3F99];
	s0 =	simm.s32 @p0 $0x1  }
0x13: {  	[smem:$0x3FB4] =	sst s0;
	s0 =	simm.s32 @!p1 $0x0  }
0x14: {  	s2 =	sld [smem:$0x3F98];
	s0 =	simm.s32 @p1 $0x1  }
0x15: {  	[smem:$0x3FB5] =	sst s0;
	s0 =	simm.s32 @!p2 $0x0  }
0x16: {  	s3 =	sld [smem:$0x3FDB];
	s0 =	simm.s32 @p2 $0x1  }
0x17: {  	s4 =	simm.s32 $0x1BF5;
	[smem:$0x3FB7] =	sst s0  }
0x18: {  	s0 =	sld [smem:$0x3F9A];
	_ =	swait.ge [sflag:s4], $0x0  }
0x19: {  	s7 =	sld [smem:$0x3F9B]  }
0x1a: {  	s8 =	sadd.s32 $0xFFFFE003, lr  }
0x1b: {  	s9 =	sadd.s32 $0xFFFFFEF7, lr;
	s5 =	simm.s32 $0xFFFFFFFF;
	p2 =	slt.u32 s8, $0xFFFFF086  }
0x1c: {  	p1 =	slt.u32 s9, $0xF7A;
	s5 =	simm.s32 @!p2 $0x0  }
0x1d: {  	s5 =	simm.s32 @p1 $0x1;
	p0 =	seq.s32 s7, s2  }
0x1e: {  	s7 =	smul.u32 @!p0 $0xF7A, s2;
	p2 =	seq.s32 @!p0 s5, $0x0  }
0x1f: {  	s9 =	smul.u32 $0xF7A, s1;
	s8 =	simm.s32 @!p0 $0x1BF5;
	p2 =	por !p2, p0  }
0x20: {  	[sflag:s8] =	ssyncset.s32 @!p0 $0xFFFFF086;
	s6 =	sadd.s32 @!p0 s3, s7;
	s7 =	simm.s32 @!p0 $0x108  }
0x21: {  	s3 =	sadd.s32 s3, s9;
	s6 =	sadd.s32 @!p0 $0x88, s6;
	s7 =	simm.s32 @p2 $0x1082  }
0x22: {  	[simem:s7], [sflag:s8] =	dma.local @!p0 [hbm:s6], $0xF7A  }
0x23: {  	s9 =	sor.u32 $0xD0000000, s2;
	s6 =	simm.s32 $0x108;
	_ =	swait.ge @!p0 [sflag:s8], $0x0  }
0x24: {  	s3 =	sadd.s32 $0x88, s3;
	s6 =	simm.s32 @!p1 $0x1082;
	[sflag:s4] =	ssyncset.s32 $0xFFFFF086  }
0x25: {  	[simem:s6], [sflag:s4] =	dma.local [hbm:s3], $0xF7A  }
0x26: {  	[smem:$0x3F9B] =	sst s1;
	(tag) =	ssettag s2;
	_ =	strace s9  }
0x27: {  	s1 =	sld [smem:$0x3FAB]  }
0x28: {  	s2 =	sld [smem:$0x3FAC]  }
0x29: {  	s4 =	sld [smem:$0x3FAE]  }
0x2a: {  	p0 =	seq.s32 s5, $0x0;
	s5 =	sld [smem:$0x3FAF]  }
0x2b: {  	s6 =	sld [smem:$0x3FB0]  }
0x2c: {  	s7 =	sld [smem:$0x3FB1]  }
0x2d: {  	s3 =	simm.s32 $0x108;
	s8 =	sld [smem:$0x3FB2]  }
0x2e: {  	s3 =	simm.s32 @!p0 $0x1082;
	s9 =	sld [smem:$0x3FB3]  }
0x2f: {  	lr =	sadd.s32 s0, s3;
	s0 =	sld [smem:$0x3FAA]  }
0x30: {  	s3 =	sld [smem:$0x3FAD]  }
0x31: {  	[smem:$0x3FB6] =	sst s10  }
0x32: {  	s10 =	sld [smem:$0x3FB4];
	_ =	sdelay $0x3  }
0x33: {  	p0 =	seq.s32 s10, $0x1;
	s10 =	sld [smem:$0x3FB6];
	_ =	sdelay $0x3  }
0x34: {  	[smem:$0x3FB6] =	sst s10  }
0x35: {  	s10 =	sld [smem:$0x3FB5];
	_ =	sdelay $0x3  }
0x36: {  	p1 =	seq.s32 s10, $0x1;
	s10 =	sld [smem:$0x3FB6];
	_ =	sdelay $0x3  }
0x37: {  	[smem:$0x3FB6] =	sst s10  }
0x38: {  	s10 =	sld [smem:$0x3FB7]  }
0x39: {  	_ = 	snop;
	(pc) =	sbr.ind lr, $3  }
0x3a: {  	_ = 	snop  }
0x3b: {  	_ = 	snop  }
0x3c: {  	p2 =	seq.s32 s10, $0x1;
	s10 =	sld [smem:$0x3FB6]  }
0x3d: {  	_ =	shalt  }
0x3e: {  	_ =	shalt  }
0x3f: {  	_ =	shalt  }
0x40: {  	_ =	shalt  }
0x41: {  	_ =	shalt  }
0x42: {  	_ =	shalt  }
0x43: {  	_ =	shalt  }
0x44: {  	_ =	shalt  }
0x45: {  	_ =	shalt  }
0x46: {  	_ =	shalt  }
0x47: {  	_ =	shalt  }
0x48: {  	_ =	shalt  }
0x49: {  	_ =	shalt  }
0x4a: {  	_ =	shalt  }
0x4b: {  	_ =	shalt  }
0x4c: {  	_ =	shalt  }
0x4d: {  	_ =	shalt  }
0x4e: {  	_ =	shalt  }
0x4f: {  	_ =	shalt  }
0x50: {  	_ =	shalt  }
0x51: {  	_ =	shalt  }
0x52: {  	_ =	shalt  }
0x53: {  	_ =	shalt  }
0x54: {  	_ =	shalt  }
0x55: {  	_ =	shalt  }
0x56: {  	_ =	shalt  }
0x57: {  	_ =	shalt  }
0x58: {  	_ =	shalt  }
0x59: {  	_ =	shalt  }
0x5a: {  	_ =	shalt  }
0x5b: {  	_ =	shalt  }
0x5c: {  	_ =	shalt  }
0x5d: {  	_ =	shalt  }
0x5e: {  	_ =	shalt  }
0x5f: {  	_ =	shalt  }
0x60: {  	_ =	shalt  }
0x61: {  	_ =	shalt  }
0x62: {  	_ =	shalt  }
0x63: {  	_ =	shalt  }
0x64: {  	_ =	shalt  }
0x65: {  	_ =	shalt  }
0x66: {  	_ =	shalt  }
0x67: {  	_ =	shalt  }
0x68: {  	_ =	shalt  }
0x69: {  	_ =	shalt  }
0x6a: {  	_ =	shalt  }
0x6b: {  	_ =	shalt  }
0x6c: {  	_ =	shalt  }
0x6d: {  	_ =	shalt  }
0x6e: {  	_ =	shalt  }
0x6f: {  	_ =	shalt  }
0x70: {  	_ =	shalt  }
0x71: {  	_ =	shalt  }
0x72: {  	_ =	shalt  }
0x73: {  	_ =	shalt  }
0x74: {  	_ =	shalt  }
0x75: {  	_ =	shalt  }
0x76: {  	_ =	shalt  }
0x77: {  	_ =	shalt  }
0x78: {  	_ =	shalt  }
0x79: {  	_ =	shalt  }
0x7a: {  	_ =	shalt  }
0x7b: {  	_ =	shalt  }
0x7c: {  	_ =	shalt  }
0x7d: {  	_ =	shalt  }
0x7e: {  	_ =	shalt  }
0x7f: {  	_ =	shalt  }
0x80: {  	_ =	shalt  }
0x81: {  	_ =	shalt  }
0x82: {  	_ =	shalt  }
0x83: {  	_ =	shalt  }
0x84: {  	_ =	shalt  }
0x85: {  	_ =	shalt  }
0x86: {  	_ =	shalt  }
0x87: {  	_ =	shalt  }
.Lfunc_end0:
.L_simem_size_0:
called_computation_lowered:
.L_overlay_start_0:
0x88: {  	s2 =	sld [smem:$0x3FD9]  }
0x89: {  	s3 =	sld [smem:$0x3FFE];
	_ =	sdelay $0x1  }
0x8a: {  	s1 =	srdreg.scid  }
0x8b: {  	s0 =	sand.u32 $0x1, s1  }
0x8c: {  	s17 =	sshll.u32 s0, $0xA;
	s2 =	sadd.s32 s3, s2  }
0x8d: {  	s2 =	sadd.s32 s2, s17  }
0x8e: {  	[smem:$0x3FC2] =	sst s2  }
0x8f: {  	_ = 	snop  }
0x90: {  	s2 =	sld [smem:$0x3FC9]  }
0x91: {  	s18 =	sld [smem:$0x3FC8]  }
0x92: {  	s4 =	sld [smem:$0x3FC7]  }
0x93: {  	s5 =	sld [smem:$0x3FC6]  }
0x94: {  	s6 =	sld [smem:$0x3FD0];
	(tm) =	ssettm $0x1  }
0x95: {  	s7 =	sld [smem:$0x3FFB];
	_ =	sdelay $0x3  }
0x96: {  	_ =	strace s7  }
0x97: {  	s7 =	sld [smem:$0x3FFC];
	_ =	sdelay $0x3  }
0x98: {  	_ =	strace s7  }
0x99: {  	s7 =	sld [smem:$0x3FFD];
	_ =	sdelay $0x3  }
0x9a: {  	_ =	strace s7  }
0x9b: {  	_ =	strace $0x8FFFFFFF  }
0x9c: {  	s19 =	sld [smem:$0x3FDB];
	_ =	sdelay $0x1  }
0x9d: {  	s8 =	simm.s32 $_scs_section_size  }
0x9e: {  	s9 =	simm.s32 $_size__tile_overlayer_lowered;
	s10 =	simm.s32 $_tile_overlayer_lowered  }
0x9f: {  	s22 =	simm.s32 $0x1BFF;
	s21 =	sshll.u32 s10, $0x1;
	s7 =	sadd.s32 s8, s19  }
0xa0: {  	s11 =	simm.s32 $0x0;
	s20 =	sshll.u32 s9, $0x1;
	s9 =	sadd.s32 s21, s7  }
0xa1: {  	[timem:s11], [sflag:s22] =	dma.local [hbm:s9], s20  }
0xa2: {  	_ =	swait.ge [sflag:s22], s20  }
0xa3: {  	s8 =	ssub.s32 $0x0, s20;
	[sflag:s22] =	ssyncset.done $0x0  }
0xa4: {  	[sflag:s22] =	ssyncadd.s32 s8;
	_ =	sdelay $0x1  }
0xa5: {  	s23 =	simm.s32 $0x1B8B  }
0xa6: {  	_ =	swait.ge [sflag:s23], $0x1  }
0xa7: {  	[sflag:s23] =	ssyncset.done $0x0  }
0xa8: {  	s25 =	simm.s32 $0x1B8E;
	s24 =	sld [smem:$0x3FFE];
	[sflag:s23] =	ssyncadd.s32 $0xFFFFFFFF  }
0xa9: {  	s26 =	simm.s32 $execute0_lowered;
	[smem:$0x3FD2] =	sst s25  }
0xaa: {  	s9 =	sshll.u32 s26, $0x1;
	_ =	strace $0x80000046;
	[dreg:$0x1] =	wrdreg $0xFFFFFFFF  }
0xab: {  	s28 =	simm.s32 $_size_execute0_lowered;
	s7 =	sadd.s32 s7, s9;
	[dreg:$0x0] =	wrdreg $0x0  }
0xac: {  	s9 =	sshll.u32 s28, $0x1;
	[dreg:$0x2] =	wrdreg s7  }
0xad: {  	[dreg:$0x3] =	wrdreg s9  }
0xae: {  	[dreg:$0x4] =	wrdreg $0xC0  }
0xaf: {  	_ =	task [dreg:s11], $0x5FFFF  }
0xb0: {  	[dreg:$0x1] =	wrdreg $0xFFFFFFFF  }
0xb1: {  	[dreg:$0x0] =	wrdreg $0x60  }
0xb2: {  	[dreg:$0x2] =	wrdreg s2  }
0xb3: {  	[dreg:$0x3] =	wrdreg s18  }
0xb4: {  	[dreg:$0x4] =	wrdreg s4  }
0xb5: {  	[dreg:$0x5] =	wrdreg s5  }
0xb6: {  	[dreg:$0x6] =	wrdreg s24  }
0xb7: {  	[dreg:$0x7] =	wrdreg s6  }
0xb8: {  	[dreg:$0x8] =	wrdreg $0x9  }
0xb9: {  	_ =	task.clear_ibuf [dreg:s11], $0x9FFFF;
	_ =	strace $0x90000046  }
0xba: {  	s29 =	simm.s32 $0x9;
	_ =	strace $0x80000048  }
0xbb: {  	_ =	swait.ge [sflag:s29], $0x1  }
0xbc: {  	[sflag:s29] =	ssyncadd.s32 $0xFFFFFFFF  }
0xbd: {  	_ =	strace $0x90000048  }
0xbe: {  	_ =	sfence  }
0xbf: {  	s30 =	sld [smem:$0x0];
	_ =	sdelay $0x2  }
0xc0: {  	s31 =	sshll.u32 s1, $0xD;
	s1 =	sshrl.u32 s1, $0x2  }
0xc1: {  	s3 =	sand.u32 $0x4000, s31;
	s1 =	sadd.s32 s1, s30  }
0xc2: {  	s0 =	sor.u32 s3, s0;
	s1 =	sshll.u32 s1, $0x11  }
0xc3: {  	s0 =	sor.u32 s1, s0  }
0xc4: {  	s0 =	sadd.s32 $0x8F2B, s0  }
0xc5: {  	[sflag:s0] =	ssyncadd.remote.s32 $0x1  }
0xc6: {  	_ =	sfence.sel $0xFFFF  }
0xc7: {  	[dreg:$0x0] =	wrdreg $0xFFFFFFFF;
	(pc) =	sbr.abs _section_cstart, $3  }
0xc8: {  	[dreg:$0x1] =	wrdreg $0xFFFFFFFF  }
0xc9: {  	_ =	task.clear_ibuf [dreg:s11], $0x2FFFF;
	_ =	strace $0x9FFFFFFF  }
0xca: {  	(tm) =	ssettm $0x7FFFFFFF  }
0xcb: {  	_ =	shalt  }
tec
execute0_lowered:
.L_overlay_start_1:
0x0: {  	(tag) =	ssettag $0x1  }
0x1: {  	v17 =	vlaneseq.u32;
	vm0 =	vmmov $0x1;
	vm1 =	vcmask $0x308  }
0x2: {  	vm2 =	vcmask $0x70C;
	v2 =	vimm.s32 $0x780;
	vm9 =	vcmask $0x300  }
0x3: {  	vm3 =	vcmask $0xB10;
	vm12 =	vcmask $0x704;
	vm4 =	vcmask $0xF14  }
0x4: {  	vm15 =	vcmask $0xB08;
	vm5 =	vcmask $0x1318;
	vm10 =	vcmask $0xF0C  }
0x5: {  	vm6 =	vcmask $0x171C;
	vm13 =	vcmask $0x1310;
	vm7 =	vcmask $0x1B20  }
0x6: {  	vm11 =	vcmask $0x1714;
	vm8 =	vcmask $0x1F24;
	v3 =	vimm.s32 $0x781  }
0x7: {  	vm14 =	vcmask $0x1B18;
	v4 =	vimm.s32 $0x782;
	v5 =	vimm.s32 $0x783  }
0x8: {  	v6 =	vimm.s32 $0x784;
	v7 =	vimm.s32 $0x785;
	v8 =	vimm.s32 $0x786  }
0x9: {  	v9 =	vimm.s32 $0x787;
	v10 =	vimm.s32 $0x788;
	v11 =	vimm.s32 $0x789  }
0xa: {  	v12 =	vimm.s32 $0x78A;
	v13 =	vimm.s32 $0x78B;
	v14 =	vimm.s32 $0x78C  }
0xb: {  	v15 =	vimm.s32 $0x78D;
	v16 =	vimm.s32 $0x78E;
	v0 =	vmul.u32 $0x80, v17  }
0xc: {  	v2 =	vsel vm9, $0x1, v2;
	v3 =	vsel vm9, $0x2, v3;
	v4 =	vsel vm9, $0x3, v4  }
0xd: {  	v5 =	vsel vm9, $0x4, v5;
	v6 =	vsel vm9, $0x5, v6;
	v7 =	vsel vm9, $0x6, v7  }
0xe: {  	v8 =	vsel vm9, $0x7, v8;
	v9 =	vsel vm9, $0x8, v9;
	v10 =	vsel vm9, $0x9, v10  }
0xf: {  	v11 =	vsel vm9, $0xA, v11;
	v12 =	vsel vm9, $0xB, v12;
	v13 =	vsel vm9, $0xC, v13  }
0x10: {  	v14 =	vsel vm9, $0xD, v14;
	v15 =	vsel vm9, $0xE, v15;
	v16 =	vsel vm9, $0xF, v16  }
0x11: {  	vm9 =	vcmask $0x2328;
	v17 =	vmul.u32 $0x81, v17;
	v2 =	vsel vm12, $0x82, v2  }
0x12: {  	v3 =	vsel vm12, $0x83, v3;
	v4 =	vsel vm12, $0x84, v4;
	v5 =	vsel vm12, $0x85, v5  }
0x13: {  	v6 =	vsel vm12, $0x86, v6;
	v7 =	vsel vm12, $0x87, v7;
	v8 =	vsel vm12, $0x88, v8  }
0x14: {  	v9 =	vsel vm12, $0x89, v9;
	v10 =	vsel vm12, $0x8A, v10;
	v11 =	vsel vm12, $0x8B, v11  }
0x15: {  	v12 =	vsel vm12, $0x8C, v12;
	v13 =	vsel vm12, $0x8D, v13;
	v14 =	vsel vm12, $0x8E, v14  }
0x16: {  	v15 =	vsel vm12, $0x8F, v15;
	v16 =	vsel vm12, $0x80, v16;
	vm12 =	vcmask $0x2320  }
0x17: {  	v1 =	vor.u32 $0x800, v0;
	v2 =	vsel vm15, $0x103, v2;
	v3 =	vsel vm15, $0x104, v3  }
0x18: {  	v4 =	vsel vm15, $0x105, v4;
	v5 =	vsel vm15, $0x106, v5;
	v6 =	vsel vm15, $0x107, v6  }
0x19: {  	v7 =	vsel vm15, $0x108, v7;
	v8 =	vsel vm15, $0x109, v8;
	v9 =	vsel vm15, $0x10A, v9  }
0x1a: {  	v10 =	vsel vm15, $0x10B, v10;
	v11 =	vsel vm15, $0x10C, v11;
	v12 =	vsel vm15, $0x10D, v12  }
0x1b: {  	v13 =	vsel vm15, $0x10E, v13;
	v14 =	vsel vm15, $0x10F, v14;
	v15 =	vsel vm15, $0x100, v15  }
0x1c: {  	v16 =	vsel vm15, $0x101, v16;
	vm15 =	vcmask $0x2724;
	v2 =	vsel vm10, $0x184, v2  }
0x1d: {  	v3 =	vsel vm10, $0x185, v3;
	v4 =	vsel vm10, $0x186, v4;
	v5 =	vsel vm10, $0x187, v5  }
0x1e: {  	v6 =	vsel vm10, $0x188, v6;
	v7 =	vsel vm10, $0x189, v7;
	v8 =	vsel vm10, $0x18A, v8  }
0x1f: {  	v9 =	vsel vm10, $0x18B, v9;
	v10 =	vsel vm10, $0x18C, v10;
	v11 =	vsel vm10, $0x18D, v11  }
0x20: {  	v12 =	vsel vm10, $0x18E, v12;
	v13 =	vsel vm10, $0x18F, v13;
	v14 =	vsel vm10, $0x180, v14  }
0x21: {  	v15 =	vsel vm10, $0x181, v15;
	v16 =	vsel vm10, $0x182, v16;
	vm10 =	vcmask $0x272C  }
0x22: {  	v2 =	vsel vm13, $0x205, v2;
	v3 =	vsel vm13, $0x206, v3;
	v4 =	vsel vm13, $0x207, v4  }
0x23: {  	v5 =	vsel vm13, $0x208, v5;
	v6 =	vsel vm13, $0x209, v6;
	v7 =	vsel vm13, $0x20A, v7  }
0x24: {  	v8 =	vsel vm13, $0x20B, v8;
	v9 =	vsel vm13, $0x20C, v9;
	v10 =	vsel vm13, $0x20D, v10  }
0x25: {  	v11 =	vsel vm13, $0x20E, v11;
	v12 =	vsel vm13, $0x20F, v12;
	v13 =	vsel vm13, $0x200, v13  }
0x26: {  	v14 =	vsel vm13, $0x201, v14;
	v15 =	vsel vm13, $0x202, v15;
	v16 =	vsel vm13, $0x203, v16  }
0x27: {  	vm13 =	vcmask $0x1B18;
	v2 =	vsel vm11, $0x286, v2;
	v3 =	vsel vm11, $0x287, v3  }
0x28: {  	v4 =	vsel vm11, $0x288, v4;
	v5 =	vsel vm11, $0x289, v5;
	v6 =	vsel vm11, $0x28A, v6  }
0x29: {  	v7 =	vsel vm11, $0x28B, v7;
	v8 =	vsel vm11, $0x28C, v8;
	v9 =	vsel vm11, $0x28D, v9  }
0x2a: {  	v10 =	vsel vm11, $0x28E, v10;
	v11 =	vsel vm11, $0x28F, v11;
	v12 =	vsel vm11, $0x280, v12  }
0x2b: {  	v13 =	vsel vm11, $0x281, v13;
	v14 =	vsel vm11, $0x282, v14;
	v15 =	vsel vm11, $0x283, v15  }
0x2c: {  	v16 =	vsel vm11, $0x284, v16;
	vm11 =	vcmask $0x2B30;
	v2 =	vsel vm14, $0x307, v2  }
0x2d: {  	vm14 =	vcmask $0x1F1C;
	v3 =	vsel vm13, $0x308, v3;
	v4 =	vsel vm13, $0x309, v4  }
0x2e: {  	v5 =	vsel vm13, $0x30A, v5;
	v6 =	vsel vm13, $0x30B, v6;
	v7 =	vsel vm13, $0x30C, v7  }
0x2f: {  	v8 =	vsel vm13, $0x30D, v8;
	v9 =	vsel vm13, $0x30E, v9;
	v10 =	vsel vm13, $0x30F, v10  }
0x30: {  	v11 =	vsel vm13, $0x300, v11;
	v12 =	vsel vm13, $0x301, v12;
	v13 =	vsel vm13, $0x302, v13  }
0x31: {  	v14 =	vsel vm13, $0x303, v14;
	v15 =	vsel vm13, $0x304, v15;
	v16 =	vsel vm13, $0x305, v16  }
0x32: {  	vm13 =	vcmask $0x2B28;
	v2 =	vsel vm14, $0x388, v2;
	v3 =	vsel vm14, $0x389, v3  }
0x33: {  	v4 =	vsel vm14, $0x38A, v4;
	v5 =	vsel vm14, $0x38B, v5;
	v6 =	vsel vm14, $0x38C, v6  }
0x34: {  	v7 =	vsel vm14, $0x38D, v7;
	v8 =	vsel vm14, $0x38E, v8;
	v9 =	vsel vm14, $0x38F, v9  }
0x35: {  	v10 =	vsel vm14, $0x380, v10;
	v11 =	vsel vm14, $0x381, v11;
	v12 =	vsel vm14, $0x382, v12  }
0x36: {  	v13 =	vsel vm14, $0x383, v13;
	v14 =	vsel vm14, $0x384, v14;
	v15 =	vsel vm14, $0x385, v15  }
0x37: {  	v16 =	vsel vm14, $0x386, v16;
	vm14 =	vcmask $0x2F2C;
	v2 =	vsel vm12, $0x409, v2  }
0x38: {  	v3 =	vsel vm12, $0x40A, v3;
	v4 =	vsel vm12, $0x40B, v4;
	v5 =	vsel vm12, $0x40C, v5  }
0x39: {  	v6 =	vsel vm12, $0x40D, v6;
	v7 =	vsel vm12, $0x40E, v7;
	v8 =	vsel vm12, $0x40F, v8  }
0x3a: {  	v9 =	vsel vm12, $0x400, v9;
	v10 =	vsel vm12, $0x401, v10;
	v11 =	vsel vm12, $0x402, v11  }
0x3b: {  	v12 =	vsel vm12, $0x403, v12;
	v13 =	vsel vm12, $0x404, v13;
	v14 =	vsel vm12, $0x405, v14  }
0x3c: {  	v15 =	vsel vm12, $0x406, v15;
	v16 =	vsel vm12, $0x407, v16;
	vm12 =	vcmask $0x2F34  }
0x3d: {  	v2 =	vsel vm15, $0x48A, v2;
	v3 =	vsel vm15, $0x48B, v3;
	v4 =	vsel vm15, $0x48C, v4  }
0x3e: {  	v5 =	vsel vm15, $0x48D, v5;
	v6 =	vsel vm15, $0x48E, v6;
	v7 =	vsel vm15, $0x48F, v7  }
0x3f: {  	v8 =	vsel vm15, $0x480, v8;
	v9 =	vsel vm15, $0x481, v9;
	v10 =	vsel vm15, $0x482, v10  }
0x40: {  	v11 =	vsel vm15, $0x483, v11;
	v12 =	vsel vm15, $0x484, v12;
	v13 =	vsel vm15, $0x485, v13  }
0x41: {  	v14 =	vsel vm15, $0x486, v14;
	v15 =	vsel vm15, $0x487, v15;
	v16 =	vsel vm15, $0x488, v16  }
0x42: {  	vm15 =	vcmask $0x3330;
	v2 =	vsel vm13, $0x50B, v2;
	v3 =	vsel vm13, $0x50C, v3  }
0x43: {  	v4 =	vsel vm13, $0x50D, v4;
	v5 =	vsel vm13, $0x50E, v5;
	v6 =	vsel vm13, $0x50F, v6  }
0x44: {  	v7 =	vsel vm13, $0x500, v7;
	v8 =	vsel vm13, $0x501, v8;
	v9 =	vsel vm13, $0x502, v9  }
0x45: {  	v10 =	vsel vm13, $0x503, v10;
	v11 =	vsel vm13, $0x504, v11;
	v12 =	vsel vm13, $0x505, v12  }
0x46: {  	v13 =	vsel vm13, $0x506, v13;
	v14 =	vsel vm13, $0x507, v14;
	v15 =	vsel vm13, $0x508, v15  }
0x47: {  	v16 =	vsel vm13, $0x509, v16;
	vm13 =	vcmask $0x3338;
	v2 =	vsel vm14, $0x58C, v2  }
0x48: {  	s2 =	rddreg [dreg:$0x0];
	v3 =	vsel vm14, $0x58D, v3;
	v4 =	vsel vm14, $0x58E, v4;
	v5 =	vsel vm14, $0x58F, v5  }
0x49: {  	s3 =	rddreg [dreg:$0x1];
	v6 =	vsel vm14, $0x580, v6;
	v7 =	vsel vm14, $0x581, v7;
	v8 =	vsel vm14, $0x582, v8  }
0x4a: {  	s20 =	rddreg [dreg:$0x2];
	v9 =	vsel vm14, $0x583, v9;
	v10 =	vsel vm14, $0x584, v10;
	v11 =	vsel vm14, $0x585, v11  }
0x4b: {  	s1 =	rddreg [dreg:$0x3];
	v12 =	vsel vm14, $0x586, v12;
	v13 =	vsel vm14, $0x587, v13;
	v14 =	vsel vm14, $0x588, v14  }
0x4c: {  	s4 =	rddreg [dreg:$0x4];
	v15 =	vsel vm14, $0x589, v15;
	v16 =	vsel vm14, $0x58A, v16;
	vm14 =	vcmask $0x3734  }
0x4d: {  	s5 =	rddreg [dreg:$0x5];
	s11 =	simm.s32 $0x0;
	v2 =	vsel vm15, $0x60D, v2;
	v3 =	vsel vm15, $0x60E, v3;
	v4 =	vsel vm15, $0x60F, v4  }
0x4e: {  	s6 =	srdreg.scid;
	s8 =	stileid.u32;
	s12 =	simm.s32 $0x7A1400;
	v5 =	vsel vm15, $0x600, v5;
	v6 =	vsel vm15, $0x601, v6;
	v7 =	vsel vm15, $0x602, v7  }
0x4f: {  	s14 =	simm.s32 $0x9;
	s13 =	simm.s32 $0x400;
	s16 =	simm.s32 $0x8400;
	v8 =	vsel vm15, $0x603, v8;
	v9 =	vsel vm15, $0x604, v9;
	v10 =	vsel vm15, $0x605, v10  }
0x50: {  	s17 =	simm.s32 $0x1400;
	s18 =	simm.s32 $0x9400;
	s19 =	simm.s32 $0x2400;
	v11 =	vsel vm15, $0x606, v11;
	v12 =	vsel vm15, $0x607, v12;
	v13 =	vsel vm15, $0x608, v13  }
0x51: {  	s31 =	simm.s32 $0x2;
	s22 =	simm.s32 $0xA400;
	s28 =	simm.s32 $0x5400;
	v14 =	vsel vm15, $0x609, v14;
	v15 =	vsel vm15, $0x60A, v15;
	v16 =	vsel vm15, $0x60B, v16  }
0x52: {  	s29 =	simm.s32 $0xD400;
	s21 =	simm.s32 $0xE400;
	s30 =	simm.s32 $0x7400;
	vm15 =	vcmask $0x3B38;
	v2 =	vsel vm14, $0x68E, v2;
	v3 =	vsel vm14, $0x68F, v3  }
0x53: {  	s10 =	simm.s32 $0xF400;
	[smem:$0x7FF] =	sst s11;
	s6 =	sand.u32 $0x1, s6;
	v4 =	vsel vm14, $0x680, v4;
	v5 =	vsel vm14, $0x681, v5;
	v6 =	vsel vm14, $0x682, v6  }
0x54: {  	s8 =	sshll.u32 s8, $0x7;
	s4 =	sadd.s32 $0x400, s4;
	s7 =	ssub.s32 $0x2, s6;
	v7 =	vsel vm14, $0x683, v7;
	v8 =	vsel vm14, $0x684, v8;
	v9 =	vsel vm14, $0x685, v9  }
0x55: {  	s6 =	sshll.u32 s6, $0x6;
	_ =	strace $0x80000047;
	[dreg:$0x7] =	wrdreg s4;
	v10 =	vsel vm14, $0x686, v10;
	v11 =	vsel vm14, $0x687, v11;
	v12 =	vsel vm14, $0x688, v12  }
0x56: {  	s4 =	simm.s32 $0x4;
	s9 =	sshrl.u32 s7, $0x1;
	s6 =	sor.u32 s6, s8;
	v13 =	vsel vm14, $0x689, v13;
	v14 =	vsel vm14, $0x68A, v14;
	v15 =	vsel vm14, $0x68B, v15  }
0x57: {  	s8 =	simm.s32 $0x8;
	s23 =	ssub.s32 s7, s9;
	s2 =	sadd.s32 s2, s6;
	v16 =	vsel vm14, $0x68C, v16;
	vm14 =	vcmask $0x373C;
	v2 =	vsel vm15, $0x70F, v2  }
0x58: {  	s24 =	sadd.s32 s3, s6;
	s25 =	sadd.s32 s5, s6;
	[dreg:$0x8] =	wrdreg s2;
	v3 =	vsel vm15, $0x700, v3;
	v4 =	vsel vm15, $0x701, v4;
	v5 =	vsel vm15, $0x702, v5  }
0x59: {  	s9 =	simm.s32 $0x0;
	s5 =	simm.s32 $0x5;
	[dreg:$0x9] =	wrdreg s24;
	v6 =	vsel vm15, $0x703, v6;
	v7 =	vsel vm15, $0x704, v7;
	v8 =	vsel vm15, $0x705, v8  }
0x5a: {  	s6 =	simm.s32 $0x6;
	s7 =	simm.s32 $0x7;
	[dreg:$0xa] =	wrdreg s25;
	v9 =	vsel vm15, $0x706, v9;
	v10 =	vsel vm15, $0x707, v10;
	v11 =	vsel vm15, $0x708, v11  }
0x5b: {  	s26 =	smax.u32 s23, $0x1;
	s23 =	simm.s32 $0x3400;
	s24 =	simm.s32 $0xB400;
	v12 =	vsel vm15, $0x709, v12;
	v13 =	vsel vm15, $0x70A, v13;
	v14 =	vsel vm15, $0x70B, v14  }
0x5c: {  	s25 =	simm.s32 $0x4400;
	[dreg:$0xb] =	wrdreg s26;
	s26 =	simm.s32 $0xC400;
	v15 =	vsel vm15, $0x70C, v15;
	v16 =	vsel vm15, $0x70D, v16;
	vm15 =	vmmov $0x7fff  }
.LBB2_1:
0x5d: {  	[dreg:$0xc] =	wrdreg s9  }
0x5e: {  	s3 =	rddreg [dreg:$0x8]  }
0x5f: {  	[tilespmem:s11], [sflag:$0x9] =	stream.linear.gather [hbm4b:s3+s11], $0x200, $0x38;
	[tilespmem:$0x12200] =	vst v63  }
0x60: {  	_ =	swait.ge [sflag:s14], $0x200  }
0x61: {  	[sflag:s14] =	ssyncset.done $0x0  }
0x62: {  	s0 =	simm.s32 $0x200;
	s2 =	rddreg [dreg:$0x9];
	[sflag:s14] =	ssyncadd.s32 $0xFFFFFE00  }
0x63: {  	[tilespmem:s0], [sflag:$0x9] =	stream.linear.gather [hbm4b:s2+s11], $0x200, $0x38;
	[tilespmem:$0x12200] =	vst v63  }
0x64: {  	_ =	swait.ge [sflag:s14], $0x200  }
0x65: {  	[sflag:s14] =	ssyncset.done $0x0  }
0x66: {  	s15 =	simm.s32 $0x10C00;
	s3 =	rddreg [dreg:$0x7];
	[sflag:s14] =	ssyncadd.s32 $0xFFFFFE00  }
0x67: {  	[tilespmem:s15], [sflag:$0x9] =	stream.linear.gather [hbm4b:s3+s11], $0x1400, $0x38;
	[tilespmem:$0x12200] =	vst v63  }
0x68: {  	_ =	swait.ge [sflag:s14], $0x1400  }
0x69: {  	[sflag:s14] =	ssyncset.done $0x0  }
0x6a: {  	[sflag:s14] =	ssyncadd.s32 $0xFFFFEC00  }
0x6b: {  	v18 =	vld [tilespmem:$0x200]  }
0x6c: {  	v19 =	vld [tilespmem:$0x0];
	_ =	sdelay $0x3  }
0x6d: {  	v20 =	vshrl.u32 v18, $0x7  }
0x6e: {  	v21 =	vshrl.u32 v19, $0x7;
	v18 =	vnsel vm0, $0x0, v20  }
0x6f: {  	(xrf0) =	vadd.scan.msk.s32 $0xffff, v18;
	v18 =	vnsel vm0, $0x0, v21  }
0x70: {  	(xrf0) =	vadd.scan.msk.s32 $0xffff, v18;
	_ =	sdelay $0x4  }
0x71: {  	v18, _, _ =	vpop (xrf0)  }
0x72: {  	(v2sf) =	vpush v18, $0xF;
	v18, _, _ =	vpop (xrf0)  }
0x73: {  	(v2sf) =	vpush v18, $0xF;
	v18 =	vsel vm1, $0x0, v20  }
0x74: {  	(xrf0) =	vadd.scan.msk.s32 $0xffff, v18;
	v18 =	vsel vm1, $0x0, v21  }
0x75: {  	(xrf0) =	vadd.scan.msk.s32 $0xffff, v18;
	_ =	sdelay $0x4  }
0x76: {  	v18, _, _ =	vpop (xrf0)  }
0x77: {  	(v2sf) =	vpush v18, $0xF;
	v18, _, _ =	vpop (xrf0)  }
0x78: {  	(v2sf) =	vpush v18, $0xF;
	v18 =	vsel vm2, $0x0, v20  }
0x79: {  	(xrf0) =	vadd.scan.msk.s32 $0xffff, v18;
	v18 =	vsel vm2, $0x0, v21  }
0x7a: {  	(xrf0) =	vadd.scan.msk.s32 $0xffff, v18;
	_ =	sdelay $0x3  }
0x7b: {  	v49 =	vsel vm3, $0x0, v20;
	s2 =	spop (v2sf)  }
0x7c: {  	s3 =	spop (v2sf);
	v22, _, _ =	vpop (xrf0);
	(xrf0) =	vadd.scan.msk.s32 $0xffff, v49  }
0x7d: {  	v50 =	vsel vm3, $0x0, v21;
	s11 =	sshll.u32 s3, $0x7;
	(v2sf) =	vpush v22, $0xF;
	v48, _, _ =	vpop (xrf0)  }
0x7e: {  	s9 =	sshll.u32 s2, $0x7;
	s11 =	sand.u32 $0x1FFFFF80, s11;
	(xrf0) =	vadd.scan.msk.s32 $0xffff, v50;
	(v2sf) =	vpush v48, $0xF  }
0x7f: {  	v19 =	vld.idx.msk [tilespmem:v1+s15+$0x0], $0xffff;
	s9 =	sand.u32 $0x1FFFFF80, s9;
	s11 =	sadd.s32 s20, s11  }
0x80: {  	v18 =	vld.idx.msk [tilespmem:v0+s15+$0x0], $0xffff;
	[tilespmem:s13], [sflag:$0x1] =	stream.strided.gather [hbm4b:s11+s13], $0x1000, s12, s13, $0x38  }
0x81: {  	s9 =	sadd.s32 s1, s9  }
0x82: {  	[tilespmem:s16], [sflag:$0x1] =	stream.strided.gather [hbm4b:s9+s13], $0x1000, s12, s13, $0x38;
	v51, _, _ =	vpop (xrf0);
	[tilespmem:$0x12200] =	vst v63  }
0x83: {  	v53 =	vsel vm4, $0x0, v20;
	s14 =	spop (v2sf);
	(v2sf) =	vpush v51, $0xF  }
0x84: {  	(xrf0) =	vadd.scan.msk.s32 $0xffff, v53;
	v52, _, _ =	vpop (xrf0)  }
0x85: {  	v54 =	vsel vm4, $0x0, v21;
	s15 =	spop (v2sf);
	(v2sf) =	vpush v52, $0xF  }
0x86: {  	(xrf0) =	vadd.scan.msk.s32 $0xffff, v54;
	s11 =	sshll.u32 s15, $0x7  }
0x87: {  	s9 =	sshll.u32 s14, $0x7;
	s11 =	sand.u32 $0x1FFFFF80, s11  }
0x88: {  	s9 =	sand.u32 $0x1FFFFF80, s9;
	s11 =	sadd.s32 s20, s11  }
0x89: {  	v57 =	vsel vm5, $0x0, v20;
	[tilespmem:s17], [sflag:$0x2] =	stream.strided.gather [hbm4b:s11+s13], $0x1000, s12, s13, $0x38;
	[tilespmem:$0x12200] =	vst v63  }
0x8a: {  	s9 =	sadd.s32 s1, s9;
	v55, _, _ =	vpop (xrf0);
	(xrf0) =	vadd.scan.msk.s32 $0xffff, v57  }
0x8b: {  	[tilespmem:s18], [sflag:$0x2] =	stream.strided.gather [hbm4b:s9+s13], $0x1000, s12, s13, $0x38;
	[tilespmem:$0x12200] =	vst v63  }
0x8c: {  	v58 =	vsel vm5, $0x0, v21;
	v56, _, _ =	vpop (xrf0);
	s17 =	spop (v2sf);
	(v2sf) =	vpush v55, $0xF  }
0x8d: {  	(xrf0) =	vadd.scan.msk.s32 $0xffff, v58;
	s18 =	spop (v2sf);
	(v2sf) =	vpush v56, $0xF  }
0x8e: {  	s11 =	sshll.u32 s18, $0x7  }
0x8f: {  	s9 =	sshll.u32 s17, $0x7;
	s11 =	sand.u32 $0x1FFFFF80, s11  }
0x90: {  	s9 =	sand.u32 $0x1FFFFF80, s9;
	s11 =	sadd.s32 s20, s11  }
0x91: {  	v59, _, _ =	vpop (xrf0);
	[tilespmem:s19], [sflag:$0x3] =	stream.strided.gather [hbm4b:s11+s13], $0x1000, s12, s13, $0x38;
	[tilespmem:$0x12200] =	vst v63  }
0x92: {  	s2 =	simm.s32 $0xA400;
	s9 =	sadd.s32 s1, s9;
	s3 =	spop (v2sf);
	(v2sf) =	vpush v59, $0xF  }
0x93: {  	v23 =	vsel vm6, $0x0, v20;
	v60, _, _ =	vpop (xrf0);
	[tilespmem:s2], [sflag:$0x3] =	stream.strided.gather [hbm4b:s9+s13], $0x1000, s12, s13, $0x38;
	[tilespmem:$0x12200] =	vst v63  }
0x94: {  	v61 =	vsel vm6, $0x0, v21;
	(xrf0) =	vadd.scan.msk.s32 $0xffff, v23;
	s15 =	spop (v2sf);
	(v2sf) =	vpush v60, $0xF  }
0x95: {  	(xrf0) =	vadd.scan.msk.s32 $0xffff, v61;
	s11 =	sshll.u32 s15, $0x7  }
0x96: {  	s9 =	sshll.u32 s3, $0x7;
	s11 =	sand.u32 $0x1FFFFF80, s11  }
0x97: {  	s17 =	simm.s32 $0x3400;
	s9 =	sand.u32 $0x1FFFFF80, s9;
	s11 =	sadd.s32 s20, s11  }
0x98: {  	[tilespmem:s17], [sflag:$0x4] =	stream.strided.gather [hbm4b:s11+s13], $0x1000, s12, s13, $0x38;
	[tilespmem:$0x12200] =	vst v63  }
0x99: {  	s18 =	simm.s32 $0xB400;
	s9 =	sadd.s32 s1, s9  }
0x9a: {  	v20 =	vsel vm7, $0x0, v20;
	v62, _, _ =	vpop (xrf0);
	[tilespmem:s18], [sflag:$0x4] =	stream.strided.gather [hbm4b:s9+s13], $0x1000, s12, s13, $0x38;
	[tilespmem:$0x12200] =	vst v63  }
0x9b: {  	(xrf0) =	vadd.scan.msk.s32 $0xffff, v20;
	v63, _, _ =	vpop (xrf0);
	s19 =	spop (v2sf);
	(v2sf) =	vpush v62, $0xF  }
0x9c: {  	v20 =	vsel vm7, $0x0, v21;
	s2 =	spop (v2sf);
	(v2sf) =	vpush v63, $0xF  }
0x9d: {  	(xrf0) =	vadd.scan.msk.s32 $0xffff, v20;
	s11 =	sshll.u32 s2, $0x7  }
0x9e: {  	s9 =	sshll.u32 s19, $0x7;
	s11 =	sand.u32 $0x1FFFFF80, s11  }
0x9f: {  	s3 =	simm.s32 $0x4400;
	s9 =	sand.u32 $0x1FFFFF80, s9;
	s11 =	sadd.s32 s20, s11  }
0xa0: {  	[tilespmem:s3], [sflag:$0x5] =	stream.strided.gather [hbm4b:s11+s13], $0x1000, s12, s13, $0x38;
	[tilespmem:$0x12200] =	vst v63  }
0xa1: {  	s15 =	simm.s32 $0xC400;
	v20, _, _ =	vpop (xrf0);
	s9 =	sadd.s32 s1, s9;
	s17 =	spop (v2sf)  }
0xa2: {  	(v2sf) =	vpush v20, $0xF;
	[tilespmem:s15], [sflag:$0x5] =	stream.strided.gather [hbm4b:s9+s13], $0x1000, s12, s13, $0x38;
	[tilespmem:$0x12200] =	vst v63  }
0xa3: {  	v20, _, _ =	vpop (xrf0);
	s18 =	spop (v2sf)  }
0xa4: {  	(v2sf) =	vpush v20, $0xF;
	s11 =	sshll.u32 s18, $0x7  }
0xa5: {  	s9 =	sshll.u32 s17, $0x7;
	s11 =	sand.u32 $0x1FFFFF80, s11  }
0xa6: {  	s19 =	simm.s32 $0x5400;
	s9 =	sand.u32 $0x1FFFFF80, s9;
	s11 =	sadd.s32 s20, s11  }
0xa7: {  	[tilespmem:s19], [sflag:$0x6] =	stream.strided.gather [hbm4b:s11+s13], $0x1000, s12, s13, $0x38;
	[tilespmem:$0x12200] =	vst v63  }
0xa8: {  	s17 =	simm.s32 $0xD400;
	s9 =	sadd.s32 s1, s9  }
0xa9: {  	[tilespmem:s17], [sflag:$0x6] =	stream.strided.gather [hbm4b:s9+s13], $0x1000, s12, s13, $0x38;
	[tilespmem:$0x12200] =	vst v63  }
0xaa: {  	s2 =	spop (v2sf)  }
0xab: {  	s3 =	spop (v2sf)  }
0xac: {  	s18 =	sshll.u32 s3, $0x7  }
0xad: {  	s9 =	sand.u32 $0x1FFFFF80, s18  }
0xae: {  	s19 =	simm.s32 $0x6400;
	s2 =	sshll.u32 s2, $0x7;
	s9 =	sadd.s32 s20, s9  }
0xaf: {  	[tilespmem:s19], [sflag:$0x7] =	stream.strided.gather [hbm4b:s9+s13], $0x1000, s12, s13, $0x38;
	[tilespmem:$0x12200] =	vst v63  }
0xb0: {  	s9 =	sand.u32 $0x1FFFFF80, s2  }
0xb1: {  	s15 =	simm.s32 $0xE400;
	s3 =	spop (v2sf);
	s9 =	sadd.s32 s1, s9  }
0xb2: {  	[tilespmem:s15], [sflag:$0x7] =	stream.strided.gather [hbm4b:s9+s13], $0x1000, s12, s13, $0x38;
	[tilespmem:$0x12200] =	vst v63  }
0xb3: {  	s17 =	spop (v2sf)  }
0xb4: {  	s9 =	sshll.u32 s17, $0x7  }
0xb5: {  	s9 =	sand.u32 $0x1FFFFF80, s9  }
0xb6: {  	s18 =	simm.s32 $0x7400;
	s19 =	sshll.u32 s3, $0x7;
	s9 =	sadd.s32 s20, s9  }
0xb7: {  	[tilespmem:s18], [sflag:$0x8] =	stream.strided.gather [hbm4b:s9+s13], $0x1000, s12, s13, $0x38;
	[tilespmem:$0x12200] =	vst v63  }
0xb8: {  	s9 =	sand.u32 $0x1FFFFF80, s19  }
0xb9: {  	s2 =	simm.s32 $0xF400;
	s9 =	sadd.s32 s1, s9  }
0xba: {  	[tilespmem:s2], [sflag:$0x8] =	stream.strided.gather [hbm4b:s9+s13], $0x1000, s12, s13, $0x38;
	[tilespmem:$0x12200] =	vst v63  }
0xbb: {  	s14 =	simm.s32 $0x0;
	s11 =	simm.s32 $0x12000;
	s9 =	simm.s32 $0x10  }
.LBB2_2:
0xbc: {  	v24 =	vld [tilespmem:s14+$0x0]  }
0xbd: {  	v22 =	vld [tilespmem:s0+$0x0];
	_ =	sdelay $0x3  }
0xbe: {  	v21 =	vand.u32 $0x7F, v24  }
0xbf: {  	v20 =	vand.u32 $0x7F, v22;
	v23 =	vnsel vm0, $0x0, v21  }
0xc0: {  	v25 =	vshrl.u32 v22, $0x7;
	v56 =	vnsel vm0, $0x0, v20;
	(xrf0) =	vadd.scan.msk.s32 $0xffff, v23  }
0xc1: {  	v57 =	vsel vm8, $0x0, v25;
	(xrf0) =	vadd.scan.msk.s32 $0xffff, v56  }
0xc2: {  	(xrf0) =	vadd.scan.msk.s32 $0xffff, v57;
	_ =	sdelay $0x3  }
0xc3: {  	v26, _, _ =	vpop (xrf0)  }
0xc4: {  	v27, _, _ =	vpop (xrf0)  }
0xc5: {  	v22, _, _ =	vpop (xrf0)  }
0xc6: {  	(v2sf) =	vpush v22, $0xF;
	_ =	sdelay $0xd  }
0xc7: {  	s15 =	sand.u32 $0x1F0, s9  }
0xc8: {  	[dreg:$0xd] =	wrdreg s0;
	s0 =	simm.s32 $0x1;
	v23 =	vld [tilespmem:s15+$0x200];
	s3 =	spop (v2sf)  }
0xc9: {  	v22 =	vld [tilespmem:s15+$0x0];
	_ =	swait.ge [sflag:s0], $0x1000  }
0xca: {  	[sflag:s0] =	ssyncset.done $0x0  }
0xcb: {  	v24 =	vshrl.u32 v24, $0x7;
	[sflag:s0] =	ssyncadd.s32 $0xFFFFF000  }
0xcc: {  	v28 =	vsel vm8, $0x0, v24;
	_ =	swait.ge [sflag:s0], $0x1000  }
0xcd: {  	(xrf0) =	vadd.scan.msk.s32 $0xffff, v28;
	_ =	sdelay $0x3  }
0xce: {  	v30 =	vsel vm1, $0x0, v21;
	v26 =	vbroadcast v26, $0xF  }
0xcf: {  	v59 =	vsel vm1, $0x0, v20;
	(xrf0) =	vadd.scan.msk.s32 $0xffff, v30  }
0xd0: {  	v61 =	vsel vm9, $0x0, v25;
	v27 =	vbroadcast v27, $0xF;
	v58 =	vadd.s32 v0, v26;
	(xrf0) =	vadd.scan.msk.s32 $0xffff, v59;
	v29, _, _ =	vpop (xrf0)  }
0xd1: {  	v26 =	vadd.s32 v1, v26;
	(xrf0) =	vadd.scan.msk.s32 $0xffff, v61;
	(v2sf) =	vpush v29, $0xF  }
0xd2: {  	v60 =	vadd.s32 v0, v27  }
0xd3: {  	v27 =	vadd.s32 v1, v27;
	[sflag:s0] =	ssyncset.done $0x0  }
0xd4: {  	[sflag:s0] =	ssyncadd.s32 $0xFFFFF000  }
0xd5: {  	v28 =	vld.idx.msk [tilespmem:v58+s13+$0x0], $0xffff;
	v63, _, _ =	vpop (xrf0)  }
0xd6: {  	v26 =	vld.idx.msk [tilespmem:v26+s13+$0x0], $0xffff;
	v31, _, _ =	vpop (xrf0)  }
0xd7: {  	v62 =	vld.idx.msk [tilespmem:v60+s16+$0x0], $0xffff;
	v32, _, _ =	vpop (xrf0)  }
0xd8: {  	v27 =	vld.idx.msk [tilespmem:v27+s16+$0x0], $0xffff;
	(v2sf) =	vpush v32, $0xF;
	_ =	sdelay $0x4  }
0xd9: {  	v28 =	vmul.f32 v62, v28;
	v26 =	vmul.f32 v27, v26;
	_ =	sdelay $0x1  }
0xda: {  	v36 =	vmul.f32 v28, v18;
	v26 =	vmul.f32 v26, v19  }
0xdb: {  	s2 =	spop (v2sf)  }
0xdc: {  	v26 =	vadd.f32 v26, v36;
	s16 =	sshll.u32 s2, $0x7  }
0xdd: {  	s15 =	sshll.u32 s3, $0x7;
	s16 =	sand.u32 $0x1FFFFF80, s16  }
0xde: {  	s15 =	sand.u32 $0x1FFFFF80, s15;
	[tilespmem:$0x10400] =	vst v26;
	s16 =	sadd.s32 s20, s16  }
0xdf: {  	[tilespmem:s13], [sflag:$0x1] =	stream.strided.gather [hbm4b:s16+s13], $0x1000, s12, s13, $0x38;
	[tilespmem:$0x12200] =	vst v63  }
0xe0: {  	s17 =	simm.s32 $0x8400;
	s15 =	sadd.s32 s1, s15  }
0xe1: {  	[tilespmem:s17], [sflag:$0x1] =	stream.strided.gather [hbm4b:s15+s13], $0x1000, s12, s13, $0x38;
	[tilespmem:$0x12200] =	vst v63  }
0xe2: {  	s3 =	spop (v2sf)  }
0xe3: {  	_ =	swait.ge [sflag:s31], $0x1000  }
0xe4: {  	[sflag:s31] =	ssyncset.done $0x0  }
0xe5: {  	[sflag:s31] =	ssyncadd.s32 $0xFFFFF000  }
0xe6: {  	v37 =	vsel vm9, $0x0, v24;
	_ =	swait.ge [sflag:s31], $0x1000  }
0xe7: {  	(xrf0) =	vadd.scan.msk.s32 $0xffff, v37;
	_ =	sdelay $0x3  }
0xe8: {  	v42 =	vsel vm2, $0x0, v21;
	v38 =	vbroadcast v63, $0xF  }
0xe9: {  	v43 =	vsel vm2, $0x0, v20;
	(xrf0) =	vadd.scan.msk.s32 $0xffff, v42  }
0xea: {  	v45 =	vsel vm10, $0x0, v25;
	v39 =	vbroadcast v31, $0xF;
	v40 =	vadd.s32 v0, v38;
	v41, _, _ =	vpop (xrf0);
	(xrf0) =	vadd.scan.msk.s32 $0xffff, v43  }
0xeb: {  	v26 =	vadd.s32 v1, v38;
	(v2sf) =	vpush v41, $0xF;
	(xrf0) =	vadd.scan.msk.s32 $0xffff, v45  }
0xec: {  	v44 =	vadd.s32 v0, v39  }
0xed: {  	v27 =	vadd.s32 v1, v39;
	[sflag:s31] =	ssyncset.done $0x0  }
0xee: {  	s18 =	simm.s32 $0x1400;
	[sflag:s31] =	ssyncadd.s32 $0xFFFFF000  }
0xef: {  	v28 =	vld.idx.msk [tilespmem:v40+s18+$0x0], $0xffff;
	v47, _, _ =	vpop (xrf0)  }
0xf0: {  	s19 =	simm.s32 $0x9400;
	v26 =	vld.idx.msk [tilespmem:v26+s18+$0x0], $0xffff;
	v48, _, _ =	vpop (xrf0)  }
0xf1: {  	v46 =	vld.idx.msk [tilespmem:v44+s19+$0x0], $0xffff;
	v49, _, _ =	vpop (xrf0)  }
0xf2: {  	v27 =	vld.idx.msk [tilespmem:v27+s19+$0x0], $0xffff;
	(v2sf) =	vpush v49, $0xF;
	_ =	sdelay $0x4  }
0xf3: {  	v28 =	vmul.f32 v46, v28;
	v26 =	vmul.f32 v27, v26;
	_ =	sdelay $0x1  }
0xf4: {  	v50 =	vmul.f32 v28, v18;
	v26 =	vmul.f32 v26, v19  }
0xf5: {  	s2 =	spop (v2sf)  }
0xf6: {  	v26 =	vadd.f32 v26, v50;
	s16 =	sshll.u32 s2, $0x7  }
0xf7: {  	s15 =	sshll.u32 s3, $0x7;
	s16 =	sand.u32 $0x1FFFFF80, s16  }
0xf8: {  	s15 =	sand.u32 $0x1FFFFF80, s15;
	[tilespmem:$0x10480] =	vst v26;
	s16 =	sadd.s32 s20, s16  }
0xf9: {  	[tilespmem:s18], [sflag:$0x2] =	stream.strided.gather [hbm4b:s16+s13], $0x1000, s12, s13, $0x38;
	[tilespmem:$0x12200] =	vst v63  }
0xfa: {  	s15 =	sadd.s32 s1, s15;
	s18 =	simm.s32 $0x9400  }
0xfb: {  	[tilespmem:s18], [sflag:$0x2] =	stream.strided.gather [hbm4b:s15+s13], $0x1000, s12, s13, $0x38;
	[tilespmem:$0x12200] =	vst v63  }
0xfc: {  	s2 =	simm.s32 $0x3;
	s15 =	spop (v2sf)  }
0xfd: {  	_ =	swait.ge [sflag:s2], $0x1000  }
0xfe: {  	[sflag:s2] =	ssyncset.done $0x0  }
0xff: {  	[sflag:s2] =	ssyncadd.s32 $0xFFFFF000  }
0x100: {  	v51 =	vsel vm10, $0x0, v24;
	_ =	swait.ge [sflag:s2], $0x1000  }
0x101: {  	(xrf0) =	vadd.scan.msk.s32 $0xffff, v51;
	_ =	sdelay $0x3  }
0x102: {  	v56 =	vsel vm3, $0x0, v21;
	v52 =	vbroadcast v47, $0xF  }
0x103: {  	v57 =	vsel vm3, $0x0, v20;
	(xrf0) =	vadd.scan.msk.s32 $0xffff, v56  }
0x104: {  	v59 =	vsel vm11, $0x0, v25;
	v54 =	vadd.s32 v0, v52;
	v53 =	vbroadcast v48, $0xF;
	(xrf0) =	vadd.scan.msk.s32 $0xffff, v57;
	v55, _, _ =	vpop (xrf0)  }
0x105: {  	v26 =	vadd.s32 v1, v52;
	(xrf0) =	vadd.scan.msk.s32 $0xffff, v59;
	(v2sf) =	vpush v55, $0xF  }
0x106: {  	v58 =	vadd.s32 v0, v53  }
0x107: {  	v27 =	vadd.s32 v1, v53;
	[sflag:s2] =	ssyncset.done $0x0  }
0x108: {  	s19 =	simm.s32 $0x2400;
	[sflag:s2] =	ssyncadd.s32 $0xFFFFF000  }
0x109: {  	v28 =	vld.idx.msk [tilespmem:v54+s19+$0x0], $0xffff;
	v61, _, _ =	vpop (xrf0)  }
0x10a: {  	v26 =	vld.idx.msk [tilespmem:v26+s19+$0x0], $0xffff;
	v62, _, _ =	vpop (xrf0)  }
0x10b: {  	v60 =	vld.idx.msk [tilespmem:v58+s22+$0x0], $0xffff;
	v63, _, _ =	vpop (xrf0)  }
0x10c: {  	v27 =	vld.idx.msk [tilespmem:v27+s22+$0x0], $0xffff;
	(v2sf) =	vpush v63, $0xF;
	_ =	sdelay $0x4  }
0x10d: {  	v28 =	vmul.f32 v60, v28;
	v26 =	vmul.f32 v27, v26;
	_ =	sdelay $0x1  }
0x10e: {  	v36 =	vmul.f32 v28, v18;
	v26 =	vmul.f32 v26, v19  }
0x10f: {  	s3 =	spop (v2sf)  }
0x110: {  	v26 =	vadd.f32 v26, v36;
	s16 =	sshll.u32 s3, $0x7  }
0x111: {  	s15 =	sshll.u32 s15, $0x7;
	s16 =	sand.u32 $0x1FFFFF80, s16  }
0x112: {  	s15 =	sand.u32 $0x1FFFFF80, s15;
	[tilespmem:$0x10500] =	vst v26;
	s16 =	sadd.s32 s20, s16  }
0x113: {  	[tilespmem:s19], [sflag:$0x3] =	stream.strided.gather [hbm4b:s16+s13], $0x1000, s12, s13, $0x38;
	[tilespmem:$0x12200] =	vst v63  }
0x114: {  	s15 =	sadd.s32 s1, s15  }
0x115: {  	[tilespmem:s22], [sflag:$0x3] =	stream.strided.gather [hbm4b:s15+s13], $0x1000, s12, s13, $0x38;
	[tilespmem:$0x12200] =	vst v63  }
0x116: {  	s15 =	spop (v2sf)  }
0x117: {  	_ =	swait.ge [sflag:s4], $0x1000  }
0x118: {  	[sflag:s4] =	ssyncset.done $0x0  }
0x119: {  	[sflag:s4] =	ssyncadd.s32 $0xFFFFF000  }
0x11a: {  	v37 =	vsel vm11, $0x0, v24;
	_ =	swait.ge [sflag:s4], $0x1000  }
0x11b: {  	(xrf0) =	vadd.scan.msk.s32 $0xffff, v37;
	_ =	sdelay $0x3  }
0x11c: {  	v42 =	vsel vm4, $0x0, v21;
	v38 =	vbroadcast v61, $0xF  }
0x11d: {  	v43 =	vsel vm4, $0x0, v20;
	(xrf0) =	vadd.scan.msk.s32 $0xffff, v42  }
0x11e: {  	v45 =	vsel vm12, $0x0, v25;
	v39 =	vbroadcast v62, $0xF;
	v40 =	vadd.s32 v0, v38;
	v41, _, _ =	vpop (xrf0);
	(xrf0) =	vadd.scan.msk.s32 $0xffff, v43  }
0x11f: {  	v26 =	vadd.s32 v1, v38;
	(v2sf) =	vpush v41, $0xF;
	(xrf0) =	vadd.scan.msk.s32 $0xffff, v45  }
0x120: {  	v44 =	vadd.s32 v0, v39  }
0x121: {  	v27 =	vadd.s32 v1, v39;
	[sflag:s4] =	ssyncset.done $0x0  }
0x122: {  	[sflag:s4] =	ssyncadd.s32 $0xFFFFF000  }
0x123: {  	v28 =	vld.idx.msk [tilespmem:v40+s23+$0x0], $0xffff;
	v47, _, _ =	vpop (xrf0)  }
0x124: {  	v26 =	vld.idx.msk [tilespmem:v26+s23+$0x0], $0xffff;
	v48, _, _ =	vpop (xrf0)  }
0x125: {  	v46 =	vld.idx.msk [tilespmem:v44+s24+$0x0], $0xffff;
	v49, _, _ =	vpop (xrf0)  }
0x126: {  	v27 =	vld.idx.msk [tilespmem:v27+s24+$0x0], $0xffff;
	(v2sf) =	vpush v49, $0xF;
	_ =	sdelay $0x4  }
0x127: {  	v28 =	vmul.f32 v46, v28;
	v26 =	vmul.f32 v27, v26;
	_ =	sdelay $0x1  }
0x128: {  	v50 =	vmul.f32 v28, v18;
	v26 =	vmul.f32 v26, v19  }
0x129: {  	s3 =	spop (v2sf)  }
0x12a: {  	v26 =	vadd.f32 v26, v50;
	s16 =	sshll.u32 s3, $0x7  }
0x12b: {  	s15 =	sshll.u32 s15, $0x7;
	s16 =	sand.u32 $0x1FFFFF80, s16  }
0x12c: {  	s15 =	sand.u32 $0x1FFFFF80, s15;
	[tilespmem:$0x10580] =	vst v26;
	s16 =	sadd.s32 s20, s16  }
0x12d: {  	[tilespmem:s23], [sflag:$0x4] =	stream.strided.gather [hbm4b:s16+s13], $0x1000, s12, s13, $0x38;
	[tilespmem:$0x12200] =	vst v63  }
0x12e: {  	s15 =	sadd.s32 s1, s15  }
0x12f: {  	[tilespmem:s24], [sflag:$0x4] =	stream.strided.gather [hbm4b:s15+s13], $0x1000, s12, s13, $0x38;
	[tilespmem:$0x12200] =	vst v63  }
0x130: {  	s15 =	spop (v2sf)  }
0x131: {  	_ =	swait.ge [sflag:s5], $0x1000  }
0x132: {  	[sflag:s5] =	ssyncset.done $0x0  }
0x133: {  	[sflag:s5] =	ssyncadd.s32 $0xFFFFF000  }
0x134: {  	v51 =	vsel vm12, $0x0, v24;
	_ =	swait.ge [sflag:s5], $0x1000  }
0x135: {  	(xrf0) =	vadd.scan.msk.s32 $0xffff, v51;
	_ =	sdelay $0x3  }
0x136: {  	v56 =	vsel vm5, $0x0, v21;
	v52 =	vbroadcast v47, $0xF  }
0x137: {  	v57 =	vsel vm5, $0x0, v20;
	(xrf0) =	vadd.scan.msk.s32 $0xffff, v56  }
0x138: {  	v59 =	vsel vm13, $0x0, v25;
	v54 =	vadd.s32 v0, v52;
	v53 =	vbroadcast v48, $0xF;
	(xrf0) =	vadd.scan.msk.s32 $0xffff, v57;
	v55, _, _ =	vpop (xrf0)  }
0x139: {  	v26 =	vadd.s32 v1, v52;
	(xrf0) =	vadd.scan.msk.s32 $0xffff, v59;
	(v2sf) =	vpush v55, $0xF  }
0x13a: {  	v58 =	vadd.s32 v0, v53  }
0x13b: {  	v27 =	vadd.s32 v1, v53;
	[sflag:s5] =	ssyncset.done $0x0  }
0x13c: {  	[sflag:s5] =	ssyncadd.s32 $0xFFFFF000  }
0x13d: {  	v28 =	vld.idx.msk [tilespmem:v54+s25+$0x0], $0xffff;
	v61, _, _ =	vpop (xrf0)  }
0x13e: {  	v26 =	vld.idx.msk [tilespmem:v26+s25+$0x0], $0xffff;
	v62, _, _ =	vpop (xrf0)  }
0x13f: {  	v60 =	vld.idx.msk [tilespmem:v58+s26+$0x0], $0xffff;
	v63, _, _ =	vpop (xrf0)  }
0x140: {  	v27 =	vld.idx.msk [tilespmem:v27+s26+$0x0], $0xffff;
	(v2sf) =	vpush v63, $0xF;
	_ =	sdelay $0x4  }
0x141: {  	v28 =	vmul.f32 v60, v28;
	v26 =	vmul.f32 v27, v26;
	_ =	sdelay $0x1  }
0x142: {  	v35 =	vmul.f32 v28, v18;
	v26 =	vmul.f32 v26, v19  }
0x143: {  	s3 =	spop (v2sf)  }
0x144: {  	v26 =	vadd.f32 v26, v35;
	s16 =	sshll.u32 s3, $0x7  }
0x145: {  	s15 =	sshll.u32 s15, $0x7;
	s16 =	sand.u32 $0x1FFFFF80, s16  }
0x146: {  	s15 =	sand.u32 $0x1FFFFF80, s15;
	[tilespmem:$0x10600] =	vst v26;
	s16 =	sadd.s32 s20, s16  }
0x147: {  	[tilespmem:s25], [sflag:$0x5] =	stream.strided.gather [hbm4b:s16+s13], $0x1000, s12, s13, $0x38;
	[tilespmem:$0x12200] =	vst v63  }
0x148: {  	s15 =	sadd.s32 s1, s15  }
0x149: {  	[tilespmem:s26], [sflag:$0x5] =	stream.strided.gather [hbm4b:s15+s13], $0x1000, s12, s13, $0x38;
	[tilespmem:$0x12200] =	vst v63  }
0x14a: {  	s15 =	spop (v2sf)  }
0x14b: {  	_ =	swait.ge [sflag:s6], $0x1000  }
0x14c: {  	[sflag:s6] =	ssyncset.done $0x0  }
0x14d: {  	[sflag:s6] =	ssyncadd.s32 $0xFFFFF000  }
0x14e: {  	v36 =	vsel vm13, $0x0, v24;
	_ =	swait.ge [sflag:s6], $0x1000  }
0x14f: {  	(xrf0) =	vadd.scan.msk.s32 $0xffff, v36;
	_ =	sdelay $0x3  }
0x150: {  	v41 =	vsel vm6, $0x0, v21;
	v37 =	vbroadcast v61, $0xF  }
0x151: {  	v42 =	vsel vm6, $0x0, v20;
	(xrf0) =	vadd.scan.msk.s32 $0xffff, v41  }
0x152: {  	v44 =	vsel vm14, $0x0, v25;
	v38 =	vbroadcast v62, $0xF;
	v39 =	vadd.s32 v0, v37;
	v40, _, _ =	vpop (xrf0);
	(xrf0) =	vadd.scan.msk.s32 $0xffff, v42  }
0x153: {  	v26 =	vadd.s32 v1, v37;
	(v2sf) =	vpush v40, $0xF;
	(xrf0) =	vadd.scan.msk.s32 $0xffff, v44  }
0x154: {  	v43 =	vadd.s32 v0, v38  }
0x155: {  	v27 =	vadd.s32 v1, v38;
	[sflag:s6] =	ssyncset.done $0x0  }
0x156: {  	[sflag:s6] =	ssyncadd.s32 $0xFFFFF000  }
0x157: {  	v28 =	vld.idx.msk [tilespmem:v39+s28+$0x0], $0xffff;
	v46, _, _ =	vpop (xrf0)  }
0x158: {  	v26 =	vld.idx.msk [tilespmem:v26+s28+$0x0], $0xffff;
	v47, _, _ =	vpop (xrf0)  }
0x159: {  	v45 =	vld.idx.msk [tilespmem:v43+s29+$0x0], $0xffff;
	v48, _, _ =	vpop (xrf0)  }
0x15a: {  	v27 =	vld.idx.msk [tilespmem:v27+s29+$0x0], $0xffff;
	(v2sf) =	vpush v48, $0xF;
	_ =	sdelay $0x4  }
0x15b: {  	v28 =	vmul.f32 v45, v28;
	v26 =	vmul.f32 v27, v26;
	_ =	sdelay $0x1  }
0x15c: {  	v49 =	vmul.f32 v28, v18;
	v26 =	vmul.f32 v26, v19  }
0x15d: {  	s3 =	spop (v2sf)  }
0x15e: {  	v26 =	vadd.f32 v26, v49;
	s16 =	sshll.u32 s3, $0x7  }
0x15f: {  	s15 =	sshll.u32 s15, $0x7;
	s16 =	sand.u32 $0x1FFFFF80, s16  }
0x160: {  	s15 =	sand.u32 $0x1FFFFF80, s15;
	[tilespmem:$0x10680] =	vst v26;
	s16 =	sadd.s32 s20, s16  }
0x161: {  	[tilespmem:s28], [sflag:$0x6] =	stream.strided.gather [hbm4b:s16+s13], $0x1000, s12, s13, $0x38;
	[tilespmem:$0x12200] =	vst v63  }
0x162: {  	s15 =	sadd.s32 s1, s15  }
0x163: {  	[tilespmem:s29], [sflag:$0x6] =	stream.strided.gather [hbm4b:s15+s13], $0x1000, s12, s13, $0x38;
	[tilespmem:$0x12200] =	vst v63  }
0x164: {  	s15 =	spop (v2sf)  }
0x165: {  	_ =	swait.ge [sflag:s7], $0x1000  }
0x166: {  	[sflag:s7] =	ssyncset.done $0x0  }
0x167: {  	[sflag:s7] =	ssyncadd.s32 $0xFFFFF000  }
0x168: {  	v50 =	vsel vm14, $0x0, v24;
	_ =	swait.ge [sflag:s7], $0x1000  }
0x169: {  	(xrf0) =	vadd.scan.msk.s32 $0xffff, v50;
	_ =	sdelay $0x3  }
0x16a: {  	v55 =	vsel vm7, $0x0, v21;
	v51 =	vbroadcast v46, $0xF  }
0x16b: {  	v56 =	vsel vm7, $0x0, v20;
	(xrf0) =	vadd.scan.msk.s32 $0xffff, v55  }
0x16c: {  	v25 =	vsel vm15, $0x0, v25;
	v53 =	vadd.s32 v0, v51;
	v52 =	vbroadcast v47, $0xF;
	(xrf0) =	vadd.scan.msk.s32 $0xffff, v56;
	v54, _, _ =	vpop (xrf0)  }
0x16d: {  	v26 =	vadd.s32 v1, v51;
	(xrf0) =	vadd.scan.msk.s32 $0xffff, v25;
	(v2sf) =	vpush v54, $0xF  }
0x16e: {  	v57 =	vadd.s32 v0, v52  }
0x16f: {  	v27 =	vadd.s32 v1, v52;
	[sflag:s7] =	ssyncset.done $0x0  }
0x170: {  	s3 =	simm.s32 $0x6400;
	[sflag:s7] =	ssyncadd.s32 $0xFFFFF000  }
0x171: {  	v58 =	vld.idx.msk [tilespmem:v53+s3+$0x0], $0xffff;
	v60, _, _ =	vpop (xrf0)  }
0x172: {  	v26 =	vld.idx.msk [tilespmem:v26+s3+$0x0], $0xffff;
	v61, _, _ =	vpop (xrf0)  }
0x173: {  	v59 =	vld.idx.msk [tilespmem:v57+s21+$0x0], $0xffff;
	v62, _, _ =	vpop (xrf0)  }
0x174: {  	v27 =	vld.idx.msk [tilespmem:v27+s21+$0x0], $0xffff;
	(v2sf) =	vpush v62, $0xF;
	_ =	sdelay $0x4  }
0x175: {  	v25 =	vmul.f32 v59, v58;
	v26 =	vmul.f32 v27, v26;
	_ =	sdelay $0x1  }
0x176: {  	v25 =	vmul.f32 v25, v18;
	v26 =	vmul.f32 v26, v19  }
0x177: {  	s16 =	spop (v2sf)  }
0x178: {  	v25 =	vadd.f32 v26, v25;
	s16 =	sshll.u32 s16, $0x7  }
0x179: {  	s15 =	sshll.u32 s15, $0x7;
	s16 =	sand.u32 $0x1FFFFF80, s16  }
0x17a: {  	s15 =	sand.u32 $0x1FFFFF80, s15;
	[tilespmem:$0x10700] =	vst v25;
	s16 =	sadd.s32 s20, s16  }
0x17b: {  	[tilespmem:s3], [sflag:$0x7] =	stream.strided.gather [hbm4b:s16+s13], $0x1000, s12, s13, $0x38;
	[tilespmem:$0x12200] =	vst v63  }
0x17c: {  	s15 =	sadd.s32 s1, s15  }
0x17d: {  	[tilespmem:s21], [sflag:$0x7] =	stream.strided.gather [hbm4b:s15+s13], $0x1000, s12, s13, $0x38;
	[tilespmem:$0x12200] =	vst v63  }
0x17e: {  	s15 =	spop (v2sf)  }
0x17f: {  	_ =	swait.ge [sflag:s8], $0x1000  }
0x180: {  	[sflag:s8] =	ssyncset.done $0x0  }
0x181: {  	[sflag:s8] =	ssyncadd.s32 $0xFFFFF000  }
0x182: {  	v24 =	vsel vm15, $0x0, v24;
	_ =	swait.ge [sflag:s8], $0x1000  }
0x183: {  	(xrf0) =	vadd.scan.msk.s32 $0xffff, v24;
	_ =	sdelay $0x3  }
0x184: {  	v35 =	vsel vm8, $0x0, v21;
	v63 =	vbroadcast v60, $0xF  }
0x185: {  	v23 =	vshrl.u32 v23, $0x7;
	v36 =	vsel vm8, $0x0, v20;
	v32 =	vbroadcast v61, $0xF;
	(xrf0) =	vadd.scan.msk.s32 $0xffff, v35  }
0x186: {  	v38 =	vnsel vm0, $0x0, v23;
	v33 =	vadd.s32 v0, v63;
	v34, _, _ =	vpop (xrf0);
	(xrf0) =	vadd.scan.msk.s32 $0xffff, v36  }
0x187: {  	v37 =	vadd.s32 v0, v32;
	(v2sf) =	vpush v34, $0xF;
	(xrf0) =	vadd.scan.msk.s32 $0xffff, v38  }
0x188: {  	v25 =	vadd.s32 v1, v32  }
0x189: {  	v24 =	vadd.s32 v1, v63;
	[sflag:s8] =	ssyncset.done $0x0  }
0x18a: {  	[sflag:s8] =	ssyncadd.s32 $0xFFFFF000  }
0x18b: {  	v26 =	vld.idx.msk [tilespmem:v33+s30+$0x0], $0xffff;
	v40, _, _ =	vpop (xrf0)  }
0x18c: {  	v39 =	vld.idx.msk [tilespmem:v37+s10+$0x0], $0xffff;
	v41, _, _ =	vpop (xrf0)  }
0x18d: {  	v25 =	vld.idx.msk [tilespmem:v25+s10+$0x0], $0xffff;
	v42, _, _ =	vpop (xrf0)  }
0x18e: {  	v24 =	vld.idx.msk [tilespmem:v24+s30+$0x0], $0xffff;
	(v2sf) =	vpush v42, $0xF;
	_ =	sdelay $0x4  }
0x18f: {  	v26 =	vmul.f32 v39, v26;
	v24 =	vmul.f32 v25, v24;
	_ =	sdelay $0x1  }
0x190: {  	v43 =	vmul.f32 v26, v18;
	v24 =	vmul.f32 v24, v19  }
0x191: {  	s16 =	spop (v2sf)  }
0x192: {  	v24 =	vadd.f32 v24, v43;
	s16 =	sshll.u32 s16, $0x7  }
0x193: {  	s15 =	sshll.u32 s15, $0x7;
	s16 =	sand.u32 $0x1FFFFF80, s16  }
0x194: {  	s15 =	sand.u32 $0x1FFFFF80, s15;
	[tilespmem:$0x10780] =	vst v24;
	s16 =	sadd.s32 s20, s16  }
0x195: {  	[tilespmem:s30], [sflag:$0x8] =	stream.strided.gather [hbm4b:s16+s13], $0x1000, s12, s13, $0x38;
	[tilespmem:$0x12200] =	vst v63  }
0x196: {  	s15 =	sadd.s32 s1, s15  }
0x197: {  	[tilespmem:s10], [sflag:$0x8] =	stream.strided.gather [hbm4b:s15+s13], $0x1000, s12, s13, $0x38;
	[tilespmem:$0x12200] =	vst v63  }
0x198: {  	s15 =	spop (v2sf)  }
0x199: {  	_ =	swait.ge [sflag:s0], $0x1000  }
0x19a: {  	[sflag:s0] =	ssyncset.done $0x0  }
0x19b: {  	v22 =	vshrl.u32 v22, $0x7;
	[sflag:s0] =	ssyncadd.s32 $0xFFFFF000  }
0x19c: {  	v44 =	vnsel vm0, $0x0, v22;
	_ =	swait.ge [sflag:s0], $0x1000  }
0x19d: {  	(xrf0) =	vadd.scan.msk.s32 $0xffff, v44;
	_ =	sdelay $0x3  }
0x19e: {  	v49 =	vsel vm9, $0x0, v21;
	v45 =	vbroadcast v40, $0xF  }
0x19f: {  	v50 =	vsel vm9, $0x0, v20;
	(xrf0) =	vadd.scan.msk.s32 $0xffff, v49  }
0x1a0: {  	v52 =	vsel vm1, $0x0, v23;
	v47 =	vadd.s32 v0, v45;
	v46 =	vbroadcast v41, $0xF;
	(xrf0) =	vadd.scan.msk.s32 $0xffff, v50;
	v48, _, _ =	vpop (xrf0)  }
0x1a1: {  	v24 =	vadd.s32 v1, v45;
	(xrf0) =	vadd.scan.msk.s32 $0xffff, v52;
	(v2sf) =	vpush v48, $0xF  }
0x1a2: {  	v51 =	vadd.s32 v0, v46  }
0x1a3: {  	v25 =	vadd.s32 v1, v46;
	[sflag:s0] =	ssyncset.done $0x0  }
0x1a4: {  	[sflag:s0] =	ssyncadd.s32 $0xFFFFF000  }
0x1a5: {  	v26 =	vld.idx.msk [tilespmem:v47+s13+$0x0], $0xffff;
	v54, _, _ =	vpop (xrf0)  }
0x1a6: {  	v24 =	vld.idx.msk [tilespmem:v24+s13+$0x0], $0xffff;
	v55, _, _ =	vpop (xrf0)  }
0x1a7: {  	v53 =	vld.idx.msk [tilespmem:v51+s17+$0x0], $0xffff;
	v56, _, _ =	vpop (xrf0)  }
0x1a8: {  	v25 =	vld.idx.msk [tilespmem:v25+s17+$0x0], $0xffff;
	(v2sf) =	vpush v56, $0xF;
	_ =	sdelay $0x4  }
0x1a9: {  	v26 =	vmul.f32 v53, v26;
	v24 =	vmul.f32 v25, v24;
	_ =	sdelay $0x1  }
0x1aa: {  	v57 =	vmul.f32 v26, v18;
	v24 =	vmul.f32 v24, v19  }
0x1ab: {  	s16 =	spop (v2sf)  }
0x1ac: {  	v24 =	vadd.f32 v24, v57;
	s16 =	sshll.u32 s16, $0x7  }
0x1ad: {  	s15 =	sshll.u32 s15, $0x7;
	s16 =	sand.u32 $0x1FFFFF80, s16  }
0x1ae: {  	s15 =	sand.u32 $0x1FFFFF80, s15;
	[tilespmem:$0x10800] =	vst v24;
	s16 =	sadd.s32 s20, s16  }
0x1af: {  	[tilespmem:s13], [sflag:$0x1] =	stream.strided.gather [hbm4b:s16+s13], $0x1000, s12, s13, $0x38;
	[tilespmem:$0x12200] =	vst v63  }
0x1b0: {  	s15 =	sadd.s32 s1, s15  }
0x1b1: {  	[tilespmem:s17], [sflag:$0x1] =	stream.strided.gather [hbm4b:s15+s13], $0x1000, s12, s13, $0x38;
	[tilespmem:$0x12200] =	vst v63  }
0x1b2: {  	s15 =	spop (v2sf)  }
0x1b3: {  	s0 =	rddreg [dreg:$0xd];
	_ =	swait.ge [sflag:s31], $0x1000  }
0x1b4: {  	[sflag:s31] =	ssyncset.done $0x0  }
0x1b5: {  	[sflag:s31] =	ssyncadd.s32 $0xFFFFF000  }
0x1b6: {  	v58 =	vsel vm1, $0x0, v22;
	_ =	swait.ge [sflag:s31], $0x1000  }
0x1b7: {  	(xrf0) =	vadd.scan.msk.s32 $0xffff, v58;
	_ =	sdelay $0x3  }
0x1b8: {  	v63 =	vsel vm10, $0x0, v21;
	v59 =	vbroadcast v54, $0xF  }
0x1b9: {  	v32 =	vsel vm10, $0x0, v20;
	(xrf0) =	vadd.scan.msk.s32 $0xffff, v63  }
0x1ba: {  	v34 =	vsel vm2, $0x0, v23;
	v60 =	vbroadcast v55, $0xF;
	v61 =	vadd.s32 v0, v59;
	v62, _, _ =	vpop (xrf0);
	(xrf0) =	vadd.scan.msk.s32 $0xffff, v32  }
0x1bb: {  	v24 =	vadd.s32 v1, v59;
	(v2sf) =	vpush v62, $0xF;
	(xrf0) =	vadd.scan.msk.s32 $0xffff, v34  }
0x1bc: {  	v33 =	vadd.s32 v0, v60  }
0x1bd: {  	v25 =	vadd.s32 v1, v60;
	[sflag:s31] =	ssyncset.done $0x0  }
0x1be: {  	s17 =	simm.s32 $0x1400;
	[sflag:s31] =	ssyncadd.s32 $0xFFFFF000  }
0x1bf: {  	v26 =	vld.idx.msk [tilespmem:v61+s17+$0x0], $0xffff;
	v36, _, _ =	vpop (xrf0)  }
0x1c0: {  	v24 =	vld.idx.msk [tilespmem:v24+s17+$0x0], $0xffff;
	v37, _, _ =	vpop (xrf0)  }
0x1c1: {  	v35 =	vld.idx.msk [tilespmem:v33+s18+$0x0], $0xffff;
	v38, _, _ =	vpop (xrf0)  }
0x1c2: {  	v25 =	vld.idx.msk [tilespmem:v25+s18+$0x0], $0xffff;
	(v2sf) =	vpush v38, $0xF;
	_ =	sdelay $0x4  }
0x1c3: {  	v26 =	vmul.f32 v35, v26;
	v24 =	vmul.f32 v25, v24;
	_ =	sdelay $0x1  }
0x1c4: {  	v39 =	vmul.f32 v26, v18;
	v24 =	vmul.f32 v24, v19  }
0x1c5: {  	s16 =	spop (v2sf)  }
0x1c6: {  	v24 =	vadd.f32 v24, v39;
	s16 =	sshll.u32 s16, $0x7  }
0x1c7: {  	s15 =	sshll.u32 s15, $0x7;
	s16 =	sand.u32 $0x1FFFFF80, s16  }
0x1c8: {  	s15 =	sand.u32 $0x1FFFFF80, s15;
	[tilespmem:$0x10880] =	vst v24;
	s16 =	sadd.s32 s20, s16  }
0x1c9: {  	[tilespmem:s17], [sflag:$0x2] =	stream.strided.gather [hbm4b:s16+s13], $0x1000, s12, s13, $0x38;
	[tilespmem:$0x12200] =	vst v63  }
0x1ca: {  	s15 =	sadd.s32 s1, s15  }
0x1cb: {  	[tilespmem:s18], [sflag:$0x2] =	stream.strided.gather [hbm4b:s15+s13], $0x1000, s12, s13, $0x38;
	[tilespmem:$0x12200] =	vst v63  }
0x1cc: {  	s15 =	spop (v2sf)  }
0x1cd: {  	_ =	swait.ge [sflag:s2], $0x1000  }
0x1ce: {  	[sflag:s2] =	ssyncset.done $0x0  }
0x1cf: {  	[sflag:s2] =	ssyncadd.s32 $0xFFFFF000  }
0x1d0: {  	v40 =	vsel vm2, $0x0, v22;
	_ =	swait.ge [sflag:s2], $0x1000  }
0x1d1: {  	(xrf0) =	vadd.scan.msk.s32 $0xffff, v40;
	_ =	sdelay $0x3  }
0x1d2: {  	v45 =	vsel vm11, $0x0, v21;
	v41 =	vbroadcast v36, $0xF  }
0x1d3: {  	v46 =	vsel vm11, $0x0, v20;
	(xrf0) =	vadd.scan.msk.s32 $0xffff, v45  }
0x1d4: {  	v48 =	vsel vm3, $0x0, v23;
	v43 =	vadd.s32 v0, v41;
	v42 =	vbroadcast v37, $0xF;
	(xrf0) =	vadd.scan.msk.s32 $0xffff, v46;
	v44, _, _ =	vpop (xrf0)  }
0x1d5: {  	v24 =	vadd.s32 v1, v41;
	(xrf0) =	vadd.scan.msk.s32 $0xffff, v48;
	(v2sf) =	vpush v44, $0xF  }
0x1d6: {  	v47 =	vadd.s32 v0, v42  }
0x1d7: {  	v25 =	vadd.s32 v1, v42;
	[sflag:s2] =	ssyncset.done $0x0  }
0x1d8: {  	[sflag:s2] =	ssyncadd.s32 $0xFFFFF000  }
0x1d9: {  	v26 =	vld.idx.msk [tilespmem:v43+s19+$0x0], $0xffff;
	v50, _, _ =	vpop (xrf0)  }
0x1da: {  	v24 =	vld.idx.msk [tilespmem:v24+s19+$0x0], $0xffff;
	v51, _, _ =	vpop (xrf0)  }
0x1db: {  	v49 =	vld.idx.msk [tilespmem:v47+s22+$0x0], $0xffff;
	v52, _, _ =	vpop (xrf0)  }
0x1dc: {  	v25 =	vld.idx.msk [tilespmem:v25+s22+$0x0], $0xffff;
	(v2sf) =	vpush v52, $0xF;
	_ =	sdelay $0x4  }
0x1dd: {  	v26 =	vmul.f32 v49, v26;
	v24 =	vmul.f32 v25, v24;
	_ =	sdelay $0x1  }
0x1de: {  	v53 =	vmul.f32 v26, v18;
	v24 =	vmul.f32 v24, v19  }
0x1df: {  	s2 =	spop (v2sf)  }
0x1e0: {  	v24 =	vadd.f32 v24, v53;
	s16 =	sshll.u32 s2, $0x7  }
0x1e1: {  	s15 =	sshll.u32 s15, $0x7;
	s16 =	sand.u32 $0x1FFFFF80, s16  }
0x1e2: {  	s15 =	sand.u32 $0x1FFFFF80, s15;
	[tilespmem:$0x10900] =	vst v24;
	s16 =	sadd.s32 s20, s16  }
0x1e3: {  	[tilespmem:s19], [sflag:$0x3] =	stream.strided.gather [hbm4b:s16+s13], $0x1000, s12, s13, $0x38;
	[tilespmem:$0x12200] =	vst v63  }
0x1e4: {  	s15 =	sadd.s32 s1, s15  }
0x1e5: {  	[tilespmem:s22], [sflag:$0x3] =	stream.strided.gather [hbm4b:s15+s13], $0x1000, s12, s13, $0x38;
	[tilespmem:$0x12200] =	vst v63  }
0x1e6: {  	s15 =	spop (v2sf)  }
0x1e7: {  	_ =	swait.ge [sflag:s4], $0x1000  }
0x1e8: {  	[sflag:s4] =	ssyncset.done $0x0  }
0x1e9: {  	[sflag:s4] =	ssyncadd.s32 $0xFFFFF000  }
0x1ea: {  	v54 =	vsel vm3, $0x0, v22;
	_ =	swait.ge [sflag:s4], $0x1000  }
0x1eb: {  	(xrf0) =	vadd.scan.msk.s32 $0xffff, v54;
	_ =	sdelay $0x3  }
0x1ec: {  	v59 =	vsel vm12, $0x0, v21;
	v55 =	vbroadcast v50, $0xF  }
0x1ed: {  	v60 =	vsel vm12, $0x0, v20;
	(xrf0) =	vadd.scan.msk.s32 $0xffff, v59  }
0x1ee: {  	v62 =	vsel vm4, $0x0, v23;
	v56 =	vbroadcast v51, $0xF;
	v57 =	vadd.s32 v0, v55;
	v58, _, _ =	vpop (xrf0);
	(xrf0) =	vadd.scan.msk.s32 $0xffff, v60  }
0x1ef: {  	v24 =	vadd.s32 v1, v55;
	(v2sf) =	vpush v58, $0xF;
	(xrf0) =	vadd.scan.msk.s32 $0xffff, v62  }
0x1f0: {  	v61 =	vadd.s32 v0, v56  }
0x1f1: {  	v25 =	vadd.s32 v1, v56;
	[sflag:s4] =	ssyncset.done $0x0  }
0x1f2: {  	[sflag:s4] =	ssyncadd.s32 $0xFFFFF000  }
0x1f3: {  	v26 =	vld.idx.msk [tilespmem:v57+s23+$0x0], $0xffff;
	v33, _, _ =	vpop (xrf0)  }
0x1f4: {  	v24 =	vld.idx.msk [tilespmem:v24+s23+$0x0], $0xffff;
	v34, _, _ =	vpop (xrf0)  }
0x1f5: {  	v63 =	vld.idx.msk [tilespmem:v61+s24+$0x0], $0xffff;
	v35, _, _ =	vpop (xrf0)  }
0x1f6: {  	v25 =	vld.idx.msk [tilespmem:v25+s24+$0x0], $0xffff;
	(v2sf) =	vpush v35, $0xF;
	_ =	sdelay $0x4  }
0x1f7: {  	v26 =	vmul.f32 v63, v26;
	v24 =	vmul.f32 v25, v24;
	_ =	sdelay $0x1  }
0x1f8: {  	v36 =	vmul.f32 v26, v18;
	v24 =	vmul.f32 v24, v19  }
0x1f9: {  	s16 =	spop (v2sf)  }
0x1fa: {  	v24 =	vadd.f32 v24, v36;
	s16 =	sshll.u32 s16, $0x7  }
0x1fb: {  	s15 =	sshll.u32 s15, $0x7;
	s16 =	sand.u32 $0x1FFFFF80, s16  }
0x1fc: {  	s15 =	sand.u32 $0x1FFFFF80, s15;
	[tilespmem:$0x10980] =	vst v24;
	s16 =	sadd.s32 s20, s16  }
0x1fd: {  	[tilespmem:s23], [sflag:$0x4] =	stream.strided.gather [hbm4b:s16+s13], $0x1000, s12, s13, $0x38;
	[tilespmem:$0x12200] =	vst v63  }
0x1fe: {  	s15 =	sadd.s32 s1, s15  }
0x1ff: {  	[tilespmem:s24], [sflag:$0x4] =	stream.strided.gather [hbm4b:s15+s13], $0x1000, s12, s13, $0x38;
	[tilespmem:$0x12200] =	vst v63  }
0x200: {  	s15 =	spop (v2sf)  }
0x201: {  	_ =	swait.ge [sflag:s5], $0x1000  }
0x202: {  	[sflag:s5] =	ssyncset.done $0x0  }
0x203: {  	[sflag:s5] =	ssyncadd.s32 $0xFFFFF000  }
0x204: {  	v37 =	vsel vm4, $0x0, v22;
	_ =	swait.ge [sflag:s5], $0x1000  }
0x205: {  	(xrf0) =	vadd.scan.msk.s32 $0xffff, v37;
	_ =	sdelay $0x3  }
0x206: {  	v42 =	vsel vm13, $0x0, v21;
	v38 =	vbroadcast v33, $0xF  }
0x207: {  	v43 =	vsel vm13, $0x0, v20;
	(xrf0) =	vadd.scan.msk.s32 $0xffff, v42  }
0x208: {  	v45 =	vsel vm5, $0x0, v23;
	v40 =	vadd.s32 v0, v38;
	v39 =	vbroadcast v34, $0xF;
	(xrf0) =	vadd.scan.msk.s32 $0xffff, v43;
	v41, _, _ =	vpop (xrf0)  }
0x209: {  	v24 =	vadd.s32 v1, v38;
	(xrf0) =	vadd.scan.msk.s32 $0xffff, v45;
	(v2sf) =	vpush v41, $0xF  }
0x20a: {  	v44 =	vadd.s32 v0, v39  }
0x20b: {  	v25 =	vadd.s32 v1, v39;
	[sflag:s5] =	ssyncset.done $0x0  }
0x20c: {  	[sflag:s5] =	ssyncadd.s32 $0xFFFFF000  }
0x20d: {  	v26 =	vld.idx.msk [tilespmem:v40+s25+$0x0], $0xffff;
	v47, _, _ =	vpop (xrf0)  }
0x20e: {  	v24 =	vld.idx.msk [tilespmem:v24+s25+$0x0], $0xffff;
	v48, _, _ =	vpop (xrf0)  }
0x20f: {  	v46 =	vld.idx.msk [tilespmem:v44+s26+$0x0], $0xffff;
	v49, _, _ =	vpop (xrf0)  }
0x210: {  	v25 =	vld.idx.msk [tilespmem:v25+s26+$0x0], $0xffff;
	(v2sf) =	vpush v49, $0xF;
	_ =	sdelay $0x4  }
0x211: {  	v26 =	vmul.f32 v46, v26;
	v24 =	vmul.f32 v25, v24;
	_ =	sdelay $0x1  }
0x212: {  	v50 =	vmul.f32 v26, v18;
	v24 =	vmul.f32 v24, v19  }
0x213: {  	s16 =	spop (v2sf)  }
0x214: {  	v24 =	vadd.f32 v24, v50;
	s16 =	sshll.u32 s16, $0x7  }
0x215: {  	s15 =	sshll.u32 s15, $0x7;
	s16 =	sand.u32 $0x1FFFFF80, s16  }
0x216: {  	s15 =	sand.u32 $0x1FFFFF80, s15;
	[tilespmem:$0x10A00] =	vst v24;
	s16 =	sadd.s32 s20, s16  }
0x217: {  	[tilespmem:s25], [sflag:$0x5] =	stream.strided.gather [hbm4b:s16+s13], $0x1000, s12, s13, $0x38;
	[tilespmem:$0x12200] =	vst v63  }
0x218: {  	s15 =	sadd.s32 s1, s15  }
0x219: {  	[tilespmem:s26], [sflag:$0x5] =	stream.strided.gather [hbm4b:s15+s13], $0x1000, s12, s13, $0x38;
	[tilespmem:$0x12200] =	vst v63  }
0x21a: {  	s15 =	spop (v2sf)  }
0x21b: {  	_ =	swait.ge [sflag:s6], $0x1000  }
0x21c: {  	[sflag:s6] =	ssyncset.done $0x0  }
0x21d: {  	[sflag:s6] =	ssyncadd.s32 $0xFFFFF000  }
0x21e: {  	v51 =	vsel vm5, $0x0, v22;
	_ =	swait.ge [sflag:s6], $0x1000  }
0x21f: {  	(xrf0) =	vadd.scan.msk.s32 $0xffff, v51;
	_ =	sdelay $0x3  }
0x220: {  	v56 =	vsel vm14, $0x0, v21;
	v52 =	vbroadcast v47, $0xF  }
0x221: {  	v57 =	vsel vm14, $0x0, v20;
	(xrf0) =	vadd.scan.msk.s32 $0xffff, v56  }
0x222: {  	v59 =	vsel vm6, $0x0, v23;
	v53 =	vbroadcast v48, $0xF;
	v54 =	vadd.s32 v0, v52;
	v55, _, _ =	vpop (xrf0);
	(xrf0) =	vadd.scan.msk.s32 $0xffff, v57  }
0x223: {  	v24 =	vadd.s32 v1, v52;
	(v2sf) =	vpush v55, $0xF;
	(xrf0) =	vadd.scan.msk.s32 $0xffff, v59  }
0x224: {  	v58 =	vadd.s32 v0, v53  }
0x225: {  	v25 =	vadd.s32 v1, v53;
	[sflag:s6] =	ssyncset.done $0x0  }
0x226: {  	[sflag:s6] =	ssyncadd.s32 $0xFFFFF000  }
0x227: {  	v26 =	vld.idx.msk [tilespmem:v54+s28+$0x0], $0xffff;
	v61, _, _ =	vpop (xrf0)  }
0x228: {  	v24 =	vld.idx.msk [tilespmem:v24+s28+$0x0], $0xffff;
	v62, _, _ =	vpop (xrf0)  }
0x229: {  	v60 =	vld.idx.msk [tilespmem:v58+s29+$0x0], $0xffff;
	v63, _, _ =	vpop (xrf0)  }
0x22a: {  	v25 =	vld.idx.msk [tilespmem:v25+s29+$0x0], $0xffff;
	(v2sf) =	vpush v63, $0xF;
	_ =	sdelay $0x4  }
0x22b: {  	v26 =	vmul.f32 v60, v26;
	v24 =	vmul.f32 v25, v24;
	_ =	sdelay $0x1  }
0x22c: {  	v31 =	vmul.f32 v26, v18;
	v24 =	vmul.f32 v24, v19  }
0x22d: {  	s16 =	spop (v2sf)  }
0x22e: {  	v24 =	vadd.f32 v24, v31;
	s16 =	sshll.u32 s16, $0x7  }
0x22f: {  	s15 =	sshll.u32 s15, $0x7;
	s16 =	sand.u32 $0x1FFFFF80, s16  }
0x230: {  	s15 =	sand.u32 $0x1FFFFF80, s15;
	[tilespmem:$0x10A80] =	vst v24;
	s16 =	sadd.s32 s20, s16  }
0x231: {  	[tilespmem:s28], [sflag:$0x6] =	stream.strided.gather [hbm4b:s16+s13], $0x1000, s12, s13, $0x38;
	[tilespmem:$0x12200] =	vst v63  }
0x232: {  	s15 =	sadd.s32 s1, s15  }
0x233: {  	[tilespmem:s29], [sflag:$0x6] =	stream.strided.gather [hbm4b:s15+s13], $0x1000, s12, s13, $0x38;
	[tilespmem:$0x12200] =	vst v63  }
0x234: {  	s15 =	spop (v2sf)  }
0x235: {  	_ =	swait.ge [sflag:s7], $0x1000  }
0x236: {  	[sflag:s7] =	ssyncset.done $0x0  }
0x237: {  	[sflag:s7] =	ssyncadd.s32 $0xFFFFF000  }
0x238: {  	v32 =	vsel vm6, $0x0, v22;
	_ =	swait.ge [sflag:s7], $0x1000  }
0x239: {  	(xrf0) =	vadd.scan.msk.s32 $0xffff, v32;
	_ =	sdelay $0x3  }
0x23a: {  	v21 =	vsel vm15, $0x0, v21;
	v33 =	vbroadcast v61, $0xF  }
0x23b: {  	v20 =	vsel vm15, $0x0, v20;
	v34 =	vbroadcast v62, $0xF;
	(xrf0) =	vadd.scan.msk.s32 $0xffff, v21  }
0x23c: {  	v24 =	vadd.s32 v1, v33;
	(xrf0) =	vadd.scan.msk.s32 $0xffff, v20;
	v20 =	vsel vm7, $0x0, v23;
	v36, _, _ =	vpop (xrf0)  }
0x23d: {  	v37 =	vadd.s32 v0, v34;
	(xrf0) =	vadd.scan.msk.s32 $0xffff, v20;
	(v2sf) =	vpush v36, $0xF  }
0x23e: {  	v38 =	vadd.s32 v1, v34  }
0x23f: {  	v35 =	vadd.s32 v0, v33;
	[sflag:s7] =	ssyncset.done $0x0  }
0x240: {  	[sflag:s7] =	ssyncadd.s32 $0xFFFFF000  }
0x241: {  	v24 =	vld.idx.msk [tilespmem:v24+s3+$0x0], $0xffff;
	v39, _, _ =	vpop (xrf0)  }
0x242: {  	v21 =	vld.idx.msk [tilespmem:v37+s21+$0x0], $0xffff;
	v40, _, _ =	vpop (xrf0)  }
0x243: {  	v23 =	vld.idx.msk [tilespmem:v38+s21+$0x0], $0xffff;
	v41, _, _ =	vpop (xrf0)  }
0x244: {  	v20 =	vld.idx.msk [tilespmem:v35+s3+$0x0], $0xffff;
	(v2sf) =	vpush v41, $0xF;
	_ =	sdelay $0x4  }
0x245: {  	v42 =	vmul.f32 v23, v24;
	v20 =	vmul.f32 v21, v20;
	_ =	sdelay $0x1  }
0x246: {  	v21 =	vmul.f32 v42, v19;
	v20 =	vmul.f32 v20, v18  }
0x247: {  	s16 =	spop (v2sf)  }
0x248: {  	v20 =	vadd.f32 v21, v20;
	s16 =	sshll.u32 s16, $0x7  }
0x249: {  	s15 =	sshll.u32 s15, $0x7;
	s16 =	sand.u32 $0x1FFFFF80, s16  }
0x24a: {  	s15 =	sand.u32 $0x1FFFFF80, s15;
	[tilespmem:$0x10B00] =	vst v20;
	s16 =	sadd.s32 s20, s16  }
0x24b: {  	[tilespmem:s3], [sflag:$0x7] =	stream.strided.gather [hbm4b:s16+s13], $0x1000, s12, s13, $0x38;
	[tilespmem:$0x12200] =	vst v63  }
0x24c: {  	s15 =	sadd.s32 s1, s15  }
0x24d: {  	[tilespmem:s21], [sflag:$0x7] =	stream.strided.gather [hbm4b:s15+s13], $0x1000, s12, s13, $0x38;
	[tilespmem:$0x12200] =	vst v63  }
0x24e: {  	s15 =	spop (v2sf)  }
0x24f: {  	_ =	swait.ge [sflag:s8], $0x1000  }
0x250: {  	[sflag:s8] =	ssyncset.done $0x0  }
0x251: {  	[sflag:s8] =	ssyncadd.s32 $0xFFFFF000  }
0x252: {  	v20 =	vsel vm7, $0x0, v22;
	_ =	swait.ge [sflag:s8], $0x1000  }
0x253: {  	(xrf0) =	vadd.scan.msk.s32 $0xffff, v20;
	_ =	sdelay $0x3  }
0x254: {  	v43 =	vbroadcast v40, $0xF;
	_ =	sdelay $0x1  }
0x255: {  	v46 =	vadd.s32 v0, v43;
	v20 =	vbroadcast v39, $0xF;
	v45, _, _ =	vpop (xrf0)  }
0x256: {  	v21 =	vadd.s32 v1, v43;
	(v2sf) =	vpush v45, $0xF  }
0x257: {  	v44 =	vadd.s32 v0, v20  }
0x258: {  	[sflag:s8] =	ssyncset.done $0x0;
	v20 =	vadd.s32 v1, v20  }
0x259: {  	[sflag:s8] =	ssyncadd.s32 $0xFFFFF000  }
0x25a: {  	v23 =	vld.idx.msk [tilespmem:v46+s10+$0x0], $0xffff  }
0x25b: {  	v21 =	vld.idx.msk [tilespmem:v21+s10+$0x0], $0xffff  }
0x25c: {  	v22 =	vld.idx.msk [tilespmem:v44+s30+$0x0], $0xffff  }
0x25d: {  	v20 =	vld.idx.msk [tilespmem:v20+s30+$0x0], $0xffff;
	_ =	sdelay $0x4  }
0x25e: {  	v22 =	vmul.f32 v23, v22;
	v20 =	vmul.f32 v21, v20;
	_ =	sdelay $0x1  }
0x25f: {  	v47 =	vmul.f32 v22, v18;
	v20 =	vmul.f32 v20, v19  }
0x260: {  	s3 =	spop (v2sf)  }
0x261: {  	v20 =	vadd.f32 v20, v47;
	s16 =	sshll.u32 s3, $0x7  }
0x262: {  	s15 =	sshll.u32 s15, $0x7;
	s16 =	sand.u32 $0x1FFFFF80, s16  }
0x263: {  	s15 =	sand.u32 $0x1FFFFF80, s15;
	[tilespmem:$0x10B80] =	vst v20;
	s16 =	sadd.s32 s20, s16  }
0x264: {  	[tilespmem:s30], [sflag:$0x8] =	stream.strided.gather [hbm4b:s16+s13], $0x1000, s12, s13, $0x38;
	[tilespmem:$0x12200] =	vst v63  }
0x265: {  	s15 =	sadd.s32 s1, s15  }
0x266: {  	[tilespmem:s10], [sflag:$0x8] =	stream.strided.gather [hbm4b:s15+s13], $0x1000, s12, s13, $0x38;
	[tilespmem:$0x12200] =	vst v63  }
0x267: {  	s2 =	simm.s32 $0x10400;
	v20 =	vld [tilespmem:$0x11C00]  }
0x268: {  	v48 =	vld.idx.msk [tilespmem:v17+s2+$0x0], $0xffff;
	_ =	sdelay $0x1  }
0x269: {  	v49 =	vld.idx.msk [tilespmem:v2+s2+$0x0], $0xffff;
	_ =	sdelay $0x1  }
0x26a: {  	v50 =	vld.idx.msk [tilespmem:v3+s2+$0x0], $0xffff  }
0x26b: {  	v20 =	vadd.f32 v48, v20  }
0x26c: {  	v51 =	vld.idx.msk [tilespmem:v4+s2+$0x0], $0xffff  }
0x26d: {  	v20 =	vadd.f32 v49, v20  }
0x26e: {  	v52 =	vld.idx.msk [tilespmem:v5+s2+$0x0], $0xffff  }
0x26f: {  	v20 =	vadd.f32 v50, v20  }
0x270: {  	v53 =	vld.idx.msk [tilespmem:v6+s2+$0x0], $0xffff  }
0x271: {  	v20 =	vadd.f32 v51, v20  }
0x272: {  	v54 =	vld.idx.msk [tilespmem:v7+s2+$0x0], $0xffff  }
0x273: {  	v20 =	vadd.f32 v52, v20  }
0x274: {  	v55 =	vld.idx.msk [tilespmem:v8+s2+$0x0], $0xffff  }
0x275: {  	v20 =	vadd.f32 v53, v20  }
0x276: {  	v56 =	vld.idx.msk [tilespmem:v9+s2+$0x0], $0xffff  }
0x277: {  	v20 =	vadd.f32 v54, v20  }
0x278: {  	v57 =	vld.idx.msk [tilespmem:v10+s2+$0x0], $0xffff  }
0x279: {  	v20 =	vadd.f32 v55, v20  }
0x27a: {  	v58 =	vld.idx.msk [tilespmem:v11+s2+$0x0], $0xffff  }
0x27b: {  	v20 =	vadd.f32 v56, v20  }
0x27c: {  	v59 =	vld.idx.msk [tilespmem:v12+s2+$0x0], $0xffff  }
0x27d: {  	v20 =	vadd.f32 v57, v20  }
0x27e: {  	v60 =	vld.idx.msk [tilespmem:v13+s2+$0x0], $0xffff  }
0x27f: {  	v20 =	vadd.f32 v58, v20  }
0x280: {  	v61 =	vld.idx.msk [tilespmem:v14+s2+$0x0], $0xffff  }
0x281: {  	v20 =	vadd.f32 v59, v20  }
0x282: {  	v62 =	vld.idx.msk [tilespmem:v15+s2+$0x0], $0xffff  }
0x283: {  	v20 =	vadd.f32 v60, v20  }
0x284: {  	v63 =	vld.idx.msk [tilespmem:v16+s2+$0x0], $0xffff  }
0x285: {  	v20 =	vadd.f32 v61, v20;
	_ =	sdelay $0x1  }
0x286: {  	v20 =	vadd.f32 v62, v20;
	_ =	sdelay $0x1  }
0x287: {  	v20 =	vadd.f32 v63, v20;
	_ =	sdelay $0x1  }
0x288: {  	v20 =	vsub.f32 $0.0e+00, v20;
	_ =	sdelay $0x1  }
0x289: {  	v20 =	vmul.f32 $1.442695020e+00, v20;
	_ =	sdelay $0x1  }
0x28a: {  	(erf) = vpow2.f32 v20;
	_ =	sdelay $0x8  }
0x28b: {  	v20 =	vpop (erf)  }
0x28c: {  	v20 =	vadd.f32 $1.000000000e+00, v20;
	_ =	sdelay $0x1  }
0x28d: {  	(erf) = vrcp.f32 v20;
	_ =	sdelay $0x4  }
0x28e: {  	p0 =	sne.s32 s9, $0x200  }
.Ltmp0:
0x28f: {  	_ = 	snop;
	(pc) =	sbr.rel @p0 .LBB2_2-.Ltmp0, $3  }
0x290: {  	_ =	sdelay $0x1  }
0x291: {  	s14 =	sadd.s32 $0x10, s14;
	s9 =	sadd.s32 $0x10, s9;
	v20 =	vpop (erf)  }
0x292: {  	s0 =	sadd.s32 $0x10, s0;
	s16 =	simm.s32 $0x8400;
	[tilespmem:s11+$0x0] =	vst v20;
	s11 =	sadd.s32 $0x10, s11  }
0x293: {  	s0 =	simm.s32 $0x1  }
0x294: {  	_ =	swait.ge [sflag:s0], $0x1000  }
0x295: {  	[sflag:s0] =	ssyncset.done $0x0  }
0x296: {  	[sflag:s0] =	ssyncadd.s32 $0xFFFFF000  }
0x297: {  	_ =	swait.ge [sflag:s0], $0x1000  }
0x298: {  	[sflag:s0] =	ssyncset.done $0x0  }
0x299: {  	s2 =	simm.s32 $0x2;
	[sflag:s0] =	ssyncadd.s32 $0xFFFFF000  }
0x29a: {  	_ =	swait.ge [sflag:s2], $0x1000  }
0x29b: {  	[sflag:s2] =	ssyncset.done $0x0  }
0x29c: {  	[sflag:s2] =	ssyncadd.s32 $0xFFFFF000  }
0x29d: {  	_ =	swait.ge [sflag:s2], $0x1000  }
0x29e: {  	[sflag:s2] =	ssyncset.done $0x0  }
0x29f: {  	s3 =	simm.s32 $0x3;
	[sflag:s2] =	ssyncadd.s32 $0xFFFFF000  }
0x2a0: {  	_ =	swait.ge [sflag:s3], $0x1000  }
0x2a1: {  	[sflag:s3] =	ssyncset.done $0x0  }
0x2a2: {  	[sflag:s3] =	ssyncadd.s32 $0xFFFFF000  }
0x2a3: {  	_ =	swait.ge [sflag:s3], $0x1000  }
0x2a4: {  	[sflag:s3] =	ssyncset.done $0x0  }
0x2a5: {  	s9 =	simm.s32 $0x4;
	[sflag:s3] =	ssyncadd.s32 $0xFFFFF000  }
0x2a6: {  	_ =	swait.ge [sflag:s9], $0x1000  }
0x2a7: {  	[sflag:s9] =	ssyncset.done $0x0  }
0x2a8: {  	[sflag:s9] =	ssyncadd.s32 $0xFFFFF000  }
0x2a9: {  	_ =	swait.ge [sflag:s9], $0x1000  }
0x2aa: {  	[sflag:s9] =	ssyncset.done $0x0  }
0x2ab: {  	s11 =	simm.s32 $0x5;
	[sflag:s9] =	ssyncadd.s32 $0xFFFFF000  }
0x2ac: {  	_ =	swait.ge [sflag:s11], $0x1000  }
0x2ad: {  	[sflag:s11] =	ssyncset.done $0x0  }
0x2ae: {  	[sflag:s11] =	ssyncadd.s32 $0xFFFFF000  }
0x2af: {  	_ =	swait.ge [sflag:s11], $0x1000  }
0x2b0: {  	[sflag:s11] =	ssyncset.done $0x0  }
0x2b1: {  	s14 =	simm.s32 $0x6;
	[sflag:s11] =	ssyncadd.s32 $0xFFFFF000  }
0x2b2: {  	_ =	swait.ge [sflag:s14], $0x1000  }
0x2b3: {  	[sflag:s14] =	ssyncset.done $0x0  }
0x2b4: {  	[sflag:s14] =	ssyncadd.s32 $0xFFFFF000  }
0x2b5: {  	_ =	swait.ge [sflag:s14], $0x1000  }
0x2b6: {  	[sflag:s14] =	ssyncset.done $0x0  }
0x2b7: {  	s15 =	simm.s32 $0x7;
	[sflag:s14] =	ssyncadd.s32 $0xFFFFF000  }
0x2b8: {  	_ =	swait.ge [sflag:s15], $0x1000  }
0x2b9: {  	[sflag:s15] =	ssyncset.done $0x0  }
0x2ba: {  	[sflag:s15] =	ssyncadd.s32 $0xFFFFF000  }
0x2bb: {  	_ =	swait.ge [sflag:s15], $0x1000  }
0x2bc: {  	[sflag:s15] =	ssyncset.done $0x0  }
0x2bd: {  	s0 =	simm.s32 $0x8;
	[sflag:s15] =	ssyncadd.s32 $0xFFFFF000  }
0x2be: {  	_ =	swait.ge [sflag:s0], $0x1000  }
0x2bf: {  	[sflag:s0] =	ssyncset.done $0x0  }
0x2c0: {  	[sflag:s0] =	ssyncadd.s32 $0xFFFFF000  }
0x2c1: {  	_ =	swait.ge [sflag:s0], $0x1000  }
0x2c2: {  	s9 =	simm.s32 $0x12000;
	s11 =	simm.s32 $0x0;
	[sflag:s0] =	ssyncset.done $0x0  }
0x2c3: {  	s14 =	simm.s32 $0x9;
	s3 =	rddreg [dreg:$0xa];
	[sflag:s0] =	ssyncadd.s32 $0xFFFFF000  }
0x2c4: {  	[hbm4b:s3+s11] =	stream.linear.scatter [tilespmem:s9], [sflag:$0x9], $0x200, $0x38;
	[tilespmem:$0x12200] =	vst v63  }
0x2c5: {  	_ =	swait.ge [sflag:s14], $0x200  }
0x2c6: {  	s3 =	rddreg [dreg:$0xc]  }
0x2c7: {  	s15 =	rddreg [dreg:$0xb];
	s9 =	sadd.s32 $0x1, s3  }
0x2c8: {  	p0 =	sne.s32 s9, s15  }
.Ltmp1:
0x2c9: {  	_ = 	snop;
	(pc) =	sbr.rel @p0 .LBB2_1-.Ltmp1, $3  }
0x2ca: {  	_ =	sdelay $0x1  }
0x2cb: {  	[sflag:s14] =	ssyncset.done $0x0  }
0x2cc: {  	[sflag:s14] =	ssyncadd.s32 $0xFFFFFE00  }
0x2cd: {  	_ =	sfence.sel $0x180000  }
0x2ce: {  	[bflag:$0x0] =	sbarrier.arrive $0xFFFF  }
0x2cf: {  	_ =	strace $0x90000047  }
0x2d0: {  	s0 =	stileid.u32;
	[bflag:$0x2] =	sbarrier.arrive $0xFFFF  }
0x2d1: {  	p0 =	sne.s32 s0, $0x0;
	s0 =	rddreg [dreg:$0x6]  }
0x2d2: {  	s0 =	sadd.s32 @!p0 $0x100000, s0  }
0x2d3: {  	[sflag:s0] =	ssyncadd.tile.s32 @!p0 $0x1;
	_ =	shalt  }
.Lfunc_end2:
_tile_overlayer_lowered:
.L_overlay_start_2:
0x2d4: {  	(tag) =	ssettag $0x2  }
0x2d5: {  	s0 =	rddreg [dreg:$0x0];
	s2 =	stileid.u32  }
0x2d6: {  	s1 =	rddreg [dreg:$0x1];
	p0 =	sne.s32 s2, $0x0  }
0x2d7: {  	s3 =	rddreg [dreg:$0x2];
	[bflag:$0x3] =	sbarrier.arrive $0xFFFF;
	s2 =	simm.s32 @!p0 $0x1C09  }
0x2d8: {  	[timem:s3], [sflag:s2] =	dma.local @!p0 [hbm:s0], s1  }
0x2d9: {  	s0 =	simm.s32 @!p0 $0x9  }
0x2da: {  	_ =	swait.ge @!p0 [sflag:s0], s1  }
0x2db: {  	s1 =	ssub.s32 @!p0 $0x0, s1;
	[sflag:s0] =	ssyncset.done @!p0 $0x0  }
0x2dc: {  	[sflag:s0] =	ssyncadd.s32 @!p0 s1  }
0x2dd: {  	[bflag:$0x3] =	sbarrier.arrive $0xFFFF  }
0x2de: {  	_ =	shalt  }

</sc_bundles>
